<compile_context>
chip_gen: v7x
topology: tpu7x:2x2x1
jax: 0.10.2.dev20260603
libtpu: 0.0.44.dev20260713+nightly
codegen_flags: <defaults>
</compile_context>

<pallas_src>
import functools

import jax
import jax.numpy as jnp
from jax import lax
from jax.experimental import pallas as pl
from jax.experimental.pallas import tpu as pltpu
from jax.experimental.pallas import tpu_sc as plsc

F32 = jnp.float32
I32 = jnp.int32

U = 10000
F = 128
E = 320000
BB = 16
L = 199
NINT = 512

NC = 2
NS = 16
LANES = 16
NW = NC * NS

EPW = E // NW
CH = 80
NCHUNK = EPW // CH
UP = 10240
RPT = UP // NS

SEQN = BB * L
SEQPAD = 3328
PPW = SEQPAD // NW

BNSCALE = 1.0 / (1.0 + 1e-5) ** 0.5
NEG = float(-(2 ** 32) + 1)
TEMP = float(F) ** 0.5 + 1e-6

RT = 1000
GRID_U = U // RT
TU = 1024
GRID_T = 10


def _mesh():
    return plsc.VectorSubcoreMesh(core_axis_name="c", subcore_axis_name="s")


def _sc_deg_body(dst_hbm, ewb_hbm, out_hbm, dstv, ewbv, rows, daccum):
    cid = lax.axis_index("c")
    sid = lax.axis_index("s")
    wid = sid * NC + cid

    @plsc.parallel_loop(0, CH, unroll=4)
    def zrow(r):
        for j in range(F // LANES):
            rows[r, pl.ds(j * LANES, LANES)] = jnp.zeros((LANES,), F32)

    base_r = sid * RPT
    for k in range(RPT // CH):
        pltpu.sync_copy(rows, daccum.at[pl.ds(base_r + k * CH, CH)])
    plsc.subcore_barrier()

    def chunk(c, carry):
        base = wid * EPW + c * CH
        pltpu.sync_copy(dst_hbm.at[pl.ds(base, CH)], dstv)
        pltpu.sync_copy(ewb_hbm.at[pl.ds(base, CH)], ewbv)

        @plsc.parallel_loop(0, CH, unroll=4)
        def brow(r):
            w = ewbv[r, :]
            for j in range(F // LANES):
                rows[r, pl.ds(j * LANES, LANES)] = w

        pltpu.sync_copy(rows, daccum.at[dstv], add=True)
        return carry

    lax.fori_loop(0, NCHUNK, chunk, 0)
    plsc.subcore_barrier()
    pltpu.sync_copy(daccum.at[pl.ds(base_r, RPT)],
                    out_hbm.at[pl.ds(cid * UP + base_r, RPT)])


def _sc_deg_call(dst, ewb):
    k = pl.kernel(
        _sc_deg_body,
        mesh=_mesh(),
        out_type=jax.ShapeDtypeStruct((NC * UP, F), F32),
        scratch_types=[
            pltpu.VMEM((CH,), I32),
            pltpu.VMEM((CH, LANES), F32),
            pltpu.VMEM((CH, F), F32),
            pltpu.VMEM_SHARED((UP, F), F32),
        ],
    )
    return k(dst, ewb)


def _sc_agg_body(hs_hbm, src_hbm, dst_hbm, ewb_hbm, out_hbm,
                 srcv, dstv, ewbv, rows, semA, semB, accum):
    cid = lax.axis_index("c")
    sid = lax.axis_index("s")
    wid = sid * NC + cid
    ebase = wid * EPW

    @plsc.parallel_loop(0, CH, unroll=4)
    def zrow(r):
        for j in range(F // LANES):
            rows[0, r, pl.ds(j * LANES, LANES)] = jnp.zeros((LANES,), F32)

    base_r = sid * RPT
    for k in range(RPT // CH):
        pltpu.sync_copy(rows.at[0], accum.at[pl.ds(base_r + k * CH, CH)])
    plsc.subcore_barrier()

    def load_idx(c, p):
        base = ebase + c * CH
        pltpu.sync_copy(src_hbm.at[pl.ds(base, CH)], srcv.at[p])
        pltpu.sync_copy(dst_hbm.at[pl.ds(base, CH)], dstv.at[p])
        pltpu.sync_copy(ewb_hbm.at[pl.ds(base, CH)], ewbv.at[p])

    def issue_gather(p, sem):
        return pltpu.async_copy(hs_hbm.at[srcv.at[p]], rows.at[p], sem)

    def wait_gather(p, sem):
        pltpu.make_async_copy(hs_hbm.at[srcv.at[p]], rows.at[p], sem).wait()

    def scale_scatter(p):
        @plsc.parallel_loop(0, CH, unroll=4)
        def scale(r):
            w = ewbv[p, r, :]
            for j in range(F // LANES):
                sl = pl.ds(j * LANES, LANES)
                rows[p, r, sl] = rows[p, r, sl] * w

        pltpu.sync_copy(rows.at[p], accum.at[dstv.at[p]], add=True)

    load_idx(0, 0)
    issue_gather(0, semA)

    def pair(k, carry):
        c = 2 * k
        load_idx(c + 1, 1)
        issue_gather(1, semB)
        wait_gather(0, semA)
        scale_scatter(0)
        load_idx(c + 2, 0)
        issue_gather(0, semA)
        wait_gather(1, semB)
        scale_scatter(1)
        return carry

    lax.fori_loop(0, (NCHUNK - 1) // 2, pair, 0)
    wait_gather(0, semA)
    scale_scatter(0)
    plsc.subcore_barrier()
    pltpu.sync_copy(accum.at[pl.ds(base_r, RPT)],
                    out_hbm.at[pl.ds(cid * UP + base_r, RPT)])


def _sc_agg_call(hs, src, dst, ewb):
    k = pl.kernel(
        _sc_agg_body,
        mesh=_mesh(),
        out_type=jax.ShapeDtypeStruct((NC * UP, F), F32),
        scratch_types=[
            pltpu.VMEM((2, CH), I32),
            pltpu.VMEM((2, CH), I32),
            pltpu.VMEM((2, CH, LANES), F32),
            pltpu.VMEM((2, CH, F), F32),
            pltpu.SemaphoreType.DMA,
            pltpu.SemaphoreType.DMA,
            pltpu.VMEM_SHARED((UP, F), F32),
        ],
    )
    return k(hs, src, dst, ewb)


def _sc_gather_body(ge_hbm, tt_hbm, uidx_hbm, tidx_hbm, sg_hbm, tg_hbm,
                    iv, rows, sem):
    cid = lax.axis_index("c")
    sid = lax.axis_index("s")
    wid = sid * NC + cid
    base = wid * PPW
    pltpu.sync_copy(uidx_hbm.at[pl.ds(base, PPW)], iv)
    pltpu.async_copy(ge_hbm.at[iv], rows, sem).wait()
    pltpu.sync_copy(rows, sg_hbm.at[pl.ds(base, PPW)])
    pltpu.sync_copy(tidx_hbm.at[pl.ds(base, PPW)], iv)
    pltpu.async_copy(tt_hbm.at[iv], rows, sem).wait()
    pltpu.sync_copy(rows, tg_hbm.at[pl.ds(base, PPW)])


def _sc_gather_call(ge, tt, uidx, tidx):
    k = pl.kernel(
        _sc_gather_body,
        mesh=_mesh(),
        out_type=[jax.ShapeDtypeStruct((SEQPAD, F), F32),
                  jax.ShapeDtypeStruct((SEQPAD, F), F32)],
        scratch_types=[
            pltpu.VMEM((PPW,), I32),
            pltpu.VMEM((PPW, F), F32),
            pltpu.SemaphoreType.DMA,
        ],
    )
    return k(ge, tt, uidx, tidx)


def _prep_body(degp_ref, dinvb_ref):
    dp = degp_ref[...]
    deg = jnp.max(dp[:U], axis=1) + jnp.max(dp[UP:UP + U], axis=1) + 1.0
    dinv = jnp.where(deg > 0, lax.rsqrt(deg), 0.0)
    dinvb_ref[...] = jnp.broadcast_to(dinv[:, None], (U, F))


def _hs_body(x_ref, w_ref, db_ref, o_ref):
    o_ref[...] = jnp.dot(x_ref[...], w_ref[...],
                         preferred_element_type=F32) * db_ref[...]


def _combine1_body(s_ref, hs_ref, db_ref, b1_ref, g1_ref, be1_ref, w2_ref,
                   h1_ref, hs2_ref):
    agg = (s_ref[0] + s_ref[1] + hs_ref[...]) * db_ref[...] + b1_ref[...]
    h1 = agg * BNSCALE * g1_ref[...] + be1_ref[...]
    h1 = jnp.where(h1 > 0, h1, jnp.exp(h1) - 1.0)
    h1_ref[...] = h1
    hs2_ref[...] = jnp.dot(h1, w2_ref[...],
                           preferred_element_type=F32) * db_ref[...]


def _combine2_body(s_ref, hs2_ref, db_ref, b2_ref, ut_ref, h1_ref, ge_ref):
    h2 = (s_ref[0] + s_ref[1] + hs2_ref[...]) * db_ref[...] + b2_ref[...]
    ge_ref[...] = (ut_ref[...] + h1_ref[...] + h2) * (1.0 / 3.0)


def _attn_body(seq_ref, temb_ref, uids_ref, ctx_ref):
    s = seq_ref[0]
    t = temb_ref[0]
    u = uids_ref[0]
    score = lax.dot_general(s, t, (((1,), (1,)), ((), ())),
                            preferred_element_type=F32) / TEMP
    qi = lax.broadcasted_iota(I32, (L, L), 0)
    ki = lax.broadcasted_iota(I32, (L, L), 1)
    masked = (ki > qi) | (u == 0)
    score = jnp.where(masked, NEG, score)
    m = jnp.max(score, axis=0, keepdims=True)
    e = jnp.exp(score - m)
    alpha = e / jnp.sum(e, axis=0, keepdims=True)
    ctx_ref[0] = jnp.dot(alpha, s, preferred_element_type=F32)


def _proj_body(ctx_ref, w_ref, fcb_ref, uids_ref, o_ref):
    t = pl.program_id(0)
    c = ctx_ref[0]
    acc = lax.dot_general(c, w_ref[...], (((1,), (1,)), ((), ())),
                          preferred_element_type=F32) + fcb_ref[...]
    ub = uids_ref[0]
    col = lax.broadcasted_iota(I32, (1, TU), 1) + t * TU
    kk = lax.broadcasted_iota(I32, (L, 1), 0)
    cand = jnp.where(ub == col, kk, jnp.int32(2 ** 30))
    minq = jnp.min(cand, axis=0, keepdims=True)
    rowq = lax.broadcasted_iota(I32, (L, 1), 0)
    mask = (rowq >= minq) | (col == 0)
    o_ref[0] = jnp.where(mask, -jnp.inf, acc)


def _tc_prep(degp):
    return pl.pallas_call(
        _prep_body,
        out_shape=jax.ShapeDtypeStruct((U, F), F32),
    )(degp)


def _tc_hs(x, w, dinvb):
    return pl.pallas_call(
        _hs_body,
        grid=(GRID_U,),
        in_specs=[
            pl.BlockSpec((RT, F), lambda i: (i, 0)),
            pl.BlockSpec((F, F), lambda i: (0, 0)),
            pl.BlockSpec((RT, F), lambda i: (i, 0)),
        ],
        out_specs=pl.BlockSpec((RT, F), lambda i: (i, 0)),
        out_shape=jax.ShapeDtypeStruct((U, F), F32),
    )(x, w, dinvb)


def _tc_combine1(s1, hs1, dinvb, b1, g1, be1, w2):
    return pl.pallas_call(
        _combine1_body,
        grid=(GRID_U,),
        in_specs=[
            pl.BlockSpec((2, RT, F), lambda i: (0, i, 0)),
            pl.BlockSpec((RT, F), lambda i: (i, 0)),
            pl.BlockSpec((RT, F), lambda i: (i, 0)),
            pl.BlockSpec((F,), lambda i: (0,)),
            pl.BlockSpec((F,), lambda i: (0,)),
            pl.BlockSpec((F,), lambda i: (0,)),
            pl.BlockSpec((F, F), lambda i: (0, 0)),
        ],
        out_specs=[
            pl.BlockSpec((RT, F), lambda i: (i, 0)),
            pl.BlockSpec((RT, F), lambda i: (i, 0)),
        ],
        out_shape=[jax.ShapeDtypeStruct((U, F), F32),
                   jax.ShapeDtypeStruct((U, F), F32)],
    )(s1, hs1, dinvb, b1, g1, be1, w2)


def _tc_combine2(s2, hs2, dinvb, b2, ut, h1):
    return pl.pallas_call(
        _combine2_body,
        grid=(GRID_U,),
        in_specs=[
            pl.BlockSpec((2, RT, F), lambda i: (0, i, 0)),
            pl.BlockSpec((RT, F), lambda i: (i, 0)),
            pl.BlockSpec((RT, F), lambda i: (i, 0)),
            pl.BlockSpec((F,), lambda i: (0,)),
            pl.BlockSpec((RT, F), lambda i: (i, 0)),
            pl.BlockSpec((RT, F), lambda i: (i, 0)),
        ],
        out_specs=pl.BlockSpec((RT, F), lambda i: (i, 0)),
        out_shape=jax.ShapeDtypeStruct((U, F), F32),
    )(s2, hs2, dinvb, b2, ut, h1)


def _tc_attn(seq, temb, uids):
    return pl.pallas_call(
        _attn_body,
        grid=(BB,),
        in_specs=[
            pl.BlockSpec((1, L, F), lambda b: (b, 0, 0)),
            pl.BlockSpec((1, L, F), lambda b: (b, 0, 0)),
            pl.BlockSpec((1, L, 1), lambda b: (b, 0, 0)),
        ],
        out_specs=pl.BlockSpec((1, L, F), lambda b: (b, 0, 0)),
        out_shape=jax.ShapeDtypeStruct((BB, L, F), F32),
    )(seq, temb, uids)


def _tc_proj(ctx, fcw, fcb2d, uids):
    return pl.pallas_call(
        _proj_body,
        grid=(GRID_T, BB),
        in_specs=[
            pl.BlockSpec((1, L, F), lambda t, b: (b, 0, 0)),
            pl.BlockSpec((TU, F), lambda t, b: (t, 0)),
            pl.BlockSpec((1, TU), lambda t, b: (0, t)),
            pl.BlockSpec((1, L, 1), lambda t, b: (b, 0, 0)),
        ],
        out_specs=pl.BlockSpec((1, L, TU), lambda t, b: (b, 0, t)),
        out_shape=jax.ShapeDtypeStruct((BB, L, U), F32),
    )(ctx, fcw, fcb2d, uids)


def kernel(cas_uids, cas_intervals, edge_index, edge_weight, user_table,
           time_table, W1, b1, W2, b2, gamma1, beta1, fcW, fcb):
    uids = cas_uids[:, :-1]
    ivals = cas_intervals[:, :-1]
    src = edge_index[0]
    dst = edge_index[1]

    ewb = jnp.broadcast_to(edge_weight[:, None], (E, LANES))
    degp = _sc_deg_call(dst, ewb)
    dinvb = _tc_prep(degp)

    hs1 = _tc_hs(user_table, W1, dinvb)
    s1 = _sc_agg_call(hs1, src, dst, ewb).reshape(2, UP, F)
    h1, hs2 = _tc_combine1(s1, hs1, dinvb, b1, gamma1, beta1, W2)
    s2 = _sc_agg_call(hs2, src, dst, ewb).reshape(2, UP, F)
    ge = _tc_combine2(s2, hs2, dinvb, b2, user_table, h1)

    pad = jnp.zeros((SEQPAD - SEQN,), I32)
    uidx = jnp.concatenate([uids.reshape(-1), pad])
    tidx = jnp.concatenate([ivals.reshape(-1), pad])
    sg, tg = _sc_gather_call(ge, time_table, uidx, tidx)
    seq = sg[:SEQN].reshape(BB, L, F)
    temb = tg[:SEQN].reshape(BB, L, F)

    uids3 = uids.reshape(BB, L, 1)
    ctx = _tc_attn(seq, temb, uids3)
    return _tc_proj(ctx, fcW, fcb.reshape(1, U), uids3)

# --- scband reference (transcript-rebuilt; emitter-appended) ---
"""Pipeline reference for scband-basic-gatnetwork-15487652069905 (READ-ONLY COPY).

The authoritative reference and input builder live on the scoring server;
editing this copy changes nothing except your own understanding.
"""

import jax, jax.numpy as jnp
import numpy as np

PAD = 0
U = 10000
NFEAT = 128
NINT = 512
E = 320000
B = 16
LIN = 200


def setup_inputs(seed: int = 0) -> dict:
    key = jax.random.key(seed)
    ks = jax.random.split(key, 12)
    cas_uids = jax.random.randint(ks[0], (B, LIN), 0, U)
    cas_intervals = jax.random.randint(ks[1], (B, LIN), 0, NINT)
    edge_index = jax.random.randint(ks[2], (2, E), 0, U)
    edge_weight = jax.random.uniform(ks[3], (E,), dtype=jnp.float32)
    user_table = jax.random.normal(ks[4], (U, NFEAT), dtype=jnp.float32) * 0.02
    user_table = user_table.at[PAD].set(0.0)
    time_table = jax.random.normal(ks[5], (NINT, NFEAT), dtype=jnp.float32) * 0.02
    W1 = jax.random.normal(ks[6], (NFEAT, NFEAT), dtype=jnp.float32) / np.sqrt(NFEAT)
    b1 = jnp.zeros((NFEAT,), jnp.float32)
    W2 = jax.random.normal(ks[7], (NFEAT, NFEAT), dtype=jnp.float32) / np.sqrt(NFEAT)
    b2 = jnp.zeros((NFEAT,), jnp.float32)
    gamma1 = jnp.ones((NFEAT,), jnp.float32)
    beta1 = jnp.zeros((NFEAT,), jnp.float32)
    fcW = jax.random.normal(ks[8], (U, NFEAT), dtype=jnp.float32) * 0.02
    fcb = jnp.zeros((U,), jnp.float32)
    return dict(cas_uids=cas_uids, cas_intervals=cas_intervals, edge_index=edge_index,
                edge_weight=edge_weight, user_table=user_table, time_table=time_table,
                W1=W1, b1=b1, W2=W2, b2=b2, gamma1=gamma1, beta1=beta1, fcW=fcW, fcb=fcb)


def gcn_conv(x, W, b, src, dst, ew, n):
    h = x @ W
    loop = jnp.arange(n)
    src2 = jnp.concatenate([src, loop])
    dst2 = jnp.concatenate([dst, loop])
    ew2 = jnp.concatenate([ew, jnp.ones((n,), ew.dtype)])
    deg = jnp.zeros((n,), h.dtype).at[dst2].add(ew2)
    dinv = jnp.where(deg > 0, 1.0 / jnp.sqrt(deg), 0.0)
    norm = dinv[src2] * ew2 * dinv[dst2]
    out = jnp.zeros_like(h).at[dst2].add(h[src2] * norm[:, None])
    return out + b


def reference(cas_uids, cas_intervals, edge_index, edge_weight, user_table, time_table,
              W1, b1, W2, b2, gamma1, beta1, fcW, fcb):
    uids = cas_uids[:, :-1]
    ivals = cas_intervals[:, :-1]
    n = user_table.shape[0]
    src, dst = edge_index[0], edge_index[1]
    # GCNNetwork (eval semantics: dropout off, BN uses running stats mean=0, var=1)
    emb0 = user_table
    h1 = gcn_conv(emb0, W1, b1, src, dst, edge_weight, n)
    h1 = (h1 / jnp.sqrt(1.0 + 1e-5)) * gamma1 + beta1
    h1 = jax.nn.elu(h1)
    h2 = gcn_conv(h1, W2, b2, src, dst, edge_weight, n)
    graph_emb = (emb0 + h1 + h2) / 3.0
    seq_embs = graph_emb[uids]
    # TimeAttention_New
    d = seq_embs.shape[-1]
    temperature = d ** 0.5 + 1e-6
    t_emb = time_table[ivals]
    score = jnp.einsum('bqd,bkd->bqk', seq_embs, t_emb) / temperature
    L = uids.shape[1]
    pad_mask = (uids == PAD)[:, :, None]
    tri = jnp.triu(jnp.ones((L, L), dtype=bool), k=1)[None]
    mask_ = tri | pad_mask
    score = jnp.where(mask_, float(-2 ** 32 + 1), score)
    alpha = jax.nn.softmax(score, axis=1)
    seq_embs2 = jnp.einsum('bqk,bkd->bqd', alpha, seq_embs)
    out = seq_embs2 @ fcW.T + fcb
    # get_previous_user_mask
    Bsz = uids.shape[0]
    tril = jnp.tril(jnp.ones((L, L), out.dtype))
    ms = tril[None] * uids[:, None, :].astype(out.dtype)
    ms = jnp.concatenate([ms, jnp.zeros((Bsz, L, 1), out.dtype)], axis=2).astype(jnp.int32)
    prev = jnp.zeros((Bsz, L, n), out.dtype).at[
        jnp.arange(Bsz)[:, None, None], jnp.arange(L)[None, :, None], ms
    ].set(-jnp.inf)
    return out + prev

if __name__ == "__main__":
    import jax
    _d = setup_inputs()
    print(jax.jit(kernel)(*tuple(_d.values())))

</pallas_src>

<mosaic_0001>
#map = affine_map<(d0, d1) -> (0, 0)>
#map1 = affine_map<(d0, d1) -> (0)>
module attributes {stable_mosaic.version = 14 : i64} {
  func.func @_sc_gather_body(%arg0: i32, %arg1: i32, %arg2: memref<10000x128xf32, #tpu.memory_space<hbm>>, %arg3: memref<512x128xf32, #tpu.memory_space<hbm>>, %arg4: memref<3328xi32, #tpu.memory_space<hbm>>, %arg5: memref<3328xi32, #tpu.memory_space<hbm>>, %arg6: memref<3328x128xf32, #tpu.memory_space<hbm>>, %arg7: memref<3328x128xf32, #tpu.memory_space<hbm>>, %arg8: memref<104xi32, #tpu.memory_space<vmem>>, %arg9: memref<104x128xf32, #tpu.memory_space<vmem>>, %arg10: memref<!tpu.dma_semaphore, #tpu.memory_space<semaphore_mem>>) attributes {dimension_semantics = [#tpu.dimension_semantics<core_parallel>, #tpu.dimension_semantics<subcore_parallel>], iteration_bounds = array<i64: 2, 16>, scalar_prefetch = 0 : i64, scratch_operands = 3 : i64, tpu.core_type = #tpu.core_type<sc_vector_subcore>, window_params = [{transform_indices = #map}, {transform_indices = #map}, {transform_indices = #map1}, {transform_indices = #map1}, {transform_indices = #map}, {transform_indices = #map}]} {
    %mul3A = arith.constant 2 : i32
    %mul3A_0 = arith.muli %arg1, %mul3A : i32
    %add3A = arith.addi %mul3A_0, %arg0 : i32
    %mul3A_1 = arith.constant 104 : i32
    %mul3A_2 = arith.muli %add3A, %mul3A_1 : i32
    "tpu.region"() ({
      %run_scoped3A = tpu.sem_alloc : memref<!tpu.dma_semaphore, #tpu.memory_space<semaphore_mem>>
      %dma_start3A_13 = tpu.memref_slice %arg4[%mul3A_2] : memref<3328xi32, #tpu.memory_space<hbm>> -> memref<104xi32, #tpu.memory_space<hbm>>
      %dma_start3A_14 = tpu.memref_slice %arg4[%mul3A_2] : memref<3328xi32, #tpu.memory_space<hbm>> -> memref<104xi32, #tpu.memory_space<hbm>>
      tpu.enqueue_dma source(%dma_start3A_14 : memref<104xi32, #tpu.memory_space<hbm>>) target(%arg8 : memref<104xi32, #tpu.memory_space<vmem>>) target_semaphore(%run_scoped3A : memref<!tpu.dma_semaphore, #tpu.memory_space<semaphore_mem>>)
      %dma_wait3A_15 = tpu.memref_slice %arg4[%mul3A_2] : memref<3328xi32, #tpu.memory_space<hbm>> -> memref<104xi32, #tpu.memory_space<hbm>>
      %dma_wait3A_16 = tpu.memref_slice %arg4[%mul3A_2] : memref<3328xi32, #tpu.memory_space<hbm>> -> memref<104xi32, #tpu.memory_space<hbm>>
      tpu.wait_dma2 semaphore(%run_scoped3A : memref<!tpu.dma_semaphore, #tpu.memory_space<semaphore_mem>>) src(%dma_wait3A_16 : memref<104xi32, #tpu.memory_space<hbm>>) dst(%arg8 : memref<104xi32, #tpu.memory_space<vmem>>)
      tpu.yield
    }) : () -> ()
    %dma_start3A = arith.constant 0 : i32
    %dma_start3A_3 = arith.constant 0 : i32
    %dma_start3A_4 = tpu.memref_slice %arg2[%dma_start3A, %dma_start3A_3] : memref<10000x128xf32, #tpu.memory_space<hbm>> -> memref<10000x128xf32, #tpu.memory_space<hbm>>
    tpu.enqueue_indirect_dma source(%dma_start3A_4 : memref<10000x128xf32, #tpu.memory_space<hbm>>) target(%arg9 : memref<104x128xf32, #tpu.memory_space<vmem>>) offsets(%arg8 : memref<104xi32, #tpu.memory_space<vmem>>) semaphore(%arg10 : memref<!tpu.dma_semaphore, #tpu.memory_space<semaphore_mem>>)
    %dma_wait3A = arith.constant 0 : i32
    %dma_wait3A_5 = arith.constant 0 : i32
    %dma_wait3A_6 = tpu.memref_slice %arg2[%dma_wait3A, %dma_wait3A_5] : memref<10000x128xf32, #tpu.memory_space<hbm>> -> memref<10000x128xf32, #tpu.memory_space<hbm>>
    tpu.wait_indirect_dma semaphore(%arg10 : memref<!tpu.dma_semaphore, #tpu.memory_space<semaphore_mem>>) src(%dma_wait3A_6 : memref<10000x128xf32, #tpu.memory_space<hbm>>) dst(%arg9 : memref<104x128xf32, #tpu.memory_space<vmem>>)
    "tpu.region"() ({
      %run_scoped3A = tpu.sem_alloc : memref<!tpu.dma_semaphore, #tpu.memory_space<semaphore_mem>>
      %dma_start3A_13 = arith.constant 0 : i32
      %dma_start3A_14 = tpu.memref_slice %arg6[%mul3A_2, %dma_start3A_13] : memref<3328x128xf32, #tpu.memory_space<hbm>> -> memref<104x128xf32, #tpu.memory_space<hbm>>
      %dma_start3A_15 = arith.constant 0 : i32
      %dma_start3A_16 = tpu.memref_slice %arg6[%mul3A_2, %dma_start3A_15] : memref<3328x128xf32, #tpu.memory_space<hbm>> -> memref<104x128xf32, #tpu.memory_space<hbm>>
      tpu.enqueue_dma source(%arg9 : memref<104x128xf32, #tpu.memory_space<vmem>>) target(%dma_start3A_16 : memref<104x128xf32, #tpu.memory_space<hbm>>) target_semaphore(%run_scoped3A : memref<!tpu.dma_semaphore, #tpu.memory_space<semaphore_mem>>)
      %dma_wait3A_17 = arith.constant 0 : i32
      %dma_wait3A_18 = tpu.memref_slice %arg6[%mul3A_2, %dma_wait3A_17] : memref<3328x128xf32, #tpu.memory_space<hbm>> -> memref<104x128xf32, #tpu.memory_space<hbm>>
      %dma_wait3A_19 = arith.constant 0 : i32
      %dma_wait3A_20 = tpu.memref_slice %arg6[%mul3A_2, %dma_wait3A_19] : memref<3328x128xf32, #tpu.memory_space<hbm>> -> memref<104x128xf32, #tpu.memory_space<hbm>>
      tpu.wait_dma2 semaphore(%run_scoped3A : memref<!tpu.dma_semaphore, #tpu.memory_space<semaphore_mem>>) src(%arg9 : memref<104x128xf32, #tpu.memory_space<vmem>>) dst(%dma_wait3A_20 : memref<104x128xf32, #tpu.memory_space<hbm>>)
      tpu.yield
    }) : () -> ()
    "tpu.region"() ({
      %run_scoped3A = tpu.sem_alloc : memref<!tpu.dma_semaphore, #tpu.memory_space<semaphore_mem>>
      %dma_start3A_13 = tpu.memref_slice %arg5[%mul3A_2] : memref<3328xi32, #tpu.memory_space<hbm>> -> memref<104xi32, #tpu.memory_space<hbm>>
      %dma_start3A_14 = tpu.memref_slice %arg5[%mul3A_2] : memref<3328xi32, #tpu.memory_space<hbm>> -> memref<104xi32, #tpu.memory_space<hbm>>
      tpu.enqueue_dma source(%dma_start3A_14 : memref<104xi32, #tpu.memory_space<hbm>>) target(%arg8 : memref<104xi32, #tpu.memory_space<vmem>>) target_semaphore(%run_scoped3A : memref<!tpu.dma_semaphore, #tpu.memory_space<semaphore_mem>>)
      %dma_wait3A_15 = tpu.memref_slice %arg5[%mul3A_2] : memref<3328xi32, #tpu.memory_space<hbm>> -> memref<104xi32, #tpu.memory_space<hbm>>
      %dma_wait3A_16 = tpu.memref_slice %arg5[%mul3A_2] : memref<3328xi32, #tpu.memory_space<hbm>> -> memref<104xi32, #tpu.memory_space<hbm>>
      tpu.wait_dma2 semaphore(%run_scoped3A : memref<!tpu.dma_semaphore, #tpu.memory_space<semaphore_mem>>) src(%dma_wait3A_16 : memref<104xi32, #tpu.memory_space<hbm>>) dst(%arg8 : memref<104xi32, #tpu.memory_space<vmem>>)
      tpu.yield
    }) : () -> ()
    %dma_start3A_7 = arith.constant 0 : i32
    %dma_start3A_8 = arith.constant 0 : i32
    %dma_start3A_9 = tpu.memref_slice %arg3[%dma_start3A_7, %dma_start3A_8] : memref<512x128xf32, #tpu.memory_space<hbm>> -> memref<512x128xf32, #tpu.memory_space<hbm>>
    tpu.enqueue_indirect_dma source(%dma_start3A_9 : memref<512x128xf32, #tpu.memory_space<hbm>>) target(%arg9 : memref<104x128xf32, #tpu.memory_space<vmem>>) offsets(%arg8 : memref<104xi32, #tpu.memory_space<vmem>>) semaphore(%arg10 : memref<!tpu.dma_semaphore, #tpu.memory_space<semaphore_mem>>)
    %dma_wait3A_10 = arith.constant 0 : i32
    %dma_wait3A_11 = arith.constant 0 : i32
    %dma_wait3A_12 = tpu.memref_slice %arg3[%dma_wait3A_10, %dma_wait3A_11] : memref<512x128xf32, #tpu.memory_space<hbm>> -> memref<512x128xf32, #tpu.memory_space<hbm>>
    tpu.wait_indirect_dma semaphore(%arg10 : memref<!tpu.dma_semaphore, #tpu.memory_space<semaphore_mem>>) src(%dma_wait3A_12 : memref<512x128xf32, #tpu.memory_space<hbm>>) dst(%arg9 : memref<104x128xf32, #tpu.memory_space<vmem>>)
    "tpu.region"() ({
      %run_scoped3A = tpu.sem_alloc : memref<!tpu.dma_semaphore, #tpu.memory_space<semaphore_mem>>
      %dma_start3A_13 = arith.constant 0 : i32
      %dma_start3A_14 = tpu.memref_slice %arg7[%mul3A_2, %dma_start3A_13] : memref<3328x128xf32, #tpu.memory_space<hbm>> -> memref<104x128xf32, #tpu.memory_space<hbm>>
      %dma_start3A_15 = arith.constant 0 : i32
      %dma_start3A_16 = tpu.memref_slice %arg7[%mul3A_2, %dma_start3A_15] : memref<3328x128xf32, #tpu.memory_space<hbm>> -> memref<104x128xf32, #tpu.memory_space<hbm>>
      tpu.enqueue_dma source(%arg9 : memref<104x128xf32, #tpu.memory_space<vmem>>) target(%dma_start3A_16 : memref<104x128xf32, #tpu.memory_space<hbm>>) target_semaphore(%run_scoped3A : memref<!tpu.dma_semaphore, #tpu.memory_space<semaphore_mem>>)
      %dma_wait3A_17 = arith.constant 0 : i32
      %dma_wait3A_18 = tpu.memref_slice %arg7[%mul3A_2, %dma_wait3A_17] : memref<3328x128xf32, #tpu.memory_space<hbm>> -> memref<104x128xf32, #tpu.memory_space<hbm>>
      %dma_wait3A_19 = arith.constant 0 : i32
      %dma_wait3A_20 = tpu.memref_slice %arg7[%mul3A_2, %dma_wait3A_19] : memref<3328x128xf32, #tpu.memory_space<hbm>> -> memref<104x128xf32, #tpu.memory_space<hbm>>
      tpu.wait_dma2 semaphore(%run_scoped3A : memref<!tpu.dma_semaphore, #tpu.memory_space<semaphore_mem>>) src(%arg9 : memref<104x128xf32, #tpu.memory_space<vmem>>) dst(%dma_wait3A_20 : memref<104x128xf32, #tpu.memory_space<hbm>>)
      tpu.yield
    }) : () -> ()
    return
  }
}

#map = affine_map<(d0, d1) -> (0)>
#map1 = affine_map<(d0, d1) -> (0, 0)>
module attributes {stable_mosaic.version = 14 : i64} {
  func.func @_sc_deg_body(%arg0: i32, %arg1: i32, %arg2: memref<320000xi32, #tpu.memory_space<hbm>>, %arg3: memref<320000x16xf32, #tpu.memory_space<hbm>>, %arg4: memref<20480x128xf32, #tpu.memory_space<hbm>>, %arg5: memref<80xi32, #tpu.memory_space<vmem>>, %arg6: memref<80x16xf32, #tpu.memory_space<vmem>>, %arg7: memref<80x128xf32, #tpu.memory_space<vmem>>, %arg8: memref<10240x128xf32, #tpu.memory_space<vmem_shared>>) attributes {dimension_semantics = [#tpu.dimension_semantics<core_parallel>, #tpu.dimension_semantics<subcore_parallel>], iteration_bounds = array<i64: 2, 16>, scalar_prefetch = 0 : i64, scratch_operands = 4 : i64, tpu.core_type = #tpu.core_type<sc_vector_subcore>, window_params = [{transform_indices = #map}, {transform_indices = #map1}, {transform_indices = #map1}]} {
    %mul3A = arith.constant 2 : i32
    %mul3A_0 = arith.muli %arg1, %mul3A : i32
    %add3A = arith.addi %mul3A_0, %arg0 : i32
    %parallel_loop3A = arith.constant 0 : i32
    %parallel_loop3A_1 = arith.constant 80 : i32
    %parallel_loop3A_2 = arith.constant 1 : i32
    scf.for %parallel_loop3A_30 = %parallel_loop3A to %parallel_loop3A_1 step %parallel_loop3A_2  : i32 {
      %parallel_loop3A_31 = arith.constant 0.000000e+00 : f32
      %parallel_loop3A_32 = vector.broadcast %parallel_loop3A_31 : f32 to vector<16xf32>
      %parallel_loop3A_33 = arith.index_cast %parallel_loop3A_30 : i32 to index
      %parallel_loop3A_34 = arith.constant 0 : index
      %parallel_loop3A_35 = tpu.vector_load %arg7[%parallel_loop3A_33, %parallel_loop3A_34] {strides = array<i32>} : memref<80x128xf32, #tpu.memory_space<vmem>>, vector<1x16xf32>,
      %parallel_loop3A_36 = vector.shape_cast %parallel_loop3A_35 : vector<1x16xf32> to vector<16xf32>
      %parallel_loop3A_37 = vector.shape_cast %parallel_loop3A_32 : vector<16xf32> to vector<1x16xf32>
      tpu.vector_store %arg7[%parallel_loop3A_33, %parallel_loop3A_34], %parallel_loop3A_37 {strides = array<i32>} : memref<80x128xf32, #tpu.memory_space<vmem>>, vector<1x16xf32>,
      %parallel_loop3A_38 = arith.constant 0.000000e+00 : f32
      %parallel_loop3A_39 = vector.broadcast %parallel_loop3A_38 : f32 to vector<16xf32>
      %parallel_loop3A_40 = arith.index_cast %parallel_loop3A_30 : i32 to index
      %parallel_loop3A_41 = arith.constant 16 : index
      %parallel_loop3A_42 = tpu.vector_load %arg7[%parallel_loop3A_40, %parallel_loop3A_41] {strides = array<i32>} : memref<80x128xf32, #tpu.memory_space<vmem>>, vector<1x16xf32>,
      %parallel_loop3A_43 = vector.shape_cast %parallel_loop3A_42 : vector<1x16xf32> to vector<16xf32>
      %parallel_loop3A_44 = vector.shape_cast %parallel_loop3A_39 : vector<16xf32> to vector<1x16xf32>
      tpu.vector_store %arg7[%parallel_loop3A_40, %parallel_loop3A_41], %parallel_loop3A_44 {strides = array<i32>} : memref<80x128xf32, #tpu.memory_space<vmem>>, vector<1x16xf32>,
      %parallel_loop3A_45 = arith.constant 0.000000e+00 : f32
      %parallel_loop3A_46 = vector.broadcast %parallel_loop3A_45 : f32 to vector<16xf32>
      %parallel_loop3A_47 = arith.index_cast %parallel_loop3A_30 : i32 to index
      %parallel_loop3A_48 = arith.constant 32 : index
      %parallel_loop3A_49 = tpu.vector_load %arg7[%parallel_loop3A_47, %parallel_loop3A_48] {strides = array<i32>} : memref<80x128xf32, #tpu.memory_space<vmem>>, vector<1x16xf32>,
      %parallel_loop3A_50 = vector.shape_cast %parallel_loop3A_49 : vector<1x16xf32> to vector<16xf32>
      %parallel_loop3A_51 = vector.shape_cast %parallel_loop3A_46 : vector<16xf32> to vector<1x16xf32>
      tpu.vector_store %arg7[%parallel_loop3A_47, %parallel_loop3A_48], %parallel_loop3A_51 {strides = array<i32>} : memref<80x128xf32, #tpu.memory_space<vmem>>, vector<1x16xf32>,
      %parallel_loop3A_52 = arith.constant 0.000000e+00 : f32
      %parallel_loop3A_53 = vector.broadcast %parallel_loop3A_52 : f32 to vector<16xf32>
      %parallel_loop3A_54 = arith.index_cast %parallel_loop3A_30 : i32 to index
      %parallel_loop3A_55 = arith.constant 48 : index
      %parallel_loop3A_56 = tpu.vector_load %arg7[%parallel_loop3A_54, %parallel_loop3A_55] {strides = array<i32>} : memref<80x128xf32, #tpu.memory_space<vmem>>, vector<1x16xf32>,
      %parallel_loop3A_57 = vector.shape_cast %parallel_loop3A_56 : vector<1x16xf32> to vector<16xf32>
      %parallel_loop3A_58 = vector.shape_cast %parallel_loop3A_53 : vector<16xf32> to vector<1x16xf32>
      tpu.vector_store %arg7[%parallel_loop3A_54, %parallel_loop3A_55], %parallel_loop3A_58 {strides = array<i32>} : memref<80x128xf32, #tpu.memory_space<vmem>>, vector<1x16xf32>,
      %parallel_loop3A_59 = arith.constant 0.000000e+00 : f32
      %parallel_loop3A_60 = vector.broadcast %parallel_loop3A_59 : f32 to vector<16xf32>
      %parallel_loop3A_61 = arith.index_cast %parallel_loop3A_30 : i32 to index
      %parallel_loop3A_62 = arith.constant 64 : index
      %parallel_loop3A_63 = tpu.vector_load %arg7[%parallel_loop3A_61, %parallel_loop3A_62] {strides = array<i32>} : memref<80x128xf32, #tpu.memory_space<vmem>>, vector<1x16xf32>,
      %parallel_loop3A_64 = vector.shape_cast %parallel_loop3A_63 : vector<1x16xf32> to vector<16xf32>
      %parallel_loop3A_65 = vector.shape_cast %parallel_loop3A_60 : vector<16xf32> to vector<1x16xf32>
      tpu.vector_store %arg7[%parallel_loop3A_61, %parallel_loop3A_62], %parallel_loop3A_65 {strides = array<i32>} : memref<80x128xf32, #tpu.memory_space<vmem>>, vector<1x16xf32>,
      %parallel_loop3A_66 = arith.constant 0.000000e+00 : f32
      %parallel_loop3A_67 = vector.broadcast %parallel_loop3A_66 : f32 to vector<16xf32>
      %parallel_loop3A_68 = arith.index_cast %parallel_loop3A_30 : i32 to index
      %parallel_loop3A_69 = arith.constant 80 : index
      %parallel_loop3A_70 = tpu.vector_load %arg7[%parallel_loop3A_68, %parallel_loop3A_69] {strides = array<i32>} : memref<80x128xf32, #tpu.memory_space<vmem>>, vector<1x16xf32>,
      %parallel_loop3A_71 = vector.shape_cast %parallel_loop3A_70 : vector<1x16xf32> to vector<16xf32>
      %parallel_loop3A_72 = vector.shape_cast %parallel_loop3A_67 : vector<16xf32> to vector<1x16xf32>
      tpu.vector_store %arg7[%parallel_loop3A_68, %parallel_loop3A_69], %parallel_loop3A_72 {strides = array<i32>} : memref<80x128xf32, #tpu.memory_space<vmem>>, vector<1x16xf32>,
      %parallel_loop3A_73 = arith.constant 0.000000e+00 : f32
      %parallel_loop3A_74 = vector.broadcast %parallel_loop3A_73 : f32 to vector<16xf32>
      %parallel_loop3A_75 = arith.index_cast %parallel_loop3A_30 : i32 to index
      %parallel_loop3A_76 = arith.constant 96 : index
      %parallel_loop3A_77 = tpu.vector_load %arg7[%parallel_loop3A_75, %parallel_loop3A_76] {strides = array<i32>} : memref<80x128xf32, #tpu.memory_space<vmem>>, vector<1x16xf32>,
      %parallel_loop3A_78 = vector.shape_cast %parallel_loop3A_77 : vector<1x16xf32> to vector<16xf32>
      %parallel_loop3A_79 = vector.shape_cast %parallel_loop3A_74 : vector<16xf32> to vector<1x16xf32>
      tpu.vector_store %arg7[%parallel_loop3A_75, %parallel_loop3A_76], %parallel_loop3A_79 {strides = array<i32>} : memref<80x128xf32, #tpu.memory_space<vmem>>, vector<1x16xf32>,
      %parallel_loop3A_80 = arith.constant 0.000000e+00 : f32
      %parallel_loop3A_81 = vector.broadcast %parallel_loop3A_80 : f32 to vector<16xf32>
      %parallel_loop3A_82 = arith.index_cast %parallel_loop3A_30 : i32 to index
      %parallel_loop3A_83 = arith.constant 112 : index
      %parallel_loop3A_84 = tpu.vector_load %arg7[%parallel_loop3A_82, %parallel_loop3A_83] {strides = array<i32>} : memref<80x128xf32, #tpu.memory_space<vmem>>, vector<1x16xf32>,
      %parallel_loop3A_85 = vector.shape_cast %parallel_loop3A_84 : vector<1x16xf32> to vector<16xf32>
      %parallel_loop3A_86 = vector.shape_cast %parallel_loop3A_81 : vector<16xf32> to vector<1x16xf32>
      tpu.vector_store %arg7[%parallel_loop3A_82, %parallel_loop3A_83], %parallel_loop3A_86 {strides = array<i32>} : memref<80x128xf32, #tpu.memory_space<vmem>>, vector<1x16xf32>,
    } {sc.loop_unroll_factor = 4 : i64, sc.parallel_access}
    %mul3A_3 = arith.constant 640 : i32
    %mul3A_4 = arith.muli %arg1, %mul3A_3 : i32
    %add3A_5 = arith.constant 0 : i32
    %add3A_6 = arith.addi %mul3A_4, %add3A_5 : i32
    "tpu.region"() ({
      %run_scoped3A = tpu.sem_alloc : memref<!tpu.dma_semaphore, #tpu.memory_space<semaphore_mem>>
      %dma_start3A = arith.constant 0 : i32
      %dma_start3A_30 = tpu.memref_slice %arg8[%add3A_6, %dma_start3A] : memref<10240x128xf32, #tpu.memory_space<vmem_shared>> -> memref<80x128xf32, #tpu.memory_space<vmem_shared>>
      %dma_start3A_31 = arith.constant 0 : i32
      %dma_start3A_32 = tpu.memref_slice %arg8[%add3A_6, %dma_start3A_31] : memref<10240x128xf32, #tpu.memory_space<vmem_shared>> -> memref<80x128xf32, #tpu.memory_space<vmem_shared>>
      tpu.enqueue_dma source(%arg7 : memref<80x128xf32, #tpu.memory_space<vmem>>) target(%dma_start3A_32 : memref<80x128xf32, #tpu.memory_space<vmem_shared>>) target_semaphore(%run_scoped3A : memref<!tpu.dma_semaphore, #tpu.memory_space<semaphore_mem>>)
      %dma_wait3A = arith.constant 0 : i32
      %dma_wait3A_33 = tpu.memref_slice %arg8[%add3A_6, %dma_wait3A] : memref<10240x128xf32, #tpu.memory_space<vmem_shared>> -> memref<80x128xf32, #tpu.memory_space<vmem_shared>>
      %dma_wait3A_34 = arith.constant 0 : i32
      %dma_wait3A_35 = tpu.memref_slice %arg8[%add3A_6, %dma_wait3A_34] : memref<10240x128xf32, #tpu.memory_space<vmem_shared>> -> memref<80x128xf32, #tpu.memory_space<vmem_shared>>
      tpu.wait_dma2 semaphore(%run_scoped3A : memref<!tpu.dma_semaphore, #tpu.memory_space<semaphore_mem>>) src(%arg7 : memref<80x128xf32, #tpu.memory_space<vmem>>) dst(%dma_wait3A_35 : memref<80x128xf32, #tpu.memory_space<vmem_shared>>)
      tpu.yield
    }) : () -> ()
    %add3A_7 = arith.constant 80 : i32
    %add3A_8 = arith.addi %mul3A_4, %add3A_7 : i32
    "tpu.region"() ({
      %run_scoped3A = tpu.sem_alloc : memref<!tpu.dma_semaphore, #tpu.memory_space<semaphore_mem>>
      %dma_start3A = arith.constant 0 : i32
      %dma_start3A_30 = tpu.memref_slice %arg8[%add3A_8, %dma_start3A] : memref<10240x128xf32, #tpu.memory_space<vmem_shared>> -> memref<80x128xf32, #tpu.memory_space<vmem_shared>>
      %dma_start3A_31 = arith.constant 0 : i32
      %dma_start3A_32 = tpu.memref_slice %arg8[%add3A_8, %dma_start3A_31] : memref<10240x128xf32, #tpu.memory_space<vmem_shared>> -> memref<80x128xf32, #tpu.memory_space<vmem_shared>>
      tpu.enqueue_dma source(%arg7 : memref<80x128xf32, #tpu.memory_space<vmem>>) target(%dma_start3A_32 : memref<80x128xf32, #tpu.memory_space<vmem_shared>>) target_semaphore(%run_scoped3A : memref<!tpu.dma_semaphore, #tpu.memory_space<semaphore_mem>>)
      %dma_wait3A = arith.constant 0 : i32
      %dma_wait3A_33 = tpu.memref_slice %arg8[%add3A_8, %dma_wait3A] : memref<10240x128xf32, #tpu.memory_space<vmem_shared>> -> memref<80x128xf32, #tpu.memory_space<vmem_shared>>
      %dma_wait3A_34 = arith.constant 0 : i32
      %dma_wait3A_35 = tpu.memref_slice %arg8[%add3A_8, %dma_wait3A_34] : memref<10240x128xf32, #tpu.memory_space<vmem_shared>> -> memref<80x128xf32, #tpu.memory_space<vmem_shared>>
      tpu.wait_dma2 semaphore(%run_scoped3A : memref<!tpu.dma_semaphore, #tpu.memory_space<semaphore_mem>>) src(%arg7 : memref<80x128xf32, #tpu.memory_space<vmem>>) dst(%dma_wait3A_35 : memref<80x128xf32, #tpu.memory_space<vmem_shared>>)
      tpu.yield
    }) : () -> ()
    %add3A_9 = arith.constant 160 : i32
    %add3A_10 = arith.addi %mul3A_4, %add3A_9 : i32
    "tpu.region"() ({
      %run_scoped3A = tpu.sem_alloc : memref<!tpu.dma_semaphore, #tpu.memory_space<semaphore_mem>>
      %dma_start3A = arith.constant 0 : i32
      %dma_start3A_30 = tpu.memref_slice %arg8[%add3A_10, %dma_start3A] : memref<10240x128xf32, #tpu.memory_space<vmem_shared>> -> memref<80x128xf32, #tpu.memory_space<vmem_shared>>
      %dma_start3A_31 = arith.constant 0 : i32
      %dma_start3A_32 = tpu.memref_slice %arg8[%add3A_10, %dma_start3A_31] : memref<10240x128xf32, #tpu.memory_space<vmem_shared>> -> memref<80x128xf32, #tpu.memory_space<vmem_shared>>
      tpu.enqueue_dma source(%arg7 : memref<80x128xf32, #tpu.memory_space<vmem>>) target(%dma_start3A_32 : memref<80x128xf32, #tpu.memory_space<vmem_shared>>) target_semaphore(%run_scoped3A : memref<!tpu.dma_semaphore, #tpu.memory_space<semaphore_mem>>)
      %dma_wait3A = arith.constant 0 : i32
      %dma_wait3A_33 = tpu.memref_slice %arg8[%add3A_10, %dma_wait3A] : memref<10240x128xf32, #tpu.memory_space<vmem_shared>> -> memref<80x128xf32, #tpu.memory_space<vmem_shared>>
      %dma_wait3A_34 = arith.constant 0 : i32
      %dma_wait3A_35 = tpu.memref_slice %arg8[%add3A_10, %dma_wait3A_34] : memref<10240x128xf32, #tpu.memory_space<vmem_shared>> -> memref<80x128xf32, #tpu.memory_space<vmem_shared>>
      tpu.wait_dma2 semaphore(%run_scoped3A : memref<!tpu.dma_semaphore, #tpu.memory_space<semaphore_mem>>) src(%arg7 : memref<80x128xf32, #tpu.memory_space<vmem>>) dst(%dma_wait3A_35 : memref<80x128xf32, #tpu.memory_space<vmem_shared>>)
      tpu.yield
    }) : () -> ()
    %add3A_11 = arith.constant 240 : i32
    %add3A_12 = arith.addi %mul3A_4, %add3A_11 : i32
    "tpu.region"() ({
      %run_scoped3A = tpu.sem_alloc : memref<!tpu.dma_semaphore, #tpu.memory_space<semaphore_mem>>
      %dma_start3A = arith.constant 0 : i32
      %dma_start3A_30 = tpu.memref_slice %arg8[%add3A_12, %dma_start3A] : memref<10240x128xf32, #tpu.memory_space<vmem_shared>> -> memref<80x128xf32, #tpu.memory_space<vmem_shared>>
      %dma_start3A_31 = arith.constant 0 : i32
      %dma_start3A_32 = tpu.memref_slice %arg8[%add3A_12, %dma_start3A_31] : memref<10240x128xf32, #tpu.memory_space<vmem_shared>> -> memref<80x128xf32, #tpu.memory_space<vmem_shared>>
      tpu.enqueue_dma source(%arg7 : memref<80x128xf32, #tpu.memory_space<vmem>>) target(%dma_start3A_32 : memref<80x128xf32, #tpu.memory_space<vmem_shared>>) target_semaphore(%run_scoped3A : memref<!tpu.dma_semaphore, #tpu.memory_space<semaphore_mem>>)
      %dma_wait3A = arith.constant 0 : i32
      %dma_wait3A_33 = tpu.memref_slice %arg8[%add3A_12, %dma_wait3A] : memref<10240x128xf32, #tpu.memory_space<vmem_shared>> -> memref<80x128xf32, #tpu.memory_space<vmem_shared>>
      %dma_wait3A_34 = arith.constant 0 : i32
      %dma_wait3A_35 = tpu.memref_slice %arg8[%add3A_12, %dma_wait3A_34] : memref<10240x128xf32, #tpu.memory_space<vmem_shared>> -> memref<80x128xf32, #tpu.memory_space<vmem_shared>>
      tpu.wait_dma2 semaphore(%run_scoped3A : memref<!tpu.dma_semaphore, #tpu.memory_space<semaphore_mem>>) src(%arg7 : memref<80x128xf32, #tpu.memory_space<vmem>>) dst(%dma_wait3A_35 : memref<80x128xf32, #tpu.memory_space<vmem_shared>>)
      tpu.yield
    }) : () -> ()
    %add3A_13 = arith.constant 320 : i32
    %add3A_14 = arith.addi %mul3A_4, %add3A_13 : i32
    "tpu.region"() ({
      %run_scoped3A = tpu.sem_alloc : memref<!tpu.dma_semaphore, #tpu.memory_space<semaphore_mem>>
      %dma_start3A = arith.constant 0 : i32
      %dma_start3A_30 = tpu.memref_slice %arg8[%add3A_14, %dma_start3A] : memref<10240x128xf32, #tpu.memory_space<vmem_shared>> -> memref<80x128xf32, #tpu.memory_space<vmem_shared>>
      %dma_start3A_31 = arith.constant 0 : i32
      %dma_start3A_32 = tpu.memref_slice %arg8[%add3A_14, %dma_start3A_31] : memref<10240x128xf32, #tpu.memory_space<vmem_shared>> -> memref<80x128xf32, #tpu.memory_space<vmem_shared>>
      tpu.enqueue_dma source(%arg7 : memref<80x128xf32, #tpu.memory_space<vmem>>) target(%dma_start3A_32 : memref<80x128xf32, #tpu.memory_space<vmem_shared>>) target_semaphore(%run_scoped3A : memref<!tpu.dma_semaphore, #tpu.memory_space<semaphore_mem>>)
      %dma_wait3A = arith.constant 0 : i32
      %dma_wait3A_33 = tpu.memref_slice %arg8[%add3A_14, %dma_wait3A] : memref<10240x128xf32, #tpu.memory_space<vmem_shared>> -> memref<80x128xf32, #tpu.memory_space<vmem_shared>>
      %dma_wait3A_34 = arith.constant 0 : i32
      %dma_wait3A_35 = tpu.memref_slice %arg8[%add3A_14, %dma_wait3A_34] : memref<10240x128xf32, #tpu.memory_space<vmem_shared>> -> memref<80x128xf32, #tpu.memory_space<vmem_shared>>
      tpu.wait_dma2 semaphore(%run_scoped3A : memref<!tpu.dma_semaphore, #tpu.memory_space<semaphore_mem>>) src(%arg7 : memref<80x128xf32, #tpu.memory_space<vmem>>) dst(%dma_wait3A_35 : memref<80x128xf32, #tpu.memory_space<vmem_shared>>)
      tpu.yield
    }) : () -> ()
    %add3A_15 = arith.constant 400 : i32
    %add3A_16 = arith.addi %mul3A_4, %add3A_15 : i32
    "tpu.region"() ({
      %run_scoped3A = tpu.sem_alloc : memref<!tpu.dma_semaphore, #tpu.memory_space<semaphore_mem>>
      %dma_start3A = arith.constant 0 : i32
      %dma_start3A_30 = tpu.memref_slice %arg8[%add3A_16, %dma_start3A] : memref<10240x128xf32, #tpu.memory_space<vmem_shared>> -> memref<80x128xf32, #tpu.memory_space<vmem_shared>>
      %dma_start3A_31 = arith.constant 0 : i32
      %dma_start3A_32 = tpu.memref_slice %arg8[%add3A_16, %dma_start3A_31] : memref<10240x128xf32, #tpu.memory_space<vmem_shared>> -> memref<80x128xf32, #tpu.memory_space<vmem_shared>>
      tpu.enqueue_dma source(%arg7 : memref<80x128xf32, #tpu.memory_space<vmem>>) target(%dma_start3A_32 : memref<80x128xf32, #tpu.memory_space<vmem_shared>>) target_semaphore(%run_scoped3A : memref<!tpu.dma_semaphore, #tpu.memory_space<semaphore_mem>>)
      %dma_wait3A = arith.constant 0 : i32
      %dma_wait3A_33 = tpu.memref_slice %arg8[%add3A_16, %dma_wait3A] : memref<10240x128xf32, #tpu.memory_space<vmem_shared>> -> memref<80x128xf32, #tpu.memory_space<vmem_shared>>
      %dma_wait3A_34 = arith.constant 0 : i32
      %dma_wait3A_35 = tpu.memref_slice %arg8[%add3A_16, %dma_wait3A_34] : memref<10240x128xf32, #tpu.memory_space<vmem_shared>> -> memref<80x128xf32, #tpu.memory_space<vmem_shared>>
      tpu.wait_dma2 semaphore(%run_scoped3A : memref<!tpu.dma_semaphore, #tpu.memory_space<semaphore_mem>>) src(%arg7 : memref<80x128xf32, #tpu.memory_space<vmem>>) dst(%dma_wait3A_35 : memref<80x128xf32, #tpu.memory_space<vmem_shared>>)
      tpu.yield
    }) : () -> ()
    %add3A_17 = arith.constant 480 : i32
    %add3A_18 = arith.addi %mul3A_4, %add3A_17 : i32
    "tpu.region"() ({
      %run_scoped3A = tpu.sem_alloc : memref<!tpu.dma_semaphore, #tpu.memory_space<semaphore_mem>>
      %dma_start3A = arith.constant 0 : i32
      %dma_start3A_30 = tpu.memref_slice %arg8[%add3A_18, %dma_start3A] : memref<10240x128xf32, #tpu.memory_space<vmem_shared>> -> memref<80x128xf32, #tpu.memory_space<vmem_shared>>
      %dma_start3A_31 = arith.constant 0 : i32
      %dma_start3A_32 = tpu.memref_slice %arg8[%add3A_18, %dma_start3A_31] : memref<10240x128xf32, #tpu.memory_space<vmem_shared>> -> memref<80x128xf32, #tpu.memory_space<vmem_shared>>
      tpu.enqueue_dma source(%arg7 : memref<80x128xf32, #tpu.memory_space<vmem>>) target(%dma_start3A_32 : memref<80x128xf32, #tpu.memory_space<vmem_shared>>) target_semaphore(%run_scoped3A : memref<!tpu.dma_semaphore, #tpu.memory_space<semaphore_mem>>)
      %dma_wait3A = arith.constant 0 : i32
      %dma_wait3A_33 = tpu.memref_slice %arg8[%add3A_18, %dma_wait3A] : memref<10240x128xf32, #tpu.memory_space<vmem_shared>> -> memref<80x128xf32, #tpu.memory_space<vmem_shared>>
      %dma_wait3A_34 = arith.constant 0 : i32
      %dma_wait3A_35 = tpu.memref_slice %arg8[%add3A_18, %dma_wait3A_34] : memref<10240x128xf32, #tpu.memory_space<vmem_shared>> -> memref<80x128xf32, #tpu.memory_space<vmem_shared>>
      tpu.wait_dma2 semaphore(%run_scoped3A : memref<!tpu.dma_semaphore, #tpu.memory_space<semaphore_mem>>) src(%arg7 : memref<80x128xf32, #tpu.memory_space<vmem>>) dst(%dma_wait3A_35 : memref<80x128xf32, #tpu.memory_space<vmem_shared>>)
      tpu.yield
    }) : () -> ()
    %add3A_19 = arith.constant 560 : i32
    %add3A_20 = arith.addi %mul3A_4, %add3A_19 : i32
    "tpu.region"() ({
      %run_scoped3A = tpu.sem_alloc : memref<!tpu.dma_semaphore, #tpu.memory_space<semaphore_mem>>
      %dma_start3A = arith.constant 0 : i32
      %dma_start3A_30 = tpu.memref_slice %arg8[%add3A_20, %dma_start3A] : memref<10240x128xf32, #tpu.memory_space<vmem_shared>> -> memref<80x128xf32, #tpu.memory_space<vmem_shared>>
      %dma_start3A_31 = arith.constant 0 : i32
      %dma_start3A_32 = tpu.memref_slice %arg8[%add3A_20, %dma_start3A_31] : memref<10240x128xf32, #tpu.memory_space<vmem_shared>> -> memref<80x128xf32, #tpu.memory_space<vmem_shared>>
      tpu.enqueue_dma source(%arg7 : memref<80x128xf32, #tpu.memory_space<vmem>>) target(%dma_start3A_32 : memref<80x128xf32, #tpu.memory_space<vmem_shared>>) target_semaphore(%run_scoped3A : memref<!tpu.dma_semaphore, #tpu.memory_space<semaphore_mem>>)
      %dma_wait3A = arith.constant 0 : i32
      %dma_wait3A_33 = tpu.memref_slice %arg8[%add3A_20, %dma_wait3A] : memref<10240x128xf32, #tpu.memory_space<vmem_shared>> -> memref<80x128xf32, #tpu.memory_space<vmem_shared>>
      %dma_wait3A_34 = arith.constant 0 : i32
      %dma_wait3A_35 = tpu.memref_slice %arg8[%add3A_20, %dma_wait3A_34] : memref<10240x128xf32, #tpu.memory_space<vmem_shared>> -> memref<80x128xf32, #tpu.memory_space<vmem_shared>>
      tpu.wait_dma2 semaphore(%run_scoped3A : memref<!tpu.dma_semaphore, #tpu.memory_space<semaphore_mem>>) src(%arg7 : memref<80x128xf32, #tpu.memory_space<vmem>>) dst(%dma_wait3A_35 : memref<80x128xf32, #tpu.memory_space<vmem_shared>>)
      tpu.yield
    }) : () -> ()
    %barrier3A = arith.constant 0 : index
    tpu.barrier barrier_id(%barrier3A)
    %scan3A = arith.constant 0 : i32
    %scan3A_21 = arith.constant 0 : i32
    %scan3A_22 = arith.constant 125 : i32
    %scan3A_23 = arith.addi %scan3A_21, %scan3A_22 : i32
    %scan3A_24 = arith.constant 1 : i32
    scf.for %scan3A_30 = %scan3A_21 to %scan3A_23 step %scan3A_24  : i32 {
      %mul3A_31 = arith.constant 10000 : i32
      %mul3A_32 = arith.muli %add3A, %mul3A_31 : i32
      %mul3A_33 = arith.constant 80 : i32
      %mul3A_34 = arith.muli %scan3A_30, %mul3A_33 : i32
      %add3A_35 = arith.addi %mul3A_32, %mul3A_34 : i32
      "tpu.region"() ({
        %run_scoped3A = tpu.sem_alloc : memref<!tpu.dma_semaphore, #tpu.memory_space<semaphore_mem>>
        %dma_start3A = tpu.memref_slice %arg2[%add3A_35] : memref<320000xi32, #tpu.memory_space<hbm>> -> memref<80xi32, #tpu.memory_space<hbm>>
        %dma_start3A_39 = tpu.memref_slice %arg2[%add3A_35] : memref<320000xi32, #tpu.memory_space<hbm>> -> memref<80xi32, #tpu.memory_space<hbm>>
        tpu.enqueue_dma source(%dma_start3A_39 : memref<80xi32, #tpu.memory_space<hbm>>) target(%arg5 : memref<80xi32, #tpu.memory_space<vmem>>) target_semaphore(%run_scoped3A : memref<!tpu.dma_semaphore, #tpu.memory_space<semaphore_mem>>)
        %dma_wait3A = tpu.memref_slice %arg2[%add3A_35] : memref<320000xi32, #tpu.memory_space<hbm>> -> memref<80xi32, #tpu.memory_space<hbm>>
        %dma_wait3A_40 = tpu.memref_slice %arg2[%add3A_35] : memref<320000xi32, #tpu.memory_space<hbm>> -> memref<80xi32, #tpu.memory_space<hbm>>
        tpu.wait_dma2 semaphore(%run_scoped3A : memref<!tpu.dma_semaphore, #tpu.memory_space<semaphore_mem>>) src(%dma_wait3A_40 : memref<80xi32, #tpu.memory_space<hbm>>) dst(%arg5 : memref<80xi32, #tpu.memory_space<vmem>>)
        tpu.yield
      }) : () -> ()
      "tpu.region"() ({
        %run_scoped3A = tpu.sem_alloc : memref<!tpu.dma_semaphore, #tpu.memory_space<semaphore_mem>>
        %dma_start3A = arith.constant 0 : i32
        %dma_start3A_39 = tpu.memref_slice %arg3[%add3A_35, %dma_start3A] : memref<320000x16xf32, #tpu.memory_space<hbm>> -> memref<80x16xf32, #tpu.memory_space<hbm>>
        %dma_start3A_40 = arith.constant 0 : i32
        %dma_start3A_41 = tpu.memref_slice %arg3[%add3A_35, %dma_start3A_40] : memref<320000x16xf32, #tpu.memory_space<hbm>> -> memref<80x16xf32, #tpu.memory_space<hbm>>
        tpu.enqueue_dma source(%dma_start3A_41 : memref<80x16xf32, #tpu.memory_space<hbm>>) target(%arg6 : memref<80x16xf32, #tpu.memory_space<vmem>>) target_semaphore(%run_scoped3A : memref<!tpu.dma_semaphore, #tpu.memory_space<semaphore_mem>>)
        %dma_wait3A = arith.constant 0 : i32
        %dma_wait3A_42 = tpu.memref_slice %arg3[%add3A_35, %dma_wait3A] : memref<320000x16xf32, #tpu.memory_space<hbm>> -> memref<80x16xf32, #tpu.memory_space<hbm>>
        %dma_wait3A_43 = arith.constant 0 : i32
        %dma_wait3A_44 = tpu.memref_slice %arg3[%add3A_35, %dma_wait3A_43] : memref<320000x16xf32, #tpu.memory_space<hbm>> -> memref<80x16xf32, #tpu.memory_space<hbm>>
        tpu.wait_dma2 semaphore(%run_scoped3A : memref<!tpu.dma_semaphore, #tpu.memory_space<semaphore_mem>>) src(%dma_wait3A_44 : memref<80x16xf32, #tpu.memory_space<hbm>>) dst(%arg6 : memref<80x16xf32, #tpu.memory_space<vmem>>)
        tpu.yield
      }) : () -> ()
      %parallel_loop3A_36 = arith.constant 0 : i32
      %parallel_loop3A_37 = arith.constant 80 : i32
      %parallel_loop3A_38 = arith.constant 1 : i32
      scf.for %parallel_loop3A_39 = %parallel_loop3A_36 to %parallel_loop3A_37 step %parallel_loop3A_38  : i32 {
        %parallel_loop3A_40 = arith.index_cast %parallel_loop3A_39 : i32 to index
        %parallel_loop3A_41 = arith.constant 0 : index
        %parallel_loop3A_42 = tpu.vector_load %arg6[%parallel_loop3A_40, %parallel_loop3A_41] {strides = array<i32>} : memref<80x16xf32, #tpu.memory_space<vmem>>, vector<1x16xf32>,
        %parallel_loop3A_43 = vector.shape_cast %parallel_loop3A_42 : vector<1x16xf32> to vector<16xf32>
        %parallel_loop3A_44 = arith.index_cast %parallel_loop3A_39 : i32 to index
        %parallel_loop3A_45 = arith.constant 0 : index
        %parallel_loop3A_46 = tpu.vector_load %arg7[%parallel_loop3A_44, %parallel_loop3A_45] {strides = array<i32>} : memref<80x128xf32, #tpu.memory_space<vmem>>, vector<1x16xf32>,
        %parallel_loop3A_47 = vector.shape_cast %parallel_loop3A_46 : vector<1x16xf32> to vector<16xf32>
        %parallel_loop3A_48 = vector.shape_cast %parallel_loop3A_43 : vector<16xf32> to vector<1x16xf32>
        tpu.vector_store %arg7[%parallel_loop3A_44, %parallel_loop3A_45], %parallel_loop3A_48 {strides = array<i32>} : memref<80x128xf32, #tpu.memory_space<vmem>>, vector<1x16xf32>,
        %parallel_loop3A_49 = arith.index_cast %parallel_loop3A_39 : i32 to index
        %parallel_loop3A_50 = arith.constant 16 : index
        %parallel_loop3A_51 = tpu.vector_load %arg7[%parallel_loop3A_49, %parallel_loop3A_50] {strides = array<i32>} : memref<80x128xf32, #tpu.memory_space<vmem>>, vector<1x16xf32>,
        %parallel_loop3A_52 = vector.shape_cast %parallel_loop3A_51 : vector<1x16xf32> to vector<16xf32>
        %parallel_loop3A_53 = vector.shape_cast %parallel_loop3A_43 : vector<16xf32> to vector<1x16xf32>
        tpu.vector_store %arg7[%parallel_loop3A_49, %parallel_loop3A_50], %parallel_loop3A_53 {strides = array<i32>} : memref<80x128xf32, #tpu.memory_space<vmem>>, vector<1x16xf32>,
        %parallel_loop3A_54 = arith.index_cast %parallel_loop3A_39 : i32 to index
        %parallel_loop3A_55 = arith.constant 32 : index
        %parallel_loop3A_56 = tpu.vector_load %arg7[%parallel_loop3A_54, %parallel_loop3A_55] {strides = array<i32>} : memref<80x128xf32, #tpu.memory_space<vmem>>, vector<1x16xf32>,
        %parallel_loop3A_57 = vector.shape_cast %parallel_loop3A_56 : vector<1x16xf32> to vector<16xf32>
        %parallel_loop3A_58 = vector.shape_cast %parallel_loop3A_43 : vector<16xf32> to vector<1x16xf32>
        tpu.vector_store %arg7[%parallel_loop3A_54, %parallel_loop3A_55], %parallel_loop3A_58 {strides = array<i32>} : memref<80x128xf32, #tpu.memory_space<vmem>>, vector<1x16xf32>,
        %parallel_loop3A_59 = arith.index_cast %parallel_loop3A_39 : i32 to index
        %parallel_loop3A_60 = arith.constant 48 : index
        %parallel_loop3A_61 = tpu.vector_load %arg7[%parallel_loop3A_59, %parallel_loop3A_60] {strides = array<i32>} : memref<80x128xf32, #tpu.memory_space<vmem>>, vector<1x16xf32>,
        %parallel_loop3A_62 = vector.shape_cast %parallel_loop3A_61 : vector<1x16xf32> to vector<16xf32>
        %parallel_loop3A_63 = vector.shape_cast %parallel_loop3A_43 : vector<16xf32> to vector<1x16xf32>
        tpu.vector_store %arg7[%parallel_loop3A_59, %parallel_loop3A_60], %parallel_loop3A_63 {strides = array<i32>} : memref<80x128xf32, #tpu.memory_space<vmem>>, vector<1x16xf32>,
        %parallel_loop3A_64 = arith.index_cast %parallel_loop3A_39 : i32 to index
        %parallel_loop3A_65 = arith.constant 64 : index
        %parallel_loop3A_66 = tpu.vector_load %arg7[%parallel_loop3A_64, %parallel_loop3A_65] {strides = array<i32>} : memref<80x128xf32, #tpu.memory_space<vmem>>, vector<1x16xf32>,
        %parallel_loop3A_67 = vector.shape_cast %parallel_loop3A_66 : vector<1x16xf32> to vector<16xf32>
        %parallel_loop3A_68 = vector.shape_cast %parallel_loop3A_43 : vector<16xf32> to vector<1x16xf32>
        tpu.vector_store %arg7[%parallel_loop3A_64, %parallel_loop3A_65], %parallel_loop3A_68 {strides = array<i32>} : memref<80x128xf32, #tpu.memory_space<vmem>>, vector<1x16xf32>,
        %parallel_loop3A_69 = arith.index_cast %parallel_loop3A_39 : i32 to index
        %parallel_loop3A_70 = arith.constant 80 : index
        %parallel_loop3A_71 = tpu.vector_load %arg7[%parallel_loop3A_69, %parallel_loop3A_70] {strides = array<i32>} : memref<80x128xf32, #tpu.memory_space<vmem>>, vector<1x16xf32>,
        %parallel_loop3A_72 = vector.shape_cast %parallel_loop3A_71 : vector<1x16xf32> to vector<16xf32>
        %parallel_loop3A_73 = vector.shape_cast %parallel_loop3A_43 : vector<16xf32> to vector<1x16xf32>
        tpu.vector_store %arg7[%parallel_loop3A_69, %parallel_loop3A_70], %parallel_loop3A_73 {strides = array<i32>} : memref<80x128xf32, #tpu.memory_space<vmem>>, vector<1x16xf32>,
        %parallel_loop3A_74 = arith.index_cast %parallel_loop3A_39 : i32 to index
        %parallel_loop3A_75 = arith.constant 96 : index
        %parallel_loop3A_76 = tpu.vector_load %arg7[%parallel_loop3A_74, %parallel_loop3A_75] {strides = array<i32>} : memref<80x128xf32, #tpu.memory_space<vmem>>, vector<1x16xf32>,
        %parallel_loop3A_77 = vector.shape_cast %parallel_loop3A_76 : vector<1x16xf32> to vector<16xf32>
        %parallel_loop3A_78 = vector.shape_cast %parallel_loop3A_43 : vector<16xf32> to vector<1x16xf32>
        tpu.vector_store %arg7[%parallel_loop3A_74, %parallel_loop3A_75], %parallel_loop3A_78 {strides = array<i32>} : memref<80x128xf32, #tpu.memory_space<vmem>>, vector<1x16xf32>,
        %parallel_loop3A_79 = arith.index_cast %parallel_loop3A_39 : i32 to index
        %parallel_loop3A_80 = arith.constant 112 : index
        %parallel_loop3A_81 = tpu.vector_load %arg7[%parallel_loop3A_79, %parallel_loop3A_80] {strides = array<i32>} : memref<80x128xf32, #tpu.memory_space<vmem>>, vector<1x16xf32>,
        %parallel_loop3A_82 = vector.shape_cast %parallel_loop3A_81 : vector<1x16xf32> to vector<16xf32>
        %parallel_loop3A_83 = vector.shape_cast %parallel_loop3A_43 : vector<16xf32> to vector<1x16xf32>
        tpu.vector_store %arg7[%parallel_loop3A_79, %parallel_loop3A_80], %parallel_loop3A_83 {strides = array<i32>} : memref<80x128xf32, #tpu.memory_space<vmem>>, vector<1x16xf32>,
      } {sc.loop_unroll_factor = 4 : i64, sc.parallel_access}
      "tpu.region"() ({
        %run_scoped3A = tpu.sem_alloc : memref<!tpu.dma_semaphore, #tpu.memory_space<semaphore_mem>>
        %dma_start3A = arith.constant 0 : i32
        %dma_start3A_39 = arith.constant 0 : i32
        %dma_start3A_40 = tpu.memref_slice %arg8[%dma_start3A, %dma_start3A_39] : memref<10240x128xf32, #tpu.memory_space<vmem_shared>> -> memref<10240x128xf32, #tpu.memory_space<vmem_shared>>
        tpu.enqueue_indirect_dma source(%arg7 : memref<80x128xf32, #tpu.memory_space<vmem>>) target(%dma_start3A_40 : memref<10240x128xf32, #tpu.memory_space<vmem_shared>>) offsets(%arg5 : memref<80xi32, #tpu.memory_space<vmem>>) semaphore(%run_scoped3A : memref<!tpu.dma_semaphore, #tpu.memory_space<semaphore_mem>>) {add = true}
        %dma_wait3A = arith.constant 0 : i32
        %dma_wait3A_41 = arith.constant 0 : i32
        %dma_wait3A_42 = tpu.memref_slice %arg8[%dma_wait3A, %dma_wait3A_41] : memref<10240x128xf32, #tpu.memory_space<vmem_shared>> -> memref<10240x128xf32, #tpu.memory_space<vmem_shared>>
        tpu.wait_indirect_dma semaphore(%run_scoped3A : memref<!tpu.dma_semaphore, #tpu.memory_space<semaphore_mem>>) src(%arg7 : memref<80x128xf32, #tpu.memory_space<vmem>>) dst(%dma_wait3A_42 : memref<10240x128xf32, #tpu.memory_space<vmem_shared>>)
        tpu.yield
      }) : () -> ()
    }
    %scan3A_25 = arith.constant 125 : i32
    %barrier3A_26 = arith.constant 0 : index
    tpu.barrier barrier_id(%barrier3A_26)
    %mul3A_27 = arith.constant 10240 : i32
    %mul3A_28 = arith.muli %arg0, %mul3A_27 : i32
    %add3A_29 = arith.addi %mul3A_28, %mul3A_4 : i32
    "tpu.region"() ({
      %run_scoped3A = tpu.sem_alloc : memref<!tpu.dma_semaphore, #tpu.memory_space<semaphore_mem>>
      %dma_start3A = arith.constant 0 : i32
      %dma_start3A_30 = tpu.memref_slice %arg4[%add3A_29, %dma_start3A] : memref<20480x128xf32, #tpu.memory_space<hbm>> -> memref<640x128xf32, #tpu.memory_space<hbm>>
      %dma_start3A_31 = arith.constant 0 : i32
      %dma_start3A_32 = tpu.memref_slice %arg8[%mul3A_4, %dma_start3A_31] : memref<10240x128xf32, #tpu.memory_space<vmem_shared>> -> memref<640x128xf32, #tpu.memory_space<vmem_shared>>
      tpu.enqueue_dma source(%dma_start3A_32 : memref<640x128xf32, #tpu.memory_space<vmem_shared>>) target(%dma_start3A_30 : memref<640x128xf32, #tpu.memory_space<hbm>>) target_semaphore(%run_scoped3A : memref<!tpu.dma_semaphore, #tpu.memory_space<semaphore_mem>>)
      %dma_wait3A = arith.constant 0 : i32
      %dma_wait3A_33 = tpu.memref_slice %arg4[%add3A_29, %dma_wait3A] : memref<20480x128xf32, #tpu.memory_space<hbm>> -> memref<640x128xf32, #tpu.memory_space<hbm>>
      %dma_wait3A_34 = arith.constant 0 : i32
      %dma_wait3A_35 = tpu.memref_slice %arg8[%mul3A_4, %dma_wait3A_34] : memref<10240x128xf32, #tpu.memory_space<vmem_shared>> -> memref<640x128xf32, #tpu.memory_space<vmem_shared>>
      tpu.wait_dma2 semaphore(%run_scoped3A : memref<!tpu.dma_semaphore, #tpu.memory_space<semaphore_mem>>) src(%dma_wait3A_35 : memref<640x128xf32, #tpu.memory_space<vmem_shared>>) dst(%dma_wait3A_33 : memref<640x128xf32, #tpu.memory_space<hbm>>)
      tpu.yield
    }) : () -> ()
    return
  }
}

#map = affine_map<(d0, d1) -> (0, 0)>
#map1 = affine_map<(d0, d1) -> (0)>
module attributes {stable_mosaic.version = 14 : i64} {
  func.func @_sc_agg_body(%arg0: i32, %arg1: i32, %arg2: memref<10000x128xf32, #tpu.memory_space<hbm>>, %arg3: memref<320000xi32, #tpu.memory_space<hbm>>, %arg4: memref<320000xi32, #tpu.memory_space<hbm>>, %arg5: memref<320000x16xf32, #tpu.memory_space<hbm>>, %arg6: memref<20480x128xf32, #tpu.memory_space<hbm>>, %arg7: memref<2x80xi32, #tpu.memory_space<vmem>>, %arg8: memref<2x80xi32, #tpu.memory_space<vmem>>, %arg9: memref<2x80x16xf32, #tpu.memory_space<vmem>>, %arg10: memref<2x80x128xf32, #tpu.memory_space<vmem>>, %arg11: memref<!tpu.dma_semaphore, #tpu.memory_space<semaphore_mem>>, %arg12: memref<!tpu.dma_semaphore, #tpu.memory_space<semaphore_mem>>, %arg13: memref<10240x128xf32, #tpu.memory_space<vmem_shared>>) attributes {dimension_semantics = [#tpu.dimension_semantics<core_parallel>, #tpu.dimension_semantics<subcore_parallel>], iteration_bounds = array<i64: 2, 16>, scalar_prefetch = 0 : i64, scratch_operands = 7 : i64, tpu.core_type = #tpu.core_type<sc_vector_subcore>, window_params = [{transform_indices = #map}, {transform_indices = #map1}, {transform_indices = #map1}, {transform_indices = #map}, {transform_indices = #map}]} {
    %mul3A = arith.constant 2 : i32
    %mul3A_0 = arith.muli %arg1, %mul3A : i32
    %add3A = arith.addi %mul3A_0, %arg0 : i32
    %mul3A_1 = arith.constant 10000 : i32
    %mul3A_2 = arith.muli %add3A, %mul3A_1 : i32
    %parallel_loop3A = arith.constant 0 : i32
    %parallel_loop3A_3 = arith.constant 80 : i32
    %parallel_loop3A_4 = arith.constant 1 : i32
    scf.for %parallel_loop3A_71 = %parallel_loop3A to %parallel_loop3A_3 step %parallel_loop3A_4  : i32 {
      %parallel_loop3A_72 = arith.constant 0.000000e+00 : f32
      %parallel_loop3A_73 = vector.broadcast %parallel_loop3A_72 : f32 to vector<16xf32>
      %parallel_loop3A_74 = arith.constant 0 : i32
      %parallel_loop3A_75 = arith.index_cast %parallel_loop3A_74 : i32 to index
      %parallel_loop3A_76 = arith.index_cast %parallel_loop3A_71 : i32 to index
      %parallel_loop3A_77 = arith.constant 0 : index
      %parallel_loop3A_78 = tpu.vector_load %arg10[%parallel_loop3A_75, %parallel_loop3A_76, %parallel_loop3A_77] {strides = array<i32>} : memref<2x80x128xf32, #tpu.memory_space<vmem>>, vector<1x1x16xf32>,
      %parallel_loop3A_79 = vector.shape_cast %parallel_loop3A_78 : vector<1x1x16xf32> to vector<16xf32>
      %parallel_loop3A_80 = vector.shape_cast %parallel_loop3A_73 : vector<16xf32> to vector<1x1x16xf32>
      tpu.vector_store %arg10[%parallel_loop3A_75, %parallel_loop3A_76, %parallel_loop3A_77], %parallel_loop3A_80 {strides = array<i32>} : memref<2x80x128xf32, #tpu.memory_space<vmem>>, vector<1x1x16xf32>,
      %parallel_loop3A_81 = arith.constant 0.000000e+00 : f32
      %parallel_loop3A_82 = vector.broadcast %parallel_loop3A_81 : f32 to vector<16xf32>
      %parallel_loop3A_83 = arith.constant 0 : i32
      %parallel_loop3A_84 = arith.index_cast %parallel_loop3A_83 : i32 to index
      %parallel_loop3A_85 = arith.index_cast %parallel_loop3A_71 : i32 to index
      %parallel_loop3A_86 = arith.constant 16 : index
      %parallel_loop3A_87 = tpu.vector_load %arg10[%parallel_loop3A_84, %parallel_loop3A_85, %parallel_loop3A_86] {strides = array<i32>} : memref<2x80x128xf32, #tpu.memory_space<vmem>>, vector<1x1x16xf32>,
      %parallel_loop3A_88 = vector.shape_cast %parallel_loop3A_87 : vector<1x1x16xf32> to vector<16xf32>
      %parallel_loop3A_89 = vector.shape_cast %parallel_loop3A_82 : vector<16xf32> to vector<1x1x16xf32>
      tpu.vector_store %arg10[%parallel_loop3A_84, %parallel_loop3A_85, %parallel_loop3A_86], %parallel_loop3A_89 {strides = array<i32>} : memref<2x80x128xf32, #tpu.memory_space<vmem>>, vector<1x1x16xf32>,
      %parallel_loop3A_90 = arith.constant 0.000000e+00 : f32
      %parallel_loop3A_91 = vector.broadcast %parallel_loop3A_90 : f32 to vector<16xf32>
      %parallel_loop3A_92 = arith.constant 0 : i32
      %parallel_loop3A_93 = arith.index_cast %parallel_loop3A_92 : i32 to index
      %parallel_loop3A_94 = arith.index_cast %parallel_loop3A_71 : i32 to index
      %parallel_loop3A_95 = arith.constant 32 : index
      %parallel_loop3A_96 = tpu.vector_load %arg10[%parallel_loop3A_93, %parallel_loop3A_94, %parallel_loop3A_95] {strides = array<i32>} : memref<2x80x128xf32, #tpu.memory_space<vmem>>, vector<1x1x16xf32>,
      %parallel_loop3A_97 = vector.shape_cast %parallel_loop3A_96 : vector<1x1x16xf32> to vector<16xf32>
      %parallel_loop3A_98 = vector.shape_cast %parallel_loop3A_91 : vector<16xf32> to vector<1x1x16xf32>
      tpu.vector_store %arg10[%parallel_loop3A_93, %parallel_loop3A_94, %parallel_loop3A_95], %parallel_loop3A_98 {strides = array<i32>} : memref<2x80x128xf32, #tpu.memory_space<vmem>>, vector<1x1x16xf32>,
      %parallel_loop3A_99 = arith.constant 0.000000e+00 : f32
      %parallel_loop3A_100 = vector.broadcast %parallel_loop3A_99 : f32 to vector<16xf32>
      %parallel_loop3A_101 = arith.constant 0 : i32
      %parallel_loop3A_102 = arith.index_cast %parallel_loop3A_101 : i32 to index
      %parallel_loop3A_103 = arith.index_cast %parallel_loop3A_71 : i32 to index
      %parallel_loop3A_104 = arith.constant 48 : index
      %parallel_loop3A_105 = tpu.vector_load %arg10[%parallel_loop3A_102, %parallel_loop3A_103, %parallel_loop3A_104] {strides = array<i32>} : memref<2x80x128xf32, #tpu.memory_space<vmem>>, vector<1x1x16xf32>,
      %parallel_loop3A_106 = vector.shape_cast %parallel_loop3A_105 : vector<1x1x16xf32> to vector<16xf32>
      %parallel_loop3A_107 = vector.shape_cast %parallel_loop3A_100 : vector<16xf32> to vector<1x1x16xf32>
      tpu.vector_store %arg10[%parallel_loop3A_102, %parallel_loop3A_103, %parallel_loop3A_104], %parallel_loop3A_107 {strides = array<i32>} : memref<2x80x128xf32, #tpu.memory_space<vmem>>, vector<1x1x16xf32>,
      %parallel_loop3A_108 = arith.constant 0.000000e+00 : f32
      %parallel_loop3A_109 = vector.broadcast %parallel_loop3A_108 : f32 to vector<16xf32>
      %parallel_loop3A_110 = arith.constant 0 : i32
      %parallel_loop3A_111 = arith.index_cast %parallel_loop3A_110 : i32 to index
      %parallel_loop3A_112 = arith.index_cast %parallel_loop3A_71 : i32 to index
      %parallel_loop3A_113 = arith.constant 64 : index
      %parallel_loop3A_114 = tpu.vector_load %arg10[%parallel_loop3A_111, %parallel_loop3A_112, %parallel_loop3A_113] {strides = array<i32>} : memref<2x80x128xf32, #tpu.memory_space<vmem>>, vector<1x1x16xf32>,
      %parallel_loop3A_115 = vector.shape_cast %parallel_loop3A_114 : vector<1x1x16xf32> to vector<16xf32>
      %parallel_loop3A_116 = vector.shape_cast %parallel_loop3A_109 : vector<16xf32> to vector<1x1x16xf32>
      tpu.vector_store %arg10[%parallel_loop3A_111, %parallel_loop3A_112, %parallel_loop3A_113], %parallel_loop3A_116 {strides = array<i32>} : memref<2x80x128xf32, #tpu.memory_space<vmem>>, vector<1x1x16xf32>,
      %parallel_loop3A_117 = arith.constant 0.000000e+00 : f32
      %parallel_loop3A_118 = vector.broadcast %parallel_loop3A_117 : f32 to vector<16xf32>
      %parallel_loop3A_119 = arith.constant 0 : i32
      %parallel_loop3A_120 = arith.index_cast %parallel_loop3A_119 : i32 to index
      %parallel_loop3A_121 = arith.index_cast %parallel_loop3A_71 : i32 to index
      %parallel_loop3A_122 = arith.constant 80 : index
      %parallel_loop3A_123 = tpu.vector_load %arg10[%parallel_loop3A_120, %parallel_loop3A_121, %parallel_loop3A_122] {strides = array<i32>} : memref<2x80x128xf32, #tpu.memory_space<vmem>>, vector<1x1x16xf32>,
      %parallel_loop3A_124 = vector.shape_cast %parallel_loop3A_123 : vector<1x1x16xf32> to vector<16xf32>
      %parallel_loop3A_125 = vector.shape_cast %parallel_loop3A_118 : vector<16xf32> to vector<1x1x16xf32>
      tpu.vector_store %arg10[%parallel_loop3A_120, %parallel_loop3A_121, %parallel_loop3A_122], %parallel_loop3A_125 {strides = array<i32>} : memref<2x80x128xf32, #tpu.memory_space<vmem>>, vector<1x1x16xf32>,
      %parallel_loop3A_126 = arith.constant 0.000000e+00 : f32
      %parallel_loop3A_127 = vector.broadcast %parallel_loop3A_126 : f32 to vector<16xf32>
      %parallel_loop3A_128 = arith.constant 0 : i32
      %parallel_loop3A_129 = arith.index_cast %parallel_loop3A_128 : i32 to index
      %parallel_loop3A_130 = arith.index_cast %parallel_loop3A_71 : i32 to index
      %parallel_loop3A_131 = arith.constant 96 : index
      %parallel_loop3A_132 = tpu.vector_load %arg10[%parallel_loop3A_129, %parallel_loop3A_130, %parallel_loop3A_131] {strides = array<i32>} : memref<2x80x128xf32, #tpu.memory_space<vmem>>, vector<1x1x16xf32>,
      %parallel_loop3A_133 = vector.shape_cast %parallel_loop3A_132 : vector<1x1x16xf32> to vector<16xf32>
      %parallel_loop3A_134 = vector.shape_cast %parallel_loop3A_127 : vector<16xf32> to vector<1x1x16xf32>
      tpu.vector_store %arg10[%parallel_loop3A_129, %parallel_loop3A_130, %parallel_loop3A_131], %parallel_loop3A_134 {strides = array<i32>} : memref<2x80x128xf32, #tpu.memory_space<vmem>>, vector<1x1x16xf32>,
      %parallel_loop3A_135 = arith.constant 0.000000e+00 : f32
      %parallel_loop3A_136 = vector.broadcast %parallel_loop3A_135 : f32 to vector<16xf32>
      %parallel_loop3A_137 = arith.constant 0 : i32
      %parallel_loop3A_138 = arith.index_cast %parallel_loop3A_137 : i32 to index
      %parallel_loop3A_139 = arith.index_cast %parallel_loop3A_71 : i32 to index
      %parallel_loop3A_140 = arith.constant 112 : index
      %parallel_loop3A_141 = tpu.vector_load %arg10[%parallel_loop3A_138, %parallel_loop3A_139, %parallel_loop3A_140] {strides = array<i32>} : memref<2x80x128xf32, #tpu.memory_space<vmem>>, vector<1x1x16xf32>,
      %parallel_loop3A_142 = vector.shape_cast %parallel_loop3A_141 : vector<1x1x16xf32> to vector<16xf32>
      %parallel_loop3A_143 = vector.shape_cast %parallel_loop3A_136 : vector<16xf32> to vector<1x1x16xf32>
      tpu.vector_store %arg10[%parallel_loop3A_138, %parallel_loop3A_139, %parallel_loop3A_140], %parallel_loop3A_143 {strides = array<i32>} : memref<2x80x128xf32, #tpu.memory_space<vmem>>, vector<1x1x16xf32>,
    } {sc.loop_unroll_factor = 4 : i64, sc.parallel_access}
    %mul3A_5 = arith.constant 640 : i32
    %mul3A_6 = arith.muli %arg1, %mul3A_5 : i32
    %add3A_7 = arith.constant 0 : i32
    %add3A_8 = arith.addi %mul3A_6, %add3A_7 : i32
    %run_scoped3A = arith.constant 0 : i32
    "tpu.region"() ({
      %run_scoped3A_71 = tpu.sem_alloc : memref<!tpu.dma_semaphore, #tpu.memory_space<semaphore_mem>>
      %dma_start3A_72 = arith.constant 0 : i32
      %dma_start3A_73 = arith.constant 0 : i32
      %dma_start3A_74 = tpu.memref_slice %arg10[%run_scoped3A, %dma_start3A_72, %dma_start3A_73] : memref<2x80x128xf32, #tpu.memory_space<vmem>> -> memref<1x80x128xf32, #tpu.memory_space<vmem>>
      %dma_start3A_75 = tpu.memref_squeeze %dma_start3A_74 : memref<1x80x128xf32, #tpu.memory_space<vmem>> -> memref<80x128xf32, #tpu.memory_space<vmem>>
      %dma_start3A_76 = arith.constant 0 : i32
      %dma_start3A_77 = tpu.memref_slice %arg13[%add3A_8, %dma_start3A_76] : memref<10240x128xf32, #tpu.memory_space<vmem_shared>> -> memref<80x128xf32, #tpu.memory_space<vmem_shared>>
      %dma_start3A_78 = arith.constant 0 : i32
      %dma_start3A_79 = tpu.memref_slice %arg13[%add3A_8, %dma_start3A_78] : memref<10240x128xf32, #tpu.memory_space<vmem_shared>> -> memref<80x128xf32, #tpu.memory_space<vmem_shared>>
      %dma_start3A_80 = arith.constant 0 : i32
      %dma_start3A_81 = arith.constant 0 : i32
      %dma_start3A_82 = tpu.memref_slice %arg10[%run_scoped3A, %dma_start3A_80, %dma_start3A_81] : memref<2x80x128xf32, #tpu.memory_space<vmem>> -> memref<1x80x128xf32, #tpu.memory_space<vmem>>
      %dma_start3A_83 = tpu.memref_squeeze %dma_start3A_82 : memref<1x80x128xf32, #tpu.memory_space<vmem>> -> memref<80x128xf32, #tpu.memory_space<vmem>>
      tpu.enqueue_dma source(%dma_start3A_83 : memref<80x128xf32, #tpu.memory_space<vmem>>) target(%dma_start3A_79 : memref<80x128xf32, #tpu.memory_space<vmem_shared>>) target_semaphore(%run_scoped3A_71 : memref<!tpu.dma_semaphore, #tpu.memory_space<semaphore_mem>>)
      %dma_wait3A_84 = arith.constant 0 : i32
      %dma_wait3A_85 = arith.constant 0 : i32
      %dma_wait3A_86 = tpu.memref_slice %arg10[%run_scoped3A, %dma_wait3A_84, %dma_wait3A_85] : memref<2x80x128xf32, #tpu.memory_space<vmem>> -> memref<1x80x128xf32, #tpu.memory_space<vmem>>
      %dma_wait3A_87 = tpu.memref_squeeze %dma_wait3A_86 : memref<1x80x128xf32, #tpu.memory_space<vmem>> -> memref<80x128xf32, #tpu.memory_space<vmem>>
      %dma_wait3A_88 = arith.constant 0 : i32
      %dma_wait3A_89 = tpu.memref_slice %arg13[%add3A_8, %dma_wait3A_88] : memref<10240x128xf32, #tpu.memory_space<vmem_shared>> -> memref<80x128xf32, #tpu.memory_space<vmem_shared>>
      %dma_wait3A_90 = arith.constant 0 : i32
      %dma_wait3A_91 = tpu.memref_slice %arg13[%add3A_8, %dma_wait3A_90] : memref<10240x128xf32, #tpu.memory_space<vmem_shared>> -> memref<80x128xf32, #tpu.memory_space<vmem_shared>>
      %dma_wait3A_92 = arith.constant 0 : i32
      %dma_wait3A_93 = arith.constant 0 : i32
      %dma_wait3A_94 = tpu.memref_slice %arg10[%run_scoped3A, %dma_wait3A_92, %dma_wait3A_93] : memref<2x80x128xf32, #tpu.memory_space<vmem>> -> memref<1x80x128xf32, #tpu.memory_space<vmem>>
      %dma_wait3A_95 = tpu.memref_squeeze %dma_wait3A_94 : memref<1x80x128xf32, #tpu.memory_space<vmem>> -> memref<80x128xf32, #tpu.memory_space<vmem>>
      tpu.wait_dma2 semaphore(%run_scoped3A_71 : memref<!tpu.dma_semaphore, #tpu.memory_space<semaphore_mem>>) src(%dma_wait3A_95 : memref<80x128xf32, #tpu.memory_space<vmem>>) dst(%dma_wait3A_91 : memref<80x128xf32, #tpu.memory_space<vmem_shared>>)
      tpu.yield
    }) : () -> ()
    %add3A_9 = arith.constant 80 : i32
    %add3A_10 = arith.addi %mul3A_6, %add3A_9 : i32
    %run_scoped3A_11 = arith.constant 0 : i32
    "tpu.region"() ({
      %run_scoped3A_71 = tpu.sem_alloc : memref<!tpu.dma_semaphore, #tpu.memory_space<semaphore_mem>>
      %dma_start3A_72 = arith.constant 0 : i32
      %dma_start3A_73 = arith.constant 0 : i32
      %dma_start3A_74 = tpu.memref_slice %arg10[%run_scoped3A_11, %dma_start3A_72, %dma_start3A_73] : memref<2x80x128xf32, #tpu.memory_space<vmem>> -> memref<1x80x128xf32, #tpu.memory_space<vmem>>
      %dma_start3A_75 = tpu.memref_squeeze %dma_start3A_74 : memref<1x80x128xf32, #tpu.memory_space<vmem>> -> memref<80x128xf32, #tpu.memory_space<vmem>>
      %dma_start3A_76 = arith.constant 0 : i32
      %dma_start3A_77 = tpu.memref_slice %arg13[%add3A_10, %dma_start3A_76] : memref<10240x128xf32, #tpu.memory_space<vmem_shared>> -> memref<80x128xf32, #tpu.memory_space<vmem_shared>>
      %dma_start3A_78 = arith.constant 0 : i32
      %dma_start3A_79 = tpu.memref_slice %arg13[%add3A_10, %dma_start3A_78] : memref<10240x128xf32, #tpu.memory_space<vmem_shared>> -> memref<80x128xf32, #tpu.memory_space<vmem_shared>>
      %dma_start3A_80 = arith.constant 0 : i32
      %dma_start3A_81 = arith.constant 0 : i32
      %dma_start3A_82 = tpu.memref_slice %arg10[%run_scoped3A_11, %dma_start3A_80, %dma_start3A_81] : memref<2x80x128xf32, #tpu.memory_space<vmem>> -> memref<1x80x128xf32, #tpu.memory_space<vmem>>
      %dma_start3A_83 = tpu.memref_squeeze %dma_start3A_82 : memref<1x80x128xf32, #tpu.memory_space<vmem>> -> memref<80x128xf32, #tpu.memory_space<vmem>>
      tpu.enqueue_dma source(%dma_start3A_83 : memref<80x128xf32, #tpu.memory_space<vmem>>) target(%dma_start3A_79 : memref<80x128xf32, #tpu.memory_space<vmem_shared>>) target_semaphore(%run_scoped3A_71 : memref<!tpu.dma_semaphore, #tpu.memory_space<semaphore_mem>>)
      %dma_wait3A_84 = arith.constant 0 : i32
      %dma_wait3A_85 = arith.constant 0 : i32
      %dma_wait3A_86 = tpu.memref_slice %arg10[%run_scoped3A_11, %dma_wait3A_84, %dma_wait3A_85] : memref<2x80x128xf32, #tpu.memory_space<vmem>> -> memref<1x80x128xf32, #tpu.memory_space<vmem>>
      %dma_wait3A_87 = tpu.memref_squeeze %dma_wait3A_86 : memref<1x80x128xf32, #tpu.memory_space<vmem>> -> memref<80x128xf32, #tpu.memory_space<vmem>>
      %dma_wait3A_88 = arith.constant 0 : i32
      %dma_wait3A_89 = tpu.memref_slice %arg13[%add3A_10, %dma_wait3A_88] : memref<10240x128xf32, #tpu.memory_space<vmem_shared>> -> memref<80x128xf32, #tpu.memory_space<vmem_shared>>
      %dma_wait3A_90 = arith.constant 0 : i32
      %dma_wait3A_91 = tpu.memref_slice %arg13[%add3A_10, %dma_wait3A_90] : memref<10240x128xf32, #tpu.memory_space<vmem_shared>> -> memref<80x128xf32, #tpu.memory_space<vmem_shared>>
      %dma_wait3A_92 = arith.constant 0 : i32
      %dma_wait3A_93 = arith.constant 0 : i32
      %dma_wait3A_94 = tpu.memref_slice %arg10[%run_scoped3A_11, %dma_wait3A_92, %dma_wait3A_93] : memref<2x80x128xf32, #tpu.memory_space<vmem>> -> memref<1x80x128xf32, #tpu.memory_space<vmem>>
      %dma_wait3A_95 = tpu.memref_squeeze %dma_wait3A_94 : memref<1x80x128xf32, #tpu.memory_space<vmem>> -> memref<80x128xf32, #tpu.memory_space<vmem>>
      tpu.wait_dma2 semaphore(%run_scoped3A_71 : memref<!tpu.dma_semaphore, #tpu.memory_space<semaphore_mem>>) src(%dma_wait3A_95 : memref<80x128xf32, #tpu.memory_space<vmem>>) dst(%dma_wait3A_91 : memref<80x128xf32, #tpu.memory_space<vmem_shared>>)
      tpu.yield
    }) : () -> ()
    %add3A_12 = arith.constant 160 : i32
    %add3A_13 = arith.addi %mul3A_6, %add3A_12 : i32
    %run_scoped3A_14 = arith.constant 0 : i32
    "tpu.region"() ({
      %run_scoped3A_71 = tpu.sem_alloc : memref<!tpu.dma_semaphore, #tpu.memory_space<semaphore_mem>>
      %dma_start3A_72 = arith.constant 0 : i32
      %dma_start3A_73 = arith.constant 0 : i32
      %dma_start3A_74 = tpu.memref_slice %arg10[%run_scoped3A_14, %dma_start3A_72, %dma_start3A_73] : memref<2x80x128xf32, #tpu.memory_space<vmem>> -> memref<1x80x128xf32, #tpu.memory_space<vmem>>
      %dma_start3A_75 = tpu.memref_squeeze %dma_start3A_74 : memref<1x80x128xf32, #tpu.memory_space<vmem>> -> memref<80x128xf32, #tpu.memory_space<vmem>>
      %dma_start3A_76 = arith.constant 0 : i32
      %dma_start3A_77 = tpu.memref_slice %arg13[%add3A_13, %dma_start3A_76] : memref<10240x128xf32, #tpu.memory_space<vmem_shared>> -> memref<80x128xf32, #tpu.memory_space<vmem_shared>>
      %dma_start3A_78 = arith.constant 0 : i32
      %dma_start3A_79 = tpu.memref_slice %arg13[%add3A_13, %dma_start3A_78] : memref<10240x128xf32, #tpu.memory_space<vmem_shared>> -> memref<80x128xf32, #tpu.memory_space<vmem_shared>>
      %dma_start3A_80 = arith.constant 0 : i32
      %dma_start3A_81 = arith.constant 0 : i32
      %dma_start3A_82 = tpu.memref_slice %arg10[%run_scoped3A_14, %dma_start3A_80, %dma_start3A_81] : memref<2x80x128xf32, #tpu.memory_space<vmem>> -> memref<1x80x128xf32, #tpu.memory_space<vmem>>
      %dma_start3A_83 = tpu.memref_squeeze %dma_start3A_82 : memref<1x80x128xf32, #tpu.memory_space<vmem>> -> memref<80x128xf32, #tpu.memory_space<vmem>>
      tpu.enqueue_dma source(%dma_start3A_83 : memref<80x128xf32, #tpu.memory_space<vmem>>) target(%dma_start3A_79 : memref<80x128xf32, #tpu.memory_space<vmem_shared>>) target_semaphore(%run_scoped3A_71 : memref<!tpu.dma_semaphore, #tpu.memory_space<semaphore_mem>>)
      %dma_wait3A_84 = arith.constant 0 : i32
      %dma_wait3A_85 = arith.constant 0 : i32
      %dma_wait3A_86 = tpu.memref_slice %arg10[%run_scoped3A_14, %dma_wait3A_84, %dma_wait3A_85] : memref<2x80x128xf32, #tpu.memory_space<vmem>> -> memref<1x80x128xf32, #tpu.memory_space<vmem>>
      %dma_wait3A_87 = tpu.memref_squeeze %dma_wait3A_86 : memref<1x80x128xf32, #tpu.memory_space<vmem>> -> memref<80x128xf32, #tpu.memory_space<vmem>>
      %dma_wait3A_88 = arith.constant 0 : i32
      %dma_wait3A_89 = tpu.memref_slice %arg13[%add3A_13, %dma_wait3A_88] : memref<10240x128xf32, #tpu.memory_space<vmem_shared>> -> memref<80x128xf32, #tpu.memory_space<vmem_shared>>
      %dma_wait3A_90 = arith.constant 0 : i32
      %dma_wait3A_91 = tpu.memref_slice %arg13[%add3A_13, %dma_wait3A_90] : memref<10240x128xf32, #tpu.memory_space<vmem_shared>> -> memref<80x128xf32, #tpu.memory_space<vmem_shared>>
      %dma_wait3A_92 = arith.constant 0 : i32
      %dma_wait3A_93 = arith.constant 0 : i32
      %dma_wait3A_94 = tpu.memref_slice %arg10[%run_scoped3A_14, %dma_wait3A_92, %dma_wait3A_93] : memref<2x80x128xf32, #tpu.memory_space<vmem>> -> memref<1x80x128xf32, #tpu.memory_space<vmem>>
      %dma_wait3A_95 = tpu.memref_squeeze %dma_wait3A_94 : memref<1x80x128xf32, #tpu.memory_space<vmem>> -> memref<80x128xf32, #tpu.memory_space<vmem>>
      tpu.wait_dma2 semaphore(%run_scoped3A_71 : memref<!tpu.dma_semaphore, #tpu.memory_space<semaphore_mem>>) src(%dma_wait3A_95 : memref<80x128xf32, #tpu.memory_space<vmem>>) dst(%dma_wait3A_91 : memref<80x128xf32, #tpu.memory_space<vmem_shared>>)
      tpu.yield
    }) : () -> ()
    %add3A_15 = arith.constant 240 : i32
    %add3A_16 = arith.addi %mul3A_6, %add3A_15 : i32
    %run_scoped3A_17 = arith.constant 0 : i32
    "tpu.region"() ({
      %run_scoped3A_71 = tpu.sem_alloc : memref<!tpu.dma_semaphore, #tpu.memory_space<semaphore_mem>>
      %dma_start3A_72 = arith.constant 0 : i32
      %dma_start3A_73 = arith.constant 0 : i32
      %dma_start3A_74 = tpu.memref_slice %arg10[%run_scoped3A_17, %dma_start3A_72, %dma_start3A_73] : memref<2x80x128xf32, #tpu.memory_space<vmem>> -> memref<1x80x128xf32, #tpu.memory_space<vmem>>
      %dma_start3A_75 = tpu.memref_squeeze %dma_start3A_74 : memref<1x80x128xf32, #tpu.memory_space<vmem>> -> memref<80x128xf32, #tpu.memory_space<vmem>>
      %dma_start3A_76 = arith.constant 0 : i32
      %dma_start3A_77 = tpu.memref_slice %arg13[%add3A_16, %dma_start3A_76] : memref<10240x128xf32, #tpu.memory_space<vmem_shared>> -> memref<80x128xf32, #tpu.memory_space<vmem_shared>>
      %dma_start3A_78 = arith.constant 0 : i32
      %dma_start3A_79 = tpu.memref_slice %arg13[%add3A_16, %dma_start3A_78] : memref<10240x128xf32, #tpu.memory_space<vmem_shared>> -> memref<80x128xf32, #tpu.memory_space<vmem_shared>>
      %dma_start3A_80 = arith.constant 0 : i32
      %dma_start3A_81 = arith.constant 0 : i32
      %dma_start3A_82 = tpu.memref_slice %arg10[%run_scoped3A_17, %dma_start3A_80, %dma_start3A_81] : memref<2x80x128xf32, #tpu.memory_space<vmem>> -> memref<1x80x128xf32, #tpu.memory_space<vmem>>
      %dma_start3A_83 = tpu.memref_squeeze %dma_start3A_82 : memref<1x80x128xf32, #tpu.memory_space<vmem>> -> memref<80x128xf32, #tpu.memory_space<vmem>>
      tpu.enqueue_dma source(%dma_start3A_83 : memref<80x128xf32, #tpu.memory_space<vmem>>) target(%dma_start3A_79 : memref<80x128xf32, #tpu.memory_space<vmem_shared>>) target_semaphore(%run_scoped3A_71 : memref<!tpu.dma_semaphore, #tpu.memory_space<semaphore_mem>>)
      %dma_wait3A_84 = arith.constant 0 : i32
      %dma_wait3A_85 = arith.constant 0 : i32
      %dma_wait3A_86 = tpu.memref_slice %arg10[%run_scoped3A_17, %dma_wait3A_84, %dma_wait3A_85] : memref<2x80x128xf32, #tpu.memory_space<vmem>> -> memref<1x80x128xf32, #tpu.memory_space<vmem>>
      %dma_wait3A_87 = tpu.memref_squeeze %dma_wait3A_86 : memref<1x80x128xf32, #tpu.memory_space<vmem>> -> memref<80x128xf32, #tpu.memory_space<vmem>>
      %dma_wait3A_88 = arith.constant 0 : i32
      %dma_wait3A_89 = tpu.memref_slice %arg13[%add3A_16, %dma_wait3A_88] : memref<10240x128xf32, #tpu.memory_space<vmem_shared>> -> memref<80x128xf32, #tpu.memory_space<vmem_shared>>
      %dma_wait3A_90 = arith.constant 0 : i32
      %dma_wait3A_91 = tpu.memref_slice %arg13[%add3A_16, %dma_wait3A_90] : memref<10240x128xf32, #tpu.memory_space<vmem_shared>> -> memref<80x128xf32, #tpu.memory_space<vmem_shared>>
      %dma_wait3A_92 = arith.constant 0 : i32
      %dma_wait3A_93 = arith.constant 0 : i32
      %dma_wait3A_94 = tpu.memref_slice %arg10[%run_scoped3A_17, %dma_wait3A_92, %dma_wait3A_93] : memref<2x80x128xf32, #tpu.memory_space<vmem>> -> memref<1x80x128xf32, #tpu.memory_space<vmem>>
      %dma_wait3A_95 = tpu.memref_squeeze %dma_wait3A_94 : memref<1x80x128xf32, #tpu.memory_space<vmem>> -> memref<80x128xf32, #tpu.memory_space<vmem>>
      tpu.wait_dma2 semaphore(%run_scoped3A_71 : memref<!tpu.dma_semaphore, #tpu.memory_space<semaphore_mem>>) src(%dma_wait3A_95 : memref<80x128xf32, #tpu.memory_space<vmem>>) dst(%dma_wait3A_91 : memref<80x128xf32, #tpu.memory_space<vmem_shared>>)
      tpu.yield
    }) : () -> ()
    %add3A_18 = arith.constant 320 : i32
    %add3A_19 = arith.addi %mul3A_6, %add3A_18 : i32
    %run_scoped3A_20 = arith.constant 0 : i32
    "tpu.region"() ({
      %run_scoped3A_71 = tpu.sem_alloc : memref<!tpu.dma_semaphore, #tpu.memory_space<semaphore_mem>>
      %dma_start3A_72 = arith.constant 0 : i32
      %dma_start3A_73 = arith.constant 0 : i32
      %dma_start3A_74 = tpu.memref_slice %arg10[%run_scoped3A_20, %dma_start3A_72, %dma_start3A_73] : memref<2x80x128xf32, #tpu.memory_space<vmem>> -> memref<1x80x128xf32, #tpu.memory_space<vmem>>
      %dma_start3A_75 = tpu.memref_squeeze %dma_start3A_74 : memref<1x80x128xf32, #tpu.memory_space<vmem>> -> memref<80x128xf32, #tpu.memory_space<vmem>>
      %dma_start3A_76 = arith.constant 0 : i32
      %dma_start3A_77 = tpu.memref_slice %arg13[%add3A_19, %dma_start3A_76] : memref<10240x128xf32, #tpu.memory_space<vmem_shared>> -> memref<80x128xf32, #tpu.memory_space<vmem_shared>>
      %dma_start3A_78 = arith.constant 0 : i32
      %dma_start3A_79 = tpu.memref_slice %arg13[%add3A_19, %dma_start3A_78] : memref<10240x128xf32, #tpu.memory_space<vmem_shared>> -> memref<80x128xf32, #tpu.memory_space<vmem_shared>>
      %dma_start3A_80 = arith.constant 0 : i32
      %dma_start3A_81 = arith.constant 0 : i32
      %dma_start3A_82 = tpu.memref_slice %arg10[%run_scoped3A_20, %dma_start3A_80, %dma_start3A_81] : memref<2x80x128xf32, #tpu.memory_space<vmem>> -> memref<1x80x128xf32, #tpu.memory_space<vmem>>
      %dma_start3A_83 = tpu.memref_squeeze %dma_start3A_82 : memref<1x80x128xf32, #tpu.memory_space<vmem>> -> memref<80x128xf32, #tpu.memory_space<vmem>>
      tpu.enqueue_dma source(%dma_start3A_83 : memref<80x128xf32, #tpu.memory_space<vmem>>) target(%dma_start3A_79 : memref<80x128xf32, #tpu.memory_space<vmem_shared>>) target_semaphore(%run_scoped3A_71 : memref<!tpu.dma_semaphore, #tpu.memory_space<semaphore_mem>>)
      %dma_wait3A_84 = arith.constant 0 : i32
      %dma_wait3A_85 = arith.constant 0 : i32
      %dma_wait3A_86 = tpu.memref_slice %arg10[%run_scoped3A_20, %dma_wait3A_84, %dma_wait3A_85] : memref<2x80x128xf32, #tpu.memory_space<vmem>> -> memref<1x80x128xf32, #tpu.memory_space<vmem>>
      %dma_wait3A_87 = tpu.memref_squeeze %dma_wait3A_86 : memref<1x80x128xf32, #tpu.memory_space<vmem>> -> memref<80x128xf32, #tpu.memory_space<vmem>>
      %dma_wait3A_88 = arith.constant 0 : i32
      %dma_wait3A_89 = tpu.memref_slice %arg13[%add3A_19, %dma_wait3A_88] : memref<10240x128xf32, #tpu.memory_space<vmem_shared>> -> memref<80x128xf32, #tpu.memory_space<vmem_shared>>
      %dma_wait3A_90 = arith.constant 0 : i32
      %dma_wait3A_91 = tpu.memref_slice %arg13[%add3A_19, %dma_wait3A_90] : memref<10240x128xf32, #tpu.memory_space<vmem_shared>> -> memref<80x128xf32, #tpu.memory_space<vmem_shared>>
      %dma_wait3A_92 = arith.constant 0 : i32
      %dma_wait3A_93 = arith.constant 0 : i32
      %dma_wait3A_94 = tpu.memref_slice %arg10[%run_scoped3A_20, %dma_wait3A_92, %dma_wait3A_93] : memref<2x80x128xf32, #tpu.memory_space<vmem>> -> memref<1x80x128xf32, #tpu.memory_space<vmem>>
      %dma_wait3A_95 = tpu.memref_squeeze %dma_wait3A_94 : memref<1x80x128xf32, #tpu.memory_space<vmem>> -> memref<80x128xf32, #tpu.memory_space<vmem>>
      tpu.wait_dma2 semaphore(%run_scoped3A_71 : memref<!tpu.dma_semaphore, #tpu.memory_space<semaphore_mem>>) src(%dma_wait3A_95 : memref<80x128xf32, #tpu.memory_space<vmem>>) dst(%dma_wait3A_91 : memref<80x128xf32, #tpu.memory_space<vmem_shared>>)
      tpu.yield
    }) : () -> ()
    %add3A_21 = arith.constant 400 : i32
    %add3A_22 = arith.addi %mul3A_6, %add3A_21 : i32
    %run_scoped3A_23 = arith.constant 0 : i32
    "tpu.region"() ({
      %run_scoped3A_71 = tpu.sem_alloc : memref<!tpu.dma_semaphore, #tpu.memory_space<semaphore_mem>>
      %dma_start3A_72 = arith.constant 0 : i32
      %dma_start3A_73 = arith.constant 0 : i32
      %dma_start3A_74 = tpu.memref_slice %arg10[%run_scoped3A_23, %dma_start3A_72, %dma_start3A_73] : memref<2x80x128xf32, #tpu.memory_space<vmem>> -> memref<1x80x128xf32, #tpu.memory_space<vmem>>
      %dma_start3A_75 = tpu.memref_squeeze %dma_start3A_74 : memref<1x80x128xf32, #tpu.memory_space<vmem>> -> memref<80x128xf32, #tpu.memory_space<vmem>>
      %dma_start3A_76 = arith.constant 0 : i32
      %dma_start3A_77 = tpu.memref_slice %arg13[%add3A_22, %dma_start3A_76] : memref<10240x128xf32, #tpu.memory_space<vmem_shared>> -> memref<80x128xf32, #tpu.memory_space<vmem_shared>>
      %dma_start3A_78 = arith.constant 0 : i32
      %dma_start3A_79 = tpu.memref_slice %arg13[%add3A_22, %dma_start3A_78] : memref<10240x128xf32, #tpu.memory_space<vmem_shared>> -> memref<80x128xf32, #tpu.memory_space<vmem_shared>>
      %dma_start3A_80 = arith.constant 0 : i32
      %dma_start3A_81 = arith.constant 0 : i32
      %dma_start3A_82 = tpu.memref_slice %arg10[%run_scoped3A_23, %dma_start3A_80, %dma_start3A_81] : memref<2x80x128xf32, #tpu.memory_space<vmem>> -> memref<1x80x128xf32, #tpu.memory_space<vmem>>
      %dma_start3A_83 = tpu.memref_squeeze %dma_start3A_82 : memref<1x80x128xf32, #tpu.memory_space<vmem>> -> memref<80x128xf32, #tpu.memory_space<vmem>>
      tpu.enqueue_dma source(%dma_start3A_83 : memref<80x128xf32, #tpu.memory_space<vmem>>) target(%dma_start3A_79 : memref<80x128xf32, #tpu.memory_space<vmem_shared>>) target_semaphore(%run_scoped3A_71 : memref<!tpu.dma_semaphore, #tpu.memory_space<semaphore_mem>>)
      %dma_wait3A_84 = arith.constant 0 : i32
      %dma_wait3A_85 = arith.constant 0 : i32
      %dma_wait3A_86 = tpu.memref_slice %arg10[%run_scoped3A_23, %dma_wait3A_84, %dma_wait3A_85] : memref<2x80x128xf32, #tpu.memory_space<vmem>> -> memref<1x80x128xf32, #tpu.memory_space<vmem>>
      %dma_wait3A_87 = tpu.memref_squeeze %dma_wait3A_86 : memref<1x80x128xf32, #tpu.memory_space<vmem>> -> memref<80x128xf32, #tpu.memory_space<vmem>>
      %dma_wait3A_88 = arith.constant 0 : i32
      %dma_wait3A_89 = tpu.memref_slice %arg13[%add3A_22, %dma_wait3A_88] : memref<10240x128xf32, #tpu.memory_space<vmem_shared>> -> memref<80x128xf32, #tpu.memory_space<vmem_shared>>
      %dma_wait3A_90 = arith.constant 0 : i32
      %dma_wait3A_91 = tpu.memref_slice %arg13[%add3A_22, %dma_wait3A_90] : memref<10240x128xf32, #tpu.memory_space<vmem_shared>> -> memref<80x128xf32, #tpu.memory_space<vmem_shared>>
      %dma_wait3A_92 = arith.constant 0 : i32
      %dma_wait3A_93 = arith.constant 0 : i32
      %dma_wait3A_94 = tpu.memref_slice %arg10[%run_scoped3A_23, %dma_wait3A_92, %dma_wait3A_93] : memref<2x80x128xf32, #tpu.memory_space<vmem>> -> memref<1x80x128xf32, #tpu.memory_space<vmem>>
      %dma_wait3A_95 = tpu.memref_squeeze %dma_wait3A_94 : memref<1x80x128xf32, #tpu.memory_space<vmem>> -> memref<80x128xf32, #tpu.memory_space<vmem>>
      tpu.wait_dma2 semaphore(%run_scoped3A_71 : memref<!tpu.dma_semaphore, #tpu.memory_space<semaphore_mem>>) src(%dma_wait3A_95 : memref<80x128xf32, #tpu.memory_space<vmem>>) dst(%dma_wait3A_91 : memref<80x128xf32, #tpu.memory_space<vmem_shared>>)
      tpu.yield
    }) : () -> ()
    %add3A_24 = arith.constant 480 : i32
    %add3A_25 = arith.addi %mul3A_6, %add3A_24 : i32
    %run_scoped3A_26 = arith.constant 0 : i32
    "tpu.region"() ({
      %run_scoped3A_71 = tpu.sem_alloc : memref<!tpu.dma_semaphore, #tpu.memory_space<semaphore_mem>>
      %dma_start3A_72 = arith.constant 0 : i32
      %dma_start3A_73 = arith.constant 0 : i32
      %dma_start3A_74 = tpu.memref_slice %arg10[%run_scoped3A_26, %dma_start3A_72, %dma_start3A_73] : memref<2x80x128xf32, #tpu.memory_space<vmem>> -> memref<1x80x128xf32, #tpu.memory_space<vmem>>
      %dma_start3A_75 = tpu.memref_squeeze %dma_start3A_74 : memref<1x80x128xf32, #tpu.memory_space<vmem>> -> memref<80x128xf32, #tpu.memory_space<vmem>>
      %dma_start3A_76 = arith.constant 0 : i32
      %dma_start3A_77 = tpu.memref_slice %arg13[%add3A_25, %dma_start3A_76] : memref<10240x128xf32, #tpu.memory_space<vmem_shared>> -> memref<80x128xf32, #tpu.memory_space<vmem_shared>>
      %dma_start3A_78 = arith.constant 0 : i32
      %dma_start3A_79 = tpu.memref_slice %arg13[%add3A_25, %dma_start3A_78] : memref<10240x128xf32, #tpu.memory_space<vmem_shared>> -> memref<80x128xf32, #tpu.memory_space<vmem_shared>>
      %dma_start3A_80 = arith.constant 0 : i32
      %dma_start3A_81 = arith.constant 0 : i32
      %dma_start3A_82 = tpu.memref_slice %arg10[%run_scoped3A_26, %dma_start3A_80, %dma_start3A_81] : memref<2x80x128xf32, #tpu.memory_space<vmem>> -> memref<1x80x128xf32, #tpu.memory_space<vmem>>
      %dma_start3A_83 = tpu.memref_squeeze %dma_start3A_82 : memref<1x80x128xf32, #tpu.memory_space<vmem>> -> memref<80x128xf32, #tpu.memory_space<vmem>>
      tpu.enqueue_dma source(%dma_start3A_83 : memref<80x128xf32, #tpu.memory_space<vmem>>) target(%dma_start3A_79 : memref<80x128xf32, #tpu.memory_space<vmem_shared>>) target_semaphore(%run_scoped3A_71 : memref<!tpu.dma_semaphore, #tpu.memory_space<semaphore_mem>>)
      %dma_wait3A_84 = arith.constant 0 : i32
      %dma_wait3A_85 = arith.constant 0 : i32
      %dma_wait3A_86 = tpu.memref_slice %arg10[%run_scoped3A_26, %dma_wait3A_84, %dma_wait3A_85] : memref<2x80x128xf32, #tpu.memory_space<vmem>> -> memref<1x80x128xf32, #tpu.memory_space<vmem>>
      %dma_wait3A_87 = tpu.memref_squeeze %dma_wait3A_86 : memref<1x80x128xf32, #tpu.memory_space<vmem>> -> memref<80x128xf32, #tpu.memory_space<vmem>>
      %dma_wait3A_88 = arith.constant 0 : i32
      %dma_wait3A_89 = tpu.memref_slice %arg13[%add3A_25, %dma_wait3A_88] : memref<10240x128xf32, #tpu.memory_space<vmem_shared>> -> memref<80x128xf32, #tpu.memory_space<vmem_shared>>
      %dma_wait3A_90 = arith.constant 0 : i32
      %dma_wait3A_91 = tpu.memref_slice %arg13[%add3A_25, %dma_wait3A_90] : memref<10240x128xf32, #tpu.memory_space<vmem_shared>> -> memref<80x128xf32, #tpu.memory_space<vmem_shared>>
      %dma_wait3A_92 = arith.constant 0 : i32
      %dma_wait3A_93 = arith.constant 0 : i32
      %dma_wait3A_94 = tpu.memref_slice %arg10[%run_scoped3A_26, %dma_wait3A_92, %dma_wait3A_93] : memref<2x80x128xf32, #tpu.memory_space<vmem>> -> memref<1x80x128xf32, #tpu.memory_space<vmem>>
      %dma_wait3A_95 = tpu.memref_squeeze %dma_wait3A_94 : memref<1x80x128xf32, #tpu.memory_space<vmem>> -> memref<80x128xf32, #tpu.memory_space<vmem>>
      tpu.wait_dma2 semaphore(%run_scoped3A_71 : memref<!tpu.dma_semaphore, #tpu.memory_space<semaphore_mem>>) src(%dma_wait3A_95 : memref<80x128xf32, #tpu.memory_space<vmem>>) dst(%dma_wait3A_91 : memref<80x128xf32, #tpu.memory_space<vmem_shared>>)
      tpu.yield
    }) : () -> ()
    %add3A_27 = arith.constant 560 : i32
    %add3A_28 = arith.addi %mul3A_6, %add3A_27 : i32
    %run_scoped3A_29 = arith.constant 0 : i32
    "tpu.region"() ({
      %run_scoped3A_71 = tpu.sem_alloc : memref<!tpu.dma_semaphore, #tpu.memory_space<semaphore_mem>>
      %dma_start3A_72 = arith.constant 0 : i32
      %dma_start3A_73 = arith.constant 0 : i32
      %dma_start3A_74 = tpu.memref_slice %arg10[%run_scoped3A_29, %dma_start3A_72, %dma_start3A_73] : memref<2x80x128xf32, #tpu.memory_space<vmem>> -> memref<1x80x128xf32, #tpu.memory_space<vmem>>
      %dma_start3A_75 = tpu.memref_squeeze %dma_start3A_74 : memref<1x80x128xf32, #tpu.memory_space<vmem>> -> memref<80x128xf32, #tpu.memory_space<vmem>>
      %dma_start3A_76 = arith.constant 0 : i32
      %dma_start3A_77 = tpu.memref_slice %arg13[%add3A_28, %dma_start3A_76] : memref<10240x128xf32, #tpu.memory_space<vmem_shared>> -> memref<80x128xf32, #tpu.memory_space<vmem_shared>>
      %dma_start3A_78 = arith.constant 0 : i32
      %dma_start3A_79 = tpu.memref_slice %arg13[%add3A_28, %dma_start3A_78] : memref<10240x128xf32, #tpu.memory_space<vmem_shared>> -> memref<80x128xf32, #tpu.memory_space<vmem_shared>>
      %dma_start3A_80 = arith.constant 0 : i32
      %dma_start3A_81 = arith.constant 0 : i32
      %dma_start3A_82 = tpu.memref_slice %arg10[%run_scoped3A_29, %dma_start3A_80, %dma_start3A_81] : memref<2x80x128xf32, #tpu.memory_space<vmem>> -> memref<1x80x128xf32, #tpu.memory_space<vmem>>
      %dma_start3A_83 = tpu.memref_squeeze %dma_start3A_82 : memref<1x80x128xf32, #tpu.memory_space<vmem>> -> memref<80x128xf32, #tpu.memory_space<vmem>>
      tpu.enqueue_dma source(%dma_start3A_83 : memref<80x128xf32, #tpu.memory_space<vmem>>) target(%dma_start3A_79 : memref<80x128xf32, #tpu.memory_space<vmem_shared>>) target_semaphore(%run_scoped3A_71 : memref<!tpu.dma_semaphore, #tpu.memory_space<semaphore_mem>>)
      %dma_wait3A_84 = arith.constant 0 : i32
      %dma_wait3A_85 = arith.constant 0 : i32
      %dma_wait3A_86 = tpu.memref_slice %arg10[%run_scoped3A_29, %dma_wait3A_84, %dma_wait3A_85] : memref<2x80x128xf32, #tpu.memory_space<vmem>> -> memref<1x80x128xf32, #tpu.memory_space<vmem>>
      %dma_wait3A_87 = tpu.memref_squeeze %dma_wait3A_86 : memref<1x80x128xf32, #tpu.memory_space<vmem>> -> memref<80x128xf32, #tpu.memory_space<vmem>>
      %dma_wait3A_88 = arith.constant 0 : i32
      %dma_wait3A_89 = tpu.memref_slice %arg13[%add3A_28, %dma_wait3A_88] : memref<10240x128xf32, #tpu.memory_space<vmem_shared>> -> memref<80x128xf32, #tpu.memory_space<vmem_shared>>
      %dma_wait3A_90 = arith.constant 0 : i32
      %dma_wait3A_91 = tpu.memref_slice %arg13[%add3A_28, %dma_wait3A_90] : memref<10240x128xf32, #tpu.memory_space<vmem_shared>> -> memref<80x128xf32, #tpu.memory_space<vmem_shared>>
      %dma_wait3A_92 = arith.constant 0 : i32
      %dma_wait3A_93 = arith.constant 0 : i32
      %dma_wait3A_94 = tpu.memref_slice %arg10[%run_scoped3A_29, %dma_wait3A_92, %dma_wait3A_93] : memref<2x80x128xf32, #tpu.memory_space<vmem>> -> memref<1x80x128xf32, #tpu.memory_space<vmem>>
      %dma_wait3A_95 = tpu.memref_squeeze %dma_wait3A_94 : memref<1x80x128xf32, #tpu.memory_space<vmem>> -> memref<80x128xf32, #tpu.memory_space<vmem>>
      tpu.wait_dma2 semaphore(%run_scoped3A_71 : memref<!tpu.dma_semaphore, #tpu.memory_space<semaphore_mem>>) src(%dma_wait3A_95 : memref<80x128xf32, #tpu.memory_space<vmem>>) dst(%dma_wait3A_91 : memref<80x128xf32, #tpu.memory_space<vmem_shared>>)
      tpu.yield
    }) : () -> ()
    %barrier3A = arith.constant 0 : index
    tpu.barrier barrier_id(%barrier3A)
    %add3A_30 = arith.constant 0 : i32
    %add3A_31 = arith.addi %mul3A_2, %add3A_30 : i32
    %run_scoped3A_32 = arith.constant 0 : i32
    "tpu.region"() ({
      %run_scoped3A_71 = tpu.sem_alloc : memref<!tpu.dma_semaphore, #tpu.memory_space<semaphore_mem>>
      %dma_start3A_72 = arith.constant 0 : i32
      %dma_start3A_73 = tpu.memref_slice %arg7[%run_scoped3A_32, %dma_start3A_72] : memref<2x80xi32, #tpu.memory_space<vmem>> -> memref<1x80xi32, #tpu.memory_space<vmem>>
      %dma_start3A_74 = tpu.memref_squeeze %dma_start3A_73 : memref<1x80xi32, #tpu.memory_space<vmem>> -> memref<80xi32, #tpu.memory_space<vmem>>
      %dma_start3A_75 = tpu.memref_slice %arg3[%add3A_31] : memref<320000xi32, #tpu.memory_space<hbm>> -> memref<80xi32, #tpu.memory_space<hbm>>
      %dma_start3A_76 = arith.constant 0 : i32
      %dma_start3A_77 = tpu.memref_slice %arg7[%run_scoped3A_32, %dma_start3A_76] : memref<2x80xi32, #tpu.memory_space<vmem>> -> memref<1x80xi32, #tpu.memory_space<vmem>>
      %dma_start3A_78 = tpu.memref_squeeze %dma_start3A_77 : memref<1x80xi32, #tpu.memory_space<vmem>> -> memref<80xi32, #tpu.memory_space<vmem>>
      %dma_start3A_79 = tpu.memref_slice %arg3[%add3A_31] : memref<320000xi32, #tpu.memory_space<hbm>> -> memref<80xi32, #tpu.memory_space<hbm>>
      tpu.enqueue_dma source(%dma_start3A_79 : memref<80xi32, #tpu.memory_space<hbm>>) target(%dma_start3A_78 : memref<80xi32, #tpu.memory_space<vmem>>) target_semaphore(%run_scoped3A_71 : memref<!tpu.dma_semaphore, #tpu.memory_space<semaphore_mem>>)
      %dma_wait3A_80 = arith.constant 0 : i32
      %dma_wait3A_81 = tpu.memref_slice %arg7[%run_scoped3A_32, %dma_wait3A_80] : memref<2x80xi32, #tpu.memory_space<vmem>> -> memref<1x80xi32, #tpu.memory_space<vmem>>
      %dma_wait3A_82 = tpu.memref_squeeze %dma_wait3A_81 : memref<1x80xi32, #tpu.memory_space<vmem>> -> memref<80xi32, #tpu.memory_space<vmem>>
      %dma_wait3A_83 = tpu.memref_slice %arg3[%add3A_31] : memref<320000xi32, #tpu.memory_space<hbm>> -> memref<80xi32, #tpu.memory_space<hbm>>
      %dma_wait3A_84 = arith.constant 0 : i32
      %dma_wait3A_85 = tpu.memref_slice %arg7[%run_scoped3A_32, %dma_wait3A_84] : memref<2x80xi32, #tpu.memory_space<vmem>> -> memref<1x80xi32, #tpu.memory_space<vmem>>
      %dma_wait3A_86 = tpu.memref_squeeze %dma_wait3A_85 : memref<1x80xi32, #tpu.memory_space<vmem>> -> memref<80xi32, #tpu.memory_space<vmem>>
      %dma_wait3A_87 = tpu.memref_slice %arg3[%add3A_31] : memref<320000xi32, #tpu.memory_space<hbm>> -> memref<80xi32, #tpu.memory_space<hbm>>
      tpu.wait_dma2 semaphore(%run_scoped3A_71 : memref<!tpu.dma_semaphore, #tpu.memory_space<semaphore_mem>>) src(%dma_wait3A_87 : memref<80xi32, #tpu.memory_space<hbm>>) dst(%dma_wait3A_86 : memref<80xi32, #tpu.memory_space<vmem>>)
      tpu.yield
    }) : () -> ()
    %run_scoped3A_33 = arith.constant 0 : i32
    "tpu.region"() ({
      %run_scoped3A_71 = tpu.sem_alloc : memref<!tpu.dma_semaphore, #tpu.memory_space<semaphore_mem>>
      %dma_start3A_72 = arith.constant 0 : i32
      %dma_start3A_73 = tpu.memref_slice %arg8[%run_scoped3A_33, %dma_start3A_72] : memref<2x80xi32, #tpu.memory_space<vmem>> -> memref<1x80xi32, #tpu.memory_space<vmem>>
      %dma_start3A_74 = tpu.memref_squeeze %dma_start3A_73 : memref<1x80xi32, #tpu.memory_space<vmem>> -> memref<80xi32, #tpu.memory_space<vmem>>
      %dma_start3A_75 = tpu.memref_slice %arg4[%add3A_31] : memref<320000xi32, #tpu.memory_space<hbm>> -> memref<80xi32, #tpu.memory_space<hbm>>
      %dma_start3A_76 = arith.constant 0 : i32
      %dma_start3A_77 = tpu.memref_slice %arg8[%run_scoped3A_33, %dma_start3A_76] : memref<2x80xi32, #tpu.memory_space<vmem>> -> memref<1x80xi32, #tpu.memory_space<vmem>>
      %dma_start3A_78 = tpu.memref_squeeze %dma_start3A_77 : memref<1x80xi32, #tpu.memory_space<vmem>> -> memref<80xi32, #tpu.memory_space<vmem>>
      %dma_start3A_79 = tpu.memref_slice %arg4[%add3A_31] : memref<320000xi32, #tpu.memory_space<hbm>> -> memref<80xi32, #tpu.memory_space<hbm>>
      tpu.enqueue_dma source(%dma_start3A_79 : memref<80xi32, #tpu.memory_space<hbm>>) target(%dma_start3A_78 : memref<80xi32, #tpu.memory_space<vmem>>) target_semaphore(%run_scoped3A_71 : memref<!tpu.dma_semaphore, #tpu.memory_space<semaphore_mem>>)
      %dma_wait3A_80 = arith.constant 0 : i32
      %dma_wait3A_81 = tpu.memref_slice %arg8[%run_scoped3A_33, %dma_wait3A_80] : memref<2x80xi32, #tpu.memory_space<vmem>> -> memref<1x80xi32, #tpu.memory_space<vmem>>
      %dma_wait3A_82 = tpu.memref_squeeze %dma_wait3A_81 : memref<1x80xi32, #tpu.memory_space<vmem>> -> memref<80xi32, #tpu.memory_space<vmem>>
      %dma_wait3A_83 = tpu.memref_slice %arg4[%add3A_31] : memref<320000xi32, #tpu.memory_space<hbm>> -> memref<80xi32, #tpu.memory_space<hbm>>
      %dma_wait3A_84 = arith.constant 0 : i32
      %dma_wait3A_85 = tpu.memref_slice %arg8[%run_scoped3A_33, %dma_wait3A_84] : memref<2x80xi32, #tpu.memory_space<vmem>> -> memref<1x80xi32, #tpu.memory_space<vmem>>
      %dma_wait3A_86 = tpu.memref_squeeze %dma_wait3A_85 : memref<1x80xi32, #tpu.memory_space<vmem>> -> memref<80xi32, #tpu.memory_space<vmem>>
      %dma_wait3A_87 = tpu.memref_slice %arg4[%add3A_31] : memref<320000xi32, #tpu.memory_space<hbm>> -> memref<80xi32, #tpu.memory_space<hbm>>
      tpu.wait_dma2 semaphore(%run_scoped3A_71 : memref<!tpu.dma_semaphore, #tpu.memory_space<semaphore_mem>>) src(%dma_wait3A_87 : memref<80xi32, #tpu.memory_space<hbm>>) dst(%dma_wait3A_86 : memref<80xi32, #tpu.memory_space<vmem>>)
      tpu.yield
    }) : () -> ()
    %run_scoped3A_34 = arith.constant 0 : i32
    "tpu.region"() ({
      %run_scoped3A_71 = tpu.sem_alloc : memref<!tpu.dma_semaphore, #tpu.memory_space<semaphore_mem>>
      %dma_start3A_72 = arith.constant 0 : i32
      %dma_start3A_73 = arith.constant 0 : i32
      %dma_start3A_74 = tpu.memref_slice %arg9[%run_scoped3A_34, %dma_start3A_72, %dma_start3A_73] : memref<2x80x16xf32, #tpu.memory_space<vmem>> -> memref<1x80x16xf32, #tpu.memory_space<vmem>>
      %dma_start3A_75 = tpu.memref_squeeze %dma_start3A_74 : memref<1x80x16xf32, #tpu.memory_space<vmem>> -> memref<80x16xf32, #tpu.memory_space<vmem>>
      %dma_start3A_76 = arith.constant 0 : i32
      %dma_start3A_77 = tpu.memref_slice %arg5[%add3A_31, %dma_start3A_76] : memref<320000x16xf32, #tpu.memory_space<hbm>> -> memref<80x16xf32, #tpu.memory_space<hbm>>
      %dma_start3A_78 = arith.constant 0 : i32
      %dma_start3A_79 = arith.constant 0 : i32
      %dma_start3A_80 = tpu.memref_slice %arg9[%run_scoped3A_34, %dma_start3A_78, %dma_start3A_79] : memref<2x80x16xf32, #tpu.memory_space<vmem>> -> memref<1x80x16xf32, #tpu.memory_space<vmem>>
      %dma_start3A_81 = tpu.memref_squeeze %dma_start3A_80 : memref<1x80x16xf32, #tpu.memory_space<vmem>> -> memref<80x16xf32, #tpu.memory_space<vmem>>
      %dma_start3A_82 = arith.constant 0 : i32
      %dma_start3A_83 = tpu.memref_slice %arg5[%add3A_31, %dma_start3A_82] : memref<320000x16xf32, #tpu.memory_space<hbm>> -> memref<80x16xf32, #tpu.memory_space<hbm>>
      tpu.enqueue_dma source(%dma_start3A_83 : memref<80x16xf32, #tpu.memory_space<hbm>>) target(%dma_start3A_81 : memref<80x16xf32, #tpu.memory_space<vmem>>) target_semaphore(%run_scoped3A_71 : memref<!tpu.dma_semaphore, #tpu.memory_space<semaphore_mem>>)
      %dma_wait3A_84 = arith.constant 0 : i32
      %dma_wait3A_85 = arith.constant 0 : i32
      %dma_wait3A_86 = tpu.memref_slice %arg9[%run_scoped3A_34, %dma_wait3A_84, %dma_wait3A_85] : memref<2x80x16xf32, #tpu.memory_space<vmem>> -> memref<1x80x16xf32, #tpu.memory_space<vmem>>
      %dma_wait3A_87 = tpu.memref_squeeze %dma_wait3A_86 : memref<1x80x16xf32, #tpu.memory_space<vmem>> -> memref<80x16xf32, #tpu.memory_space<vmem>>
      %dma_wait3A_88 = arith.constant 0 : i32
      %dma_wait3A_89 = tpu.memref_slice %arg5[%add3A_31, %dma_wait3A_88] : memref<320000x16xf32, #tpu.memory_space<hbm>> -> memref<80x16xf32, #tpu.memory_space<hbm>>
      %dma_wait3A_90 = arith.constant 0 : i32
      %dma_wait3A_91 = arith.constant 0 : i32
      %dma_wait3A_92 = tpu.memref_slice %arg9[%run_scoped3A_34, %dma_wait3A_90, %dma_wait3A_91] : memref<2x80x16xf32, #tpu.memory_space<vmem>> -> memref<1x80x16xf32, #tpu.memory_space<vmem>>
      %dma_wait3A_93 = tpu.memref_squeeze %dma_wait3A_92 : memref<1x80x16xf32, #tpu.memory_space<vmem>> -> memref<80x16xf32, #tpu.memory_space<vmem>>
      %dma_wait3A_94 = arith.constant 0 : i32
      %dma_wait3A_95 = tpu.memref_slice %arg5[%add3A_31, %dma_wait3A_94] : memref<320000x16xf32, #tpu.memory_space<hbm>> -> memref<80x16xf32, #tpu.memory_space<hbm>>
      tpu.wait_dma2 semaphore(%run_scoped3A_71 : memref<!tpu.dma_semaphore, #tpu.memory_space<semaphore_mem>>) src(%dma_wait3A_95 : memref<80x16xf32, #tpu.memory_space<hbm>>) dst(%dma_wait3A_93 : memref<80x16xf32, #tpu.memory_space<vmem>>)
      tpu.yield
    }) : () -> ()
    %dma_start3A = arith.constant 0 : i32
    %dma_start3A_35 = arith.constant 0 : i32
    %dma_start3A_36 = arith.constant 0 : i32
    %dma_start3A_37 = arith.constant 0 : i32
    %dma_start3A_38 = tpu.memref_slice %arg10[%dma_start3A_35, %dma_start3A_36, %dma_start3A_37] : memref<2x80x128xf32, #tpu.memory_space<vmem>> -> memref<1x80x128xf32, #tpu.memory_space<vmem>>
    %dma_start3A_39 = tpu.memref_squeeze %dma_start3A_38 : memref<1x80x128xf32, #tpu.memory_space<vmem>> -> memref<80x128xf32, #tpu.memory_space<vmem>>
    %dma_start3A_40 = arith.constant 0 : i32
    %dma_start3A_41 = tpu.memref_slice %arg7[%dma_start3A, %dma_start3A_40] : memref<2x80xi32, #tpu.memory_space<vmem>> -> memref<1x80xi32, #tpu.memory_space<vmem>>
    %dma_start3A_42 = tpu.memref_squeeze %dma_start3A_41 : memref<1x80xi32, #tpu.memory_space<vmem>> -> memref<80xi32, #tpu.memory_space<vmem>>
    %dma_start3A_43 = arith.constant 0 : i32
    %dma_start3A_44 = arith.constant 0 : i32
    %dma_start3A_45 = tpu.memref_slice %arg2[%dma_start3A_43, %dma_start3A_44] : memref<10000x128xf32, #tpu.memory_space<hbm>> -> memref<10000x128xf32, #tpu.memory_space<hbm>>
    tpu.enqueue_indirect_dma source(%dma_start3A_45 : memref<10000x128xf32, #tpu.memory_space<hbm>>) target(%dma_start3A_39 : memref<80x128xf32, #tpu.memory_space<vmem>>) offsets(%dma_start3A_42 : memref<80xi32, #tpu.memory_space<vmem>>) semaphore(%arg11 : memref<!tpu.dma_semaphore, #tpu.memory_space<semaphore_mem>>)
    %scan3A = arith.constant 0 : i32
    %scan3A_46 = arith.constant 0 : i32
    %scan3A_47 = arith.constant 62 : i32
    %scan3A_48 = arith.addi %scan3A_46, %scan3A_47 : i32
    %scan3A_49 = arith.constant 1 : i32
    scf.for %scan3A_71 = %scan3A_46 to %scan3A_48 step %scan3A_49  : i32 {
      %mul3A_72 = arith.constant 2 : i32
      %mul3A_73 = arith.muli %mul3A_72, %scan3A_71 : i32
      %add3A_74 = arith.constant 1 : i32
      %add3A_75 = arith.addi %mul3A_73, %add3A_74 : i32
      %mul3A_76 = arith.constant 80 : i32
      %mul3A_77 = arith.muli %add3A_75, %mul3A_76 : i32
      %add3A_78 = arith.addi %mul3A_2, %mul3A_77 : i32
      %run_scoped3A_79 = arith.constant 1 : i32
      "tpu.region"() ({
        %run_scoped3A_148 = tpu.sem_alloc : memref<!tpu.dma_semaphore, #tpu.memory_space<semaphore_mem>>
        %dma_start3A_149 = arith.constant 0 : i32
        %dma_start3A_150 = tpu.memref_slice %arg7[%run_scoped3A_79, %dma_start3A_149] : memref<2x80xi32, #tpu.memory_space<vmem>> -> memref<1x80xi32, #tpu.memory_space<vmem>>
        %dma_start3A_151 = tpu.memref_squeeze %dma_start3A_150 : memref<1x80xi32, #tpu.memory_space<vmem>> -> memref<80xi32, #tpu.memory_space<vmem>>
        %dma_start3A_152 = tpu.memref_slice %arg3[%add3A_78] : memref<320000xi32, #tpu.memory_space<hbm>> -> memref<80xi32, #tpu.memory_space<hbm>>
        %dma_start3A_153 = arith.constant 0 : i32
        %dma_start3A_154 = tpu.memref_slice %arg7[%run_scoped3A_79, %dma_start3A_153] : memref<2x80xi32, #tpu.memory_space<vmem>> -> memref<1x80xi32, #tpu.memory_space<vmem>>
        %dma_start3A_155 = tpu.memref_squeeze %dma_start3A_154 : memref<1x80xi32, #tpu.memory_space<vmem>> -> memref<80xi32, #tpu.memory_space<vmem>>
        %dma_start3A_156 = tpu.memref_slice %arg3[%add3A_78] : memref<320000xi32, #tpu.memory_space<hbm>> -> memref<80xi32, #tpu.memory_space<hbm>>
        tpu.enqueue_dma source(%dma_start3A_156 : memref<80xi32, #tpu.memory_space<hbm>>) target(%dma_start3A_155 : memref<80xi32, #tpu.memory_space<vmem>>) target_semaphore(%run_scoped3A_148 : memref<!tpu.dma_semaphore, #tpu.memory_space<semaphore_mem>>)
        %dma_wait3A_157 = arith.constant 0 : i32
        %dma_wait3A_158 = tpu.memref_slice %arg7[%run_scoped3A_79, %dma_wait3A_157] : memref<2x80xi32, #tpu.memory_space<vmem>> -> memref<1x80xi32, #tpu.memory_space<vmem>>
        %dma_wait3A_159 = tpu.memref_squeeze %dma_wait3A_158 : memref<1x80xi32, #tpu.memory_space<vmem>> -> memref<80xi32, #tpu.memory_space<vmem>>
        %dma_wait3A_160 = tpu.memref_slice %arg3[%add3A_78] : memref<320000xi32, #tpu.memory_space<hbm>> -> memref<80xi32, #tpu.memory_space<hbm>>
        %dma_wait3A_161 = arith.constant 0 : i32
        %dma_wait3A_162 = tpu.memref_slice %arg7[%run_scoped3A_79, %dma_wait3A_161] : memref<2x80xi32, #tpu.memory_space<vmem>> -> memref<1x80xi32, #tpu.memory_space<vmem>>
        %dma_wait3A_163 = tpu.memref_squeeze %dma_wait3A_162 : memref<1x80xi32, #tpu.memory_space<vmem>> -> memref<80xi32, #tpu.memory_space<vmem>>
        %dma_wait3A_164 = tpu.memref_slice %arg3[%add3A_78] : memref<320000xi32, #tpu.memory_space<hbm>> -> memref<80xi32, #tpu.memory_space<hbm>>
        tpu.wait_dma2 semaphore(%run_scoped3A_148 : memref<!tpu.dma_semaphore, #tpu.memory_space<semaphore_mem>>) src(%dma_wait3A_164 : memref<80xi32, #tpu.memory_space<hbm>>) dst(%dma_wait3A_163 : memref<80xi32, #tpu.memory_space<vmem>>)
        tpu.yield
      }) : () -> ()
      %run_scoped3A_80 = arith.constant 1 : i32
      "tpu.region"() ({
        %run_scoped3A_148 = tpu.sem_alloc : memref<!tpu.dma_semaphore, #tpu.memory_space<semaphore_mem>>
        %dma_start3A_149 = arith.constant 0 : i32
        %dma_start3A_150 = tpu.memref_slice %arg8[%run_scoped3A_80, %dma_start3A_149] : memref<2x80xi32, #tpu.memory_space<vmem>> -> memref<1x80xi32, #tpu.memory_space<vmem>>
        %dma_start3A_151 = tpu.memref_squeeze %dma_start3A_150 : memref<1x80xi32, #tpu.memory_space<vmem>> -> memref<80xi32, #tpu.memory_space<vmem>>
        %dma_start3A_152 = tpu.memref_slice %arg4[%add3A_78] : memref<320000xi32, #tpu.memory_space<hbm>> -> memref<80xi32, #tpu.memory_space<hbm>>
        %dma_start3A_153 = arith.constant 0 : i32
        %dma_start3A_154 = tpu.memref_slice %arg8[%run_scoped3A_80, %dma_start3A_153] : memref<2x80xi32, #tpu.memory_space<vmem>> -> memref<1x80xi32, #tpu.memory_space<vmem>>
        %dma_start3A_155 = tpu.memref_squeeze %dma_start3A_154 : memref<1x80xi32, #tpu.memory_space<vmem>> -> memref<80xi32, #tpu.memory_space<vmem>>
        %dma_start3A_156 = tpu.memref_slice %arg4[%add3A_78] : memref<320000xi32, #tpu.memory_space<hbm>> -> memref<80xi32, #tpu.memory_space<hbm>>
        tpu.enqueue_dma source(%dma_start3A_156 : memref<80xi32, #tpu.memory_space<hbm>>) target(%dma_start3A_155 : memref<80xi32, #tpu.memory_space<vmem>>) target_semaphore(%run_scoped3A_148 : memref<!tpu.dma_semaphore, #tpu.memory_space<semaphore_mem>>)
        %dma_wait3A_157 = arith.constant 0 : i32
        %dma_wait3A_158 = tpu.memref_slice %arg8[%run_scoped3A_80, %dma_wait3A_157] : memref<2x80xi32, #tpu.memory_space<vmem>> -> memref<1x80xi32, #tpu.memory_space<vmem>>
        %dma_wait3A_159 = tpu.memref_squeeze %dma_wait3A_158 : memref<1x80xi32, #tpu.memory_space<vmem>> -> memref<80xi32, #tpu.memory_space<vmem>>
        %dma_wait3A_160 = tpu.memref_slice %arg4[%add3A_78] : memref<320000xi32, #tpu.memory_space<hbm>> -> memref<80xi32, #tpu.memory_space<hbm>>
        %dma_wait3A_161 = arith.constant 0 : i32
        %dma_wait3A_162 = tpu.memref_slice %arg8[%run_scoped3A_80, %dma_wait3A_161] : memref<2x80xi32, #tpu.memory_space<vmem>> -> memref<1x80xi32, #tpu.memory_space<vmem>>
        %dma_wait3A_163 = tpu.memref_squeeze %dma_wait3A_162 : memref<1x80xi32, #tpu.memory_space<vmem>> -> memref<80xi32, #tpu.memory_space<vmem>>
        %dma_wait3A_164 = tpu.memref_slice %arg4[%add3A_78] : memref<320000xi32, #tpu.memory_space<hbm>> -> memref<80xi32, #tpu.memory_space<hbm>>
        tpu.wait_dma2 semaphore(%run_scoped3A_148 : memref<!tpu.dma_semaphore, #tpu.memory_space<semaphore_mem>>) src(%dma_wait3A_164 : memref<80xi32, #tpu.memory_space<hbm>>) dst(%dma_wait3A_163 : memref<80xi32, #tpu.memory_space<vmem>>)
        tpu.yield
      }) : () -> ()
      %run_scoped3A_81 = arith.constant 1 : i32
      "tpu.region"() ({
        %run_scoped3A_148 = tpu.sem_alloc : memref<!tpu.dma_semaphore, #tpu.memory_space<semaphore_mem>>
        %dma_start3A_149 = arith.constant 0 : i32
        %dma_start3A_150 = arith.constant 0 : i32
        %dma_start3A_151 = tpu.memref_slice %arg9[%run_scoped3A_81, %dma_start3A_149, %dma_start3A_150] : memref<2x80x16xf32, #tpu.memory_space<vmem>> -> memref<1x80x16xf32, #tpu.memory_space<vmem>>
        %dma_start3A_152 = tpu.memref_squeeze %dma_start3A_151 : memref<1x80x16xf32, #tpu.memory_space<vmem>> -> memref<80x16xf32, #tpu.memory_space<vmem>>
        %dma_start3A_153 = arith.constant 0 : i32
        %dma_start3A_154 = tpu.memref_slice %arg5[%add3A_78, %dma_start3A_153] : memref<320000x16xf32, #tpu.memory_space<hbm>> -> memref<80x16xf32, #tpu.memory_space<hbm>>
        %dma_start3A_155 = arith.constant 0 : i32
        %dma_start3A_156 = arith.constant 0 : i32
        %dma_start3A_157 = tpu.memref_slice %arg9[%run_scoped3A_81, %dma_start3A_155, %dma_start3A_156] : memref<2x80x16xf32, #tpu.memory_space<vmem>> -> memref<1x80x16xf32, #tpu.memory_space<vmem>>
        %dma_start3A_158 = tpu.memref_squeeze %dma_start3A_157 : memref<1x80x16xf32, #tpu.memory_space<vmem>> -> memref<80x16xf32, #tpu.memory_space<vmem>>
        %dma_start3A_159 = arith.constant 0 : i32
        %dma_start3A_160 = tpu.memref_slice %arg5[%add3A_78, %dma_start3A_159] : memref<320000x16xf32, #tpu.memory_space<hbm>> -> memref<80x16xf32, #tpu.memory_space<hbm>>
        tpu.enqueue_dma source(%dma_start3A_160 : memref<80x16xf32, #tpu.memory_space<hbm>>) target(%dma_start3A_158 : memref<80x16xf32, #tpu.memory_space<vmem>>) target_semaphore(%run_scoped3A_148 : memref<!tpu.dma_semaphore, #tpu.memory_space<semaphore_mem>>)
        %dma_wait3A_161 = arith.constant 0 : i32
        %dma_wait3A_162 = arith.constant 0 : i32
        %dma_wait3A_163 = tpu.memref_slice %arg9[%run_scoped3A_81, %dma_wait3A_161, %dma_wait3A_162] : memref<2x80x16xf32, #tpu.memory_space<vmem>> -> memref<1x80x16xf32, #tpu.memory_space<vmem>>
        %dma_wait3A_164 = tpu.memref_squeeze %dma_wait3A_163 : memref<1x80x16xf32, #tpu.memory_space<vmem>> -> memref<80x16xf32, #tpu.memory_space<vmem>>
        %dma_wait3A_165 = arith.constant 0 : i32
        %dma_wait3A_166 = tpu.memref_slice %arg5[%add3A_78, %dma_wait3A_165] : memref<320000x16xf32, #tpu.memory_space<hbm>> -> memref<80x16xf32, #tpu.memory_space<hbm>>
        %dma_wait3A_167 = arith.constant 0 : i32
        %dma_wait3A_168 = arith.constant 0 : i32
        %dma_wait3A_169 = tpu.memref_slice %arg9[%run_scoped3A_81, %dma_wait3A_167, %dma_wait3A_168] : memref<2x80x16xf32, #tpu.memory_space<vmem>> -> memref<1x80x16xf32, #tpu.memory_space<vmem>>
        %dma_wait3A_170 = tpu.memref_squeeze %dma_wait3A_169 : memref<1x80x16xf32, #tpu.memory_space<vmem>> -> memref<80x16xf32, #tpu.memory_space<vmem>>
        %dma_wait3A_171 = arith.constant 0 : i32
        %dma_wait3A_172 = tpu.memref_slice %arg5[%add3A_78, %dma_wait3A_171] : memref<320000x16xf32, #tpu.memory_space<hbm>> -> memref<80x16xf32, #tpu.memory_space<hbm>>
        tpu.wait_dma2 semaphore(%run_scoped3A_148 : memref<!tpu.dma_semaphore, #tpu.memory_space<semaphore_mem>>) src(%dma_wait3A_172 : memref<80x16xf32, #tpu.memory_space<hbm>>) dst(%dma_wait3A_170 : memref<80x16xf32, #tpu.memory_space<vmem>>)
        tpu.yield
      }) : () -> ()
      %dma_start3A_82 = arith.constant 1 : i32
      %dma_start3A_83 = arith.constant 1 : i32
      %dma_start3A_84 = arith.constant 0 : i32
      %dma_start3A_85 = arith.constant 0 : i32
      %dma_start3A_86 = tpu.memref_slice %arg10[%dma_start3A_83, %dma_start3A_84, %dma_start3A_85] : memref<2x80x128xf32, #tpu.memory_space<vmem>> -> memref<1x80x128xf32, #tpu.memory_space<vmem>>
      %dma_start3A_87 = tpu.memref_squeeze %dma_start3A_86 : memref<1x80x128xf32, #tpu.memory_space<vmem>> -> memref<80x128xf32, #tpu.memory_space<vmem>>
      %dma_start3A_88 = arith.constant 0 : i32
      %dma_start3A_89 = tpu.memref_slice %arg7[%dma_start3A_82, %dma_start3A_88] : memref<2x80xi32, #tpu.memory_space<vmem>> -> memref<1x80xi32, #tpu.memory_space<vmem>>
      %dma_start3A_90 = tpu.memref_squeeze %dma_start3A_89 : memref<1x80xi32, #tpu.memory_space<vmem>> -> memref<80xi32, #tpu.memory_space<vmem>>
      %dma_start3A_91 = arith.constant 0 : i32
      %dma_start3A_92 = arith.constant 0 : i32
      %dma_start3A_93 = tpu.memref_slice %arg2[%dma_start3A_91, %dma_start3A_92] : memref<10000x128xf32, #tpu.memory_space<hbm>> -> memref<10000x128xf32, #tpu.memory_space<hbm>>
      tpu.enqueue_indirect_dma source(%dma_start3A_93 : memref<10000x128xf32, #tpu.memory_space<hbm>>) target(%dma_start3A_87 : memref<80x128xf32, #tpu.memory_space<vmem>>) offsets(%dma_start3A_90 : memref<80xi32, #tpu.memory_space<vmem>>) semaphore(%arg12 : memref<!tpu.dma_semaphore, #tpu.memory_space<semaphore_mem>>)
      %dma_wait3A_94 = arith.constant 0 : i32
      %dma_wait3A_95 = arith.constant 0 : i32
      %dma_wait3A_96 = arith.constant 0 : i32
      %dma_wait3A_97 = arith.constant 0 : i32
      %dma_wait3A_98 = tpu.memref_slice %arg10[%dma_wait3A_95, %dma_wait3A_96, %dma_wait3A_97] : memref<2x80x128xf32, #tpu.memory_space<vmem>> -> memref<1x80x128xf32, #tpu.memory_space<vmem>>
      %dma_wait3A_99 = tpu.memref_squeeze %dma_wait3A_98 : memref<1x80x128xf32, #tpu.memory_space<vmem>> -> memref<80x128xf32, #tpu.memory_space<vmem>>
      %dma_wait3A_100 = arith.constant 0 : i32
      %dma_wait3A_101 = tpu.memref_slice %arg7[%dma_wait3A_94, %dma_wait3A_100] : memref<2x80xi32, #tpu.memory_space<vmem>> -> memref<1x80xi32, #tpu.memory_space<vmem>>
      %dma_wait3A_102 = tpu.memref_squeeze %dma_wait3A_101 : memref<1x80xi32, #tpu.memory_space<vmem>> -> memref<80xi32, #tpu.memory_space<vmem>>
      %dma_wait3A_103 = arith.constant 0 : i32
      %dma_wait3A_104 = arith.constant 0 : i32
      %dma_wait3A_105 = tpu.memref_slice %arg2[%dma_wait3A_103, %dma_wait3A_104] : memref<10000x128xf32, #tpu.memory_space<hbm>> -> memref<10000x128xf32, #tpu.memory_space<hbm>>
      tpu.wait_indirect_dma semaphore(%arg11 : memref<!tpu.dma_semaphore, #tpu.memory_space<semaphore_mem>>) src(%dma_wait3A_105 : memref<10000x128xf32, #tpu.memory_space<hbm>>) dst(%dma_wait3A_99 : memref<80x128xf32, #tpu.memory_space<vmem>>)
      %parallel_loop3A_106 = arith.constant 0 : i32
      %parallel_loop3A_107 = arith.constant 80 : i32
      %parallel_loop3A_108 = arith.constant 1 : i32
      scf.for %parallel_loop3A_148 = %parallel_loop3A_106 to %parallel_loop3A_107 step %parallel_loop3A_108  : i32 {
        %parallel_loop3A_149 = arith.constant 0 : i32
        %parallel_loop3A_150 = arith.index_cast %parallel_loop3A_149 : i32 to index
        %parallel_loop3A_151 = arith.index_cast %parallel_loop3A_148 : i32 to index
        %parallel_loop3A_152 = arith.constant 0 : index
        %parallel_loop3A_153 = tpu.vector_load %arg9[%parallel_loop3A_150, %parallel_loop3A_151, %parallel_loop3A_152] {strides = array<i32>} : memref<2x80x16xf32, #tpu.memory_space<vmem>>, vector<1x1x16xf32>,
        %parallel_loop3A_154 = vector.shape_cast %parallel_loop3A_153 : vector<1x1x16xf32> to vector<16xf32>
        %parallel_loop3A_155 = arith.constant 0 : i32
        %parallel_loop3A_156 = arith.index_cast %parallel_loop3A_155 : i32 to index
        %parallel_loop3A_157 = arith.index_cast %parallel_loop3A_148 : i32 to index
        %parallel_loop3A_158 = arith.constant 0 : index
        %parallel_loop3A_159 = tpu.vector_load %arg10[%parallel_loop3A_156, %parallel_loop3A_157, %parallel_loop3A_158] {strides = array<i32>} : memref<2x80x128xf32, #tpu.memory_space<vmem>>, vector<1x1x16xf32>,
        %parallel_loop3A_160 = vector.shape_cast %parallel_loop3A_159 : vector<1x1x16xf32> to vector<16xf32>
        %parallel_loop3A_161 = arith.mulf %parallel_loop3A_160, %parallel_loop3A_154 : vector<16xf32>
        %parallel_loop3A_162 = arith.constant 0 : i32
        %parallel_loop3A_163 = arith.index_cast %parallel_loop3A_162 : i32 to index
        %parallel_loop3A_164 = arith.index_cast %parallel_loop3A_148 : i32 to index
        %parallel_loop3A_165 = arith.constant 0 : index
        %parallel_loop3A_166 = tpu.vector_load %arg10[%parallel_loop3A_163, %parallel_loop3A_164, %parallel_loop3A_165] {strides = array<i32>} : memref<2x80x128xf32, #tpu.memory_space<vmem>>, vector<1x1x16xf32>,
        %parallel_loop3A_167 = vector.shape_cast %parallel_loop3A_166 : vector<1x1x16xf32> to vector<16xf32>
        %parallel_loop3A_168 = vector.shape_cast %parallel_loop3A_161 : vector<16xf32> to vector<1x1x16xf32>
        tpu.vector_store %arg10[%parallel_loop3A_163, %parallel_loop3A_164, %parallel_loop3A_165], %parallel_loop3A_168 {strides = array<i32>} : memref<2x80x128xf32, #tpu.memory_space<vmem>>, vector<1x1x16xf32>,
        %parallel_loop3A_169 = arith.constant 0 : i32
        %parallel_loop3A_170 = arith.index_cast %parallel_loop3A_169 : i32 to index
        %parallel_loop3A_171 = arith.index_cast %parallel_loop3A_148 : i32 to index
        %parallel_loop3A_172 = arith.constant 16 : index
        %parallel_loop3A_173 = tpu.vector_load %arg10[%parallel_loop3A_170, %parallel_loop3A_171, %parallel_loop3A_172] {strides = array<i32>} : memref<2x80x128xf32, #tpu.memory_space<vmem>>, vector<1x1x16xf32>,
        %parallel_loop3A_174 = vector.shape_cast %parallel_loop3A_173 : vector<1x1x16xf32> to vector<16xf32>
        %parallel_loop3A_175 = arith.mulf %parallel_loop3A_174, %parallel_loop3A_154 : vector<16xf32>
        %parallel_loop3A_176 = arith.constant 0 : i32
        %parallel_loop3A_177 = arith.index_cast %parallel_loop3A_176 : i32 to index
        %parallel_loop3A_178 = arith.index_cast %parallel_loop3A_148 : i32 to index
        %parallel_loop3A_179 = arith.constant 16 : index
        %parallel_loop3A_180 = tpu.vector_load %arg10[%parallel_loop3A_177, %parallel_loop3A_178, %parallel_loop3A_179] {strides = array<i32>} : memref<2x80x128xf32, #tpu.memory_space<vmem>>, vector<1x1x16xf32>,
        %parallel_loop3A_181 = vector.shape_cast %parallel_loop3A_180 : vector<1x1x16xf32> to vector<16xf32>
        %parallel_loop3A_182 = vector.shape_cast %parallel_loop3A_175 : vector<16xf32> to vector<1x1x16xf32>
        tpu.vector_store %arg10[%parallel_loop3A_177, %parallel_loop3A_178, %parallel_loop3A_179], %parallel_loop3A_182 {strides = array<i32>} : memref<2x80x128xf32, #tpu.memory_space<vmem>>, vector<1x1x16xf32>,
        %parallel_loop3A_183 = arith.constant 0 : i32
        %parallel_loop3A_184 = arith.index_cast %parallel_loop3A_183 : i32 to index
        %parallel_loop3A_185 = arith.index_cast %parallel_loop3A_148 : i32 to index
        %parallel_loop3A_186 = arith.constant 32 : index
        %parallel_loop3A_187 = tpu.vector_load %arg10[%parallel_loop3A_184, %parallel_loop3A_185, %parallel_loop3A_186] {strides = array<i32>} : memref<2x80x128xf32, #tpu.memory_space<vmem>>, vector<1x1x16xf32>,
        %parallel_loop3A_188 = vector.shape_cast %parallel_loop3A_187 : vector<1x1x16xf32> to vector<16xf32>
        %parallel_loop3A_189 = arith.mulf %parallel_loop3A_188, %parallel_loop3A_154 : vector<16xf32>
        %parallel_loop3A_190 = arith.constant 0 : i32
        %parallel_loop3A_191 = arith.index_cast %parallel_loop3A_190 : i32 to index
        %parallel_loop3A_192 = arith.index_cast %parallel_loop3A_148 : i32 to index
        %parallel_loop3A_193 = arith.constant 32 : index
        %parallel_loop3A_194 = tpu.vector_load %arg10[%parallel_loop3A_191, %parallel_loop3A_192, %parallel_loop3A_193] {strides = array<i32>} : memref<2x80x128xf32, #tpu.memory_space<vmem>>, vector<1x1x16xf32>,
        %parallel_loop3A_195 = vector.shape_cast %parallel_loop3A_194 : vector<1x1x16xf32> to vector<16xf32>
        %parallel_loop3A_196 = vector.shape_cast %parallel_loop3A_189 : vector<16xf32> to vector<1x1x16xf32>
        tpu.vector_store %arg10[%parallel_loop3A_191, %parallel_loop3A_192, %parallel_loop3A_193], %parallel_loop3A_196 {strides = array<i32>} : memref<2x80x128xf32, #tpu.memory_space<vmem>>, vector<1x1x16xf32>,
        %parallel_loop3A_197 = arith.constant 0 : i32
        %parallel_loop3A_198 = arith.index_cast %parallel_loop3A_197 : i32 to index
        %parallel_loop3A_199 = arith.index_cast %parallel_loop3A_148 : i32 to index
        %parallel_loop3A_200 = arith.constant 48 : index
        %parallel_loop3A_201 = tpu.vector_load %arg10[%parallel_loop3A_198, %parallel_loop3A_199, %parallel_loop3A_200] {strides = array<i32>} : memref<2x80x128xf32, #tpu.memory_space<vmem>>, vector<1x1x16xf32>,
        %parallel_loop3A_202 = vector.shape_cast %parallel_loop3A_201 : vector<1x1x16xf32> to vector<16xf32>
        %parallel_loop3A_203 = arith.mulf %parallel_loop3A_202, %parallel_loop3A_154 : vector<16xf32>
        %parallel_loop3A_204 = arith.constant 0 : i32
        %parallel_loop3A_205 = arith.index_cast %parallel_loop3A_204 : i32 to index
        %parallel_loop3A_206 = arith.index_cast %parallel_loop3A_148 : i32 to index
        %parallel_loop3A_207 = arith.constant 48 : index
        %parallel_loop3A_208 = tpu.vector_load %arg10[%parallel_loop3A_205, %parallel_loop3A_206, %parallel_loop3A_207] {strides = array<i32>} : memref<2x80x128xf32, #tpu.memory_space<vmem>>, vector<1x1x16xf32>,
        %parallel_loop3A_209 = vector.shape_cast %parallel_loop3A_208 : vector<1x1x16xf32> to vector<16xf32>
        %parallel_loop3A_210 = vector.shape_cast %parallel_loop3A_203 : vector<16xf32> to vector<1x1x16xf32>
        tpu.vector_store %arg10[%parallel_loop3A_205, %parallel_loop3A_206, %parallel_loop3A_207], %parallel_loop3A_210 {strides = array<i32>} : memref<2x80x128xf32, #tpu.memory_space<vmem>>, vector<1x1x16xf32>,
        %parallel_loop3A_211 = arith.constant 0 : i32
        %parallel_loop3A_212 = arith.index_cast %parallel_loop3A_211 : i32 to index
        %parallel_loop3A_213 = arith.index_cast %parallel_loop3A_148 : i32 to index
        %parallel_loop3A_214 = arith.constant 64 : index
        %parallel_loop3A_215 = tpu.vector_load %arg10[%parallel_loop3A_212, %parallel_loop3A_213, %parallel_loop3A_214] {strides = array<i32>} : memref<2x80x128xf32, #tpu.memory_space<vmem>>, vector<1x1x16xf32>,
        %parallel_loop3A_216 = vector.shape_cast %parallel_loop3A_215 : vector<1x1x16xf32> to vector<16xf32>
        %parallel_loop3A_217 = arith.mulf %parallel_loop3A_216, %parallel_loop3A_154 : vector<16xf32>
        %parallel_loop3A_218 = arith.constant 0 : i32
        %parallel_loop3A_219 = arith.index_cast %parallel_loop3A_218 : i32 to index
        %parallel_loop3A_220 = arith.index_cast %parallel_loop3A_148 : i32 to index
        %parallel_loop3A_221 = arith.constant 64 : index
        %parallel_loop3A_222 = tpu.vector_load %arg10[%parallel_loop3A_219, %parallel_loop3A_220, %parallel_loop3A_221] {strides = array<i32>} : memref<2x80x128xf32, #tpu.memory_space<vmem>>, vector<1x1x16xf32>,
        %parallel_loop3A_223 = vector.shape_cast %parallel_loop3A_222 : vector<1x1x16xf32> to vector<16xf32>
        %parallel_loop3A_224 = vector.shape_cast %parallel_loop3A_217 : vector<16xf32> to vector<1x1x16xf32>
        tpu.vector_store %arg10[%parallel_loop3A_219, %parallel_loop3A_220, %parallel_loop3A_221], %parallel_loop3A_224 {strides = array<i32>} : memref<2x80x128xf32, #tpu.memory_space<vmem>>, vector<1x1x16xf32>,
        %parallel_loop3A_225 = arith.constant 0 : i32
        %parallel_loop3A_226 = arith.index_cast %parallel_loop3A_225 : i32 to index
        %parallel_loop3A_227 = arith.index_cast %parallel_loop3A_148 : i32 to index
        %parallel_loop3A_228 = arith.constant 80 : index
        %parallel_loop3A_229 = tpu.vector_load %arg10[%parallel_loop3A_226, %parallel_loop3A_227, %parallel_loop3A_228] {strides = array<i32>} : memref<2x80x128xf32, #tpu.memory_space<vmem>>, vector<1x1x16xf32>,
        %parallel_loop3A_230 = vector.shape_cast %parallel_loop3A_229 : vector<1x1x16xf32> to vector<16xf32>
        %parallel_loop3A_231 = arith.mulf %parallel_loop3A_230, %parallel_loop3A_154 : vector<16xf32>
        %parallel_loop3A_232 = arith.constant 0 : i32
        %parallel_loop3A_233 = arith.index_cast %parallel_loop3A_232 : i32 to index
        %parallel_loop3A_234 = arith.index_cast %parallel_loop3A_148 : i32 to index
        %parallel_loop3A_235 = arith.constant 80 : index
        %parallel_loop3A_236 = tpu.vector_load %arg10[%parallel_loop3A_233, %parallel_loop3A_234, %parallel_loop3A_235] {strides = array<i32>} : memref<2x80x128xf32, #tpu.memory_space<vmem>>, vector<1x1x16xf32>,
        %parallel_loop3A_237 = vector.shape_cast %parallel_loop3A_236 : vector<1x1x16xf32> to vector<16xf32>
        %parallel_loop3A_238 = vector.shape_cast %parallel_loop3A_231 : vector<16xf32> to vector<1x1x16xf32>
        tpu.vector_store %arg10[%parallel_loop3A_233, %parallel_loop3A_234, %parallel_loop3A_235], %parallel_loop3A_238 {strides = array<i32>} : memref<2x80x128xf32, #tpu.memory_space<vmem>>, vector<1x1x16xf32>,
        %parallel_loop3A_239 = arith.constant 0 : i32
        %parallel_loop3A_240 = arith.index_cast %parallel_loop3A_239 : i32 to index
        %parallel_loop3A_241 = arith.index_cast %parallel_loop3A_148 : i32 to index
        %parallel_loop3A_242 = arith.constant 96 : index
        %parallel_loop3A_243 = tpu.vector_load %arg10[%parallel_loop3A_240, %parallel_loop3A_241, %parallel_loop3A_242] {strides = array<i32>} : memref<2x80x128xf32, #tpu.memory_space<vmem>>, vector<1x1x16xf32>,
        %parallel_loop3A_244 = vector.shape_cast %parallel_loop3A_243 : vector<1x1x16xf32> to vector<16xf32>
        %parallel_loop3A_245 = arith.mulf %parallel_loop3A_244, %parallel_loop3A_154 : vector<16xf32>
        %parallel_loop3A_246 = arith.constant 0 : i32
        %parallel_loop3A_247 = arith.index_cast %parallel_loop3A_246 : i32 to index
        %parallel_loop3A_248 = arith.index_cast %parallel_loop3A_148 : i32 to index
        %parallel_loop3A_249 = arith.constant 96 : index
        %parallel_loop3A_250 = tpu.vector_load %arg10[%parallel_loop3A_247, %parallel_loop3A_248, %parallel_loop3A_249] {strides = array<i32>} : memref<2x80x128xf32, #tpu.memory_space<vmem>>, vector<1x1x16xf32>,
        %parallel_loop3A_251 = vector.shape_cast %parallel_loop3A_250 : vector<1x1x16xf32> to vector<16xf32>
        %parallel_loop3A_252 = vector.shape_cast %parallel_loop3A_245 : vector<16xf32> to vector<1x1x16xf32>
        tpu.vector_store %arg10[%parallel_loop3A_247, %parallel_loop3A_248, %parallel_loop3A_249], %parallel_loop3A_252 {strides = array<i32>} : memref<2x80x128xf32, #tpu.memory_space<vmem>>, vector<1x1x16xf32>,
        %parallel_loop3A_253 = arith.constant 0 : i32
        %parallel_loop3A_254 = arith.index_cast %parallel_loop3A_253 : i32 to index
        %parallel_loop3A_255 = arith.index_cast %parallel_loop3A_148 : i32 to index
        %parallel_loop3A_256 = arith.constant 112 : index
        %parallel_loop3A_257 = tpu.vector_load %arg10[%parallel_loop3A_254, %parallel_loop3A_255, %parallel_loop3A_256] {strides = array<i32>} : memref<2x80x128xf32, #tpu.memory_space<vmem>>, vector<1x1x16xf32>,
        %parallel_loop3A_258 = vector.shape_cast %parallel_loop3A_257 : vector<1x1x16xf32> to vector<16xf32>
        %parallel_loop3A_259 = arith.mulf %parallel_loop3A_258, %parallel_loop3A_154 : vector<16xf32>
        %parallel_loop3A_260 = arith.constant 0 : i32
        %parallel_loop3A_261 = arith.index_cast %parallel_loop3A_260 : i32 to index
        %parallel_loop3A_262 = arith.index_cast %parallel_loop3A_148 : i32 to index
        %parallel_loop3A_263 = arith.constant 112 : index
        %parallel_loop3A_264 = tpu.vector_load %arg10[%parallel_loop3A_261, %parallel_loop3A_262, %parallel_loop3A_263] {strides = array<i32>} : memref<2x80x128xf32, #tpu.memory_space<vmem>>, vector<1x1x16xf32>,
        %parallel_loop3A_265 = vector.shape_cast %parallel_loop3A_264 : vector<1x1x16xf32> to vector<16xf32>
        %parallel_loop3A_266 = vector.shape_cast %parallel_loop3A_259 : vector<16xf32> to vector<1x1x16xf32>
        tpu.vector_store %arg10[%parallel_loop3A_261, %parallel_loop3A_262, %parallel_loop3A_263], %parallel_loop3A_266 {strides = array<i32>} : memref<2x80x128xf32, #tpu.memory_space<vmem>>, vector<1x1x16xf32>,
      } {sc.loop_unroll_factor = 4 : i64, sc.parallel_access}
      %run_scoped3A_109 = arith.constant 0 : i32
      %run_scoped3A_110 = arith.constant 0 : i32
      "tpu.region"() ({
        %run_scoped3A_148 = tpu.sem_alloc : memref<!tpu.dma_semaphore, #tpu.memory_space<semaphore_mem>>
        %dma_start3A_149 = arith.constant 0 : i32
        %dma_start3A_150 = arith.constant 0 : i32
        %dma_start3A_151 = tpu.memref_slice %arg10[%run_scoped3A_109, %dma_start3A_149, %dma_start3A_150] : memref<2x80x128xf32, #tpu.memory_space<vmem>> -> memref<1x80x128xf32, #tpu.memory_space<vmem>>
        %dma_start3A_152 = tpu.memref_squeeze %dma_start3A_151 : memref<1x80x128xf32, #tpu.memory_space<vmem>> -> memref<80x128xf32, #tpu.memory_space<vmem>>
        %dma_start3A_153 = arith.constant 0 : i32
        %dma_start3A_154 = tpu.memref_slice %arg8[%run_scoped3A_110, %dma_start3A_153] : memref<2x80xi32, #tpu.memory_space<vmem>> -> memref<1x80xi32, #tpu.memory_space<vmem>>
        %dma_start3A_155 = tpu.memref_squeeze %dma_start3A_154 : memref<1x80xi32, #tpu.memory_space<vmem>> -> memref<80xi32, #tpu.memory_space<vmem>>
        %dma_start3A_156 = arith.constant 0 : i32
        %dma_start3A_157 = arith.constant 0 : i32
        %dma_start3A_158 = tpu.memref_slice %arg13[%dma_start3A_156, %dma_start3A_157] : memref<10240x128xf32, #tpu.memory_space<vmem_shared>> -> memref<10240x128xf32, #tpu.memory_space<vmem_shared>>
        tpu.enqueue_indirect_dma source(%dma_start3A_152 : memref<80x128xf32, #tpu.memory_space<vmem>>) target(%dma_start3A_158 : memref<10240x128xf32, #tpu.memory_space<vmem_shared>>) offsets(%dma_start3A_155 : memref<80xi32, #tpu.memory_space<vmem>>) semaphore(%run_scoped3A_148 : memref<!tpu.dma_semaphore, #tpu.memory_space<semaphore_mem>>) {add = true}
        %dma_wait3A_159 = arith.constant 0 : i32
        %dma_wait3A_160 = arith.constant 0 : i32
        %dma_wait3A_161 = tpu.memref_slice %arg10[%run_scoped3A_109, %dma_wait3A_159, %dma_wait3A_160] : memref<2x80x128xf32, #tpu.memory_space<vmem>> -> memref<1x80x128xf32, #tpu.memory_space<vmem>>
        %dma_wait3A_162 = tpu.memref_squeeze %dma_wait3A_161 : memref<1x80x128xf32, #tpu.memory_space<vmem>> -> memref<80x128xf32, #tpu.memory_space<vmem>>
        %dma_wait3A_163 = arith.constant 0 : i32
        %dma_wait3A_164 = tpu.memref_slice %arg8[%run_scoped3A_110, %dma_wait3A_163] : memref<2x80xi32, #tpu.memory_space<vmem>> -> memref<1x80xi32, #tpu.memory_space<vmem>>
        %dma_wait3A_165 = tpu.memref_squeeze %dma_wait3A_164 : memref<1x80xi32, #tpu.memory_space<vmem>> -> memref<80xi32, #tpu.memory_space<vmem>>
        %dma_wait3A_166 = arith.constant 0 : i32
        %dma_wait3A_167 = arith.constant 0 : i32
        %dma_wait3A_168 = tpu.memref_slice %arg13[%dma_wait3A_166, %dma_wait3A_167] : memref<10240x128xf32, #tpu.memory_space<vmem_shared>> -> memref<10240x128xf32, #tpu.memory_space<vmem_shared>>
        tpu.wait_indirect_dma semaphore(%run_scoped3A_148 : memref<!tpu.dma_semaphore, #tpu.memory_space<semaphore_mem>>) src(%dma_wait3A_162 : memref<80x128xf32, #tpu.memory_space<vmem>>) dst(%dma_wait3A_168 : memref<10240x128xf32, #tpu.memory_space<vmem_shared>>)
        tpu.yield
      }) : () -> ()
      %add3A_111 = arith.constant 2 : i32
      %add3A_112 = arith.addi %mul3A_73, %add3A_111 : i32
      %mul3A_113 = arith.constant 80 : i32
      %mul3A_114 = arith.muli %add3A_112, %mul3A_113 : i32
      %add3A_115 = arith.addi %mul3A_2, %mul3A_114 : i32
      %run_scoped3A_116 = arith.constant 0 : i32
      "tpu.region"() ({
        %run_scoped3A_148 = tpu.sem_alloc : memref<!tpu.dma_semaphore, #tpu.memory_space<semaphore_mem>>
        %dma_start3A_149 = arith.constant 0 : i32
        %dma_start3A_150 = tpu.memref_slice %arg7[%run_scoped3A_116, %dma_start3A_149] : memref<2x80xi32, #tpu.memory_space<vmem>> -> memref<1x80xi32, #tpu.memory_space<vmem>>
        %dma_start3A_151 = tpu.memref_squeeze %dma_start3A_150 : memref<1x80xi32, #tpu.memory_space<vmem>> -> memref<80xi32, #tpu.memory_space<vmem>>
        %dma_start3A_152 = tpu.memref_slice %arg3[%add3A_115] : memref<320000xi32, #tpu.memory_space<hbm>> -> memref<80xi32, #tpu.memory_space<hbm>>
        %dma_start3A_153 = arith.constant 0 : i32
        %dma_start3A_154 = tpu.memref_slice %arg7[%run_scoped3A_116, %dma_start3A_153] : memref<2x80xi32, #tpu.memory_space<vmem>> -> memref<1x80xi32, #tpu.memory_space<vmem>>
        %dma_start3A_155 = tpu.memref_squeeze %dma_start3A_154 : memref<1x80xi32, #tpu.memory_space<vmem>> -> memref<80xi32, #tpu.memory_space<vmem>>
        %dma_start3A_156 = tpu.memref_slice %arg3[%add3A_115] : memref<320000xi32, #tpu.memory_space<hbm>> -> memref<80xi32, #tpu.memory_space<hbm>>
        tpu.enqueue_dma source(%dma_start3A_156 : memref<80xi32, #tpu.memory_space<hbm>>) target(%dma_start3A_155 : memref<80xi32, #tpu.memory_space<vmem>>) target_semaphore(%run_scoped3A_148 : memref<!tpu.dma_semaphore, #tpu.memory_space<semaphore_mem>>)
        %dma_wait3A_157 = arith.constant 0 : i32
        %dma_wait3A_158 = tpu.memref_slice %arg7[%run_scoped3A_116, %dma_wait3A_157] : memref<2x80xi32, #tpu.memory_space<vmem>> -> memref<1x80xi32, #tpu.memory_space<vmem>>
        %dma_wait3A_159 = tpu.memref_squeeze %dma_wait3A_158 : memref<1x80xi32, #tpu.memory_space<vmem>> -> memref<80xi32, #tpu.memory_space<vmem>>
        %dma_wait3A_160 = tpu.memref_slice %arg3[%add3A_115] : memref<320000xi32, #tpu.memory_space<hbm>> -> memref<80xi32, #tpu.memory_space<hbm>>
        %dma_wait3A_161 = arith.constant 0 : i32
        %dma_wait3A_162 = tpu.memref_slice %arg7[%run_scoped3A_116, %dma_wait3A_161] : memref<2x80xi32, #tpu.memory_space<vmem>> -> memref<1x80xi32, #tpu.memory_space<vmem>>
        %dma_wait3A_163 = tpu.memref_squeeze %dma_wait3A_162 : memref<1x80xi32, #tpu.memory_space<vmem>> -> memref<80xi32, #tpu.memory_space<vmem>>
        %dma_wait3A_164 = tpu.memref_slice %arg3[%add3A_115] : memref<320000xi32, #tpu.memory_space<hbm>> -> memref<80xi32, #tpu.memory_space<hbm>>
        tpu.wait_dma2 semaphore(%run_scoped3A_148 : memref<!tpu.dma_semaphore, #tpu.memory_space<semaphore_mem>>) src(%dma_wait3A_164 : memref<80xi32, #tpu.memory_space<hbm>>) dst(%dma_wait3A_163 : memref<80xi32, #tpu.memory_space<vmem>>)
        tpu.yield
      }) : () -> ()
      %run_scoped3A_117 = arith.constant 0 : i32
      "tpu.region"() ({
        %run_scoped3A_148 = tpu.sem_alloc : memref<!tpu.dma_semaphore, #tpu.memory_space<semaphore_mem>>
        %dma_start3A_149 = arith.constant 0 : i32
        %dma_start3A_150 = tpu.memref_slice %arg8[%run_scoped3A_117, %dma_start3A_149] : memref<2x80xi32, #tpu.memory_space<vmem>> -> memref<1x80xi32, #tpu.memory_space<vmem>>
        %dma_start3A_151 = tpu.memref_squeeze %dma_start3A_150 : memref<1x80xi32, #tpu.memory_space<vmem>> -> memref<80xi32, #tpu.memory_space<vmem>>
        %dma_start3A_152 = tpu.memref_slice %arg4[%add3A_115] : memref<320000xi32, #tpu.memory_space<hbm>> -> memref<80xi32, #tpu.memory_space<hbm>>
        %dma_start3A_153 = arith.constant 0 : i32
        %dma_start3A_154 = tpu.memref_slice %arg8[%run_scoped3A_117, %dma_start3A_153] : memref<2x80xi32, #tpu.memory_space<vmem>> -> memref<1x80xi32, #tpu.memory_space<vmem>>
        %dma_start3A_155 = tpu.memref_squeeze %dma_start3A_154 : memref<1x80xi32, #tpu.memory_space<vmem>> -> memref<80xi32, #tpu.memory_space<vmem>>
        %dma_start3A_156 = tpu.memref_slice %arg4[%add3A_115] : memref<320000xi32, #tpu.memory_space<hbm>> -> memref<80xi32, #tpu.memory_space<hbm>>
        tpu.enqueue_dma source(%dma_start3A_156 : memref<80xi32, #tpu.memory_space<hbm>>) target(%dma_start3A_155 : memref<80xi32, #tpu.memory_space<vmem>>) target_semaphore(%run_scoped3A_148 : memref<!tpu.dma_semaphore, #tpu.memory_space<semaphore_mem>>)
        %dma_wait3A_157 = arith.constant 0 : i32
        %dma_wait3A_158 = tpu.memref_slice %arg8[%run_scoped3A_117, %dma_wait3A_157] : memref<2x80xi32, #tpu.memory_space<vmem>> -> memref<1x80xi32, #tpu.memory_space<vmem>>
        %dma_wait3A_159 = tpu.memref_squeeze %dma_wait3A_158 : memref<1x80xi32, #tpu.memory_space<vmem>> -> memref<80xi32, #tpu.memory_space<vmem>>
        %dma_wait3A_160 = tpu.memref_slice %arg4[%add3A_115] : memref<320000xi32, #tpu.memory_space<hbm>> -> memref<80xi32, #tpu.memory_space<hbm>>
        %dma_wait3A_161 = arith.constant 0 : i32
        %dma_wait3A_162 = tpu.memref_slice %arg8[%run_scoped3A_117, %dma_wait3A_161] : memref<2x80xi32, #tpu.memory_space<vmem>> -> memref<1x80xi32, #tpu.memory_space<vmem>>
        %dma_wait3A_163 = tpu.memref_squeeze %dma_wait3A_162 : memref<1x80xi32, #tpu.memory_space<vmem>> -> memref<80xi32, #tpu.memory_space<vmem>>
        %dma_wait3A_164 = tpu.memref_slice %arg4[%add3A_115] : memref<320000xi32, #tpu.memory_space<hbm>> -> memref<80xi32, #tpu.memory_space<hbm>>
        tpu.wait_dma2 semaphore(%run_scoped3A_148 : memref<!tpu.dma_semaphore, #tpu.memory_space<semaphore_mem>>) src(%dma_wait3A_164 : memref<80xi32, #tpu.memory_space<hbm>>) dst(%dma_wait3A_163 : memref<80xi32, #tpu.memory_space<vmem>>)
        tpu.yield
      }) : () -> ()
      %run_scoped3A_118 = arith.constant 0 : i32
      "tpu.region"() ({
        %run_scoped3A_148 = tpu.sem_alloc : memref<!tpu.dma_semaphore, #tpu.memory_space<semaphore_mem>>
        %dma_start3A_149 = arith.constant 0 : i32
        %dma_start3A_150 = arith.constant 0 : i32
        %dma_start3A_151 = tpu.memref_slice %arg9[%run_scoped3A_118, %dma_start3A_149, %dma_start3A_150] : memref<2x80x16xf32, #tpu.memory_space<vmem>> -> memref<1x80x16xf32, #tpu.memory_space<vmem>>
        %dma_start3A_152 = tpu.memref_squeeze %dma_start3A_151 : memref<1x80x16xf32, #tpu.memory_space<vmem>> -> memref<80x16xf32, #tpu.memory_space<vmem>>
        %dma_start3A_153 = arith.constant 0 : i32
        %dma_start3A_154 = tpu.memref_slice %arg5[%add3A_115, %dma_start3A_153] : memref<320000x16xf32, #tpu.memory_space<hbm>> -> memref<80x16xf32, #tpu.memory_space<hbm>>
        %dma_start3A_155 = arith.constant 0 : i32
        %dma_start3A_156 = arith.constant 0 : i32
        %dma_start3A_157 = tpu.memref_slice %arg9[%run_scoped3A_118, %dma_start3A_155, %dma_start3A_156] : memref<2x80x16xf32, #tpu.memory_space<vmem>> -> memref<1x80x16xf32, #tpu.memory_space<vmem>>
        %dma_start3A_158 = tpu.memref_squeeze %dma_start3A_157 : memref<1x80x16xf32, #tpu.memory_space<vmem>> -> memref<80x16xf32, #tpu.memory_space<vmem>>
        %dma_start3A_159 = arith.constant 0 : i32
        %dma_start3A_160 = tpu.memref_slice %arg5[%add3A_115, %dma_start3A_159] : memref<320000x16xf32, #tpu.memory_space<hbm>> -> memref<80x16xf32, #tpu.memory_space<hbm>>
        tpu.enqueue_dma source(%dma_start3A_160 : memref<80x16xf32, #tpu.memory_space<hbm>>) target(%dma_start3A_158 : memref<80x16xf32, #tpu.memory_space<vmem>>) target_semaphore(%run_scoped3A_148 : memref<!tpu.dma_semaphore, #tpu.memory_space<semaphore_mem>>)
        %dma_wait3A_161 = arith.constant 0 : i32
        %dma_wait3A_162 = arith.constant 0 : i32
        %dma_wait3A_163 = tpu.memref_slice %arg9[%run_scoped3A_118, %dma_wait3A_161, %dma_wait3A_162] : memref<2x80x16xf32, #tpu.memory_space<vmem>> -> memref<1x80x16xf32, #tpu.memory_space<vmem>>
        %dma_wait3A_164 = tpu.memref_squeeze %dma_wait3A_163 : memref<1x80x16xf32, #tpu.memory_space<vmem>> -> memref<80x16xf32, #tpu.memory_space<vmem>>
        %dma_wait3A_165 = arith.constant 0 : i32
        %dma_wait3A_166 = tpu.memref_slice %arg5[%add3A_115, %dma_wait3A_165] : memref<320000x16xf32, #tpu.memory_space<hbm>> -> memref<80x16xf32, #tpu.memory_space<hbm>>
        %dma_wait3A_167 = arith.constant 0 : i32
        %dma_wait3A_168 = arith.constant 0 : i32
        %dma_wait3A_169 = tpu.memref_slice %arg9[%run_scoped3A_118, %dma_wait3A_167, %dma_wait3A_168] : memref<2x80x16xf32, #tpu.memory_space<vmem>> -> memref<1x80x16xf32, #tpu.memory_space<vmem>>
        %dma_wait3A_170 = tpu.memref_squeeze %dma_wait3A_169 : memref<1x80x16xf32, #tpu.memory_space<vmem>> -> memref<80x16xf32, #tpu.memory_space<vmem>>
        %dma_wait3A_171 = arith.constant 0 : i32
        %dma_wait3A_172 = tpu.memref_slice %arg5[%add3A_115, %dma_wait3A_171] : memref<320000x16xf32, #tpu.memory_space<hbm>> -> memref<80x16xf32, #tpu.memory_space<hbm>>
        tpu.wait_dma2 semaphore(%run_scoped3A_148 : memref<!tpu.dma_semaphore, #tpu.memory_space<semaphore_mem>>) src(%dma_wait3A_172 : memref<80x16xf32, #tpu.memory_space<hbm>>) dst(%dma_wait3A_170 : memref<80x16xf32, #tpu.memory_space<vmem>>)
        tpu.yield
      }) : () -> ()
      %dma_start3A_119 = arith.constant 0 : i32
      %dma_start3A_120 = arith.constant 0 : i32
      %dma_start3A_121 = arith.constant 0 : i32
      %dma_start3A_122 = arith.constant 0 : i32
      %dma_start3A_123 = tpu.memref_slice %arg10[%dma_start3A_120, %dma_start3A_121, %dma_start3A_122] : memref<2x80x128xf32, #tpu.memory_space<vmem>> -> memref<1x80x128xf32, #tpu.memory_space<vmem>>
      %dma_start3A_124 = tpu.memref_squeeze %dma_start3A_123 : memref<1x80x128xf32, #tpu.memory_space<vmem>> -> memref<80x128xf32, #tpu.memory_space<vmem>>
      %dma_start3A_125 = arith.constant 0 : i32
      %dma_start3A_126 = tpu.memref_slice %arg7[%dma_start3A_119, %dma_start3A_125] : memref<2x80xi32, #tpu.memory_space<vmem>> -> memref<1x80xi32, #tpu.memory_space<vmem>>
      %dma_start3A_127 = tpu.memref_squeeze %dma_start3A_126 : memref<1x80xi32, #tpu.memory_space<vmem>> -> memref<80xi32, #tpu.memory_space<vmem>>
      %dma_start3A_128 = arith.constant 0 : i32
      %dma_start3A_129 = arith.constant 0 : i32
      %dma_start3A_130 = tpu.memref_slice %arg2[%dma_start3A_128, %dma_start3A_129] : memref<10000x128xf32, #tpu.memory_space<hbm>> -> memref<10000x128xf32, #tpu.memory_space<hbm>>
      tpu.enqueue_indirect_dma source(%dma_start3A_130 : memref<10000x128xf32, #tpu.memory_space<hbm>>) target(%dma_start3A_124 : memref<80x128xf32, #tpu.memory_space<vmem>>) offsets(%dma_start3A_127 : memref<80xi32, #tpu.memory_space<vmem>>) semaphore(%arg11 : memref<!tpu.dma_semaphore, #tpu.memory_space<semaphore_mem>>)
      %dma_wait3A_131 = arith.constant 1 : i32
      %dma_wait3A_132 = arith.constant 1 : i32
      %dma_wait3A_133 = arith.constant 0 : i32
      %dma_wait3A_134 = arith.constant 0 : i32
      %dma_wait3A_135 = tpu.memref_slice %arg10[%dma_wait3A_132, %dma_wait3A_133, %dma_wait3A_134] : memref<2x80x128xf32, #tpu.memory_space<vmem>> -> memref<1x80x128xf32, #tpu.memory_space<vmem>>
      %dma_wait3A_136 = tpu.memref_squeeze %dma_wait3A_135 : memref<1x80x128xf32, #tpu.memory_space<vmem>> -> memref<80x128xf32, #tpu.memory_space<vmem>>
      %dma_wait3A_137 = arith.constant 0 : i32
      %dma_wait3A_138 = tpu.memref_slice %arg7[%dma_wait3A_131, %dma_wait3A_137] : memref<2x80xi32, #tpu.memory_space<vmem>> -> memref<1x80xi32, #tpu.memory_space<vmem>>
      %dma_wait3A_139 = tpu.memref_squeeze %dma_wait3A_138 : memref<1x80xi32, #tpu.memory_space<vmem>> -> memref<80xi32, #tpu.memory_space<vmem>>
      %dma_wait3A_140 = arith.constant 0 : i32
      %dma_wait3A_141 = arith.constant 0 : i32
      %dma_wait3A_142 = tpu.memref_slice %arg2[%dma_wait3A_140, %dma_wait3A_141] : memref<10000x128xf32, #tpu.memory_space<hbm>> -> memref<10000x128xf32, #tpu.memory_space<hbm>>
      tpu.wait_indirect_dma semaphore(%arg12 : memref<!tpu.dma_semaphore, #tpu.memory_space<semaphore_mem>>) src(%dma_wait3A_142 : memref<10000x128xf32, #tpu.memory_space<hbm>>) dst(%dma_wait3A_136 : memref<80x128xf32, #tpu.memory_space<vmem>>)
      %parallel_loop3A_143 = arith.constant 0 : i32
      %parallel_loop3A_144 = arith.constant 80 : i32
      %parallel_loop3A_145 = arith.constant 1 : i32
      scf.for %parallel_loop3A_148 = %parallel_loop3A_143 to %parallel_loop3A_144 step %parallel_loop3A_145  : i32 {
        %parallel_loop3A_149 = arith.constant 1 : i32
        %parallel_loop3A_150 = arith.index_cast %parallel_loop3A_149 : i32 to index
        %parallel_loop3A_151 = arith.index_cast %parallel_loop3A_148 : i32 to index
        %parallel_loop3A_152 = arith.constant 0 : index
        %parallel_loop3A_153 = tpu.vector_load %arg9[%parallel_loop3A_150, %parallel_loop3A_151, %parallel_loop3A_152] {strides = array<i32>} : memref<2x80x16xf32, #tpu.memory_space<vmem>>, vector<1x1x16xf32>,
        %parallel_loop3A_154 = vector.shape_cast %parallel_loop3A_153 : vector<1x1x16xf32> to vector<16xf32>
        %parallel_loop3A_155 = arith.constant 1 : i32
        %parallel_loop3A_156 = arith.index_cast %parallel_loop3A_155 : i32 to index
        %parallel_loop3A_157 = arith.index_cast %parallel_loop3A_148 : i32 to index
        %parallel_loop3A_158 = arith.constant 0 : index
        %parallel_loop3A_159 = tpu.vector_load %arg10[%parallel_loop3A_156, %parallel_loop3A_157, %parallel_loop3A_158] {strides = array<i32>} : memref<2x80x128xf32, #tpu.memory_space<vmem>>, vector<1x1x16xf32>,
        %parallel_loop3A_160 = vector.shape_cast %parallel_loop3A_159 : vector<1x1x16xf32> to vector<16xf32>
        %parallel_loop3A_161 = arith.mulf %parallel_loop3A_160, %parallel_loop3A_154 : vector<16xf32>
        %parallel_loop3A_162 = arith.constant 1 : i32
        %parallel_loop3A_163 = arith.index_cast %parallel_loop3A_162 : i32 to index
        %parallel_loop3A_164 = arith.index_cast %parallel_loop3A_148 : i32 to index
        %parallel_loop3A_165 = arith.constant 0 : index
        %parallel_loop3A_166 = tpu.vector_load %arg10[%parallel_loop3A_163, %parallel_loop3A_164, %parallel_loop3A_165] {strides = array<i32>} : memref<2x80x128xf32, #tpu.memory_space<vmem>>, vector<1x1x16xf32>,
        %parallel_loop3A_167 = vector.shape_cast %parallel_loop3A_166 : vector<1x1x16xf32> to vector<16xf32>
        %parallel_loop3A_168 = vector.shape_cast %parallel_loop3A_161 : vector<16xf32> to vector<1x1x16xf32>
        tpu.vector_store %arg10[%parallel_loop3A_163, %parallel_loop3A_164, %parallel_loop3A_165], %parallel_loop3A_168 {strides = array<i32>} : memref<2x80x128xf32, #tpu.memory_space<vmem>>, vector<1x1x16xf32>,
        %parallel_loop3A_169 = arith.constant 1 : i32
        %parallel_loop3A_170 = arith.index_cast %parallel_loop3A_169 : i32 to index
        %parallel_loop3A_171 = arith.index_cast %parallel_loop3A_148 : i32 to index
        %parallel_loop3A_172 = arith.constant 16 : index
        %parallel_loop3A_173 = tpu.vector_load %arg10[%parallel_loop3A_170, %parallel_loop3A_171, %parallel_loop3A_172] {strides = array<i32>} : memref<2x80x128xf32, #tpu.memory_space<vmem>>, vector<1x1x16xf32>,
        %parallel_loop3A_174 = vector.shape_cast %parallel_loop3A_173 : vector<1x1x16xf32> to vector<16xf32>
        %parallel_loop3A_175 = arith.mulf %parallel_loop3A_174, %parallel_loop3A_154 : vector<16xf32>
        %parallel_loop3A_176 = arith.constant 1 : i32
        %parallel_loop3A_177 = arith.index_cast %parallel_loop3A_176 : i32 to index
        %parallel_loop3A_178 = arith.index_cast %parallel_loop3A_148 : i32 to index
        %parallel_loop3A_179 = arith.constant 16 : index
        %parallel_loop3A_180 = tpu.vector_load %arg10[%parallel_loop3A_177, %parallel_loop3A_178, %parallel_loop3A_179] {strides = array<i32>} : memref<2x80x128xf32, #tpu.memory_space<vmem>>, vector<1x1x16xf32>,
        %parallel_loop3A_181 = vector.shape_cast %parallel_loop3A_180 : vector<1x1x16xf32> to vector<16xf32>
        %parallel_loop3A_182 = vector.shape_cast %parallel_loop3A_175 : vector<16xf32> to vector<1x1x16xf32>
        tpu.vector_store %arg10[%parallel_loop3A_177, %parallel_loop3A_178, %parallel_loop3A_179], %parallel_loop3A_182 {strides = array<i32>} : memref<2x80x128xf32, #tpu.memory_space<vmem>>, vector<1x1x16xf32>,
        %parallel_loop3A_183 = arith.constant 1 : i32
        %parallel_loop3A_184 = arith.index_cast %parallel_loop3A_183 : i32 to index
        %parallel_loop3A_185 = arith.index_cast %parallel_loop3A_148 : i32 to index
        %parallel_loop3A_186 = arith.constant 32 : index
        %parallel_loop3A_187 = tpu.vector_load %arg10[%parallel_loop3A_184, %parallel_loop3A_185, %parallel_loop3A_186] {strides = array<i32>} : memref<2x80x128xf32, #tpu.memory_space<vmem>>, vector<1x1x16xf32>,
        %parallel_loop3A_188 = vector.shape_cast %parallel_loop3A_187 : vector<1x1x16xf32> to vector<16xf32>
        %parallel_loop3A_189 = arith.mulf %parallel_loop3A_188, %parallel_loop3A_154 : vector<16xf32>
        %parallel_loop3A_190 = arith.constant 1 : i32
        %parallel_loop3A_191 = arith.index_cast %parallel_loop3A_190 : i32 to index
        %parallel_loop3A_192 = arith.index_cast %parallel_loop3A_148 : i32 to index
        %parallel_loop3A_193 = arith.constant 32 : index
        %parallel_loop3A_194 = tpu.vector_load %arg10[%parallel_loop3A_191, %parallel_loop3A_192, %parallel_loop3A_193] {strides = array<i32>} : memref<2x80x128xf32, #tpu.memory_space<vmem>>, vector<1x1x16xf32>,
        %parallel_loop3A_195 = vector.shape_cast %parallel_loop3A_194 : vector<1x1x16xf32> to vector<16xf32>
        %parallel_loop3A_196 = vector.shape_cast %parallel_loop3A_189 : vector<16xf32> to vector<1x1x16xf32>
        tpu.vector_store %arg10[%parallel_loop3A_191, %parallel_loop3A_192, %parallel_loop3A_193], %parallel_loop3A_196 {strides = array<i32>} : memref<2x80x128xf32, #tpu.memory_space<vmem>>, vector<1x1x16xf32>,
        %parallel_loop3A_197 = arith.constant 1 : i32
        %parallel_loop3A_198 = arith.index_cast %parallel_loop3A_197 : i32 to index
        %parallel_loop3A_199 = arith.index_cast %parallel_loop3A_148 : i32 to index
        %parallel_loop3A_200 = arith.constant 48 : index
        %parallel_loop3A_201 = tpu.vector_load %arg10[%parallel_loop3A_198, %parallel_loop3A_199, %parallel_loop3A_200] {strides = array<i32>} : memref<2x80x128xf32, #tpu.memory_space<vmem>>, vector<1x1x16xf32>,
        %parallel_loop3A_202 = vector.shape_cast %parallel_loop3A_201 : vector<1x1x16xf32> to vector<16xf32>
        %parallel_loop3A_203 = arith.mulf %parallel_loop3A_202, %parallel_loop3A_154 : vector<16xf32>
        %parallel_loop3A_204 = arith.constant 1 : i32
        %parallel_loop3A_205 = arith.index_cast %parallel_loop3A_204 : i32 to index
        %parallel_loop3A_206 = arith.index_cast %parallel_loop3A_148 : i32 to index
        %parallel_loop3A_207 = arith.constant 48 : index
        %parallel_loop3A_208 = tpu.vector_load %arg10[%parallel_loop3A_205, %parallel_loop3A_206, %parallel_loop3A_207] {strides = array<i32>} : memref<2x80x128xf32, #tpu.memory_space<vmem>>, vector<1x1x16xf32>,
        %parallel_loop3A_209 = vector.shape_cast %parallel_loop3A_208 : vector<1x1x16xf32> to vector<16xf32>
        %parallel_loop3A_210 = vector.shape_cast %parallel_loop3A_203 : vector<16xf32> to vector<1x1x16xf32>
        tpu.vector_store %arg10[%parallel_loop3A_205, %parallel_loop3A_206, %parallel_loop3A_207], %parallel_loop3A_210 {strides = array<i32>} : memref<2x80x128xf32, #tpu.memory_space<vmem>>, vector<1x1x16xf32>,
        %parallel_loop3A_211 = arith.constant 1 : i32
        %parallel_loop3A_212 = arith.index_cast %parallel_loop3A_211 : i32 to index
        %parallel_loop3A_213 = arith.index_cast %parallel_loop3A_148 : i32 to index
        %parallel_loop3A_214 = arith.constant 64 : index
        %parallel_loop3A_215 = tpu.vector_load %arg10[%parallel_loop3A_212, %parallel_loop3A_213, %parallel_loop3A_214] {strides = array<i32>} : memref<2x80x128xf32, #tpu.memory_space<vmem>>, vector<1x1x16xf32>,
        %parallel_loop3A_216 = vector.shape_cast %parallel_loop3A_215 : vector<1x1x16xf32> to vector<16xf32>
        %parallel_loop3A_217 = arith.mulf %parallel_loop3A_216, %parallel_loop3A_154 : vector<16xf32>
        %parallel_loop3A_218 = arith.constant 1 : i32
        %parallel_loop3A_219 = arith.index_cast %parallel_loop3A_218 : i32 to index
        %parallel_loop3A_220 = arith.index_cast %parallel_loop3A_148 : i32 to index
        %parallel_loop3A_221 = arith.constant 64 : index
        %parallel_loop3A_222 = tpu.vector_load %arg10[%parallel_loop3A_219, %parallel_loop3A_220, %parallel_loop3A_221] {strides = array<i32>} : memref<2x80x128xf32, #tpu.memory_space<vmem>>, vector<1x1x16xf32>,
        %parallel_loop3A_223 = vector.shape_cast %parallel_loop3A_222 : vector<1x1x16xf32> to vector<16xf32>
        %parallel_loop3A_224 = vector.shape_cast %parallel_loop3A_217 : vector<16xf32> to vector<1x1x16xf32>
        tpu.vector_store %arg10[%parallel_loop3A_219, %parallel_loop3A_220, %parallel_loop3A_221], %parallel_loop3A_224 {strides = array<i32>} : memref<2x80x128xf32, #tpu.memory_space<vmem>>, vector<1x1x16xf32>,
        %parallel_loop3A_225 = arith.constant 1 : i32
        %parallel_loop3A_226 = arith.index_cast %parallel_loop3A_225 : i32 to index
        %parallel_loop3A_227 = arith.index_cast %parallel_loop3A_148 : i32 to index
        %parallel_loop3A_228 = arith.constant 80 : index
        %parallel_loop3A_229 = tpu.vector_load %arg10[%parallel_loop3A_226, %parallel_loop3A_227, %parallel_loop3A_228] {strides = array<i32>} : memref<2x80x128xf32, #tpu.memory_space<vmem>>, vector<1x1x16xf32>,
        %parallel_loop3A_230 = vector.shape_cast %parallel_loop3A_229 : vector<1x1x16xf32> to vector<16xf32>
        %parallel_loop3A_231 = arith.mulf %parallel_loop3A_230, %parallel_loop3A_154 : vector<16xf32>
        %parallel_loop3A_232 = arith.constant 1 : i32
        %parallel_loop3A_233 = arith.index_cast %parallel_loop3A_232 : i32 to index
        %parallel_loop3A_234 = arith.index_cast %parallel_loop3A_148 : i32 to index
        %parallel_loop3A_235 = arith.constant 80 : index
        %parallel_loop3A_236 = tpu.vector_load %arg10[%parallel_loop3A_233, %parallel_loop3A_234, %parallel_loop3A_235] {strides = array<i32>} : memref<2x80x128xf32, #tpu.memory_space<vmem>>, vector<1x1x16xf32>,
        %parallel_loop3A_237 = vector.shape_cast %parallel_loop3A_236 : vector<1x1x16xf32> to vector<16xf32>
        %parallel_loop3A_238 = vector.shape_cast %parallel_loop3A_231 : vector<16xf32> to vector<1x1x16xf32>
        tpu.vector_store %arg10[%parallel_loop3A_233, %parallel_loop3A_234, %parallel_loop3A_235], %parallel_loop3A_238 {strides = array<i32>} : memref<2x80x128xf32, #tpu.memory_space<vmem>>, vector<1x1x16xf32>,
        %parallel_loop3A_239 = arith.constant 1 : i32
        %parallel_loop3A_240 = arith.index_cast %parallel_loop3A_239 : i32 to index
        %parallel_loop3A_241 = arith.index_cast %parallel_loop3A_148 : i32 to index
        %parallel_loop3A_242 = arith.constant 96 : index
        %parallel_loop3A_243 = tpu.vector_load %arg10[%parallel_loop3A_240, %parallel_loop3A_241, %parallel_loop3A_242] {strides = array<i32>} : memref<2x80x128xf32, #tpu.memory_space<vmem>>, vector<1x1x16xf32>,
        %parallel_loop3A_244 = vector.shape_cast %parallel_loop3A_243 : vector<1x1x16xf32> to vector<16xf32>
        %parallel_loop3A_245 = arith.mulf %parallel_loop3A_244, %parallel_loop3A_154 : vector<16xf32>
        %parallel_loop3A_246 = arith.constant 1 : i32
        %parallel_loop3A_247 = arith.index_cast %parallel_loop3A_246 : i32 to index
        %parallel_loop3A_248 = arith.index_cast %parallel_loop3A_148 : i32 to index
        %parallel_loop3A_249 = arith.constant 96 : index
        %parallel_loop3A_250 = tpu.vector_load %arg10[%parallel_loop3A_247, %parallel_loop3A_248, %parallel_loop3A_249] {strides = array<i32>} : memref<2x80x128xf32, #tpu.memory_space<vmem>>, vector<1x1x16xf32>,
        %parallel_loop3A_251 = vector.shape_cast %parallel_loop3A_250 : vector<1x1x16xf32> to vector<16xf32>
        %parallel_loop3A_252 = vector.shape_cast %parallel_loop3A_245 : vector<16xf32> to vector<1x1x16xf32>
        tpu.vector_store %arg10[%parallel_loop3A_247, %parallel_loop3A_248, %parallel_loop3A_249], %parallel_loop3A_252 {strides = array<i32>} : memref<2x80x128xf32, #tpu.memory_space<vmem>>, vector<1x1x16xf32>,
        %parallel_loop3A_253 = arith.constant 1 : i32
        %parallel_loop3A_254 = arith.index_cast %parallel_loop3A_253 : i32 to index
        %parallel_loop3A_255 = arith.index_cast %parallel_loop3A_148 : i32 to index
        %parallel_loop3A_256 = arith.constant 112 : index
        %parallel_loop3A_257 = tpu.vector_load %arg10[%parallel_loop3A_254, %parallel_loop3A_255, %parallel_loop3A_256] {strides = array<i32>} : memref<2x80x128xf32, #tpu.memory_space<vmem>>, vector<1x1x16xf32>,
        %parallel_loop3A_258 = vector.shape_cast %parallel_loop3A_257 : vector<1x1x16xf32> to vector<16xf32>
        %parallel_loop3A_259 = arith.mulf %parallel_loop3A_258, %parallel_loop3A_154 : vector<16xf32>
        %parallel_loop3A_260 = arith.constant 1 : i32
        %parallel_loop3A_261 = arith.index_cast %parallel_loop3A_260 : i32 to index
        %parallel_loop3A_262 = arith.index_cast %parallel_loop3A_148 : i32 to index
        %parallel_loop3A_263 = arith.constant 112 : index
        %parallel_loop3A_264 = tpu.vector_load %arg10[%parallel_loop3A_261, %parallel_loop3A_262, %parallel_loop3A_263] {strides = array<i32>} : memref<2x80x128xf32, #tpu.memory_space<vmem>>, vector<1x1x16xf32>,
        %parallel_loop3A_265 = vector.shape_cast %parallel_loop3A_264 : vector<1x1x16xf32> to vector<16xf32>
        %parallel_loop3A_266 = vector.shape_cast %parallel_loop3A_259 : vector<16xf32> to vector<1x1x16xf32>
        tpu.vector_store %arg10[%parallel_loop3A_261, %parallel_loop3A_262, %parallel_loop3A_263], %parallel_loop3A_266 {strides = array<i32>} : memref<2x80x128xf32, #tpu.memory_space<vmem>>, vector<1x1x16xf32>,
      } {sc.loop_unroll_factor = 4 : i64, sc.parallel_access}
      %run_scoped3A_146 = arith.constant 1 : i32
      %run_scoped3A_147 = arith.constant 1 : i32
      "tpu.region"() ({
        %run_scoped3A_148 = tpu.sem_alloc : memref<!tpu.dma_semaphore, #tpu.memory_space<semaphore_mem>>
        %dma_start3A_149 = arith.constant 0 : i32
        %dma_start3A_150 = arith.constant 0 : i32
        %dma_start3A_151 = tpu.memref_slice %arg10[%run_scoped3A_146, %dma_start3A_149, %dma_start3A_150] : memref<2x80x128xf32, #tpu.memory_space<vmem>> -> memref<1x80x128xf32, #tpu.memory_space<vmem>>
        %dma_start3A_152 = tpu.memref_squeeze %dma_start3A_151 : memref<1x80x128xf32, #tpu.memory_space<vmem>> -> memref<80x128xf32, #tpu.memory_space<vmem>>
        %dma_start3A_153 = arith.constant 0 : i32
        %dma_start3A_154 = tpu.memref_slice %arg8[%run_scoped3A_147, %dma_start3A_153] : memref<2x80xi32, #tpu.memory_space<vmem>> -> memref<1x80xi32, #tpu.memory_space<vmem>>
        %dma_start3A_155 = tpu.memref_squeeze %dma_start3A_154 : memref<1x80xi32, #tpu.memory_space<vmem>> -> memref<80xi32, #tpu.memory_space<vmem>>
        %dma_start3A_156 = arith.constant 0 : i32
        %dma_start3A_157 = arith.constant 0 : i32
        %dma_start3A_158 = tpu.memref_slice %arg13[%dma_start3A_156, %dma_start3A_157] : memref<10240x128xf32, #tpu.memory_space<vmem_shared>> -> memref<10240x128xf32, #tpu.memory_space<vmem_shared>>
        tpu.enqueue_indirect_dma source(%dma_start3A_152 : memref<80x128xf32, #tpu.memory_space<vmem>>) target(%dma_start3A_158 : memref<10240x128xf32, #tpu.memory_space<vmem_shared>>) offsets(%dma_start3A_155 : memref<80xi32, #tpu.memory_space<vmem>>) semaphore(%run_scoped3A_148 : memref<!tpu.dma_semaphore, #tpu.memory_space<semaphore_mem>>) {add = true}
        %dma_wait3A_159 = arith.constant 0 : i32
        %dma_wait3A_160 = arith.constant 0 : i32
        %dma_wait3A_161 = tpu.memref_slice %arg10[%run_scoped3A_146, %dma_wait3A_159, %dma_wait3A_160] : memref<2x80x128xf32, #tpu.memory_space<vmem>> -> memref<1x80x128xf32, #tpu.memory_space<vmem>>
        %dma_wait3A_162 = tpu.memref_squeeze %dma_wait3A_161 : memref<1x80x128xf32, #tpu.memory_space<vmem>> -> memref<80x128xf32, #tpu.memory_space<vmem>>
        %dma_wait3A_163 = arith.constant 0 : i32
        %dma_wait3A_164 = tpu.memref_slice %arg8[%run_scoped3A_147, %dma_wait3A_163] : memref<2x80xi32, #tpu.memory_space<vmem>> -> memref<1x80xi32, #tpu.memory_space<vmem>>
        %dma_wait3A_165 = tpu.memref_squeeze %dma_wait3A_164 : memref<1x80xi32, #tpu.memory_space<vmem>> -> memref<80xi32, #tpu.memory_space<vmem>>
        %dma_wait3A_166 = arith.constant 0 : i32
        %dma_wait3A_167 = arith.constant 0 : i32
        %dma_wait3A_168 = tpu.memref_slice %arg13[%dma_wait3A_166, %dma_wait3A_167] : memref<10240x128xf32, #tpu.memory_space<vmem_shared>> -> memref<10240x128xf32, #tpu.memory_space<vmem_shared>>
        tpu.wait_indirect_dma semaphore(%run_scoped3A_148 : memref<!tpu.dma_semaphore, #tpu.memory_space<semaphore_mem>>) src(%dma_wait3A_162 : memref<80x128xf32, #tpu.memory_space<vmem>>) dst(%dma_wait3A_168 : memref<10240x128xf32, #tpu.memory_space<vmem_shared>>)
        tpu.yield
      }) : () -> ()
    }
    %scan3A_50 = arith.constant 62 : i32
    %dma_wait3A = arith.constant 0 : i32
    %dma_wait3A_51 = arith.constant 0 : i32
    %dma_wait3A_52 = arith.constant 0 : i32
    %dma_wait3A_53 = arith.constant 0 : i32
    %dma_wait3A_54 = tpu.memref_slice %arg10[%dma_wait3A_51, %dma_wait3A_52, %dma_wait3A_53] : memref<2x80x128xf32, #tpu.memory_space<vmem>> -> memref<1x80x128xf32, #tpu.memory_space<vmem>>
    %dma_wait3A_55 = tpu.memref_squeeze %dma_wait3A_54 : memref<1x80x128xf32, #tpu.memory_space<vmem>> -> memref<80x128xf32, #tpu.memory_space<vmem>>
    %dma_wait3A_56 = arith.constant 0 : i32
    %dma_wait3A_57 = tpu.memref_slice %arg7[%dma_wait3A, %dma_wait3A_56] : memref<2x80xi32, #tpu.memory_space<vmem>> -> memref<1x80xi32, #tpu.memory_space<vmem>>
    %dma_wait3A_58 = tpu.memref_squeeze %dma_wait3A_57 : memref<1x80xi32, #tpu.memory_space<vmem>> -> memref<80xi32, #tpu.memory_space<vmem>>
    %dma_wait3A_59 = arith.constant 0 : i32
    %dma_wait3A_60 = arith.constant 0 : i32
    %dma_wait3A_61 = tpu.memref_slice %arg2[%dma_wait3A_59, %dma_wait3A_60] : memref<10000x128xf32, #tpu.memory_space<hbm>> -> memref<10000x128xf32, #tpu.memory_space<hbm>>
    tpu.wait_indirect_dma semaphore(%arg11 : memref<!tpu.dma_semaphore, #tpu.memory_space<semaphore_mem>>) src(%dma_wait3A_61 : memref<10000x128xf32, #tpu.memory_space<hbm>>) dst(%dma_wait3A_55 : memref<80x128xf32, #tpu.memory_space<vmem>>)
    %parallel_loop3A_62 = arith.constant 0 : i32
    %parallel_loop3A_63 = arith.constant 80 : i32
    %parallel_loop3A_64 = arith.constant 1 : i32
    scf.for %parallel_loop3A_71 = %parallel_loop3A_62 to %parallel_loop3A_63 step %parallel_loop3A_64  : i32 {
      %parallel_loop3A_72 = arith.constant 0 : i32
      %parallel_loop3A_73 = arith.index_cast %parallel_loop3A_72 : i32 to index
      %parallel_loop3A_74 = arith.index_cast %parallel_loop3A_71 : i32 to index
      %parallel_loop3A_75 = arith.constant 0 : index
      %parallel_loop3A_76 = tpu.vector_load %arg9[%parallel_loop3A_73, %parallel_loop3A_74, %parallel_loop3A_75] {strides = array<i32>} : memref<2x80x16xf32, #tpu.memory_space<vmem>>, vector<1x1x16xf32>,
      %parallel_loop3A_77 = vector.shape_cast %parallel_loop3A_76 : vector<1x1x16xf32> to vector<16xf32>
      %parallel_loop3A_78 = arith.constant 0 : i32
      %parallel_loop3A_79 = arith.index_cast %parallel_loop3A_78 : i32 to index
      %parallel_loop3A_80 = arith.index_cast %parallel_loop3A_71 : i32 to index
      %parallel_loop3A_81 = arith.constant 0 : index
      %parallel_loop3A_82 = tpu.vector_load %arg10[%parallel_loop3A_79, %parallel_loop3A_80, %parallel_loop3A_81] {strides = array<i32>} : memref<2x80x128xf32, #tpu.memory_space<vmem>>, vector<1x1x16xf32>,
      %parallel_loop3A_83 = vector.shape_cast %parallel_loop3A_82 : vector<1x1x16xf32> to vector<16xf32>
      %parallel_loop3A_84 = arith.mulf %parallel_loop3A_83, %parallel_loop3A_77 : vector<16xf32>
      %parallel_loop3A_85 = arith.constant 0 : i32
      %parallel_loop3A_86 = arith.index_cast %parallel_loop3A_85 : i32 to index
      %parallel_loop3A_87 = arith.index_cast %parallel_loop3A_71 : i32 to index
      %parallel_loop3A_88 = arith.constant 0 : index
      %parallel_loop3A_89 = tpu.vector_load %arg10[%parallel_loop3A_86, %parallel_loop3A_87, %parallel_loop3A_88] {strides = array<i32>} : memref<2x80x128xf32, #tpu.memory_space<vmem>>, vector<1x1x16xf32>,
      %parallel_loop3A_90 = vector.shape_cast %parallel_loop3A_89 : vector<1x1x16xf32> to vector<16xf32>
      %parallel_loop3A_91 = vector.shape_cast %parallel_loop3A_84 : vector<16xf32> to vector<1x1x16xf32>
      tpu.vector_store %arg10[%parallel_loop3A_86, %parallel_loop3A_87, %parallel_loop3A_88], %parallel_loop3A_91 {strides = array<i32>} : memref<2x80x128xf32, #tpu.memory_space<vmem>>, vector<1x1x16xf32>,
      %parallel_loop3A_92 = arith.constant 0 : i32
      %parallel_loop3A_93 = arith.index_cast %parallel_loop3A_92 : i32 to index
      %parallel_loop3A_94 = arith.index_cast %parallel_loop3A_71 : i32 to index
      %parallel_loop3A_95 = arith.constant 16 : index
      %parallel_loop3A_96 = tpu.vector_load %arg10[%parallel_loop3A_93, %parallel_loop3A_94, %parallel_loop3A_95] {strides = array<i32>} : memref<2x80x128xf32, #tpu.memory_space<vmem>>, vector<1x1x16xf32>,
      %parallel_loop3A_97 = vector.shape_cast %parallel_loop3A_96 : vector<1x1x16xf32> to vector<16xf32>
      %parallel_loop3A_98 = arith.mulf %parallel_loop3A_97, %parallel_loop3A_77 : vector<16xf32>
      %parallel_loop3A_99 = arith.constant 0 : i32
      %parallel_loop3A_100 = arith.index_cast %parallel_loop3A_99 : i32 to index
      %parallel_loop3A_101 = arith.index_cast %parallel_loop3A_71 : i32 to index
      %parallel_loop3A_102 = arith.constant 16 : index
      %parallel_loop3A_103 = tpu.vector_load %arg10[%parallel_loop3A_100, %parallel_loop3A_101, %parallel_loop3A_102] {strides = array<i32>} : memref<2x80x128xf32, #tpu.memory_space<vmem>>, vector<1x1x16xf32>,
      %parallel_loop3A_104 = vector.shape_cast %parallel_loop3A_103 : vector<1x1x16xf32> to vector<16xf32>
      %parallel_loop3A_105 = vector.shape_cast %parallel_loop3A_98 : vector<16xf32> to vector<1x1x16xf32>
      tpu.vector_store %arg10[%parallel_loop3A_100, %parallel_loop3A_101, %parallel_loop3A_102], %parallel_loop3A_105 {strides = array<i32>} : memref<2x80x128xf32, #tpu.memory_space<vmem>>, vector<1x1x16xf32>,
      %parallel_loop3A_106 = arith.constant 0 : i32
      %parallel_loop3A_107 = arith.index_cast %parallel_loop3A_106 : i32 to index
      %parallel_loop3A_108 = arith.index_cast %parallel_loop3A_71 : i32 to index
      %parallel_loop3A_109 = arith.constant 32 : index
      %parallel_loop3A_110 = tpu.vector_load %arg10[%parallel_loop3A_107, %parallel_loop3A_108, %parallel_loop3A_109] {strides = array<i32>} : memref<2x80x128xf32, #tpu.memory_space<vmem>>, vector<1x1x16xf32>,
      %parallel_loop3A_111 = vector.shape_cast %parallel_loop3A_110 : vector<1x1x16xf32> to vector<16xf32>
      %parallel_loop3A_112 = arith.mulf %parallel_loop3A_111, %parallel_loop3A_77 : vector<16xf32>
      %parallel_loop3A_113 = arith.constant 0 : i32
      %parallel_loop3A_114 = arith.index_cast %parallel_loop3A_113 : i32 to index
      %parallel_loop3A_115 = arith.index_cast %parallel_loop3A_71 : i32 to index
      %parallel_loop3A_116 = arith.constant 32 : index
      %parallel_loop3A_117 = tpu.vector_load %arg10[%parallel_loop3A_114, %parallel_loop3A_115, %parallel_loop3A_116] {strides = array<i32>} : memref<2x80x128xf32, #tpu.memory_space<vmem>>, vector<1x1x16xf32>,
      %parallel_loop3A_118 = vector.shape_cast %parallel_loop3A_117 : vector<1x1x16xf32> to vector<16xf32>
      %parallel_loop3A_119 = vector.shape_cast %parallel_loop3A_112 : vector<16xf32> to vector<1x1x16xf32>
      tpu.vector_store %arg10[%parallel_loop3A_114, %parallel_loop3A_115, %parallel_loop3A_116], %parallel_loop3A_119 {strides = array<i32>} : memref<2x80x128xf32, #tpu.memory_space<vmem>>, vector<1x1x16xf32>,
      %parallel_loop3A_120 = arith.constant 0 : i32
      %parallel_loop3A_121 = arith.index_cast %parallel_loop3A_120 : i32 to index
      %parallel_loop3A_122 = arith.index_cast %parallel_loop3A_71 : i32 to index
      %parallel_loop3A_123 = arith.constant 48 : index
      %parallel_loop3A_124 = tpu.vector_load %arg10[%parallel_loop3A_121, %parallel_loop3A_122, %parallel_loop3A_123] {strides = array<i32>} : memref<2x80x128xf32, #tpu.memory_space<vmem>>, vector<1x1x16xf32>,
      %parallel_loop3A_125 = vector.shape_cast %parallel_loop3A_124 : vector<1x1x16xf32> to vector<16xf32>
      %parallel_loop3A_126 = arith.mulf %parallel_loop3A_125, %parallel_loop3A_77 : vector<16xf32>
      %parallel_loop3A_127 = arith.constant 0 : i32
      %parallel_loop3A_128 = arith.index_cast %parallel_loop3A_127 : i32 to index
      %parallel_loop3A_129 = arith.index_cast %parallel_loop3A_71 : i32 to index
      %parallel_loop3A_130 = arith.constant 48 : index
      %parallel_loop3A_131 = tpu.vector_load %arg10[%parallel_loop3A_128, %parallel_loop3A_129, %parallel_loop3A_130] {strides = array<i32>} : memref<2x80x128xf32, #tpu.memory_space<vmem>>, vector<1x1x16xf32>,
      %parallel_loop3A_132 = vector.shape_cast %parallel_loop3A_131 : vector<1x1x16xf32> to vector<16xf32>
      %parallel_loop3A_133 = vector.shape_cast %parallel_loop3A_126 : vector<16xf32> to vector<1x1x16xf32>
      tpu.vector_store %arg10[%parallel_loop3A_128, %parallel_loop3A_129, %parallel_loop3A_130], %parallel_loop3A_133 {strides = array<i32>} : memref<2x80x128xf32, #tpu.memory_space<vmem>>, vector<1x1x16xf32>,
      %parallel_loop3A_134 = arith.constant 0 : i32
      %parallel_loop3A_135 = arith.index_cast %parallel_loop3A_134 : i32 to index
      %parallel_loop3A_136 = arith.index_cast %parallel_loop3A_71 : i32 to index
      %parallel_loop3A_137 = arith.constant 64 : index
      %parallel_loop3A_138 = tpu.vector_load %arg10[%parallel_loop3A_135, %parallel_loop3A_136, %parallel_loop3A_137] {strides = array<i32>} : memref<2x80x128xf32, #tpu.memory_space<vmem>>, vector<1x1x16xf32>,
      %parallel_loop3A_139 = vector.shape_cast %parallel_loop3A_138 : vector<1x1x16xf32> to vector<16xf32>
      %parallel_loop3A_140 = arith.mulf %parallel_loop3A_139, %parallel_loop3A_77 : vector<16xf32>
      %parallel_loop3A_141 = arith.constant 0 : i32
      %parallel_loop3A_142 = arith.index_cast %parallel_loop3A_141 : i32 to index
      %parallel_loop3A_143 = arith.index_cast %parallel_loop3A_71 : i32 to index
      %parallel_loop3A_144 = arith.constant 64 : index
      %parallel_loop3A_145 = tpu.vector_load %arg10[%parallel_loop3A_142, %parallel_loop3A_143, %parallel_loop3A_144] {strides = array<i32>} : memref<2x80x128xf32, #tpu.memory_space<vmem>>, vector<1x1x16xf32>,
      %parallel_loop3A_146 = vector.shape_cast %parallel_loop3A_145 : vector<1x1x16xf32> to vector<16xf32>
      %parallel_loop3A_147 = vector.shape_cast %parallel_loop3A_140 : vector<16xf32> to vector<1x1x16xf32>
      tpu.vector_store %arg10[%parallel_loop3A_142, %parallel_loop3A_143, %parallel_loop3A_144], %parallel_loop3A_147 {strides = array<i32>} : memref<2x80x128xf32, #tpu.memory_space<vmem>>, vector<1x1x16xf32>,
      %parallel_loop3A_148 = arith.constant 0 : i32
      %parallel_loop3A_149 = arith.index_cast %parallel_loop3A_148 : i32 to index
      %parallel_loop3A_150 = arith.index_cast %parallel_loop3A_71 : i32 to index
      %parallel_loop3A_151 = arith.constant 80 : index
      %parallel_loop3A_152 = tpu.vector_load %arg10[%parallel_loop3A_149, %parallel_loop3A_150, %parallel_loop3A_151] {strides = array<i32>} : memref<2x80x128xf32, #tpu.memory_space<vmem>>, vector<1x1x16xf32>,
      %parallel_loop3A_153 = vector.shape_cast %parallel_loop3A_152 : vector<1x1x16xf32> to vector<16xf32>
      %parallel_loop3A_154 = arith.mulf %parallel_loop3A_153, %parallel_loop3A_77 : vector<16xf32>
      %parallel_loop3A_155 = arith.constant 0 : i32
      %parallel_loop3A_156 = arith.index_cast %parallel_loop3A_155 : i32 to index
      %parallel_loop3A_157 = arith.index_cast %parallel_loop3A_71 : i32 to index
      %parallel_loop3A_158 = arith.constant 80 : index
      %parallel_loop3A_159 = tpu.vector_load %arg10[%parallel_loop3A_156, %parallel_loop3A_157, %parallel_loop3A_158] {strides = array<i32>} : memref<2x80x128xf32, #tpu.memory_space<vmem>>, vector<1x1x16xf32>,
      %parallel_loop3A_160 = vector.shape_cast %parallel_loop3A_159 : vector<1x1x16xf32> to vector<16xf32>
      %parallel_loop3A_161 = vector.shape_cast %parallel_loop3A_154 : vector<16xf32> to vector<1x1x16xf32>
      tpu.vector_store %arg10[%parallel_loop3A_156, %parallel_loop3A_157, %parallel_loop3A_158], %parallel_loop3A_161 {strides = array<i32>} : memref<2x80x128xf32, #tpu.memory_space<vmem>>, vector<1x1x16xf32>,
      %parallel_loop3A_162 = arith.constant 0 : i32
      %parallel_loop3A_163 = arith.index_cast %parallel_loop3A_162 : i32 to index
      %parallel_loop3A_164 = arith.index_cast %parallel_loop3A_71 : i32 to index
      %parallel_loop3A_165 = arith.constant 96 : index
      %parallel_loop3A_166 = tpu.vector_load %arg10[%parallel_loop3A_163, %parallel_loop3A_164, %parallel_loop3A_165] {strides = array<i32>} : memref<2x80x128xf32, #tpu.memory_space<vmem>>, vector<1x1x16xf32>,
      %parallel_loop3A_167 = vector.shape_cast %parallel_loop3A_166 : vector<1x1x16xf32> to vector<16xf32>
      %parallel_loop3A_168 = arith.mulf %parallel_loop3A_167, %parallel_loop3A_77 : vector<16xf32>
      %parallel_loop3A_169 = arith.constant 0 : i32
      %parallel_loop3A_170 = arith.index_cast %parallel_loop3A_169 : i32 to index
      %parallel_loop3A_171 = arith.index_cast %parallel_loop3A_71 : i32 to index
      %parallel_loop3A_172 = arith.constant 96 : index
      %parallel_loop3A_173 = tpu.vector_load %arg10[%parallel_loop3A_170, %parallel_loop3A_171, %parallel_loop3A_172] {strides = array<i32>} : memref<2x80x128xf32, #tpu.memory_space<vmem>>, vector<1x1x16xf32>,
      %parallel_loop3A_174 = vector.shape_cast %parallel_loop3A_173 : vector<1x1x16xf32> to vector<16xf32>
      %parallel_loop3A_175 = vector.shape_cast %parallel_loop3A_168 : vector<16xf32> to vector<1x1x16xf32>
      tpu.vector_store %arg10[%parallel_loop3A_170, %parallel_loop3A_171, %parallel_loop3A_172], %parallel_loop3A_175 {strides = array<i32>} : memref<2x80x128xf32, #tpu.memory_space<vmem>>, vector<1x1x16xf32>,
      %parallel_loop3A_176 = arith.constant 0 : i32
      %parallel_loop3A_177 = arith.index_cast %parallel_loop3A_176 : i32 to index
      %parallel_loop3A_178 = arith.index_cast %parallel_loop3A_71 : i32 to index
      %parallel_loop3A_179 = arith.constant 112 : index
      %parallel_loop3A_180 = tpu.vector_load %arg10[%parallel_loop3A_177, %parallel_loop3A_178, %parallel_loop3A_179] {strides = array<i32>} : memref<2x80x128xf32, #tpu.memory_space<vmem>>, vector<1x1x16xf32>,
      %parallel_loop3A_181 = vector.shape_cast %parallel_loop3A_180 : vector<1x1x16xf32> to vector<16xf32>
      %parallel_loop3A_182 = arith.mulf %parallel_loop3A_181, %parallel_loop3A_77 : vector<16xf32>
      %parallel_loop3A_183 = arith.constant 0 : i32
      %parallel_loop3A_184 = arith.index_cast %parallel_loop3A_183 : i32 to index
      %parallel_loop3A_185 = arith.index_cast %parallel_loop3A_71 : i32 to index
      %parallel_loop3A_186 = arith.constant 112 : index
      %parallel_loop3A_187 = tpu.vector_load %arg10[%parallel_loop3A_184, %parallel_loop3A_185, %parallel_loop3A_186] {strides = array<i32>} : memref<2x80x128xf32, #tpu.memory_space<vmem>>, vector<1x1x16xf32>,
      %parallel_loop3A_188 = vector.shape_cast %parallel_loop3A_187 : vector<1x1x16xf32> to vector<16xf32>
      %parallel_loop3A_189 = vector.shape_cast %parallel_loop3A_182 : vector<16xf32> to vector<1x1x16xf32>
      tpu.vector_store %arg10[%parallel_loop3A_184, %parallel_loop3A_185, %parallel_loop3A_186], %parallel_loop3A_189 {strides = array<i32>} : memref<2x80x128xf32, #tpu.memory_space<vmem>>, vector<1x1x16xf32>,
    } {sc.loop_unroll_factor = 4 : i64, sc.parallel_access}
    %run_scoped3A_65 = arith.constant 0 : i32
    %run_scoped3A_66 = arith.constant 0 : i32
    "tpu.region"() ({
      %run_scoped3A_71 = tpu.sem_alloc : memref<!tpu.dma_semaphore, #tpu.memory_space<semaphore_mem>>
      %dma_start3A_72 = arith.constant 0 : i32
      %dma_start3A_73 = arith.constant 0 : i32
      %dma_start3A_74 = tpu.memref_slice %arg10[%run_scoped3A_65, %dma_start3A_72, %dma_start3A_73] : memref<2x80x128xf32, #tpu.memory_space<vmem>> -> memref<1x80x128xf32, #tpu.memory_space<vmem>>
      %dma_start3A_75 = tpu.memref_squeeze %dma_start3A_74 : memref<1x80x128xf32, #tpu.memory_space<vmem>> -> memref<80x128xf32, #tpu.memory_space<vmem>>
      %dma_start3A_76 = arith.constant 0 : i32
      %dma_start3A_77 = tpu.memref_slice %arg8[%run_scoped3A_66, %dma_start3A_76] : memref<2x80xi32, #tpu.memory_space<vmem>> -> memref<1x80xi32, #tpu.memory_space<vmem>>
      %dma_start3A_78 = tpu.memref_squeeze %dma_start3A_77 : memref<1x80xi32, #tpu.memory_space<vmem>> -> memref<80xi32, #tpu.memory_space<vmem>>
      %dma_start3A_79 = arith.constant 0 : i32
      %dma_start3A_80 = arith.constant 0 : i32
      %dma_start3A_81 = tpu.memref_slice %arg13[%dma_start3A_79, %dma_start3A_80] : memref<10240x128xf32, #tpu.memory_space<vmem_shared>> -> memref<10240x128xf32, #tpu.memory_space<vmem_shared>>
      tpu.enqueue_indirect_dma source(%dma_start3A_75 : memref<80x128xf32, #tpu.memory_space<vmem>>) target(%dma_start3A_81 : memref<10240x128xf32, #tpu.memory_space<vmem_shared>>) offsets(%dma_start3A_78 : memref<80xi32, #tpu.memory_space<vmem>>) semaphore(%run_scoped3A_71 : memref<!tpu.dma_semaphore, #tpu.memory_space<semaphore_mem>>) {add = true}
      %dma_wait3A_82 = arith.constant 0 : i32
      %dma_wait3A_83 = arith.constant 0 : i32
      %dma_wait3A_84 = tpu.memref_slice %arg10[%run_scoped3A_65, %dma_wait3A_82, %dma_wait3A_83] : memref<2x80x128xf32, #tpu.memory_space<vmem>> -> memref<1x80x128xf32, #tpu.memory_space<vmem>>
      %dma_wait3A_85 = tpu.memref_squeeze %dma_wait3A_84 : memref<1x80x128xf32, #tpu.memory_space<vmem>> -> memref<80x128xf32, #tpu.memory_space<vmem>>
      %dma_wait3A_86 = arith.constant 0 : i32
      %dma_wait3A_87 = tpu.memref_slice %arg8[%run_scoped3A_66, %dma_wait3A_86] : memref<2x80xi32, #tpu.memory_space<vmem>> -> memref<1x80xi32, #tpu.memory_space<vmem>>
      %dma_wait3A_88 = tpu.memref_squeeze %dma_wait3A_87 : memref<1x80xi32, #tpu.memory_space<vmem>> -> memref<80xi32, #tpu.memory_space<vmem>>
      %dma_wait3A_89 = arith.constant 0 : i32
      %dma_wait3A_90 = arith.constant 0 : i32
      %dma_wait3A_91 = tpu.memref_slice %arg13[%dma_wait3A_89, %dma_wait3A_90] : memref<10240x128xf32, #tpu.memory_space<vmem_shared>> -> memref<10240x128xf32, #tpu.memory_space<vmem_shared>>
      tpu.wait_indirect_dma semaphore(%run_scoped3A_71 : memref<!tpu.dma_semaphore, #tpu.memory_space<semaphore_mem>>) src(%dma_wait3A_85 : memref<80x128xf32, #tpu.memory_space<vmem>>) dst(%dma_wait3A_91 : memref<10240x128xf32, #tpu.memory_space<vmem_shared>>)
      tpu.yield
    }) : () -> ()
    %barrier3A_67 = arith.constant 0 : index
    tpu.barrier barrier_id(%barrier3A_67)
    %mul3A_68 = arith.constant 10240 : i32
    %mul3A_69 = arith.muli %arg0, %mul3A_68 : i32
    %add3A_70 = arith.addi %mul3A_69, %mul3A_6 : i32
    "tpu.region"() ({
      %run_scoped3A_71 = tpu.sem_alloc : memref<!tpu.dma_semaphore, #tpu.memory_space<semaphore_mem>>
      %dma_start3A_72 = arith.constant 0 : i32
      %dma_start3A_73 = tpu.memref_slice %arg6[%add3A_70, %dma_start3A_72] : memref<20480x128xf32, #tpu.memory_space<hbm>> -> memref<640x128xf32, #tpu.memory_space<hbm>>
      %dma_start3A_74 = arith.constant 0 : i32
      %dma_start3A_75 = tpu.memref_slice %arg13[%mul3A_6, %dma_start3A_74] : memref<10240x128xf32, #tpu.memory_space<vmem_shared>> -> memref<640x128xf32, #tpu.memory_space<vmem_shared>>
      tpu.enqueue_dma source(%dma_start3A_75 : memref<640x128xf32, #tpu.memory_space<vmem_shared>>) target(%dma_start3A_73 : memref<640x128xf32, #tpu.memory_space<hbm>>) target_semaphore(%run_scoped3A_71 : memref<!tpu.dma_semaphore, #tpu.memory_space<semaphore_mem>>)
      %dma_wait3A_76 = arith.constant 0 : i32
      %dma_wait3A_77 = tpu.memref_slice %arg6[%add3A_70, %dma_wait3A_76] : memref<20480x128xf32, #tpu.memory_space<hbm>> -> memref<640x128xf32, #tpu.memory_space<hbm>>
      %dma_wait3A_78 = arith.constant 0 : i32
      %dma_wait3A_79 = tpu.memref_slice %arg13[%mul3A_6, %dma_wait3A_78] : memref<10240x128xf32, #tpu.memory_space<vmem_shared>> -> memref<640x128xf32, #tpu.memory_space<vmem_shared>>
      tpu.wait_dma2 semaphore(%run_scoped3A_71 : memref<!tpu.dma_semaphore, #tpu.memory_space<semaphore_mem>>) src(%dma_wait3A_79 : memref<640x128xf32, #tpu.memory_space<vmem_shared>>) dst(%dma_wait3A_77 : memref<640x128xf32, #tpu.memory_space<hbm>>)
      tpu.yield
    }) : () -> ()
    return
  }
}

#map = affine_map<(d0, d1) -> (0, 0)>
#map1 = affine_map<(d0, d1) -> (0)>
module attributes {stable_mosaic.version = 14 : i64} {
  func.func @_sc_agg_body(%arg0: i32, %arg1: i32, %arg2: memref<10000x128xf32, #tpu.memory_space<hbm>>, %arg3: memref<320000xi32, #tpu.memory_space<hbm>>, %arg4: memref<320000xi32, #tpu.memory_space<hbm>>, %arg5: memref<320000x16xf32, #tpu.memory_space<hbm>>, %arg6: memref<20480x128xf32, #tpu.memory_space<hbm>>, %arg7: memref<2x80xi32, #tpu.memory_space<vmem>>, %arg8: memref<2x80xi32, #tpu.memory_space<vmem>>, %arg9: memref<2x80x16xf32, #tpu.memory_space<vmem>>, %arg10: memref<2x80x128xf32, #tpu.memory_space<vmem>>, %arg11: memref<!tpu.dma_semaphore, #tpu.memory_space<semaphore_mem>>, %arg12: memref<!tpu.dma_semaphore, #tpu.memory_space<semaphore_mem>>, %arg13: memref<10240x128xf32, #tpu.memory_space<vmem_shared>>) attributes {dimension_semantics = [#tpu.dimension_semantics<core_parallel>, #tpu.dimension_semantics<subcore_parallel>], iteration_bounds = array<i64: 2, 16>, scalar_prefetch = 0 : i64, scratch_operands = 7 : i64, tpu.core_type = #tpu.core_type<sc_vector_subcore>, window_params = [{transform_indices = #map}, {transform_indices = #map1}, {transform_indices = #map1}, {transform_indices = #map}, {transform_indices = #map}]} {
    %mul3A = arith.constant 2 : i32
    %mul3A_0 = arith.muli %arg1, %mul3A : i32
    %add3A = arith.addi %mul3A_0, %arg0 : i32
    %mul3A_1 = arith.constant 10000 : i32
    %mul3A_2 = arith.muli %add3A, %mul3A_1 : i32
    %parallel_loop3A = arith.constant 0 : i32
    %parallel_loop3A_3 = arith.constant 80 : i32
    %parallel_loop3A_4 = arith.constant 1 : i32
    scf.for %parallel_loop3A_71 = %parallel_loop3A to %parallel_loop3A_3 step %parallel_loop3A_4  : i32 {
      %parallel_loop3A_72 = arith.constant 0.000000e+00 : f32
      %parallel_loop3A_73 = vector.broadcast %parallel_loop3A_72 : f32 to vector<16xf32>
      %parallel_loop3A_74 = arith.constant 0 : i32
      %parallel_loop3A_75 = arith.index_cast %parallel_loop3A_74 : i32 to index
      %parallel_loop3A_76 = arith.index_cast %parallel_loop3A_71 : i32 to index
      %parallel_loop3A_77 = arith.constant 0 : index
      %parallel_loop3A_78 = tpu.vector_load %arg10[%parallel_loop3A_75, %parallel_loop3A_76, %parallel_loop3A_77] {strides = array<i32>} : memref<2x80x128xf32, #tpu.memory_space<vmem>>, vector<1x1x16xf32>,
      %parallel_loop3A_79 = vector.shape_cast %parallel_loop3A_78 : vector<1x1x16xf32> to vector<16xf32>
      %parallel_loop3A_80 = vector.shape_cast %parallel_loop3A_73 : vector<16xf32> to vector<1x1x16xf32>
      tpu.vector_store %arg10[%parallel_loop3A_75, %parallel_loop3A_76, %parallel_loop3A_77], %parallel_loop3A_80 {strides = array<i32>} : memref<2x80x128xf32, #tpu.memory_space<vmem>>, vector<1x1x16xf32>,
      %parallel_loop3A_81 = arith.constant 0.000000e+00 : f32
      %parallel_loop3A_82 = vector.broadcast %parallel_loop3A_81 : f32 to vector<16xf32>
      %parallel_loop3A_83 = arith.constant 0 : i32
      %parallel_loop3A_84 = arith.index_cast %parallel_loop3A_83 : i32 to index
      %parallel_loop3A_85 = arith.index_cast %parallel_loop3A_71 : i32 to index
      %parallel_loop3A_86 = arith.constant 16 : index
      %parallel_loop3A_87 = tpu.vector_load %arg10[%parallel_loop3A_84, %parallel_loop3A_85, %parallel_loop3A_86] {strides = array<i32>} : memref<2x80x128xf32, #tpu.memory_space<vmem>>, vector<1x1x16xf32>,
      %parallel_loop3A_88 = vector.shape_cast %parallel_loop3A_87 : vector<1x1x16xf32> to vector<16xf32>
      %parallel_loop3A_89 = vector.shape_cast %parallel_loop3A_82 : vector<16xf32> to vector<1x1x16xf32>
      tpu.vector_store %arg10[%parallel_loop3A_84, %parallel_loop3A_85, %parallel_loop3A_86], %parallel_loop3A_89 {strides = array<i32>} : memref<2x80x128xf32, #tpu.memory_space<vmem>>, vector<1x1x16xf32>,
      %parallel_loop3A_90 = arith.constant 0.000000e+00 : f32
      %parallel_loop3A_91 = vector.broadcast %parallel_loop3A_90 : f32 to vector<16xf32>
      %parallel_loop3A_92 = arith.constant 0 : i32
      %parallel_loop3A_93 = arith.index_cast %parallel_loop3A_92 : i32 to index
      %parallel_loop3A_94 = arith.index_cast %parallel_loop3A_71 : i32 to index
      %parallel_loop3A_95 = arith.constant 32 : index
      %parallel_loop3A_96 = tpu.vector_load %arg10[%parallel_loop3A_93, %parallel_loop3A_94, %parallel_loop3A_95] {strides = array<i32>} : memref<2x80x128xf32, #tpu.memory_space<vmem>>, vector<1x1x16xf32>,
      %parallel_loop3A_97 = vector.shape_cast %parallel_loop3A_96 : vector<1x1x16xf32> to vector<16xf32>
      %parallel_loop3A_98 = vector.shape_cast %parallel_loop3A_91 : vector<16xf32> to vector<1x1x16xf32>
      tpu.vector_store %arg10[%parallel_loop3A_93, %parallel_loop3A_94, %parallel_loop3A_95], %parallel_loop3A_98 {strides = array<i32>} : memref<2x80x128xf32, #tpu.memory_space<vmem>>, vector<1x1x16xf32>,
      %parallel_loop3A_99 = arith.constant 0.000000e+00 : f32
      %parallel_loop3A_100 = vector.broadcast %parallel_loop3A_99 : f32 to vector<16xf32>
      %parallel_loop3A_101 = arith.constant 0 : i32
      %parallel_loop3A_102 = arith.index_cast %parallel_loop3A_101 : i32 to index
      %parallel_loop3A_103 = arith.index_cast %parallel_loop3A_71 : i32 to index
      %parallel_loop3A_104 = arith.constant 48 : index
      %parallel_loop3A_105 = tpu.vector_load %arg10[%parallel_loop3A_102, %parallel_loop3A_103, %parallel_loop3A_104] {strides = array<i32>} : memref<2x80x128xf32, #tpu.memory_space<vmem>>, vector<1x1x16xf32>,
      %parallel_loop3A_106 = vector.shape_cast %parallel_loop3A_105 : vector<1x1x16xf32> to vector<16xf32>
      %parallel_loop3A_107 = vector.shape_cast %parallel_loop3A_100 : vector<16xf32> to vector<1x1x16xf32>
      tpu.vector_store %arg10[%parallel_loop3A_102, %parallel_loop3A_103, %parallel_loop3A_104], %parallel_loop3A_107 {strides = array<i32>} : memref<2x80x128xf32, #tpu.memory_space<vmem>>, vector<1x1x16xf32>,
      %parallel_loop3A_108 = arith.constant 0.000000e+00 : f32
      %parallel_loop3A_109 = vector.broadcast %parallel_loop3A_108 : f32 to vector<16xf32>
      %parallel_loop3A_110 = arith.constant 0 : i32
      %parallel_loop3A_111 = arith.index_cast %parallel_loop3A_110 : i32 to index
      %parallel_loop3A_112 = arith.index_cast %parallel_loop3A_71 : i32 to index
      %parallel_loop3A_113 = arith.constant 64 : index
      %parallel_loop3A_114 = tpu.vector_load %arg10[%parallel_loop3A_111, %parallel_loop3A_112, %parallel_loop3A_113] {strides = array<i32>} : memref<2x80x128xf32, #tpu.memory_space<vmem>>, vector<1x1x16xf32>,
      %parallel_loop3A_115 = vector.shape_cast %parallel_loop3A_114 : vector<1x1x16xf32> to vector<16xf32>
      %parallel_loop3A_116 = vector.shape_cast %parallel_loop3A_109 : vector<16xf32> to vector<1x1x16xf32>
      tpu.vector_store %arg10[%parallel_loop3A_111, %parallel_loop3A_112, %parallel_loop3A_113], %parallel_loop3A_116 {strides = array<i32>} : memref<2x80x128xf32, #tpu.memory_space<vmem>>, vector<1x1x16xf32>,
      %parallel_loop3A_117 = arith.constant 0.000000e+00 : f32
      %parallel_loop3A_118 = vector.broadcast %parallel_loop3A_117 : f32 to vector<16xf32>
      %parallel_loop3A_119 = arith.constant 0 : i32
      %parallel_loop3A_120 = arith.index_cast %parallel_loop3A_119 : i32 to index
      %parallel_loop3A_121 = arith.index_cast %parallel_loop3A_71 : i32 to index
      %parallel_loop3A_122 = arith.constant 80 : index
      %parallel_loop3A_123 = tpu.vector_load %arg10[%parallel_loop3A_120, %parallel_loop3A_121, %parallel_loop3A_122] {strides = array<i32>} : memref<2x80x128xf32, #tpu.memory_space<vmem>>, vector<1x1x16xf32>,
      %parallel_loop3A_124 = vector.shape_cast %parallel_loop3A_123 : vector<1x1x16xf32> to vector<16xf32>
      %parallel_loop3A_125 = vector.shape_cast %parallel_loop3A_118 : vector<16xf32> to vector<1x1x16xf32>
      tpu.vector_store %arg10[%parallel_loop3A_120, %parallel_loop3A_121, %parallel_loop3A_122], %parallel_loop3A_125 {strides = array<i32>} : memref<2x80x128xf32, #tpu.memory_space<vmem>>, vector<1x1x16xf32>,
      %parallel_loop3A_126 = arith.constant 0.000000e+00 : f32
      %parallel_loop3A_127 = vector.broadcast %parallel_loop3A_126 : f32 to vector<16xf32>
      %parallel_loop3A_128 = arith.constant 0 : i32
      %parallel_loop3A_129 = arith.index_cast %parallel_loop3A_128 : i32 to index
      %parallel_loop3A_130 = arith.index_cast %parallel_loop3A_71 : i32 to index
      %parallel_loop3A_131 = arith.constant 96 : index
      %parallel_loop3A_132 = tpu.vector_load %arg10[%parallel_loop3A_129, %parallel_loop3A_130, %parallel_loop3A_131] {strides = array<i32>} : memref<2x80x128xf32, #tpu.memory_space<vmem>>, vector<1x1x16xf32>,
      %parallel_loop3A_133 = vector.shape_cast %parallel_loop3A_132 : vector<1x1x16xf32> to vector<16xf32>
      %parallel_loop3A_134 = vector.shape_cast %parallel_loop3A_127 : vector<16xf32> to vector<1x1x16xf32>
      tpu.vector_store %arg10[%parallel_loop3A_129, %parallel_loop3A_130, %parallel_loop3A_131], %parallel_loop3A_134 {strides = array<i32>} : memref<2x80x128xf32, #tpu.memory_space<vmem>>, vector<1x1x16xf32>,
      %parallel_loop3A_135 = arith.constant 0.000000e+00 : f32
      %parallel_loop3A_136 = vector.broadcast %parallel_loop3A_135 : f32 to vector<16xf32>
      %parallel_loop3A_137 = arith.constant 0 : i32
      %parallel_loop3A_138 = arith.index_cast %parallel_loop3A_137 : i32 to index
      %parallel_loop3A_139 = arith.index_cast %parallel_loop3A_71 : i32 to index
      %parallel_loop3A_140 = arith.constant 112 : index
      %parallel_loop3A_141 = tpu.vector_load %arg10[%parallel_loop3A_138, %parallel_loop3A_139, %parallel_loop3A_140] {strides = array<i32>} : memref<2x80x128xf32, #tpu.memory_space<vmem>>, vector<1x1x16xf32>,
      %parallel_loop3A_142 = vector.shape_cast %parallel_loop3A_141 : vector<1x1x16xf32> to vector<16xf32>
      %parallel_loop3A_143 = vector.shape_cast %parallel_loop3A_136 : vector<16xf32> to vector<1x1x16xf32>
      tpu.vector_store %arg10[%parallel_loop3A_138, %parallel_loop3A_139, %parallel_loop3A_140], %parallel_loop3A_143 {strides = array<i32>} : memref<2x80x128xf32, #tpu.memory_space<vmem>>, vector<1x1x16xf32>,
    } {sc.loop_unroll_factor = 4 : i64, sc.parallel_access}
    %mul3A_5 = arith.constant 640 : i32
    %mul3A_6 = arith.muli %arg1, %mul3A_5 : i32
    %add3A_7 = arith.constant 0 : i32
    %add3A_8 = arith.addi %mul3A_6, %add3A_7 : i32
    %run_scoped3A = arith.constant 0 : i32
    "tpu.region"() ({
      %run_scoped3A_71 = tpu.sem_alloc : memref<!tpu.dma_semaphore, #tpu.memory_space<semaphore_mem>>
      %dma_start3A_72 = arith.constant 0 : i32
      %dma_start3A_73 = arith.constant 0 : i32
      %dma_start3A_74 = tpu.memref_slice %arg10[%run_scoped3A, %dma_start3A_72, %dma_start3A_73] : memref<2x80x128xf32, #tpu.memory_space<vmem>> -> memref<1x80x128xf32, #tpu.memory_space<vmem>>
      %dma_start3A_75 = tpu.memref_squeeze %dma_start3A_74 : memref<1x80x128xf32, #tpu.memory_space<vmem>> -> memref<80x128xf32, #tpu.memory_space<vmem>>
      %dma_start3A_76 = arith.constant 0 : i32
      %dma_start3A_77 = tpu.memref_slice %arg13[%add3A_8, %dma_start3A_76] : memref<10240x128xf32, #tpu.memory_space<vmem_shared>> -> memref<80x128xf32, #tpu.memory_space<vmem_shared>>
      %dma_start3A_78 = arith.constant 0 : i32
      %dma_start3A_79 = tpu.memref_slice %arg13[%add3A_8, %dma_start3A_78] : memref<10240x128xf32, #tpu.memory_space<vmem_shared>> -> memref<80x128xf32, #tpu.memory_space<vmem_shared>>
      %dma_start3A_80 = arith.constant 0 : i32
      %dma_start3A_81 = arith.constant 0 : i32
      %dma_start3A_82 = tpu.memref_slice %arg10[%run_scoped3A, %dma_start3A_80, %dma_start3A_81] : memref<2x80x128xf32, #tpu.memory_space<vmem>> -> memref<1x80x128xf32, #tpu.memory_space<vmem>>
      %dma_start3A_83 = tpu.memref_squeeze %dma_start3A_82 : memref<1x80x128xf32, #tpu.memory_space<vmem>> -> memref<80x128xf32, #tpu.memory_space<vmem>>
      tpu.enqueue_dma source(%dma_start3A_83 : memref<80x128xf32, #tpu.memory_space<vmem>>) target(%dma_start3A_79 : memref<80x128xf32, #tpu.memory_space<vmem_shared>>) target_semaphore(%run_scoped3A_71 : memref<!tpu.dma_semaphore, #tpu.memory_space<semaphore_mem>>)
      %dma_wait3A_84 = arith.constant 0 : i32
      %dma_wait3A_85 = arith.constant 0 : i32
      %dma_wait3A_86 = tpu.memref_slice %arg10[%run_scoped3A, %dma_wait3A_84, %dma_wait3A_85] : memref<2x80x128xf32, #tpu.memory_space<vmem>> -> memref<1x80x128xf32, #tpu.memory_space<vmem>>
      %dma_wait3A_87 = tpu.memref_squeeze %dma_wait3A_86 : memref<1x80x128xf32, #tpu.memory_space<vmem>> -> memref<80x128xf32, #tpu.memory_space<vmem>>
      %dma_wait3A_88 = arith.constant 0 : i32
      %dma_wait3A_89 = tpu.memref_slice %arg13[%add3A_8, %dma_wait3A_88] : memref<10240x128xf32, #tpu.memory_space<vmem_shared>> -> memref<80x128xf32, #tpu.memory_space<vmem_shared>>
      %dma_wait3A_90 = arith.constant 0 : i32
      %dma_wait3A_91 = tpu.memref_slice %arg13[%add3A_8, %dma_wait3A_90] : memref<10240x128xf32, #tpu.memory_space<vmem_shared>> -> memref<80x128xf32, #tpu.memory_space<vmem_shared>>
      %dma_wait3A_92 = arith.constant 0 : i32
      %dma_wait3A_93 = arith.constant 0 : i32
      %dma_wait3A_94 = tpu.memref_slice %arg10[%run_scoped3A, %dma_wait3A_92, %dma_wait3A_93] : memref<2x80x128xf32, #tpu.memory_space<vmem>> -> memref<1x80x128xf32, #tpu.memory_space<vmem>>
      %dma_wait3A_95 = tpu.memref_squeeze %dma_wait3A_94 : memref<1x80x128xf32, #tpu.memory_space<vmem>> -> memref<80x128xf32, #tpu.memory_space<vmem>>
      tpu.wait_dma2 semaphore(%run_scoped3A_71 : memref<!tpu.dma_semaphore, #tpu.memory_space<semaphore_mem>>) src(%dma_wait3A_95 : memref<80x128xf32, #tpu.memory_space<vmem>>) dst(%dma_wait3A_91 : memref<80x128xf32, #tpu.memory_space<vmem_shared>>)
      tpu.yield
    }) : () -> ()
    %add3A_9 = arith.constant 80 : i32
    %add3A_10 = arith.addi %mul3A_6, %add3A_9 : i32
    %run_scoped3A_11 = arith.constant 0 : i32
    "tpu.region"() ({
      %run_scoped3A_71 = tpu.sem_alloc : memref<!tpu.dma_semaphore, #tpu.memory_space<semaphore_mem>>
      %dma_start3A_72 = arith.constant 0 : i32
      %dma_start3A_73 = arith.constant 0 : i32
      %dma_start3A_74 = tpu.memref_slice %arg10[%run_scoped3A_11, %dma_start3A_72, %dma_start3A_73] : memref<2x80x128xf32, #tpu.memory_space<vmem>> -> memref<1x80x128xf32, #tpu.memory_space<vmem>>
      %dma_start3A_75 = tpu.memref_squeeze %dma_start3A_74 : memref<1x80x128xf32, #tpu.memory_space<vmem>> -> memref<80x128xf32, #tpu.memory_space<vmem>>
      %dma_start3A_76 = arith.constant 0 : i32
      %dma_start3A_77 = tpu.memref_slice %arg13[%add3A_10, %dma_start3A_76] : memref<10240x128xf32, #tpu.memory_space<vmem_shared>> -> memref<80x128xf32, #tpu.memory_space<vmem_shared>>
      %dma_start3A_78 = arith.constant 0 : i32
      %dma_start3A_79 = tpu.memref_slice %arg13[%add3A_10, %dma_start3A_78] : memref<10240x128xf32, #tpu.memory_space<vmem_shared>> -> memref<80x128xf32, #tpu.memory_space<vmem_shared>>
      %dma_start3A_80 = arith.constant 0 : i32
      %dma_start3A_81 = arith.constant 0 : i32
      %dma_start3A_82 = tpu.memref_slice %arg10[%run_scoped3A_11, %dma_start3A_80, %dma_start3A_81] : memref<2x80x128xf32, #tpu.memory_space<vmem>> -> memref<1x80x128xf32, #tpu.memory_space<vmem>>
      %dma_start3A_83 = tpu.memref_squeeze %dma_start3A_82 : memref<1x80x128xf32, #tpu.memory_space<vmem>> -> memref<80x128xf32, #tpu.memory_space<vmem>>
      tpu.enqueue_dma source(%dma_start3A_83 : memref<80x128xf32, #tpu.memory_space<vmem>>) target(%dma_start3A_79 : memref<80x128xf32, #tpu.memory_space<vmem_shared>>) target_semaphore(%run_scoped3A_71 : memref<!tpu.dma_semaphore, #tpu.memory_space<semaphore_mem>>)
      %dma_wait3A_84 = arith.constant 0 : i32
      %dma_wait3A_85 = arith.constant 0 : i32
      %dma_wait3A_86 = tpu.memref_slice %arg10[%run_scoped3A_11, %dma_wait3A_84, %dma_wait3A_85] : memref<2x80x128xf32, #tpu.memory_space<vmem>> -> memref<1x80x128xf32, #tpu.memory_space<vmem>>
      %dma_wait3A_87 = tpu.memref_squeeze %dma_wait3A_86 : memref<1x80x128xf32, #tpu.memory_space<vmem>> -> memref<80x128xf32, #tpu.memory_space<vmem>>
      %dma_wait3A_88 = arith.constant 0 : i32
      %dma_wait3A_89 = tpu.memref_slice %arg13[%add3A_10, %dma_wait3A_88] : memref<10240x128xf32, #tpu.memory_space<vmem_shared>> -> memref<80x128xf32, #tpu.memory_space<vmem_shared>>
      %dma_wait3A_90 = arith.constant 0 : i32
      %dma_wait3A_91 = tpu.memref_slice %arg13[%add3A_10, %dma_wait3A_90] : memref<10240x128xf32, #tpu.memory_space<vmem_shared>> -> memref<80x128xf32, #tpu.memory_space<vmem_shared>>
      %dma_wait3A_92 = arith.constant 0 : i32
      %dma_wait3A_93 = arith.constant 0 : i32
      %dma_wait3A_94 = tpu.memref_slice %arg10[%run_scoped3A_11, %dma_wait3A_92, %dma_wait3A_93] : memref<2x80x128xf32, #tpu.memory_space<vmem>> -> memref<1x80x128xf32, #tpu.memory_space<vmem>>
      %dma_wait3A_95 = tpu.memref_squeeze %dma_wait3A_94 : memref<1x80x128xf32, #tpu.memory_space<vmem>> -> memref<80x128xf32, #tpu.memory_space<vmem>>
      tpu.wait_dma2 semaphore(%run_scoped3A_71 : memref<!tpu.dma_semaphore, #tpu.memory_space<semaphore_mem>>) src(%dma_wait3A_95 : memref<80x128xf32, #tpu.memory_space<vmem>>) dst(%dma_wait3A_91 : memref<80x128xf32, #tpu.memory_space<vmem_shared>>)
      tpu.yield
    }) : () -> ()
    %add3A_12 = arith.constant 160 : i32
    %add3A_13 = arith.addi %mul3A_6, %add3A_12 : i32
    %run_scoped3A_14 = arith.constant 0 : i32
    "tpu.region"() ({
      %run_scoped3A_71 = tpu.sem_alloc : memref<!tpu.dma_semaphore, #tpu.memory_space<semaphore_mem>>
      %dma_start3A_72 = arith.constant 0 : i32
      %dma_start3A_73 = arith.constant 0 : i32
      %dma_start3A_74 = tpu.memref_slice %arg10[%run_scoped3A_14, %dma_start3A_72, %dma_start3A_73] : memref<2x80x128xf32, #tpu.memory_space<vmem>> -> memref<1x80x128xf32, #tpu.memory_space<vmem>>
      %dma_start3A_75 = tpu.memref_squeeze %dma_start3A_74 : memref<1x80x128xf32, #tpu.memory_space<vmem>> -> memref<80x128xf32, #tpu.memory_space<vmem>>
      %dma_start3A_76 = arith.constant 0 : i32
      %dma_start3A_77 = tpu.memref_slice %arg13[%add3A_13, %dma_start3A_76] : memref<10240x128xf32, #tpu.memory_space<vmem_shared>> -> memref<80x128xf32, #tpu.memory_space<vmem_shared>>
      %dma_start3A_78 = arith.constant 0 : i32
      %dma_start3A_79 = tpu.memref_slice %arg13[%add3A_13, %dma_start3A_78] : memref<10240x128xf32, #tpu.memory_space<vmem_shared>> -> memref<80x128xf32, #tpu.memory_space<vmem_shared>>
      %dma_start3A_80 = arith.constant 0 : i32
      %dma_start3A_81 = arith.constant 0 : i32
      %dma_start3A_82 = tpu.memref_slice %arg10[%run_scoped3A_14, %dma_start3A_80, %dma_start3A_81] : memref<2x80x128xf32, #tpu.memory_space<vmem>> -> memref<1x80x128xf32, #tpu.memory_space<vmem>>
      %dma_start3A_83 = tpu.memref_squeeze %dma_start3A_82 : memref<1x80x128xf32, #tpu.memory_space<vmem>> -> memref<80x128xf32, #tpu.memory_space<vmem>>
      tpu.enqueue_dma source(%dma_start3A_83 : memref<80x128xf32, #tpu.memory_space<vmem>>) target(%dma_start3A_79 : memref<80x128xf32, #tpu.memory_space<vmem_shared>>) target_semaphore(%run_scoped3A_71 : memref<!tpu.dma_semaphore, #tpu.memory_space<semaphore_mem>>)
      %dma_wait3A_84 = arith.constant 0 : i32
      %dma_wait3A_85 = arith.constant 0 : i32
      %dma_wait3A_86 = tpu.memref_slice %arg10[%run_scoped3A_14, %dma_wait3A_84, %dma_wait3A_85] : memref<2x80x128xf32, #tpu.memory_space<vmem>> -> memref<1x80x128xf32, #tpu.memory_space<vmem>>
      %dma_wait3A_87 = tpu.memref_squeeze %dma_wait3A_86 : memref<1x80x128xf32, #tpu.memory_space<vmem>> -> memref<80x128xf32, #tpu.memory_space<vmem>>
      %dma_wait3A_88 = arith.constant 0 : i32
      %dma_wait3A_89 = tpu.memref_slice %arg13[%add3A_13, %dma_wait3A_88] : memref<10240x128xf32, #tpu.memory_space<vmem_shared>> -> memref<80x128xf32, #tpu.memory_space<vmem_shared>>
      %dma_wait3A_90 = arith.constant 0 : i32
      %dma_wait3A_91 = tpu.memref_slice %arg13[%add3A_13, %dma_wait3A_90] : memref<10240x128xf32, #tpu.memory_space<vmem_shared>> -> memref<80x128xf32, #tpu.memory_space<vmem_shared>>
      %dma_wait3A_92 = arith.constant 0 : i32
      %dma_wait3A_93 = arith.constant 0 : i32
      %dma_wait3A_94 = tpu.memref_slice %arg10[%run_scoped3A_14, %dma_wait3A_92, %dma_wait3A_93] : memref<2x80x128xf32, #tpu.memory_space<vmem>> -> memref<1x80x128xf32, #tpu.memory_space<vmem>>
      %dma_wait3A_95 = tpu.memref_squeeze %dma_wait3A_94 : memref<1x80x128xf32, #tpu.memory_space<vmem>> -> memref<80x128xf32, #tpu.memory_space<vmem>>
      tpu.wait_dma2 semaphore(%run_scoped3A_71 : memref<!tpu.dma_semaphore, #tpu.memory_space<semaphore_mem>>) src(%dma_wait3A_95 : memref<80x128xf32, #tpu.memory_space<vmem>>) dst(%dma_wait3A_91 : memref<80x128xf32, #tpu.memory_space<vmem_shared>>)
      tpu.yield
    }) : () -> ()
    %add3A_15 = arith.constant 240 : i32
    %add3A_16 = arith.addi %mul3A_6, %add3A_15 : i32
    %run_scoped3A_17 = arith.constant 0 : i32
    "tpu.region"() ({
      %run_scoped3A_71 = tpu.sem_alloc : memref<!tpu.dma_semaphore, #tpu.memory_space<semaphore_mem>>
      %dma_start3A_72 = arith.constant 0 : i32
      %dma_start3A_73 = arith.constant 0 : i32
      %dma_start3A_74 = tpu.memref_slice %arg10[%run_scoped3A_17, %dma_start3A_72, %dma_start3A_73] : memref<2x80x128xf32, #tpu.memory_space<vmem>> -> memref<1x80x128xf32, #tpu.memory_space<vmem>>
      %dma_start3A_75 = tpu.memref_squeeze %dma_start3A_74 : memref<1x80x128xf32, #tpu.memory_space<vmem>> -> memref<80x128xf32, #tpu.memory_space<vmem>>
      %dma_start3A_76 = arith.constant 0 : i32
      %dma_start3A_77 = tpu.memref_slice %arg13[%add3A_16, %dma_start3A_76] : memref<10240x128xf32, #tpu.memory_space<vmem_shared>> -> memref<80x128xf32, #tpu.memory_space<vmem_shared>>
      %dma_start3A_78 = arith.constant 0 : i32
      %dma_start3A_79 = tpu.memref_slice %arg13[%add3A_16, %dma_start3A_78] : memref<10240x128xf32, #tpu.memory_space<vmem_shared>> -> memref<80x128xf32, #tpu.memory_space<vmem_shared>>
      %dma_start3A_80 = arith.constant 0 : i32
      %dma_start3A_81 = arith.constant 0 : i32
      %dma_start3A_82 = tpu.memref_slice %arg10[%run_scoped3A_17, %dma_start3A_80, %dma_start3A_81] : memref<2x80x128xf32, #tpu.memory_space<vmem>> -> memref<1x80x128xf32, #tpu.memory_space<vmem>>
      %dma_start3A_83 = tpu.memref_squeeze %dma_start3A_82 : memref<1x80x128xf32, #tpu.memory_space<vmem>> -> memref<80x128xf32, #tpu.memory_space<vmem>>
      tpu.enqueue_dma source(%dma_start3A_83 : memref<80x128xf32, #tpu.memory_space<vmem>>) target(%dma_start3A_79 : memref<80x128xf32, #tpu.memory_space<vmem_shared>>) target_semaphore(%run_scoped3A_71 : memref<!tpu.dma_semaphore, #tpu.memory_space<semaphore_mem>>)
      %dma_wait3A_84 = arith.constant 0 : i32
      %dma_wait3A_85 = arith.constant 0 : i32
      %dma_wait3A_86 = tpu.memref_slice %arg10[%run_scoped3A_17, %dma_wait3A_84, %dma_wait3A_85] : memref<2x80x128xf32, #tpu.memory_space<vmem>> -> memref<1x80x128xf32, #tpu.memory_space<vmem>>
      %dma_wait3A_87 = tpu.memref_squeeze %dma_wait3A_86 : memref<1x80x128xf32, #tpu.memory_space<vmem>> -> memref<80x128xf32, #tpu.memory_space<vmem>>
      %dma_wait3A_88 = arith.constant 0 : i32
      %dma_wait3A_89 = tpu.memref_slice %arg13[%add3A_16, %dma_wait3A_88] : memref<10240x128xf32, #tpu.memory_space<vmem_shared>> -> memref<80x128xf32, #tpu.memory_space<vmem_shared>>
      %dma_wait3A_90 = arith.constant 0 : i32
      %dma_wait3A_91 = tpu.memref_slice %arg13[%add3A_16, %dma_wait3A_90] : memref<10240x128xf32, #tpu.memory_space<vmem_shared>> -> memref<80x128xf32, #tpu.memory_space<vmem_shared>>
      %dma_wait3A_92 = arith.constant 0 : i32
      %dma_wait3A_93 = arith.constant 0 : i32
      %dma_wait3A_94 = tpu.memref_slice %arg10[%run_scoped3A_17, %dma_wait3A_92, %dma_wait3A_93] : memref<2x80x128xf32, #tpu.memory_space<vmem>> -> memref<1x80x128xf32, #tpu.memory_space<vmem>>
      %dma_wait3A_95 = tpu.memref_squeeze %dma_wait3A_94 : memref<1x80x128xf32, #tpu.memory_space<vmem>> -> memref<80x128xf32, #tpu.memory_space<vmem>>
      tpu.wait_dma2 semaphore(%run_scoped3A_71 : memref<!tpu.dma_semaphore, #tpu.memory_space<semaphore_mem>>) src(%dma_wait3A_95 : memref<80x128xf32, #tpu.memory_space<vmem>>) dst(%dma_wait3A_91 : memref<80x128xf32, #tpu.memory_space<vmem_shared>>)
      tpu.yield
    }) : () -> ()
    %add3A_18 = arith.constant 320 : i32
    %add3A_19 = arith.addi %mul3A_6, %add3A_18 : i32
    %run_scoped3A_20 = arith.constant 0 : i32
    "tpu.region"() ({
      %run_scoped3A_71 = tpu.sem_alloc : memref<!tpu.dma_semaphore, #tpu.memory_space<semaphore_mem>>
      %dma_start3A_72 = arith.constant 0 : i32
      %dma_start3A_73 = arith.constant 0 : i32
      %dma_start3A_74 = tpu.memref_slice %arg10[%run_scoped3A_20, %dma_start3A_72, %dma_start3A_73] : memref<2x80x128xf32, #tpu.memory_space<vmem>> -> memref<1x80x128xf32, #tpu.memory_space<vmem>>
      %dma_start3A_75 = tpu.memref_squeeze %dma_start3A_74 : memref<1x80x128xf32, #tpu.memory_space<vmem>> -> memref<80x128xf32, #tpu.memory_space<vmem>>
      %dma_start3A_76 = arith.constant 0 : i32
      %dma_start3A_77 = tpu.memref_slice %arg13[%add3A_19, %dma_start3A_76] : memref<10240x128xf32, #tpu.memory_space<vmem_shared>> -> memref<80x128xf32, #tpu.memory_space<vmem_shared>>
      %dma_start3A_78 = arith.constant 0 : i32
      %dma_start3A_79 = tpu.memref_slice %arg13[%add3A_19, %dma_start3A_78] : memref<10240x128xf32, #tpu.memory_space<vmem_shared>> -> memref<80x128xf32, #tpu.memory_space<vmem_shared>>
      %dma_start3A_80 = arith.constant 0 : i32
      %dma_start3A_81 = arith.constant 0 : i32
      %dma_start3A_82 = tpu.memref_slice %arg10[%run_scoped3A_20, %dma_start3A_80, %dma_start3A_81] : memref<2x80x128xf32, #tpu.memory_space<vmem>> -> memref<1x80x128xf32, #tpu.memory_space<vmem>>
      %dma_start3A_83 = tpu.memref_squeeze %dma_start3A_82 : memref<1x80x128xf32, #tpu.memory_space<vmem>> -> memref<80x128xf32, #tpu.memory_space<vmem>>
      tpu.enqueue_dma source(%dma_start3A_83 : memref<80x128xf32, #tpu.memory_space<vmem>>) target(%dma_start3A_79 : memref<80x128xf32, #tpu.memory_space<vmem_shared>>) target_semaphore(%run_scoped3A_71 : memref<!tpu.dma_semaphore, #tpu.memory_space<semaphore_mem>>)
      %dma_wait3A_84 = arith.constant 0 : i32
      %dma_wait3A_85 = arith.constant 0 : i32
      %dma_wait3A_86 = tpu.memref_slice %arg10[%run_scoped3A_20, %dma_wait3A_84, %dma_wait3A_85] : memref<2x80x128xf32, #tpu.memory_space<vmem>> -> memref<1x80x128xf32, #tpu.memory_space<vmem>>
      %dma_wait3A_87 = tpu.memref_squeeze %dma_wait3A_86 : memref<1x80x128xf32, #tpu.memory_space<vmem>> -> memref<80x128xf32, #tpu.memory_space<vmem>>
      %dma_wait3A_88 = arith.constant 0 : i32
      %dma_wait3A_89 = tpu.memref_slice %arg13[%add3A_19, %dma_wait3A_88] : memref<10240x128xf32, #tpu.memory_space<vmem_shared>> -> memref<80x128xf32, #tpu.memory_space<vmem_shared>>
      %dma_wait3A_90 = arith.constant 0 : i32
      %dma_wait3A_91 = tpu.memref_slice %arg13[%add3A_19, %dma_wait3A_90] : memref<10240x128xf32, #tpu.memory_space<vmem_shared>> -> memref<80x128xf32, #tpu.memory_space<vmem_shared>>
      %dma_wait3A_92 = arith.constant 0 : i32
      %dma_wait3A_93 = arith.constant 0 : i32
      %dma_wait3A_94 = tpu.memref_slice %arg10[%run_scoped3A_20, %dma_wait3A_92, %dma_wait3A_93] : memref<2x80x128xf32, #tpu.memory_space<vmem>> -> memref<1x80x128xf32, #tpu.memory_space<vmem>>
      %dma_wait3A_95 = tpu.memref_squeeze %dma_wait3A_94 : memref<1x80x128xf32, #tpu.memory_space<vmem>> -> memref<80x128xf32, #tpu.memory_space<vmem>>
      tpu.wait_dma2 semaphore(%run_scoped3A_71 : memref<!tpu.dma_semaphore, #tpu.memory_space<semaphore_mem>>) src(%dma_wait3A_95 : memref<80x128xf32, #tpu.memory_space<vmem>>) dst(%dma_wait3A_91 : memref<80x128xf32, #tpu.memory_space<vmem_shared>>)
      tpu.yield
    }) : () -> ()
    %add3A_21 = arith.constant 400 : i32
    %add3A_22 = arith.addi %mul3A_6, %add3A_21 : i32
    %run_scoped3A_23 = arith.constant 0 : i32
    "tpu.region"() ({
      %run_scoped3A_71 = tpu.sem_alloc : memref<!tpu.dma_semaphore, #tpu.memory_space<semaphore_mem>>
      %dma_start3A_72 = arith.constant 0 : i32
      %dma_start3A_73 = arith.constant 0 : i32
      %dma_start3A_74 = tpu.memref_slice %arg10[%run_scoped3A_23, %dma_start3A_72, %dma_start3A_73] : memref<2x80x128xf32, #tpu.memory_space<vmem>> -> memref<1x80x128xf32, #tpu.memory_space<vmem>>
      %dma_start3A_75 = tpu.memref_squeeze %dma_start3A_74 : memref<1x80x128xf32, #tpu.memory_space<vmem>> -> memref<80x128xf32, #tpu.memory_space<vmem>>
      %dma_start3A_76 = arith.constant 0 : i32
      %dma_start3A_77 = tpu.memref_slice %arg13[%add3A_22, %dma_start3A_76] : memref<10240x128xf32, #tpu.memory_space<vmem_shared>> -> memref<80x128xf32, #tpu.memory_space<vmem_shared>>
      %dma_start3A_78 = arith.constant 0 : i32
      %dma_start3A_79 = tpu.memref_slice %arg13[%add3A_22, %dma_start3A_78] : memref<10240x128xf32, #tpu.memory_space<vmem_shared>> -> memref<80x128xf32, #tpu.memory_space<vmem_shared>>
      %dma_start3A_80 = arith.constant 0 : i32
      %dma_start3A_81 = arith.constant 0 : i32
      %dma_start3A_82 = tpu.memref_slice %arg10[%run_scoped3A_23, %dma_start3A_80, %dma_start3A_81] : memref<2x80x128xf32, #tpu.memory_space<vmem>> -> memref<1x80x128xf32, #tpu.memory_space<vmem>>
      %dma_start3A_83 = tpu.memref_squeeze %dma_start3A_82 : memref<1x80x128xf32, #tpu.memory_space<vmem>> -> memref<80x128xf32, #tpu.memory_space<vmem>>
      tpu.enqueue_dma source(%dma_start3A_83 : memref<80x128xf32, #tpu.memory_space<vmem>>) target(%dma_start3A_79 : memref<80x128xf32, #tpu.memory_space<vmem_shared>>) target_semaphore(%run_scoped3A_71 : memref<!tpu.dma_semaphore, #tpu.memory_space<semaphore_mem>>)
      %dma_wait3A_84 = arith.constant 0 : i32
      %dma_wait3A_85 = arith.constant 0 : i32
      %dma_wait3A_86 = tpu.memref_slice %arg10[%run_scoped3A_23, %dma_wait3A_84, %dma_wait3A_85] : memref<2x80x128xf32, #tpu.memory_space<vmem>> -> memref<1x80x128xf32, #tpu.memory_space<vmem>>
      %dma_wait3A_87 = tpu.memref_squeeze %dma_wait3A_86 : memref<1x80x128xf32, #tpu.memory_space<vmem>> -> memref<80x128xf32, #tpu.memory_space<vmem>>
      %dma_wait3A_88 = arith.constant 0 : i32
      %dma_wait3A_89 = tpu.memref_slice %arg13[%add3A_22, %dma_wait3A_88] : memref<10240x128xf32, #tpu.memory_space<vmem_shared>> -> memref<80x128xf32, #tpu.memory_space<vmem_shared>>
      %dma_wait3A_90 = arith.constant 0 : i32
      %dma_wait3A_91 = tpu.memref_slice %arg13[%add3A_22, %dma_wait3A_90] : memref<10240x128xf32, #tpu.memory_space<vmem_shared>> -> memref<80x128xf32, #tpu.memory_space<vmem_shared>>
      %dma_wait3A_92 = arith.constant 0 : i32
      %dma_wait3A_93 = arith.constant 0 : i32
      %dma_wait3A_94 = tpu.memref_slice %arg10[%run_scoped3A_23, %dma_wait3A_92, %dma_wait3A_93] : memref<2x80x128xf32, #tpu.memory_space<vmem>> -> memref<1x80x128xf32, #tpu.memory_space<vmem>>
      %dma_wait3A_95 = tpu.memref_squeeze %dma_wait3A_94 : memref<1x80x128xf32, #tpu.memory_space<vmem>> -> memref<80x128xf32, #tpu.memory_space<vmem>>
      tpu.wait_dma2 semaphore(%run_scoped3A_71 : memref<!tpu.dma_semaphore, #tpu.memory_space<semaphore_mem>>) src(%dma_wait3A_95 : memref<80x128xf32, #tpu.memory_space<vmem>>) dst(%dma_wait3A_91 : memref<80x128xf32, #tpu.memory_space<vmem_shared>>)
      tpu.yield
    }) : () -> ()
    %add3A_24 = arith.constant 480 : i32
    %add3A_25 = arith.addi %mul3A_6, %add3A_24 : i32
    %run_scoped3A_26 = arith.constant 0 : i32
    "tpu.region"() ({
      %run_scoped3A_71 = tpu.sem_alloc : memref<!tpu.dma_semaphore, #tpu.memory_space<semaphore_mem>>
      %dma_start3A_72 = arith.constant 0 : i32
      %dma_start3A_73 = arith.constant 0 : i32
      %dma_start3A_74 = tpu.memref_slice %arg10[%run_scoped3A_26, %dma_start3A_72, %dma_start3A_73] : memref<2x80x128xf32, #tpu.memory_space<vmem>> -> memref<1x80x128xf32, #tpu.memory_space<vmem>>
      %dma_start3A_75 = tpu.memref_squeeze %dma_start3A_74 : memref<1x80x128xf32, #tpu.memory_space<vmem>> -> memref<80x128xf32, #tpu.memory_space<vmem>>
      %dma_start3A_76 = arith.constant 0 : i32
      %dma_start3A_77 = tpu.memref_slice %arg13[%add3A_25, %dma_start3A_76] : memref<10240x128xf32, #tpu.memory_space<vmem_shared>> -> memref<80x128xf32, #tpu.memory_space<vmem_shared>>
      %dma_start3A_78 = arith.constant 0 : i32
      %dma_start3A_79 = tpu.memref_slice %arg13[%add3A_25, %dma_start3A_78] : memref<10240x128xf32, #tpu.memory_space<vmem_shared>> -> memref<80x128xf32, #tpu.memory_space<vmem_shared>>
      %dma_start3A_80 = arith.constant 0 : i32
      %dma_start3A_81 = arith.constant 0 : i32
      %dma_start3A_82 = tpu.memref_slice %arg10[%run_scoped3A_26, %dma_start3A_80, %dma_start3A_81] : memref<2x80x128xf32, #tpu.memory_space<vmem>> -> memref<1x80x128xf32, #tpu.memory_space<vmem>>
      %dma_start3A_83 = tpu.memref_squeeze %dma_start3A_82 : memref<1x80x128xf32, #tpu.memory_space<vmem>> -> memref<80x128xf32, #tpu.memory_space<vmem>>
      tpu.enqueue_dma source(%dma_start3A_83 : memref<80x128xf32, #tpu.memory_space<vmem>>) target(%dma_start3A_79 : memref<80x128xf32, #tpu.memory_space<vmem_shared>>) target_semaphore(%run_scoped3A_71 : memref<!tpu.dma_semaphore, #tpu.memory_space<semaphore_mem>>)
      %dma_wait3A_84 = arith.constant 0 : i32
      %dma_wait3A_85 = arith.constant 0 : i32
      %dma_wait3A_86 = tpu.memref_slice %arg10[%run_scoped3A_26, %dma_wait3A_84, %dma_wait3A_85] : memref<2x80x128xf32, #tpu.memory_space<vmem>> -> memref<1x80x128xf32, #tpu.memory_space<vmem>>
      %dma_wait3A_87 = tpu.memref_squeeze %dma_wait3A_86 : memref<1x80x128xf32, #tpu.memory_space<vmem>> -> memref<80x128xf32, #tpu.memory_space<vmem>>
      %dma_wait3A_88 = arith.constant 0 : i32
      %dma_wait3A_89 = tpu.memref_slice %arg13[%add3A_25, %dma_wait3A_88] : memref<10240x128xf32, #tpu.memory_space<vmem_shared>> -> memref<80x128xf32, #tpu.memory_space<vmem_shared>>
      %dma_wait3A_90 = arith.constant 0 : i32
      %dma_wait3A_91 = tpu.memref_slice %arg13[%add3A_25, %dma_wait3A_90] : memref<10240x128xf32, #tpu.memory_space<vmem_shared>> -> memref<80x128xf32, #tpu.memory_space<vmem_shared>>
      %dma_wait3A_92 = arith.constant 0 : i32
      %dma_wait3A_93 = arith.constant 0 : i32
      %dma_wait3A_94 = tpu.memref_slice %arg10[%run_scoped3A_26, %dma_wait3A_92, %dma_wait3A_93] : memref<2x80x128xf32, #tpu.memory_space<vmem>> -> memref<1x80x128xf32, #tpu.memory_space<vmem>>
      %dma_wait3A_95 = tpu.memref_squeeze %dma_wait3A_94 : memref<1x80x128xf32, #tpu.memory_space<vmem>> -> memref<80x128xf32, #tpu.memory_space<vmem>>
      tpu.wait_dma2 semaphore(%run_scoped3A_71 : memref<!tpu.dma_semaphore, #tpu.memory_space<semaphore_mem>>) src(%dma_wait3A_95 : memref<80x128xf32, #tpu.memory_space<vmem>>) dst(%dma_wait3A_91 : memref<80x128xf32, #tpu.memory_space<vmem_shared>>)
      tpu.yield
    }) : () -> ()
    %add3A_27 = arith.constant 560 : i32
    %add3A_28 = arith.addi %mul3A_6, %add3A_27 : i32
    %run_scoped3A_29 = arith.constant 0 : i32
    "tpu.region"() ({
      %run_scoped3A_71 = tpu.sem_alloc : memref<!tpu.dma_semaphore, #tpu.memory_space<semaphore_mem>>
      %dma_start3A_72 = arith.constant 0 : i32
      %dma_start3A_73 = arith.constant 0 : i32
      %dma_start3A_74 = tpu.memref_slice %arg10[%run_scoped3A_29, %dma_start3A_72, %dma_start3A_73] : memref<2x80x128xf32, #tpu.memory_space<vmem>> -> memref<1x80x128xf32, #tpu.memory_space<vmem>>
      %dma_start3A_75 = tpu.memref_squeeze %dma_start3A_74 : memref<1x80x128xf32, #tpu.memory_space<vmem>> -> memref<80x128xf32, #tpu.memory_space<vmem>>
      %dma_start3A_76 = arith.constant 0 : i32
      %dma_start3A_77 = tpu.memref_slice %arg13[%add3A_28, %dma_start3A_76] : memref<10240x128xf32, #tpu.memory_space<vmem_shared>> -> memref<80x128xf32, #tpu.memory_space<vmem_shared>>
      %dma_start3A_78 = arith.constant 0 : i32
      %dma_start3A_79 = tpu.memref_slice %arg13[%add3A_28, %dma_start3A_78] : memref<10240x128xf32, #tpu.memory_space<vmem_shared>> -> memref<80x128xf32, #tpu.memory_space<vmem_shared>>
      %dma_start3A_80 = arith.constant 0 : i32
      %dma_start3A_81 = arith.constant 0 : i32
      %dma_start3A_82 = tpu.memref_slice %arg10[%run_scoped3A_29, %dma_start3A_80, %dma_start3A_81] : memref<2x80x128xf32, #tpu.memory_space<vmem>> -> memref<1x80x128xf32, #tpu.memory_space<vmem>>
      %dma_start3A_83 = tpu.memref_squeeze %dma_start3A_82 : memref<1x80x128xf32, #tpu.memory_space<vmem>> -> memref<80x128xf32, #tpu.memory_space<vmem>>
      tpu.enqueue_dma source(%dma_start3A_83 : memref<80x128xf32, #tpu.memory_space<vmem>>) target(%dma_start3A_79 : memref<80x128xf32, #tpu.memory_space<vmem_shared>>) target_semaphore(%run_scoped3A_71 : memref<!tpu.dma_semaphore, #tpu.memory_space<semaphore_mem>>)
      %dma_wait3A_84 = arith.constant 0 : i32
      %dma_wait3A_85 = arith.constant 0 : i32
      %dma_wait3A_86 = tpu.memref_slice %arg10[%run_scoped3A_29, %dma_wait3A_84, %dma_wait3A_85] : memref<2x80x128xf32, #tpu.memory_space<vmem>> -> memref<1x80x128xf32, #tpu.memory_space<vmem>>
      %dma_wait3A_87 = tpu.memref_squeeze %dma_wait3A_86 : memref<1x80x128xf32, #tpu.memory_space<vmem>> -> memref<80x128xf32, #tpu.memory_space<vmem>>
      %dma_wait3A_88 = arith.constant 0 : i32
      %dma_wait3A_89 = tpu.memref_slice %arg13[%add3A_28, %dma_wait3A_88] : memref<10240x128xf32, #tpu.memory_space<vmem_shared>> -> memref<80x128xf32, #tpu.memory_space<vmem_shared>>
      %dma_wait3A_90 = arith.constant 0 : i32
      %dma_wait3A_91 = tpu.memref_slice %arg13[%add3A_28, %dma_wait3A_90] : memref<10240x128xf32, #tpu.memory_space<vmem_shared>> -> memref<80x128xf32, #tpu.memory_space<vmem_shared>>
      %dma_wait3A_92 = arith.constant 0 : i32
      %dma_wait3A_93 = arith.constant 0 : i32
      %dma_wait3A_94 = tpu.memref_slice %arg10[%run_scoped3A_29, %dma_wait3A_92, %dma_wait3A_93] : memref<2x80x128xf32, #tpu.memory_space<vmem>> -> memref<1x80x128xf32, #tpu.memory_space<vmem>>
      %dma_wait3A_95 = tpu.memref_squeeze %dma_wait3A_94 : memref<1x80x128xf32, #tpu.memory_space<vmem>> -> memref<80x128xf32, #tpu.memory_space<vmem>>
      tpu.wait_dma2 semaphore(%run_scoped3A_71 : memref<!tpu.dma_semaphore, #tpu.memory_space<semaphore_mem>>) src(%dma_wait3A_95 : memref<80x128xf32, #tpu.memory_space<vmem>>) dst(%dma_wait3A_91 : memref<80x128xf32, #tpu.memory_space<vmem_shared>>)
      tpu.yield
    }) : () -> ()
    %barrier3A = arith.constant 0 : index
    tpu.barrier barrier_id(%barrier3A)
    %add3A_30 = arith.constant 0 : i32
    %add3A_31 = arith.addi %mul3A_2, %add3A_30 : i32
    %run_scoped3A_32 = arith.constant 0 : i32
    "tpu.region"() ({
      %run_scoped3A_71 = tpu.sem_alloc : memref<!tpu.dma_semaphore, #tpu.memory_space<semaphore_mem>>
      %dma_start3A_72 = arith.constant 0 : i32
      %dma_start3A_73 = tpu.memref_slice %arg7[%run_scoped3A_32, %dma_start3A_72] : memref<2x80xi32, #tpu.memory_space<vmem>> -> memref<1x80xi32, #tpu.memory_space<vmem>>
      %dma_start3A_74 = tpu.memref_squeeze %dma_start3A_73 : memref<1x80xi32, #tpu.memory_space<vmem>> -> memref<80xi32, #tpu.memory_space<vmem>>
      %dma_start3A_75 = tpu.memref_slice %arg3[%add3A_31] : memref<320000xi32, #tpu.memory_space<hbm>> -> memref<80xi32, #tpu.memory_space<hbm>>
      %dma_start3A_76 = arith.constant 0 : i32
      %dma_start3A_77 = tpu.memref_slice %arg7[%run_scoped3A_32, %dma_start3A_76] : memref<2x80xi32, #tpu.memory_space<vmem>> -> memref<1x80xi32, #tpu.memory_space<vmem>>
      %dma_start3A_78 = tpu.memref_squeeze %dma_start3A_77 : memref<1x80xi32, #tpu.memory_space<vmem>> -> memref<80xi32, #tpu.memory_space<vmem>>
      %dma_start3A_79 = tpu.memref_slice %arg3[%add3A_31] : memref<320000xi32, #tpu.memory_space<hbm>> -> memref<80xi32, #tpu.memory_space<hbm>>
      tpu.enqueue_dma source(%dma_start3A_79 : memref<80xi32, #tpu.memory_space<hbm>>) target(%dma_start3A_78 : memref<80xi32, #tpu.memory_space<vmem>>) target_semaphore(%run_scoped3A_71 : memref<!tpu.dma_semaphore, #tpu.memory_space<semaphore_mem>>)
      %dma_wait3A_80 = arith.constant 0 : i32
      %dma_wait3A_81 = tpu.memref_slice %arg7[%run_scoped3A_32, %dma_wait3A_80] : memref<2x80xi32, #tpu.memory_space<vmem>> -> memref<1x80xi32, #tpu.memory_space<vmem>>
      %dma_wait3A_82 = tpu.memref_squeeze %dma_wait3A_81 : memref<1x80xi32, #tpu.memory_space<vmem>> -> memref<80xi32, #tpu.memory_space<vmem>>
      %dma_wait3A_83 = tpu.memref_slice %arg3[%add3A_31] : memref<320000xi32, #tpu.memory_space<hbm>> -> memref<80xi32, #tpu.memory_space<hbm>>
      %dma_wait3A_84 = arith.constant 0 : i32
      %dma_wait3A_85 = tpu.memref_slice %arg7[%run_scoped3A_32, %dma_wait3A_84] : memref<2x80xi32, #tpu.memory_space<vmem>> -> memref<1x80xi32, #tpu.memory_space<vmem>>
      %dma_wait3A_86 = tpu.memref_squeeze %dma_wait3A_85 : memref<1x80xi32, #tpu.memory_space<vmem>> -> memref<80xi32, #tpu.memory_space<vmem>>
      %dma_wait3A_87 = tpu.memref_slice %arg3[%add3A_31] : memref<320000xi32, #tpu.memory_space<hbm>> -> memref<80xi32, #tpu.memory_space<hbm>>
      tpu.wait_dma2 semaphore(%run_scoped3A_71 : memref<!tpu.dma_semaphore, #tpu.memory_space<semaphore_mem>>) src(%dma_wait3A_87 : memref<80xi32, #tpu.memory_space<hbm>>) dst(%dma_wait3A_86 : memref<80xi32, #tpu.memory_space<vmem>>)
      tpu.yield
    }) : () -> ()
    %run_scoped3A_33 = arith.constant 0 : i32
    "tpu.region"() ({
      %run_scoped3A_71 = tpu.sem_alloc : memref<!tpu.dma_semaphore, #tpu.memory_space<semaphore_mem>>
      %dma_start3A_72 = arith.constant 0 : i32
      %dma_start3A_73 = tpu.memref_slice %arg8[%run_scoped3A_33, %dma_start3A_72] : memref<2x80xi32, #tpu.memory_space<vmem>> -> memref<1x80xi32, #tpu.memory_space<vmem>>
      %dma_start3A_74 = tpu.memref_squeeze %dma_start3A_73 : memref<1x80xi32, #tpu.memory_space<vmem>> -> memref<80xi32, #tpu.memory_space<vmem>>
      %dma_start3A_75 = tpu.memref_slice %arg4[%add3A_31] : memref<320000xi32, #tpu.memory_space<hbm>> -> memref<80xi32, #tpu.memory_space<hbm>>
      %dma_start3A_76 = arith.constant 0 : i32
      %dma_start3A_77 = tpu.memref_slice %arg8[%run_scoped3A_33, %dma_start3A_76] : memref<2x80xi32, #tpu.memory_space<vmem>> -> memref<1x80xi32, #tpu.memory_space<vmem>>
      %dma_start3A_78 = tpu.memref_squeeze %dma_start3A_77 : memref<1x80xi32, #tpu.memory_space<vmem>> -> memref<80xi32, #tpu.memory_space<vmem>>
      %dma_start3A_79 = tpu.memref_slice %arg4[%add3A_31] : memref<320000xi32, #tpu.memory_space<hbm>> -> memref<80xi32, #tpu.memory_space<hbm>>
      tpu.enqueue_dma source(%dma_start3A_79 : memref<80xi32, #tpu.memory_space<hbm>>) target(%dma_start3A_78 : memref<80xi32, #tpu.memory_space<vmem>>) target_semaphore(%run_scoped3A_71 : memref<!tpu.dma_semaphore, #tpu.memory_space<semaphore_mem>>)
      %dma_wait3A_80 = arith.constant 0 : i32
      %dma_wait3A_81 = tpu.memref_slice %arg8[%run_scoped3A_33, %dma_wait3A_80] : memref<2x80xi32, #tpu.memory_space<vmem>> -> memref<1x80xi32, #tpu.memory_space<vmem>>
      %dma_wait3A_82 = tpu.memref_squeeze %dma_wait3A_81 : memref<1x80xi32, #tpu.memory_space<vmem>> -> memref<80xi32, #tpu.memory_space<vmem>>
      %dma_wait3A_83 = tpu.memref_slice %arg4[%add3A_31] : memref<320000xi32, #tpu.memory_space<hbm>> -> memref<80xi32, #tpu.memory_space<hbm>>
      %dma_wait3A_84 = arith.constant 0 : i32
      %dma_wait3A_85 = tpu.memref_slice %arg8[%run_scoped3A_33, %dma_wait3A_84] : memref<2x80xi32, #tpu.memory_space<vmem>> -> memref<1x80xi32, #tpu.memory_space<vmem>>
      %dma_wait3A_86 = tpu.memref_squeeze %dma_wait3A_85 : memref<1x80xi32, #tpu.memory_space<vmem>> -> memref<80xi32, #tpu.memory_space<vmem>>
      %dma_wait3A_87 = tpu.memref_slice %arg4[%add3A_31] : memref<320000xi32, #tpu.memory_space<hbm>> -> memref<80xi32, #tpu.memory_space<hbm>>
      tpu.wait_dma2 semaphore(%run_scoped3A_71 : memref<!tpu.dma_semaphore, #tpu.memory_space<semaphore_mem>>) src(%dma_wait3A_87 : memref<80xi32, #tpu.memory_space<hbm>>) dst(%dma_wait3A_86 : memref<80xi32, #tpu.memory_space<vmem>>)
      tpu.yield
    }) : () -> ()
    %run_scoped3A_34 = arith.constant 0 : i32
    "tpu.region"() ({
      %run_scoped3A_71 = tpu.sem_alloc : memref<!tpu.dma_semaphore, #tpu.memory_space<semaphore_mem>>
      %dma_start3A_72 = arith.constant 0 : i32
      %dma_start3A_73 = arith.constant 0 : i32
      %dma_start3A_74 = tpu.memref_slice %arg9[%run_scoped3A_34, %dma_start3A_72, %dma_start3A_73] : memref<2x80x16xf32, #tpu.memory_space<vmem>> -> memref<1x80x16xf32, #tpu.memory_space<vmem>>
      %dma_start3A_75 = tpu.memref_squeeze %dma_start3A_74 : memref<1x80x16xf32, #tpu.memory_space<vmem>> -> memref<80x16xf32, #tpu.memory_space<vmem>>
      %dma_start3A_76 = arith.constant 0 : i32
      %dma_start3A_77 = tpu.memref_slice %arg5[%add3A_31, %dma_start3A_76] : memref<320000x16xf32, #tpu.memory_space<hbm>> -> memref<80x16xf32, #tpu.memory_space<hbm>>
      %dma_start3A_78 = arith.constant 0 : i32
      %dma_start3A_79 = arith.constant 0 : i32
      %dma_start3A_80 = tpu.memref_slice %arg9[%run_scoped3A_34, %dma_start3A_78, %dma_start3A_79] : memref<2x80x16xf32, #tpu.memory_space<vmem>> -> memref<1x80x16xf32, #tpu.memory_space<vmem>>
      %dma_start3A_81 = tpu.memref_squeeze %dma_start3A_80 : memref<1x80x16xf32, #tpu.memory_space<vmem>> -> memref<80x16xf32, #tpu.memory_space<vmem>>
      %dma_start3A_82 = arith.constant 0 : i32
      %dma_start3A_83 = tpu.memref_slice %arg5[%add3A_31, %dma_start3A_82] : memref<320000x16xf32, #tpu.memory_space<hbm>> -> memref<80x16xf32, #tpu.memory_space<hbm>>
      tpu.enqueue_dma source(%dma_start3A_83 : memref<80x16xf32, #tpu.memory_space<hbm>>) target(%dma_start3A_81 : memref<80x16xf32, #tpu.memory_space<vmem>>) target_semaphore(%run_scoped3A_71 : memref<!tpu.dma_semaphore, #tpu.memory_space<semaphore_mem>>)
      %dma_wait3A_84 = arith.constant 0 : i32
      %dma_wait3A_85 = arith.constant 0 : i32
      %dma_wait3A_86 = tpu.memref_slice %arg9[%run_scoped3A_34, %dma_wait3A_84, %dma_wait3A_85] : memref<2x80x16xf32, #tpu.memory_space<vmem>> -> memref<1x80x16xf32, #tpu.memory_space<vmem>>
      %dma_wait3A_87 = tpu.memref_squeeze %dma_wait3A_86 : memref<1x80x16xf32, #tpu.memory_space<vmem>> -> memref<80x16xf32, #tpu.memory_space<vmem>>
      %dma_wait3A_88 = arith.constant 0 : i32
      %dma_wait3A_89 = tpu.memref_slice %arg5[%add3A_31, %dma_wait3A_88] : memref<320000x16xf32, #tpu.memory_space<hbm>> -> memref<80x16xf32, #tpu.memory_space<hbm>>
      %dma_wait3A_90 = arith.constant 0 : i32
      %dma_wait3A_91 = arith.constant 0 : i32
      %dma_wait3A_92 = tpu.memref_slice %arg9[%run_scoped3A_34, %dma_wait3A_90, %dma_wait3A_91] : memref<2x80x16xf32, #tpu.memory_space<vmem>> -> memref<1x80x16xf32, #tpu.memory_space<vmem>>
      %dma_wait3A_93 = tpu.memref_squeeze %dma_wait3A_92 : memref<1x80x16xf32, #tpu.memory_space<vmem>> -> memref<80x16xf32, #tpu.memory_space<vmem>>
      %dma_wait3A_94 = arith.constant 0 : i32
      %dma_wait3A_95 = tpu.memref_slice %arg5[%add3A_31, %dma_wait3A_94] : memref<320000x16xf32, #tpu.memory_space<hbm>> -> memref<80x16xf32, #tpu.memory_space<hbm>>
      tpu.wait_dma2 semaphore(%run_scoped3A_71 : memref<!tpu.dma_semaphore, #tpu.memory_space<semaphore_mem>>) src(%dma_wait3A_95 : memref<80x16xf32, #tpu.memory_space<hbm>>) dst(%dma_wait3A_93 : memref<80x16xf32, #tpu.memory_space<vmem>>)
      tpu.yield
    }) : () -> ()
    %dma_start3A = arith.constant 0 : i32
    %dma_start3A_35 = arith.constant 0 : i32
    %dma_start3A_36 = arith.constant 0 : i32
    %dma_start3A_37 = arith.constant 0 : i32
    %dma_start3A_38 = tpu.memref_slice %arg10[%dma_start3A_35, %dma_start3A_36, %dma_start3A_37] : memref<2x80x128xf32, #tpu.memory_space<vmem>> -> memref<1x80x128xf32, #tpu.memory_space<vmem>>
    %dma_start3A_39 = tpu.memref_squeeze %dma_start3A_38 : memref<1x80x128xf32, #tpu.memory_space<vmem>> -> memref<80x128xf32, #tpu.memory_space<vmem>>
    %dma_start3A_40 = arith.constant 0 : i32
    %dma_start3A_41 = tpu.memref_slice %arg7[%dma_start3A, %dma_start3A_40] : memref<2x80xi32, #tpu.memory_space<vmem>> -> memref<1x80xi32, #tpu.memory_space<vmem>>
    %dma_start3A_42 = tpu.memref_squeeze %dma_start3A_41 : memref<1x80xi32, #tpu.memory_space<vmem>> -> memref<80xi32, #tpu.memory_space<vmem>>
    %dma_start3A_43 = arith.constant 0 : i32
    %dma_start3A_44 = arith.constant 0 : i32
    %dma_start3A_45 = tpu.memref_slice %arg2[%dma_start3A_43, %dma_start3A_44] : memref<10000x128xf32, #tpu.memory_space<hbm>> -> memref<10000x128xf32, #tpu.memory_space<hbm>>
    tpu.enqueue_indirect_dma source(%dma_start3A_45 : memref<10000x128xf32, #tpu.memory_space<hbm>>) target(%dma_start3A_39 : memref<80x128xf32, #tpu.memory_space<vmem>>) offsets(%dma_start3A_42 : memref<80xi32, #tpu.memory_space<vmem>>) semaphore(%arg11 : memref<!tpu.dma_semaphore, #tpu.memory_space<semaphore_mem>>)
    %scan3A = arith.constant 0 : i32
    %scan3A_46 = arith.constant 0 : i32
    %scan3A_47 = arith.constant 62 : i32
    %scan3A_48 = arith.addi %scan3A_46, %scan3A_47 : i32
    %scan3A_49 = arith.constant 1 : i32
    scf.for %scan3A_71 = %scan3A_46 to %scan3A_48 step %scan3A_49  : i32 {
      %mul3A_72 = arith.constant 2 : i32
      %mul3A_73 = arith.muli %mul3A_72, %scan3A_71 : i32
      %add3A_74 = arith.constant 1 : i32
      %add3A_75 = arith.addi %mul3A_73, %add3A_74 : i32
      %mul3A_76 = arith.constant 80 : i32
      %mul3A_77 = arith.muli %add3A_75, %mul3A_76 : i32
      %add3A_78 = arith.addi %mul3A_2, %mul3A_77 : i32
      %run_scoped3A_79 = arith.constant 1 : i32
      "tpu.region"() ({
        %run_scoped3A_148 = tpu.sem_alloc : memref<!tpu.dma_semaphore, #tpu.memory_space<semaphore_mem>>
        %dma_start3A_149 = arith.constant 0 : i32
        %dma_start3A_150 = tpu.memref_slice %arg7[%run_scoped3A_79, %dma_start3A_149] : memref<2x80xi32, #tpu.memory_space<vmem>> -> memref<1x80xi32, #tpu.memory_space<vmem>>
        %dma_start3A_151 = tpu.memref_squeeze %dma_start3A_150 : memref<1x80xi32, #tpu.memory_space<vmem>> -> memref<80xi32, #tpu.memory_space<vmem>>
        %dma_start3A_152 = tpu.memref_slice %arg3[%add3A_78] : memref<320000xi32, #tpu.memory_space<hbm>> -> memref<80xi32, #tpu.memory_space<hbm>>
        %dma_start3A_153 = arith.constant 0 : i32
        %dma_start3A_154 = tpu.memref_slice %arg7[%run_scoped3A_79, %dma_start3A_153] : memref<2x80xi32, #tpu.memory_space<vmem>> -> memref<1x80xi32, #tpu.memory_space<vmem>>
        %dma_start3A_155 = tpu.memref_squeeze %dma_start3A_154 : memref<1x80xi32, #tpu.memory_space<vmem>> -> memref<80xi32, #tpu.memory_space<vmem>>
        %dma_start3A_156 = tpu.memref_slice %arg3[%add3A_78] : memref<320000xi32, #tpu.memory_space<hbm>> -> memref<80xi32, #tpu.memory_space<hbm>>
        tpu.enqueue_dma source(%dma_start3A_156 : memref<80xi32, #tpu.memory_space<hbm>>) target(%dma_start3A_155 : memref<80xi32, #tpu.memory_space<vmem>>) target_semaphore(%run_scoped3A_148 : memref<!tpu.dma_semaphore, #tpu.memory_space<semaphore_mem>>)
        %dma_wait3A_157 = arith.constant 0 : i32
        %dma_wait3A_158 = tpu.memref_slice %arg7[%run_scoped3A_79, %dma_wait3A_157] : memref<2x80xi32, #tpu.memory_space<vmem>> -> memref<1x80xi32, #tpu.memory_space<vmem>>
        %dma_wait3A_159 = tpu.memref_squeeze %dma_wait3A_158 : memref<1x80xi32, #tpu.memory_space<vmem>> -> memref<80xi32, #tpu.memory_space<vmem>>
        %dma_wait3A_160 = tpu.memref_slice %arg3[%add3A_78] : memref<320000xi32, #tpu.memory_space<hbm>> -> memref<80xi32, #tpu.memory_space<hbm>>
        %dma_wait3A_161 = arith.constant 0 : i32
        %dma_wait3A_162 = tpu.memref_slice %arg7[%run_scoped3A_79, %dma_wait3A_161] : memref<2x80xi32, #tpu.memory_space<vmem>> -> memref<1x80xi32, #tpu.memory_space<vmem>>
        %dma_wait3A_163 = tpu.memref_squeeze %dma_wait3A_162 : memref<1x80xi32, #tpu.memory_space<vmem>> -> memref<80xi32, #tpu.memory_space<vmem>>
        %dma_wait3A_164 = tpu.memref_slice %arg3[%add3A_78] : memref<320000xi32, #tpu.memory_space<hbm>> -> memref<80xi32, #tpu.memory_space<hbm>>
        tpu.wait_dma2 semaphore(%run_scoped3A_148 : memref<!tpu.dma_semaphore, #tpu.memory_space<semaphore_mem>>) src(%dma_wait3A_164 : memref<80xi32, #tpu.memory_space<hbm>>) dst(%dma_wait3A_163 : memref<80xi32, #tpu.memory_space<vmem>>)
        tpu.yield
      }) : () -> ()
      %run_scoped3A_80 = arith.constant 1 : i32
      "tpu.region"() ({
        %run_scoped3A_148 = tpu.sem_alloc : memref<!tpu.dma_semaphore, #tpu.memory_space<semaphore_mem>>
        %dma_start3A_149 = arith.constant 0 : i32
        %dma_start3A_150 = tpu.memref_slice %arg8[%run_scoped3A_80, %dma_start3A_149] : memref<2x80xi32, #tpu.memory_space<vmem>> -> memref<1x80xi32, #tpu.memory_space<vmem>>
        %dma_start3A_151 = tpu.memref_squeeze %dma_start3A_150 : memref<1x80xi32, #tpu.memory_space<vmem>> -> memref<80xi32, #tpu.memory_space<vmem>>
        %dma_start3A_152 = tpu.memref_slice %arg4[%add3A_78] : memref<320000xi32, #tpu.memory_space<hbm>> -> memref<80xi32, #tpu.memory_space<hbm>>
        %dma_start3A_153 = arith.constant 0 : i32
        %dma_start3A_154 = tpu.memref_slice %arg8[%run_scoped3A_80, %dma_start3A_153] : memref<2x80xi32, #tpu.memory_space<vmem>> -> memref<1x80xi32, #tpu.memory_space<vmem>>
        %dma_start3A_155 = tpu.memref_squeeze %dma_start3A_154 : memref<1x80xi32, #tpu.memory_space<vmem>> -> memref<80xi32, #tpu.memory_space<vmem>>
        %dma_start3A_156 = tpu.memref_slice %arg4[%add3A_78] : memref<320000xi32, #tpu.memory_space<hbm>> -> memref<80xi32, #tpu.memory_space<hbm>>
        tpu.enqueue_dma source(%dma_start3A_156 : memref<80xi32, #tpu.memory_space<hbm>>) target(%dma_start3A_155 : memref<80xi32, #tpu.memory_space<vmem>>) target_semaphore(%run_scoped3A_148 : memref<!tpu.dma_semaphore, #tpu.memory_space<semaphore_mem>>)
        %dma_wait3A_157 = arith.constant 0 : i32
        %dma_wait3A_158 = tpu.memref_slice %arg8[%run_scoped3A_80, %dma_wait3A_157] : memref<2x80xi32, #tpu.memory_space<vmem>> -> memref<1x80xi32, #tpu.memory_space<vmem>>
        %dma_wait3A_159 = tpu.memref_squeeze %dma_wait3A_158 : memref<1x80xi32, #tpu.memory_space<vmem>> -> memref<80xi32, #tpu.memory_space<vmem>>
        %dma_wait3A_160 = tpu.memref_slice %arg4[%add3A_78] : memref<320000xi32, #tpu.memory_space<hbm>> -> memref<80xi32, #tpu.memory_space<hbm>>
        %dma_wait3A_161 = arith.constant 0 : i32
        %dma_wait3A_162 = tpu.memref_slice %arg8[%run_scoped3A_80, %dma_wait3A_161] : memref<2x80xi32, #tpu.memory_space<vmem>> -> memref<1x80xi32, #tpu.memory_space<vmem>>
        %dma_wait3A_163 = tpu.memref_squeeze %dma_wait3A_162 : memref<1x80xi32, #tpu.memory_space<vmem>> -> memref<80xi32, #tpu.memory_space<vmem>>
        %dma_wait3A_164 = tpu.memref_slice %arg4[%add3A_78] : memref<320000xi32, #tpu.memory_space<hbm>> -> memref<80xi32, #tpu.memory_space<hbm>>
        tpu.wait_dma2 semaphore(%run_scoped3A_148 : memref<!tpu.dma_semaphore, #tpu.memory_space<semaphore_mem>>) src(%dma_wait3A_164 : memref<80xi32, #tpu.memory_space<hbm>>) dst(%dma_wait3A_163 : memref<80xi32, #tpu.memory_space<vmem>>)
        tpu.yield
      }) : () -> ()
      %run_scoped3A_81 = arith.constant 1 : i32
      "tpu.region"() ({
        %run_scoped3A_148 = tpu.sem_alloc : memref<!tpu.dma_semaphore, #tpu.memory_space<semaphore_mem>>
        %dma_start3A_149 = arith.constant 0 : i32
        %dma_start3A_150 = arith.constant 0 : i32
        %dma_start3A_151 = tpu.memref_slice %arg9[%run_scoped3A_81, %dma_start3A_149, %dma_start3A_150] : memref<2x80x16xf32, #tpu.memory_space<vmem>> -> memref<1x80x16xf32, #tpu.memory_space<vmem>>
        %dma_start3A_152 = tpu.memref_squeeze %dma_start3A_151 : memref<1x80x16xf32, #tpu.memory_space<vmem>> -> memref<80x16xf32, #tpu.memory_space<vmem>>
        %dma_start3A_153 = arith.constant 0 : i32
        %dma_start3A_154 = tpu.memref_slice %arg5[%add3A_78, %dma_start3A_153] : memref<320000x16xf32, #tpu.memory_space<hbm>> -> memref<80x16xf32, #tpu.memory_space<hbm>>
        %dma_start3A_155 = arith.constant 0 : i32
        %dma_start3A_156 = arith.constant 0 : i32
        %dma_start3A_157 = tpu.memref_slice %arg9[%run_scoped3A_81, %dma_start3A_155, %dma_start3A_156] : memref<2x80x16xf32, #tpu.memory_space<vmem>> -> memref<1x80x16xf32, #tpu.memory_space<vmem>>
        %dma_start3A_158 = tpu.memref_squeeze %dma_start3A_157 : memref<1x80x16xf32, #tpu.memory_space<vmem>> -> memref<80x16xf32, #tpu.memory_space<vmem>>
        %dma_start3A_159 = arith.constant 0 : i32
        %dma_start3A_160 = tpu.memref_slice %arg5[%add3A_78, %dma_start3A_159] : memref<320000x16xf32, #tpu.memory_space<hbm>> -> memref<80x16xf32, #tpu.memory_space<hbm>>
        tpu.enqueue_dma source(%dma_start3A_160 : memref<80x16xf32, #tpu.memory_space<hbm>>) target(%dma_start3A_158 : memref<80x16xf32, #tpu.memory_space<vmem>>) target_semaphore(%run_scoped3A_148 : memref<!tpu.dma_semaphore, #tpu.memory_space<semaphore_mem>>)
        %dma_wait3A_161 = arith.constant 0 : i32
        %dma_wait3A_162 = arith.constant 0 : i32
        %dma_wait3A_163 = tpu.memref_slice %arg9[%run_scoped3A_81, %dma_wait3A_161, %dma_wait3A_162] : memref<2x80x16xf32, #tpu.memory_space<vmem>> -> memref<1x80x16xf32, #tpu.memory_space<vmem>>
        %dma_wait3A_164 = tpu.memref_squeeze %dma_wait3A_163 : memref<1x80x16xf32, #tpu.memory_space<vmem>> -> memref<80x16xf32, #tpu.memory_space<vmem>>
        %dma_wait3A_165 = arith.constant 0 : i32
        %dma_wait3A_166 = tpu.memref_slice %arg5[%add3A_78, %dma_wait3A_165] : memref<320000x16xf32, #tpu.memory_space<hbm>> -> memref<80x16xf32, #tpu.memory_space<hbm>>
        %dma_wait3A_167 = arith.constant 0 : i32
        %dma_wait3A_168 = arith.constant 0 : i32
        %dma_wait3A_169 = tpu.memref_slice %arg9[%run_scoped3A_81, %dma_wait3A_167, %dma_wait3A_168] : memref<2x80x16xf32, #tpu.memory_space<vmem>> -> memref<1x80x16xf32, #tpu.memory_space<vmem>>
        %dma_wait3A_170 = tpu.memref_squeeze %dma_wait3A_169 : memref<1x80x16xf32, #tpu.memory_space<vmem>> -> memref<80x16xf32, #tpu.memory_space<vmem>>
        %dma_wait3A_171 = arith.constant 0 : i32
        %dma_wait3A_172 = tpu.memref_slice %arg5[%add3A_78, %dma_wait3A_171] : memref<320000x16xf32, #tpu.memory_space<hbm>> -> memref<80x16xf32, #tpu.memory_space<hbm>>
        tpu.wait_dma2 semaphore(%run_scoped3A_148 : memref<!tpu.dma_semaphore, #tpu.memory_space<semaphore_mem>>) src(%dma_wait3A_172 : memref<80x16xf32, #tpu.memory_space<hbm>>) dst(%dma_wait3A_170 : memref<80x16xf32, #tpu.memory_space<vmem>>)
        tpu.yield
      }) : () -> ()
      %dma_start3A_82 = arith.constant 1 : i32
      %dma_start3A_83 = arith.constant 1 : i32
      %dma_start3A_84 = arith.constant 0 : i32
      %dma_start3A_85 = arith.constant 0 : i32
      %dma_start3A_86 = tpu.memref_slice %arg10[%dma_start3A_83, %dma_start3A_84, %dma_start3A_85] : memref<2x80x128xf32, #tpu.memory_space<vmem>> -> memref<1x80x128xf32, #tpu.memory_space<vmem>>
      %dma_start3A_87 = tpu.memref_squeeze %dma_start3A_86 : memref<1x80x128xf32, #tpu.memory_space<vmem>> -> memref<80x128xf32, #tpu.memory_space<vmem>>
      %dma_start3A_88 = arith.constant 0 : i32
      %dma_start3A_89 = tpu.memref_slice %arg7[%dma_start3A_82, %dma_start3A_88] : memref<2x80xi32, #tpu.memory_space<vmem>> -> memref<1x80xi32, #tpu.memory_space<vmem>>
      %dma_start3A_90 = tpu.memref_squeeze %dma_start3A_89 : memref<1x80xi32, #tpu.memory_space<vmem>> -> memref<80xi32, #tpu.memory_space<vmem>>
      %dma_start3A_91 = arith.constant 0 : i32
      %dma_start3A_92 = arith.constant 0 : i32
      %dma_start3A_93 = tpu.memref_slice %arg2[%dma_start3A_91, %dma_start3A_92] : memref<10000x128xf32, #tpu.memory_space<hbm>> -> memref<10000x128xf32, #tpu.memory_space<hbm>>
      tpu.enqueue_indirect_dma source(%dma_start3A_93 : memref<10000x128xf32, #tpu.memory_space<hbm>>) target(%dma_start3A_87 : memref<80x128xf32, #tpu.memory_space<vmem>>) offsets(%dma_start3A_90 : memref<80xi32, #tpu.memory_space<vmem>>) semaphore(%arg12 : memref<!tpu.dma_semaphore, #tpu.memory_space<semaphore_mem>>)
      %dma_wait3A_94 = arith.constant 0 : i32
      %dma_wait3A_95 = arith.constant 0 : i32
      %dma_wait3A_96 = arith.constant 0 : i32
      %dma_wait3A_97 = arith.constant 0 : i32
      %dma_wait3A_98 = tpu.memref_slice %arg10[%dma_wait3A_95, %dma_wait3A_96, %dma_wait3A_97] : memref<2x80x128xf32, #tpu.memory_space<vmem>> -> memref<1x80x128xf32, #tpu.memory_space<vmem>>
      %dma_wait3A_99 = tpu.memref_squeeze %dma_wait3A_98 : memref<1x80x128xf32, #tpu.memory_space<vmem>> -> memref<80x128xf32, #tpu.memory_space<vmem>>
      %dma_wait3A_100 = arith.constant 0 : i32
      %dma_wait3A_101 = tpu.memref_slice %arg7[%dma_wait3A_94, %dma_wait3A_100] : memref<2x80xi32, #tpu.memory_space<vmem>> -> memref<1x80xi32, #tpu.memory_space<vmem>>
      %dma_wait3A_102 = tpu.memref_squeeze %dma_wait3A_101 : memref<1x80xi32, #tpu.memory_space<vmem>> -> memref<80xi32, #tpu.memory_space<vmem>>
      %dma_wait3A_103 = arith.constant 0 : i32
      %dma_wait3A_104 = arith.constant 0 : i32
      %dma_wait3A_105 = tpu.memref_slice %arg2[%dma_wait3A_103, %dma_wait3A_104] : memref<10000x128xf32, #tpu.memory_space<hbm>> -> memref<10000x128xf32, #tpu.memory_space<hbm>>
      tpu.wait_indirect_dma semaphore(%arg11 : memref<!tpu.dma_semaphore, #tpu.memory_space<semaphore_mem>>) src(%dma_wait3A_105 : memref<10000x128xf32, #tpu.memory_space<hbm>>) dst(%dma_wait3A_99 : memref<80x128xf32, #tpu.memory_space<vmem>>)
      %parallel_loop3A_106 = arith.constant 0 : i32
      %parallel_loop3A_107 = arith.constant 80 : i32
      %parallel_loop3A_108 = arith.constant 1 : i32
      scf.for %parallel_loop3A_148 = %parallel_loop3A_106 to %parallel_loop3A_107 step %parallel_loop3A_108  : i32 {
        %parallel_loop3A_149 = arith.constant 0 : i32
        %parallel_loop3A_150 = arith.index_cast %parallel_loop3A_149 : i32 to index
        %parallel_loop3A_151 = arith.index_cast %parallel_loop3A_148 : i32 to index
        %parallel_loop3A_152 = arith.constant 0 : index
        %parallel_loop3A_153 = tpu.vector_load %arg9[%parallel_loop3A_150, %parallel_loop3A_151, %parallel_loop3A_152] {strides = array<i32>} : memref<2x80x16xf32, #tpu.memory_space<vmem>>, vector<1x1x16xf32>,
        %parallel_loop3A_154 = vector.shape_cast %parallel_loop3A_153 : vector<1x1x16xf32> to vector<16xf32>
        %parallel_loop3A_155 = arith.constant 0 : i32
        %parallel_loop3A_156 = arith.index_cast %parallel_loop3A_155 : i32 to index
        %parallel_loop3A_157 = arith.index_cast %parallel_loop3A_148 : i32 to index
        %parallel_loop3A_158 = arith.constant 0 : index
        %parallel_loop3A_159 = tpu.vector_load %arg10[%parallel_loop3A_156, %parallel_loop3A_157, %parallel_loop3A_158] {strides = array<i32>} : memref<2x80x128xf32, #tpu.memory_space<vmem>>, vector<1x1x16xf32>,
        %parallel_loop3A_160 = vector.shape_cast %parallel_loop3A_159 : vector<1x1x16xf32> to vector<16xf32>
        %parallel_loop3A_161 = arith.mulf %parallel_loop3A_160, %parallel_loop3A_154 : vector<16xf32>
        %parallel_loop3A_162 = arith.constant 0 : i32
        %parallel_loop3A_163 = arith.index_cast %parallel_loop3A_162 : i32 to index
        %parallel_loop3A_164 = arith.index_cast %parallel_loop3A_148 : i32 to index
        %parallel_loop3A_165 = arith.constant 0 : index
        %parallel_loop3A_166 = tpu.vector_load %arg10[%parallel_loop3A_163, %parallel_loop3A_164, %parallel_loop3A_165] {strides = array<i32>} : memref<2x80x128xf32, #tpu.memory_space<vmem>>, vector<1x1x16xf32>,
        %parallel_loop3A_167 = vector.shape_cast %parallel_loop3A_166 : vector<1x1x16xf32> to vector<16xf32>
        %parallel_loop3A_168 = vector.shape_cast %parallel_loop3A_161 : vector<16xf32> to vector<1x1x16xf32>
        tpu.vector_store %arg10[%parallel_loop3A_163, %parallel_loop3A_164, %parallel_loop3A_165], %parallel_loop3A_168 {strides = array<i32>} : memref<2x80x128xf32, #tpu.memory_space<vmem>>, vector<1x1x16xf32>,
        %parallel_loop3A_169 = arith.constant 0 : i32
        %parallel_loop3A_170 = arith.index_cast %parallel_loop3A_169 : i32 to index
        %parallel_loop3A_171 = arith.index_cast %parallel_loop3A_148 : i32 to index
        %parallel_loop3A_172 = arith.constant 16 : index
        %parallel_loop3A_173 = tpu.vector_load %arg10[%parallel_loop3A_170, %parallel_loop3A_171, %parallel_loop3A_172] {strides = array<i32>} : memref<2x80x128xf32, #tpu.memory_space<vmem>>, vector<1x1x16xf32>,
        %parallel_loop3A_174 = vector.shape_cast %parallel_loop3A_173 : vector<1x1x16xf32> to vector<16xf32>
        %parallel_loop3A_175 = arith.mulf %parallel_loop3A_174, %parallel_loop3A_154 : vector<16xf32>
        %parallel_loop3A_176 = arith.constant 0 : i32
        %parallel_loop3A_177 = arith.index_cast %parallel_loop3A_176 : i32 to index
        %parallel_loop3A_178 = arith.index_cast %parallel_loop3A_148 : i32 to index
        %parallel_loop3A_179 = arith.constant 16 : index
        %parallel_loop3A_180 = tpu.vector_load %arg10[%parallel_loop3A_177, %parallel_loop3A_178, %parallel_loop3A_179] {strides = array<i32>} : memref<2x80x128xf32, #tpu.memory_space<vmem>>, vector<1x1x16xf32>,
        %parallel_loop3A_181 = vector.shape_cast %parallel_loop3A_180 : vector<1x1x16xf32> to vector<16xf32>
        %parallel_loop3A_182 = vector.shape_cast %parallel_loop3A_175 : vector<16xf32> to vector<1x1x16xf32>
        tpu.vector_store %arg10[%parallel_loop3A_177, %parallel_loop3A_178, %parallel_loop3A_179], %parallel_loop3A_182 {strides = array<i32>} : memref<2x80x128xf32, #tpu.memory_space<vmem>>, vector<1x1x16xf32>,
        %parallel_loop3A_183 = arith.constant 0 : i32
        %parallel_loop3A_184 = arith.index_cast %parallel_loop3A_183 : i32 to index
        %parallel_loop3A_185 = arith.index_cast %parallel_loop3A_148 : i32 to index
        %parallel_loop3A_186 = arith.constant 32 : index
        %parallel_loop3A_187 = tpu.vector_load %arg10[%parallel_loop3A_184, %parallel_loop3A_185, %parallel_loop3A_186] {strides = array<i32>} : memref<2x80x128xf32, #tpu.memory_space<vmem>>, vector<1x1x16xf32>,
        %parallel_loop3A_188 = vector.shape_cast %parallel_loop3A_187 : vector<1x1x16xf32> to vector<16xf32>
        %parallel_loop3A_189 = arith.mulf %parallel_loop3A_188, %parallel_loop3A_154 : vector<16xf32>
        %parallel_loop3A_190 = arith.constant 0 : i32
        %parallel_loop3A_191 = arith.index_cast %parallel_loop3A_190 : i32 to index
        %parallel_loop3A_192 = arith.index_cast %parallel_loop3A_148 : i32 to index
        %parallel_loop3A_193 = arith.constant 32 : index
        %parallel_loop3A_194 = tpu.vector_load %arg10[%parallel_loop3A_191, %parallel_loop3A_192, %parallel_loop3A_193] {strides = array<i32>} : memref<2x80x128xf32, #tpu.memory_space<vmem>>, vector<1x1x16xf32>,
        %parallel_loop3A_195 = vector.shape_cast %parallel_loop3A_194 : vector<1x1x16xf32> to vector<16xf32>
        %parallel_loop3A_196 = vector.shape_cast %parallel_loop3A_189 : vector<16xf32> to vector<1x1x16xf32>
        tpu.vector_store %arg10[%parallel_loop3A_191, %parallel_loop3A_192, %parallel_loop3A_193], %parallel_loop3A_196 {strides = array<i32>} : memref<2x80x128xf32, #tpu.memory_space<vmem>>, vector<1x1x16xf32>,
        %parallel_loop3A_197 = arith.constant 0 : i32
        %parallel_loop3A_198 = arith.index_cast %parallel_loop3A_197 : i32 to index
        %parallel_loop3A_199 = arith.index_cast %parallel_loop3A_148 : i32 to index
        %parallel_loop3A_200 = arith.constant 48 : index
        %parallel_loop3A_201 = tpu.vector_load %arg10[%parallel_loop3A_198, %parallel_loop3A_199, %parallel_loop3A_200] {strides = array<i32>} : memref<2x80x128xf32, #tpu.memory_space<vmem>>, vector<1x1x16xf32>,
        %parallel_loop3A_202 = vector.shape_cast %parallel_loop3A_201 : vector<1x1x16xf32> to vector<16xf32>
        %parallel_loop3A_203 = arith.mulf %parallel_loop3A_202, %parallel_loop3A_154 : vector<16xf32>
        %parallel_loop3A_204 = arith.constant 0 : i32
        %parallel_loop3A_205 = arith.index_cast %parallel_loop3A_204 : i32 to index
        %parallel_loop3A_206 = arith.index_cast %parallel_loop3A_148 : i32 to index
        %parallel_loop3A_207 = arith.constant 48 : index
        %parallel_loop3A_208 = tpu.vector_load %arg10[%parallel_loop3A_205, %parallel_loop3A_206, %parallel_loop3A_207] {strides = array<i32>} : memref<2x80x128xf32, #tpu.memory_space<vmem>>, vector<1x1x16xf32>,
        %parallel_loop3A_209 = vector.shape_cast %parallel_loop3A_208 : vector<1x1x16xf32> to vector<16xf32>
        %parallel_loop3A_210 = vector.shape_cast %parallel_loop3A_203 : vector<16xf32> to vector<1x1x16xf32>
        tpu.vector_store %arg10[%parallel_loop3A_205, %parallel_loop3A_206, %parallel_loop3A_207], %parallel_loop3A_210 {strides = array<i32>} : memref<2x80x128xf32, #tpu.memory_space<vmem>>, vector<1x1x16xf32>,
        %parallel_loop3A_211 = arith.constant 0 : i32
        %parallel_loop3A_212 = arith.index_cast %parallel_loop3A_211 : i32 to index
        %parallel_loop3A_213 = arith.index_cast %parallel_loop3A_148 : i32 to index
        %parallel_loop3A_214 = arith.constant 64 : index
        %parallel_loop3A_215 = tpu.vector_load %arg10[%parallel_loop3A_212, %parallel_loop3A_213, %parallel_loop3A_214] {strides = array<i32>} : memref<2x80x128xf32, #tpu.memory_space<vmem>>, vector<1x1x16xf32>,
        %parallel_loop3A_216 = vector.shape_cast %parallel_loop3A_215 : vector<1x1x16xf32> to vector<16xf32>
        %parallel_loop3A_217 = arith.mulf %parallel_loop3A_216, %parallel_loop3A_154 : vector<16xf32>
        %parallel_loop3A_218 = arith.constant 0 : i32
        %parallel_loop3A_219 = arith.index_cast %parallel_loop3A_218 : i32 to index
        %parallel_loop3A_220 = arith.index_cast %parallel_loop3A_148 : i32 to index
        %parallel_loop3A_221 = arith.constant 64 : index
        %parallel_loop3A_222 = tpu.vector_load %arg10[%parallel_loop3A_219, %parallel_loop3A_220, %parallel_loop3A_221] {strides = array<i32>} : memref<2x80x128xf32, #tpu.memory_space<vmem>>, vector<1x1x16xf32>,
        %parallel_loop3A_223 = vector.shape_cast %parallel_loop3A_222 : vector<1x1x16xf32> to vector<16xf32>
        %parallel_loop3A_224 = vector.shape_cast %parallel_loop3A_217 : vector<16xf32> to vector<1x1x16xf32>
        tpu.vector_store %arg10[%parallel_loop3A_219, %parallel_loop3A_220, %parallel_loop3A_221], %parallel_loop3A_224 {strides = array<i32>} : memref<2x80x128xf32, #tpu.memory_space<vmem>>, vector<1x1x16xf32>,
        %parallel_loop3A_225 = arith.constant 0 : i32
        %parallel_loop3A_226 = arith.index_cast %parallel_loop3A_225 : i32 to index
        %parallel_loop3A_227 = arith.index_cast %parallel_loop3A_148 : i32 to index
        %parallel_loop3A_228 = arith.constant 80 : index
        %parallel_loop3A_229 = tpu.vector_load %arg10[%parallel_loop3A_226, %parallel_loop3A_227, %parallel_loop3A_228] {strides = array<i32>} : memref<2x80x128xf32, #tpu.memory_space<vmem>>, vector<1x1x16xf32>,
        %parallel_loop3A_230 = vector.shape_cast %parallel_loop3A_229 : vector<1x1x16xf32> to vector<16xf32>
        %parallel_loop3A_231 = arith.mulf %parallel_loop3A_230, %parallel_loop3A_154 : vector<16xf32>
        %parallel_loop3A_232 = arith.constant 0 : i32
        %parallel_loop3A_233 = arith.index_cast %parallel_loop3A_232 : i32 to index
        %parallel_loop3A_234 = arith.index_cast %parallel_loop3A_148 : i32 to index
        %parallel_loop3A_235 = arith.constant 80 : index
        %parallel_loop3A_236 = tpu.vector_load %arg10[%parallel_loop3A_233, %parallel_loop3A_234, %parallel_loop3A_235] {strides = array<i32>} : memref<2x80x128xf32, #tpu.memory_space<vmem>>, vector<1x1x16xf32>,
        %parallel_loop3A_237 = vector.shape_cast %parallel_loop3A_236 : vector<1x1x16xf32> to vector<16xf32>
        %parallel_loop3A_238 = vector.shape_cast %parallel_loop3A_231 : vector<16xf32> to vector<1x1x16xf32>
        tpu.vector_store %arg10[%parallel_loop3A_233, %parallel_loop3A_234, %parallel_loop3A_235], %parallel_loop3A_238 {strides = array<i32>} : memref<2x80x128xf32, #tpu.memory_space<vmem>>, vector<1x1x16xf32>,
        %parallel_loop3A_239 = arith.constant 0 : i32
        %parallel_loop3A_240 = arith.index_cast %parallel_loop3A_239 : i32 to index
        %parallel_loop3A_241 = arith.index_cast %parallel_loop3A_148 : i32 to index
        %parallel_loop3A_242 = arith.constant 96 : index
        %parallel_loop3A_243 = tpu.vector_load %arg10[%parallel_loop3A_240, %parallel_loop3A_241, %parallel_loop3A_242] {strides = array<i32>} : memref<2x80x128xf32, #tpu.memory_space<vmem>>, vector<1x1x16xf32>,
        %parallel_loop3A_244 = vector.shape_cast %parallel_loop3A_243 : vector<1x1x16xf32> to vector<16xf32>
        %parallel_loop3A_245 = arith.mulf %parallel_loop3A_244, %parallel_loop3A_154 : vector<16xf32>
        %parallel_loop3A_246 = arith.constant 0 : i32
        %parallel_loop3A_247 = arith.index_cast %parallel_loop3A_246 : i32 to index
        %parallel_loop3A_248 = arith.index_cast %parallel_loop3A_148 : i32 to index
        %parallel_loop3A_249 = arith.constant 96 : index
        %parallel_loop3A_250 = tpu.vector_load %arg10[%parallel_loop3A_247, %parallel_loop3A_248, %parallel_loop3A_249] {strides = array<i32>} : memref<2x80x128xf32, #tpu.memory_space<vmem>>, vector<1x1x16xf32>,
        %parallel_loop3A_251 = vector.shape_cast %parallel_loop3A_250 : vector<1x1x16xf32> to vector<16xf32>
        %parallel_loop3A_252 = vector.shape_cast %parallel_loop3A_245 : vector<16xf32> to vector<1x1x16xf32>
        tpu.vector_store %arg10[%parallel_loop3A_247, %parallel_loop3A_248, %parallel_loop3A_249], %parallel_loop3A_252 {strides = array<i32>} : memref<2x80x128xf32, #tpu.memory_space<vmem>>, vector<1x1x16xf32>,
        %parallel_loop3A_253 = arith.constant 0 : i32
        %parallel_loop3A_254 = arith.index_cast %parallel_loop3A_253 : i32 to index
        %parallel_loop3A_255 = arith.index_cast %parallel_loop3A_148 : i32 to index
        %parallel_loop3A_256 = arith.constant 112 : index
        %parallel_loop3A_257 = tpu.vector_load %arg10[%parallel_loop3A_254, %parallel_loop3A_255, %parallel_loop3A_256] {strides = array<i32>} : memref<2x80x128xf32, #tpu.memory_space<vmem>>, vector<1x1x16xf32>,
        %parallel_loop3A_258 = vector.shape_cast %parallel_loop3A_257 : vector<1x1x16xf32> to vector<16xf32>
        %parallel_loop3A_259 = arith.mulf %parallel_loop3A_258, %parallel_loop3A_154 : vector<16xf32>
        %parallel_loop3A_260 = arith.constant 0 : i32
        %parallel_loop3A_261 = arith.index_cast %parallel_loop3A_260 : i32 to index
        %parallel_loop3A_262 = arith.index_cast %parallel_loop3A_148 : i32 to index
        %parallel_loop3A_263 = arith.constant 112 : index
        %parallel_loop3A_264 = tpu.vector_load %arg10[%parallel_loop3A_261, %parallel_loop3A_262, %parallel_loop3A_263] {strides = array<i32>} : memref<2x80x128xf32, #tpu.memory_space<vmem>>, vector<1x1x16xf32>,
        %parallel_loop3A_265 = vector.shape_cast %parallel_loop3A_264 : vector<1x1x16xf32> to vector<16xf32>
        %parallel_loop3A_266 = vector.shape_cast %parallel_loop3A_259 : vector<16xf32> to vector<1x1x16xf32>
        tpu.vector_store %arg10[%parallel_loop3A_261, %parallel_loop3A_262, %parallel_loop3A_263], %parallel_loop3A_266 {strides = array<i32>} : memref<2x80x128xf32, #tpu.memory_space<vmem>>, vector<1x1x16xf32>,
      } {sc.loop_unroll_factor = 4 : i64, sc.parallel_access}
      %run_scoped3A_109 = arith.constant 0 : i32
      %run_scoped3A_110 = arith.constant 0 : i32
      "tpu.region"() ({
        %run_scoped3A_148 = tpu.sem_alloc : memref<!tpu.dma_semaphore, #tpu.memory_space<semaphore_mem>>
        %dma_start3A_149 = arith.constant 0 : i32
        %dma_start3A_150 = arith.constant 0 : i32
        %dma_start3A_151 = tpu.memref_slice %arg10[%run_scoped3A_109, %dma_start3A_149, %dma_start3A_150] : memref<2x80x128xf32, #tpu.memory_space<vmem>> -> memref<1x80x128xf32, #tpu.memory_space<vmem>>
        %dma_start3A_152 = tpu.memref_squeeze %dma_start3A_151 : memref<1x80x128xf32, #tpu.memory_space<vmem>> -> memref<80x128xf32, #tpu.memory_space<vmem>>
        %dma_start3A_153 = arith.constant 0 : i32
        %dma_start3A_154 = tpu.memref_slice %arg8[%run_scoped3A_110, %dma_start3A_153] : memref<2x80xi32, #tpu.memory_space<vmem>> -> memref<1x80xi32, #tpu.memory_space<vmem>>
        %dma_start3A_155 = tpu.memref_squeeze %dma_start3A_154 : memref<1x80xi32, #tpu.memory_space<vmem>> -> memref<80xi32, #tpu.memory_space<vmem>>
        %dma_start3A_156 = arith.constant 0 : i32
        %dma_start3A_157 = arith.constant 0 : i32
        %dma_start3A_158 = tpu.memref_slice %arg13[%dma_start3A_156, %dma_start3A_157] : memref<10240x128xf32, #tpu.memory_space<vmem_shared>> -> memref<10240x128xf32, #tpu.memory_space<vmem_shared>>
        tpu.enqueue_indirect_dma source(%dma_start3A_152 : memref<80x128xf32, #tpu.memory_space<vmem>>) target(%dma_start3A_158 : memref<10240x128xf32, #tpu.memory_space<vmem_shared>>) offsets(%dma_start3A_155 : memref<80xi32, #tpu.memory_space<vmem>>) semaphore(%run_scoped3A_148 : memref<!tpu.dma_semaphore, #tpu.memory_space<semaphore_mem>>) {add = true}
        %dma_wait3A_159 = arith.constant 0 : i32
        %dma_wait3A_160 = arith.constant 0 : i32
        %dma_wait3A_161 = tpu.memref_slice %arg10[%run_scoped3A_109, %dma_wait3A_159, %dma_wait3A_160] : memref<2x80x128xf32, #tpu.memory_space<vmem>> -> memref<1x80x128xf32, #tpu.memory_space<vmem>>
        %dma_wait3A_162 = tpu.memref_squeeze %dma_wait3A_161 : memref<1x80x128xf32, #tpu.memory_space<vmem>> -> memref<80x128xf32, #tpu.memory_space<vmem>>
        %dma_wait3A_163 = arith.constant 0 : i32
        %dma_wait3A_164 = tpu.memref_slice %arg8[%run_scoped3A_110, %dma_wait3A_163] : memref<2x80xi32, #tpu.memory_space<vmem>> -> memref<1x80xi32, #tpu.memory_space<vmem>>
        %dma_wait3A_165 = tpu.memref_squeeze %dma_wait3A_164 : memref<1x80xi32, #tpu.memory_space<vmem>> -> memref<80xi32, #tpu.memory_space<vmem>>
        %dma_wait3A_166 = arith.constant 0 : i32
        %dma_wait3A_167 = arith.constant 0 : i32
        %dma_wait3A_168 = tpu.memref_slice %arg13[%dma_wait3A_166, %dma_wait3A_167] : memref<10240x128xf32, #tpu.memory_space<vmem_shared>> -> memref<10240x128xf32, #tpu.memory_space<vmem_shared>>
        tpu.wait_indirect_dma semaphore(%run_scoped3A_148 : memref<!tpu.dma_semaphore, #tpu.memory_space<semaphore_mem>>) src(%dma_wait3A_162 : memref<80x128xf32, #tpu.memory_space<vmem>>) dst(%dma_wait3A_168 : memref<10240x128xf32, #tpu.memory_space<vmem_shared>>)
        tpu.yield
      }) : () -> ()
      %add3A_111 = arith.constant 2 : i32
      %add3A_112 = arith.addi %mul3A_73, %add3A_111 : i32
      %mul3A_113 = arith.constant 80 : i32
      %mul3A_114 = arith.muli %add3A_112, %mul3A_113 : i32
      %add3A_115 = arith.addi %mul3A_2, %mul3A_114 : i32
      %run_scoped3A_116 = arith.constant 0 : i32
      "tpu.region"() ({
        %run_scoped3A_148 = tpu.sem_alloc : memref<!tpu.dma_semaphore, #tpu.memory_space<semaphore_mem>>
        %dma_start3A_149 = arith.constant 0 : i32
        %dma_start3A_150 = tpu.memref_slice %arg7[%run_scoped3A_116, %dma_start3A_149] : memref<2x80xi32, #tpu.memory_space<vmem>> -> memref<1x80xi32, #tpu.memory_space<vmem>>
        %dma_start3A_151 = tpu.memref_squeeze %dma_start3A_150 : memref<1x80xi32, #tpu.memory_space<vmem>> -> memref<80xi32, #tpu.memory_space<vmem>>
        %dma_start3A_152 = tpu.memref_slice %arg3[%add3A_115] : memref<320000xi32, #tpu.memory_space<hbm>> -> memref<80xi32, #tpu.memory_space<hbm>>
        %dma_start3A_153 = arith.constant 0 : i32
        %dma_start3A_154 = tpu.memref_slice %arg7[%run_scoped3A_116, %dma_start3A_153] : memref<2x80xi32, #tpu.memory_space<vmem>> -> memref<1x80xi32, #tpu.memory_space<vmem>>
        %dma_start3A_155 = tpu.memref_squeeze %dma_start3A_154 : memref<1x80xi32, #tpu.memory_space<vmem>> -> memref<80xi32, #tpu.memory_space<vmem>>
        %dma_start3A_156 = tpu.memref_slice %arg3[%add3A_115] : memref<320000xi32, #tpu.memory_space<hbm>> -> memref<80xi32, #tpu.memory_space<hbm>>
        tpu.enqueue_dma source(%dma_start3A_156 : memref<80xi32, #tpu.memory_space<hbm>>) target(%dma_start3A_155 : memref<80xi32, #tpu.memory_space<vmem>>) target_semaphore(%run_scoped3A_148 : memref<!tpu.dma_semaphore, #tpu.memory_space<semaphore_mem>>)
        %dma_wait3A_157 = arith.constant 0 : i32
        %dma_wait3A_158 = tpu.memref_slice %arg7[%run_scoped3A_116, %dma_wait3A_157] : memref<2x80xi32, #tpu.memory_space<vmem>> -> memref<1x80xi32, #tpu.memory_space<vmem>>
        %dma_wait3A_159 = tpu.memref_squeeze %dma_wait3A_158 : memref<1x80xi32, #tpu.memory_space<vmem>> -> memref<80xi32, #tpu.memory_space<vmem>>
        %dma_wait3A_160 = tpu.memref_slice %arg3[%add3A_115] : memref<320000xi32, #tpu.memory_space<hbm>> -> memref<80xi32, #tpu.memory_space<hbm>>
        %dma_wait3A_161 = arith.constant 0 : i32
        %dma_wait3A_162 = tpu.memref_slice %arg7[%run_scoped3A_116, %dma_wait3A_161] : memref<2x80xi32, #tpu.memory_space<vmem>> -> memref<1x80xi32, #tpu.memory_space<vmem>>
        %dma_wait3A_163 = tpu.memref_squeeze %dma_wait3A_162 : memref<1x80xi32, #tpu.memory_space<vmem>> -> memref<80xi32, #tpu.memory_space<vmem>>
        %dma_wait3A_164 = tpu.memref_slice %arg3[%add3A_115] : memref<320000xi32, #tpu.memory_space<hbm>> -> memref<80xi32, #tpu.memory_space<hbm>>
        tpu.wait_dma2 semaphore(%run_scoped3A_148 : memref<!tpu.dma_semaphore, #tpu.memory_space<semaphore_mem>>) src(%dma_wait3A_164 : memref<80xi32, #tpu.memory_space<hbm>>) dst(%dma_wait3A_163 : memref<80xi32, #tpu.memory_space<vmem>>)
        tpu.yield
      }) : () -> ()
      %run_scoped3A_117 = arith.constant 0 : i32
      "tpu.region"() ({
        %run_scoped3A_148 = tpu.sem_alloc : memref<!tpu.dma_semaphore, #tpu.memory_space<semaphore_mem>>
        %dma_start3A_149 = arith.constant 0 : i32
        %dma_start3A_150 = tpu.memref_slice %arg8[%run_scoped3A_117, %dma_start3A_149] : memref<2x80xi32, #tpu.memory_space<vmem>> -> memref<1x80xi32, #tpu.memory_space<vmem>>
        %dma_start3A_151 = tpu.memref_squeeze %dma_start3A_150 : memref<1x80xi32, #tpu.memory_space<vmem>> -> memref<80xi32, #tpu.memory_space<vmem>>
        %dma_start3A_152 = tpu.memref_slice %arg4[%add3A_115] : memref<320000xi32, #tpu.memory_space<hbm>> -> memref<80xi32, #tpu.memory_space<hbm>>
        %dma_start3A_153 = arith.constant 0 : i32
        %dma_start3A_154 = tpu.memref_slice %arg8[%run_scoped3A_117, %dma_start3A_153] : memref<2x80xi32, #tpu.memory_space<vmem>> -> memref<1x80xi32, #tpu.memory_space<vmem>>
        %dma_start3A_155 = tpu.memref_squeeze %dma_start3A_154 : memref<1x80xi32, #tpu.memory_space<vmem>> -> memref<80xi32, #tpu.memory_space<vmem>>
        %dma_start3A_156 = tpu.memref_slice %arg4[%add3A_115] : memref<320000xi32, #tpu.memory_space<hbm>> -> memref<80xi32, #tpu.memory_space<hbm>>
        tpu.enqueue_dma source(%dma_start3A_156 : memref<80xi32, #tpu.memory_space<hbm>>) target(%dma_start3A_155 : memref<80xi32, #tpu.memory_space<vmem>>) target_semaphore(%run_scoped3A_148 : memref<!tpu.dma_semaphore, #tpu.memory_space<semaphore_mem>>)
        %dma_wait3A_157 = arith.constant 0 : i32
        %dma_wait3A_158 = tpu.memref_slice %arg8[%run_scoped3A_117, %dma_wait3A_157] : memref<2x80xi32, #tpu.memory_space<vmem>> -> memref<1x80xi32, #tpu.memory_space<vmem>>
        %dma_wait3A_159 = tpu.memref_squeeze %dma_wait3A_158 : memref<1x80xi32, #tpu.memory_space<vmem>> -> memref<80xi32, #tpu.memory_space<vmem>>
        %dma_wait3A_160 = tpu.memref_slice %arg4[%add3A_115] : memref<320000xi32, #tpu.memory_space<hbm>> -> memref<80xi32, #tpu.memory_space<hbm>>
        %dma_wait3A_161 = arith.constant 0 : i32
        %dma_wait3A_162 = tpu.memref_slice %arg8[%run_scoped3A_117, %dma_wait3A_161] : memref<2x80xi32, #tpu.memory_space<vmem>> -> memref<1x80xi32, #tpu.memory_space<vmem>>
        %dma_wait3A_163 = tpu.memref_squeeze %dma_wait3A_162 : memref<1x80xi32, #tpu.memory_space<vmem>> -> memref<80xi32, #tpu.memory_space<vmem>>
        %dma_wait3A_164 = tpu.memref_slice %arg4[%add3A_115] : memref<320000xi32, #tpu.memory_space<hbm>> -> memref<80xi32, #tpu.memory_space<hbm>>
        tpu.wait_dma2 semaphore(%run_scoped3A_148 : memref<!tpu.dma_semaphore, #tpu.memory_space<semaphore_mem>>) src(%dma_wait3A_164 : memref<80xi32, #tpu.memory_space<hbm>>) dst(%dma_wait3A_163 : memref<80xi32, #tpu.memory_space<vmem>>)
        tpu.yield
      }) : () -> ()
      %run_scoped3A_118 = arith.constant 0 : i32
      "tpu.region"() ({
        %run_scoped3A_148 = tpu.sem_alloc : memref<!tpu.dma_semaphore, #tpu.memory_space<semaphore_mem>>
        %dma_start3A_149 = arith.constant 0 : i32
        %dma_start3A_150 = arith.constant 0 : i32
        %dma_start3A_151 = tpu.memref_slice %arg9[%run_scoped3A_118, %dma_start3A_149, %dma_start3A_150] : memref<2x80x16xf32, #tpu.memory_space<vmem>> -> memref<1x80x16xf32, #tpu.memory_space<vmem>>
        %dma_start3A_152 = tpu.memref_squeeze %dma_start3A_151 : memref<1x80x16xf32, #tpu.memory_space<vmem>> -> memref<80x16xf32, #tpu.memory_space<vmem>>
        %dma_start3A_153 = arith.constant 0 : i32
        %dma_start3A_154 = tpu.memref_slice %arg5[%add3A_115, %dma_start3A_153] : memref<320000x16xf32, #tpu.memory_space<hbm>> -> memref<80x16xf32, #tpu.memory_space<hbm>>
        %dma_start3A_155 = arith.constant 0 : i32
        %dma_start3A_156 = arith.constant 0 : i32
        %dma_start3A_157 = tpu.memref_slice %arg9[%run_scoped3A_118, %dma_start3A_155, %dma_start3A_156] : memref<2x80x16xf32, #tpu.memory_space<vmem>> -> memref<1x80x16xf32, #tpu.memory_space<vmem>>
        %dma_start3A_158 = tpu.memref_squeeze %dma_start3A_157 : memref<1x80x16xf32, #tpu.memory_space<vmem>> -> memref<80x16xf32, #tpu.memory_space<vmem>>
        %dma_start3A_159 = arith.constant 0 : i32
        %dma_start3A_160 = tpu.memref_slice %arg5[%add3A_115, %dma_start3A_159] : memref<320000x16xf32, #tpu.memory_space<hbm>> -> memref<80x16xf32, #tpu.memory_space<hbm>>
        tpu.enqueue_dma source(%dma_start3A_160 : memref<80x16xf32, #tpu.memory_space<hbm>>) target(%dma_start3A_158 : memref<80x16xf32, #tpu.memory_space<vmem>>) target_semaphore(%run_scoped3A_148 : memref<!tpu.dma_semaphore, #tpu.memory_space<semaphore_mem>>)
        %dma_wait3A_161 = arith.constant 0 : i32
        %dma_wait3A_162 = arith.constant 0 : i32
        %dma_wait3A_163 = tpu.memref_slice %arg9[%run_scoped3A_118, %dma_wait3A_161, %dma_wait3A_162] : memref<2x80x16xf32, #tpu.memory_space<vmem>> -> memref<1x80x16xf32, #tpu.memory_space<vmem>>
        %dma_wait3A_164 = tpu.memref_squeeze %dma_wait3A_163 : memref<1x80x16xf32, #tpu.memory_space<vmem>> -> memref<80x16xf32, #tpu.memory_space<vmem>>
        %dma_wait3A_165 = arith.constant 0 : i32
        %dma_wait3A_166 = tpu.memref_slice %arg5[%add3A_115, %dma_wait3A_165] : memref<320000x16xf32, #tpu.memory_space<hbm>> -> memref<80x16xf32, #tpu.memory_space<hbm>>
        %dma_wait3A_167 = arith.constant 0 : i32
        %dma_wait3A_168 = arith.constant 0 : i32
        %dma_wait3A_169 = tpu.memref_slice %arg9[%run_scoped3A_118, %dma_wait3A_167, %dma_wait3A_168] : memref<2x80x16xf32, #tpu.memory_space<vmem>> -> memref<1x80x16xf32, #tpu.memory_space<vmem>>
        %dma_wait3A_170 = tpu.memref_squeeze %dma_wait3A_169 : memref<1x80x16xf32, #tpu.memory_space<vmem>> -> memref<80x16xf32, #tpu.memory_space<vmem>>
        %dma_wait3A_171 = arith.constant 0 : i32
        %dma_wait3A_172 = tpu.memref_slice %arg5[%add3A_115, %dma_wait3A_171] : memref<320000x16xf32, #tpu.memory_space<hbm>> -> memref<80x16xf32, #tpu.memory_space<hbm>>
        tpu.wait_dma2 semaphore(%run_scoped3A_148 : memref<!tpu.dma_semaphore, #tpu.memory_space<semaphore_mem>>) src(%dma_wait3A_172 : memref<80x16xf32, #tpu.memory_space<hbm>>) dst(%dma_wait3A_170 : memref<80x16xf32, #tpu.memory_space<vmem>>)
        tpu.yield
      }) : () -> ()
      %dma_start3A_119 = arith.constant 0 : i32
      %dma_start3A_120 = arith.constant 0 : i32
      %dma_start3A_121 = arith.constant 0 : i32
      %dma_start3A_122 = arith.constant 0 : i32
      %dma_start3A_123 = tpu.memref_slice %arg10[%dma_start3A_120, %dma_start3A_121, %dma_start3A_122] : memref<2x80x128xf32, #tpu.memory_space<vmem>> -> memref<1x80x128xf32, #tpu.memory_space<vmem>>
      %dma_start3A_124 = tpu.memref_squeeze %dma_start3A_123 : memref<1x80x128xf32, #tpu.memory_space<vmem>> -> memref<80x128xf32, #tpu.memory_space<vmem>>
      %dma_start3A_125 = arith.constant 0 : i32
      %dma_start3A_126 = tpu.memref_slice %arg7[%dma_start3A_119, %dma_start3A_125] : memref<2x80xi32, #tpu.memory_space<vmem>> -> memref<1x80xi32, #tpu.memory_space<vmem>>
      %dma_start3A_127 = tpu.memref_squeeze %dma_start3A_126 : memref<1x80xi32, #tpu.memory_space<vmem>> -> memref<80xi32, #tpu.memory_space<vmem>>
      %dma_start3A_128 = arith.constant 0 : i32
      %dma_start3A_129 = arith.constant 0 : i32
      %dma_start3A_130 = tpu.memref_slice %arg2[%dma_start3A_128, %dma_start3A_129] : memref<10000x128xf32, #tpu.memory_space<hbm>> -> memref<10000x128xf32, #tpu.memory_space<hbm>>
      tpu.enqueue_indirect_dma source(%dma_start3A_130 : memref<10000x128xf32, #tpu.memory_space<hbm>>) target(%dma_start3A_124 : memref<80x128xf32, #tpu.memory_space<vmem>>) offsets(%dma_start3A_127 : memref<80xi32, #tpu.memory_space<vmem>>) semaphore(%arg11 : memref<!tpu.dma_semaphore, #tpu.memory_space<semaphore_mem>>)
      %dma_wait3A_131 = arith.constant 1 : i32
      %dma_wait3A_132 = arith.constant 1 : i32
      %dma_wait3A_133 = arith.constant 0 : i32
      %dma_wait3A_134 = arith.constant 0 : i32
      %dma_wait3A_135 = tpu.memref_slice %arg10[%dma_wait3A_132, %dma_wait3A_133, %dma_wait3A_134] : memref<2x80x128xf32, #tpu.memory_space<vmem>> -> memref<1x80x128xf32, #tpu.memory_space<vmem>>
      %dma_wait3A_136 = tpu.memref_squeeze %dma_wait3A_135 : memref<1x80x128xf32, #tpu.memory_space<vmem>> -> memref<80x128xf32, #tpu.memory_space<vmem>>
      %dma_wait3A_137 = arith.constant 0 : i32
      %dma_wait3A_138 = tpu.memref_slice %arg7[%dma_wait3A_131, %dma_wait3A_137] : memref<2x80xi32, #tpu.memory_space<vmem>> -> memref<1x80xi32, #tpu.memory_space<vmem>>
      %dma_wait3A_139 = tpu.memref_squeeze %dma_wait3A_138 : memref<1x80xi32, #tpu.memory_space<vmem>> -> memref<80xi32, #tpu.memory_space<vmem>>
      %dma_wait3A_140 = arith.constant 0 : i32
      %dma_wait3A_141 = arith.constant 0 : i32
      %dma_wait3A_142 = tpu.memref_slice %arg2[%dma_wait3A_140, %dma_wait3A_141] : memref<10000x128xf32, #tpu.memory_space<hbm>> -> memref<10000x128xf32, #tpu.memory_space<hbm>>
      tpu.wait_indirect_dma semaphore(%arg12 : memref<!tpu.dma_semaphore, #tpu.memory_space<semaphore_mem>>) src(%dma_wait3A_142 : memref<10000x128xf32, #tpu.memory_space<hbm>>) dst(%dma_wait3A_136 : memref<80x128xf32, #tpu.memory_space<vmem>>)
      %parallel_loop3A_143 = arith.constant 0 : i32
      %parallel_loop3A_144 = arith.constant 80 : i32
      %parallel_loop3A_145 = arith.constant 1 : i32
      scf.for %parallel_loop3A_148 = %parallel_loop3A_143 to %parallel_loop3A_144 step %parallel_loop3A_145  : i32 {
        %parallel_loop3A_149 = arith.constant 1 : i32
        %parallel_loop3A_150 = arith.index_cast %parallel_loop3A_149 : i32 to index
        %parallel_loop3A_151 = arith.index_cast %parallel_loop3A_148 : i32 to index
        %parallel_loop3A_152 = arith.constant 0 : index
        %parallel_loop3A_153 = tpu.vector_load %arg9[%parallel_loop3A_150, %parallel_loop3A_151, %parallel_loop3A_152] {strides = array<i32>} : memref<2x80x16xf32, #tpu.memory_space<vmem>>, vector<1x1x16xf32>,
        %parallel_loop3A_154 = vector.shape_cast %parallel_loop3A_153 : vector<1x1x16xf32> to vector<16xf32>
        %parallel_loop3A_155 = arith.constant 1 : i32
        %parallel_loop3A_156 = arith.index_cast %parallel_loop3A_155 : i32 to index
        %parallel_loop3A_157 = arith.index_cast %parallel_loop3A_148 : i32 to index
        %parallel_loop3A_158 = arith.constant 0 : index
        %parallel_loop3A_159 = tpu.vector_load %arg10[%parallel_loop3A_156, %parallel_loop3A_157, %parallel_loop3A_158] {strides = array<i32>} : memref<2x80x128xf32, #tpu.memory_space<vmem>>, vector<1x1x16xf32>,
        %parallel_loop3A_160 = vector.shape_cast %parallel_loop3A_159 : vector<1x1x16xf32> to vector<16xf32>
        %parallel_loop3A_161 = arith.mulf %parallel_loop3A_160, %parallel_loop3A_154 : vector<16xf32>
        %parallel_loop3A_162 = arith.constant 1 : i32
        %parallel_loop3A_163 = arith.index_cast %parallel_loop3A_162 : i32 to index
        %parallel_loop3A_164 = arith.index_cast %parallel_loop3A_148 : i32 to index
        %parallel_loop3A_165 = arith.constant 0 : index
        %parallel_loop3A_166 = tpu.vector_load %arg10[%parallel_loop3A_163, %parallel_loop3A_164, %parallel_loop3A_165] {strides = array<i32>} : memref<2x80x128xf32, #tpu.memory_space<vmem>>, vector<1x1x16xf32>,
        %parallel_loop3A_167 = vector.shape_cast %parallel_loop3A_166 : vector<1x1x16xf32> to vector<16xf32>
        %parallel_loop3A_168 = vector.shape_cast %parallel_loop3A_161 : vector<16xf32> to vector<1x1x16xf32>
        tpu.vector_store %arg10[%parallel_loop3A_163, %parallel_loop3A_164, %parallel_loop3A_165], %parallel_loop3A_168 {strides = array<i32>} : memref<2x80x128xf32, #tpu.memory_space<vmem>>, vector<1x1x16xf32>,
        %parallel_loop3A_169 = arith.constant 1 : i32
        %parallel_loop3A_170 = arith.index_cast %parallel_loop3A_169 : i32 to index
        %parallel_loop3A_171 = arith.index_cast %parallel_loop3A_148 : i32 to index
        %parallel_loop3A_172 = arith.constant 16 : index
        %parallel_loop3A_173 = tpu.vector_load %arg10[%parallel_loop3A_170, %parallel_loop3A_171, %parallel_loop3A_172] {strides = array<i32>} : memref<2x80x128xf32, #tpu.memory_space<vmem>>, vector<1x1x16xf32>,
        %parallel_loop3A_174 = vector.shape_cast %parallel_loop3A_173 : vector<1x1x16xf32> to vector<16xf32>
        %parallel_loop3A_175 = arith.mulf %parallel_loop3A_174, %parallel_loop3A_154 : vector<16xf32>
        %parallel_loop3A_176 = arith.constant 1 : i32
        %parallel_loop3A_177 = arith.index_cast %parallel_loop3A_176 : i32 to index
        %parallel_loop3A_178 = arith.index_cast %parallel_loop3A_148 : i32 to index
        %parallel_loop3A_179 = arith.constant 16 : index
        %parallel_loop3A_180 = tpu.vector_load %arg10[%parallel_loop3A_177, %parallel_loop3A_178, %parallel_loop3A_179] {strides = array<i32>} : memref<2x80x128xf32, #tpu.memory_space<vmem>>, vector<1x1x16xf32>,
        %parallel_loop3A_181 = vector.shape_cast %parallel_loop3A_180 : vector<1x1x16xf32> to vector<16xf32>
        %parallel_loop3A_182 = vector.shape_cast %parallel_loop3A_175 : vector<16xf32> to vector<1x1x16xf32>
        tpu.vector_store %arg10[%parallel_loop3A_177, %parallel_loop3A_178, %parallel_loop3A_179], %parallel_loop3A_182 {strides = array<i32>} : memref<2x80x128xf32, #tpu.memory_space<vmem>>, vector<1x1x16xf32>,
        %parallel_loop3A_183 = arith.constant 1 : i32
        %parallel_loop3A_184 = arith.index_cast %parallel_loop3A_183 : i32 to index
        %parallel_loop3A_185 = arith.index_cast %parallel_loop3A_148 : i32 to index
        %parallel_loop3A_186 = arith.constant 32 : index
        %parallel_loop3A_187 = tpu.vector_load %arg10[%parallel_loop3A_184, %parallel_loop3A_185, %parallel_loop3A_186] {strides = array<i32>} : memref<2x80x128xf32, #tpu.memory_space<vmem>>, vector<1x1x16xf32>,
        %parallel_loop3A_188 = vector.shape_cast %parallel_loop3A_187 : vector<1x1x16xf32> to vector<16xf32>
        %parallel_loop3A_189 = arith.mulf %parallel_loop3A_188, %parallel_loop3A_154 : vector<16xf32>
        %parallel_loop3A_190 = arith.constant 1 : i32
        %parallel_loop3A_191 = arith.index_cast %parallel_loop3A_190 : i32 to index
        %parallel_loop3A_192 = arith.index_cast %parallel_loop3A_148 : i32 to index
        %parallel_loop3A_193 = arith.constant 32 : index
        %parallel_loop3A_194 = tpu.vector_load %arg10[%parallel_loop3A_191, %parallel_loop3A_192, %parallel_loop3A_193] {strides = array<i32>} : memref<2x80x128xf32, #tpu.memory_space<vmem>>, vector<1x1x16xf32>,
        %parallel_loop3A_195 = vector.shape_cast %parallel_loop3A_194 : vector<1x1x16xf32> to vector<16xf32>
        %parallel_loop3A_196 = vector.shape_cast %parallel_loop3A_189 : vector<16xf32> to vector<1x1x16xf32>
        tpu.vector_store %arg10[%parallel_loop3A_191, %parallel_loop3A_192, %parallel_loop3A_193], %parallel_loop3A_196 {strides = array<i32>} : memref<2x80x128xf32, #tpu.memory_space<vmem>>, vector<1x1x16xf32>,
        %parallel_loop3A_197 = arith.constant 1 : i32
        %parallel_loop3A_198 = arith.index_cast %parallel_loop3A_197 : i32 to index
        %parallel_loop3A_199 = arith.index_cast %parallel_loop3A_148 : i32 to index
        %parallel_loop3A_200 = arith.constant 48 : index
        %parallel_loop3A_201 = tpu.vector_load %arg10[%parallel_loop3A_198, %parallel_loop3A_199, %parallel_loop3A_200] {strides = array<i32>} : memref<2x80x128xf32, #tpu.memory_space<vmem>>, vector<1x1x16xf32>,
        %parallel_loop3A_202 = vector.shape_cast %parallel_loop3A_201 : vector<1x1x16xf32> to vector<16xf32>
        %parallel_loop3A_203 = arith.mulf %parallel_loop3A_202, %parallel_loop3A_154 : vector<16xf32>
        %parallel_loop3A_204 = arith.constant 1 : i32
        %parallel_loop3A_205 = arith.index_cast %parallel_loop3A_204 : i32 to index
        %parallel_loop3A_206 = arith.index_cast %parallel_loop3A_148 : i32 to index
        %parallel_loop3A_207 = arith.constant 48 : index
        %parallel_loop3A_208 = tpu.vector_load %arg10[%parallel_loop3A_205, %parallel_loop3A_206, %parallel_loop3A_207] {strides = array<i32>} : memref<2x80x128xf32, #tpu.memory_space<vmem>>, vector<1x1x16xf32>,
        %parallel_loop3A_209 = vector.shape_cast %parallel_loop3A_208 : vector<1x1x16xf32> to vector<16xf32>
        %parallel_loop3A_210 = vector.shape_cast %parallel_loop3A_203 : vector<16xf32> to vector<1x1x16xf32>
        tpu.vector_store %arg10[%parallel_loop3A_205, %parallel_loop3A_206, %parallel_loop3A_207], %parallel_loop3A_210 {strides = array<i32>} : memref<2x80x128xf32, #tpu.memory_space<vmem>>, vector<1x1x16xf32>,
        %parallel_loop3A_211 = arith.constant 1 : i32
        %parallel_loop3A_212 = arith.index_cast %parallel_loop3A_211 : i32 to index
        %parallel_loop3A_213 = arith.index_cast %parallel_loop3A_148 : i32 to index
        %parallel_loop3A_214 = arith.constant 64 : index
        %parallel_loop3A_215 = tpu.vector_load %arg10[%parallel_loop3A_212, %parallel_loop3A_213, %parallel_loop3A_214] {strides = array<i32>} : memref<2x80x128xf32, #tpu.memory_space<vmem>>, vector<1x1x16xf32>,
        %parallel_loop3A_216 = vector.shape_cast %parallel_loop3A_215 : vector<1x1x16xf32> to vector<16xf32>
        %parallel_loop3A_217 = arith.mulf %parallel_loop3A_216, %parallel_loop3A_154 : vector<16xf32>
        %parallel_loop3A_218 = arith.constant 1 : i32
        %parallel_loop3A_219 = arith.index_cast %parallel_loop3A_218 : i32 to index
        %parallel_loop3A_220 = arith.index_cast %parallel_loop3A_148 : i32 to index
        %parallel_loop3A_221 = arith.constant 64 : index
        %parallel_loop3A_222 = tpu.vector_load %arg10[%parallel_loop3A_219, %parallel_loop3A_220, %parallel_loop3A_221] {strides = array<i32>} : memref<2x80x128xf32, #tpu.memory_space<vmem>>, vector<1x1x16xf32>,
        %parallel_loop3A_223 = vector.shape_cast %parallel_loop3A_222 : vector<1x1x16xf32> to vector<16xf32>
        %parallel_loop3A_224 = vector.shape_cast %parallel_loop3A_217 : vector<16xf32> to vector<1x1x16xf32>
        tpu.vector_store %arg10[%parallel_loop3A_219, %parallel_loop3A_220, %parallel_loop3A_221], %parallel_loop3A_224 {strides = array<i32>} : memref<2x80x128xf32, #tpu.memory_space<vmem>>, vector<1x1x16xf32>,
        %parallel_loop3A_225 = arith.constant 1 : i32
        %parallel_loop3A_226 = arith.index_cast %parallel_loop3A_225 : i32 to index
        %parallel_loop3A_227 = arith.index_cast %parallel_loop3A_148 : i32 to index
        %parallel_loop3A_228 = arith.constant 80 : index
        %parallel_loop3A_229 = tpu.vector_load %arg10[%parallel_loop3A_226, %parallel_loop3A_227, %parallel_loop3A_228] {strides = array<i32>} : memref<2x80x128xf32, #tpu.memory_space<vmem>>, vector<1x1x16xf32>,
        %parallel_loop3A_230 = vector.shape_cast %parallel_loop3A_229 : vector<1x1x16xf32> to vector<16xf32>
        %parallel_loop3A_231 = arith.mulf %parallel_loop3A_230, %parallel_loop3A_154 : vector<16xf32>
        %parallel_loop3A_232 = arith.constant 1 : i32
        %parallel_loop3A_233 = arith.index_cast %parallel_loop3A_232 : i32 to index
        %parallel_loop3A_234 = arith.index_cast %parallel_loop3A_148 : i32 to index
        %parallel_loop3A_235 = arith.constant 80 : index
        %parallel_loop3A_236 = tpu.vector_load %arg10[%parallel_loop3A_233, %parallel_loop3A_234, %parallel_loop3A_235] {strides = array<i32>} : memref<2x80x128xf32, #tpu.memory_space<vmem>>, vector<1x1x16xf32>,
        %parallel_loop3A_237 = vector.shape_cast %parallel_loop3A_236 : vector<1x1x16xf32> to vector<16xf32>
        %parallel_loop3A_238 = vector.shape_cast %parallel_loop3A_231 : vector<16xf32> to vector<1x1x16xf32>
        tpu.vector_store %arg10[%parallel_loop3A_233, %parallel_loop3A_234, %parallel_loop3A_235], %parallel_loop3A_238 {strides = array<i32>} : memref<2x80x128xf32, #tpu.memory_space<vmem>>, vector<1x1x16xf32>,
        %parallel_loop3A_239 = arith.constant 1 : i32
        %parallel_loop3A_240 = arith.index_cast %parallel_loop3A_239 : i32 to index
        %parallel_loop3A_241 = arith.index_cast %parallel_loop3A_148 : i32 to index
        %parallel_loop3A_242 = arith.constant 96 : index
        %parallel_loop3A_243 = tpu.vector_load %arg10[%parallel_loop3A_240, %parallel_loop3A_241, %parallel_loop3A_242] {strides = array<i32>} : memref<2x80x128xf32, #tpu.memory_space<vmem>>, vector<1x1x16xf32>,
        %parallel_loop3A_244 = vector.shape_cast %parallel_loop3A_243 : vector<1x1x16xf32> to vector<16xf32>
        %parallel_loop3A_245 = arith.mulf %parallel_loop3A_244, %parallel_loop3A_154 : vector<16xf32>
        %parallel_loop3A_246 = arith.constant 1 : i32
        %parallel_loop3A_247 = arith.index_cast %parallel_loop3A_246 : i32 to index
        %parallel_loop3A_248 = arith.index_cast %parallel_loop3A_148 : i32 to index
        %parallel_loop3A_249 = arith.constant 96 : index
        %parallel_loop3A_250 = tpu.vector_load %arg10[%parallel_loop3A_247, %parallel_loop3A_248, %parallel_loop3A_249] {strides = array<i32>} : memref<2x80x128xf32, #tpu.memory_space<vmem>>, vector<1x1x16xf32>,
        %parallel_loop3A_251 = vector.shape_cast %parallel_loop3A_250 : vector<1x1x16xf32> to vector<16xf32>
        %parallel_loop3A_252 = vector.shape_cast %parallel_loop3A_245 : vector<16xf32> to vector<1x1x16xf32>
        tpu.vector_store %arg10[%parallel_loop3A_247, %parallel_loop3A_248, %parallel_loop3A_249], %parallel_loop3A_252 {strides = array<i32>} : memref<2x80x128xf32, #tpu.memory_space<vmem>>, vector<1x1x16xf32>,
        %parallel_loop3A_253 = arith.constant 1 : i32
        %parallel_loop3A_254 = arith.index_cast %parallel_loop3A_253 : i32 to index
        %parallel_loop3A_255 = arith.index_cast %parallel_loop3A_148 : i32 to index
        %parallel_loop3A_256 = arith.constant 112 : index
        %parallel_loop3A_257 = tpu.vector_load %arg10[%parallel_loop3A_254, %parallel_loop3A_255, %parallel_loop3A_256] {strides = array<i32>} : memref<2x80x128xf32, #tpu.memory_space<vmem>>, vector<1x1x16xf32>,
        %parallel_loop3A_258 = vector.shape_cast %parallel_loop3A_257 : vector<1x1x16xf32> to vector<16xf32>
        %parallel_loop3A_259 = arith.mulf %parallel_loop3A_258, %parallel_loop3A_154 : vector<16xf32>
        %parallel_loop3A_260 = arith.constant 1 : i32
        %parallel_loop3A_261 = arith.index_cast %parallel_loop3A_260 : i32 to index
        %parallel_loop3A_262 = arith.index_cast %parallel_loop3A_148 : i32 to index
        %parallel_loop3A_263 = arith.constant 112 : index
        %parallel_loop3A_264 = tpu.vector_load %arg10[%parallel_loop3A_261, %parallel_loop3A_262, %parallel_loop3A_263] {strides = array<i32>} : memref<2x80x128xf32, #tpu.memory_space<vmem>>, vector<1x1x16xf32>,
        %parallel_loop3A_265 = vector.shape_cast %parallel_loop3A_264 : vector<1x1x16xf32> to vector<16xf32>
        %parallel_loop3A_266 = vector.shape_cast %parallel_loop3A_259 : vector<16xf32> to vector<1x1x16xf32>
        tpu.vector_store %arg10[%parallel_loop3A_261, %parallel_loop3A_262, %parallel_loop3A_263], %parallel_loop3A_266 {strides = array<i32>} : memref<2x80x128xf32, #tpu.memory_space<vmem>>, vector<1x1x16xf32>,
      } {sc.loop_unroll_factor = 4 : i64, sc.parallel_access}
      %run_scoped3A_146 = arith.constant 1 : i32
      %run_scoped3A_147 = arith.constant 1 : i32
      "tpu.region"() ({
        %run_scoped3A_148 = tpu.sem_alloc : memref<!tpu.dma_semaphore, #tpu.memory_space<semaphore_mem>>
        %dma_start3A_149 = arith.constant 0 : i32
        %dma_start3A_150 = arith.constant 0 : i32
        %dma_start3A_151 = tpu.memref_slice %arg10[%run_scoped3A_146, %dma_start3A_149, %dma_start3A_150] : memref<2x80x128xf32, #tpu.memory_space<vmem>> -> memref<1x80x128xf32, #tpu.memory_space<vmem>>
        %dma_start3A_152 = tpu.memref_squeeze %dma_start3A_151 : memref<1x80x128xf32, #tpu.memory_space<vmem>> -> memref<80x128xf32, #tpu.memory_space<vmem>>
        %dma_start3A_153 = arith.constant 0 : i32
        %dma_start3A_154 = tpu.memref_slice %arg8[%run_scoped3A_147, %dma_start3A_153] : memref<2x80xi32, #tpu.memory_space<vmem>> -> memref<1x80xi32, #tpu.memory_space<vmem>>
        %dma_start3A_155 = tpu.memref_squeeze %dma_start3A_154 : memref<1x80xi32, #tpu.memory_space<vmem>> -> memref<80xi32, #tpu.memory_space<vmem>>
        %dma_start3A_156 = arith.constant 0 : i32
        %dma_start3A_157 = arith.constant 0 : i32
        %dma_start3A_158 = tpu.memref_slice %arg13[%dma_start3A_156, %dma_start3A_157] : memref<10240x128xf32, #tpu.memory_space<vmem_shared>> -> memref<10240x128xf32, #tpu.memory_space<vmem_shared>>
        tpu.enqueue_indirect_dma source(%dma_start3A_152 : memref<80x128xf32, #tpu.memory_space<vmem>>) target(%dma_start3A_158 : memref<10240x128xf32, #tpu.memory_space<vmem_shared>>) offsets(%dma_start3A_155 : memref<80xi32, #tpu.memory_space<vmem>>) semaphore(%run_scoped3A_148 : memref<!tpu.dma_semaphore, #tpu.memory_space<semaphore_mem>>) {add = true}
        %dma_wait3A_159 = arith.constant 0 : i32
        %dma_wait3A_160 = arith.constant 0 : i32
        %dma_wait3A_161 = tpu.memref_slice %arg10[%run_scoped3A_146, %dma_wait3A_159, %dma_wait3A_160] : memref<2x80x128xf32, #tpu.memory_space<vmem>> -> memref<1x80x128xf32, #tpu.memory_space<vmem>>
        %dma_wait3A_162 = tpu.memref_squeeze %dma_wait3A_161 : memref<1x80x128xf32, #tpu.memory_space<vmem>> -> memref<80x128xf32, #tpu.memory_space<vmem>>
        %dma_wait3A_163 = arith.constant 0 : i32
        %dma_wait3A_164 = tpu.memref_slice %arg8[%run_scoped3A_147, %dma_wait3A_163] : memref<2x80xi32, #tpu.memory_space<vmem>> -> memref<1x80xi32, #tpu.memory_space<vmem>>
        %dma_wait3A_165 = tpu.memref_squeeze %dma_wait3A_164 : memref<1x80xi32, #tpu.memory_space<vmem>> -> memref<80xi32, #tpu.memory_space<vmem>>
        %dma_wait3A_166 = arith.constant 0 : i32
        %dma_wait3A_167 = arith.constant 0 : i32
        %dma_wait3A_168 = tpu.memref_slice %arg13[%dma_wait3A_166, %dma_wait3A_167] : memref<10240x128xf32, #tpu.memory_space<vmem_shared>> -> memref<10240x128xf32, #tpu.memory_space<vmem_shared>>
        tpu.wait_indirect_dma semaphore(%run_scoped3A_148 : memref<!tpu.dma_semaphore, #tpu.memory_space<semaphore_mem>>) src(%dma_wait3A_162 : memref<80x128xf32, #tpu.memory_space<vmem>>) dst(%dma_wait3A_168 : memref<10240x128xf32, #tpu.memory_space<vmem_shared>>)
        tpu.yield
      }) : () -> ()
    }
    %scan3A_50 = arith.constant 62 : i32
    %dma_wait3A = arith.constant 0 : i32
    %dma_wait3A_51 = arith.constant 0 : i32
    %dma_wait3A_52 = arith.constant 0 : i32
    %dma_wait3A_53 = arith.constant 0 : i32
    %dma_wait3A_54 = tpu.memref_slice %arg10[%dma_wait3A_51, %dma_wait3A_52, %dma_wait3A_53] : memref<2x80x128xf32, #tpu.memory_space<vmem>> -> memref<1x80x128xf32, #tpu.memory_space<vmem>>
    %dma_wait3A_55 = tpu.memref_squeeze %dma_wait3A_54 : memref<1x80x128xf32, #tpu.memory_space<vmem>> -> memref<80x128xf32, #tpu.memory_space<vmem>>
    %dma_wait3A_56 = arith.constant 0 : i32
    %dma_wait3A_57 = tpu.memref_slice %arg7[%dma_wait3A, %dma_wait3A_56] : memref<2x80xi32, #tpu.memory_space<vmem>> -> memref<1x80xi32, #tpu.memory_space<vmem>>
    %dma_wait3A_58 = tpu.memref_squeeze %dma_wait3A_57 : memref<1x80xi32, #tpu.memory_space<vmem>> -> memref<80xi32, #tpu.memory_space<vmem>>
    %dma_wait3A_59 = arith.constant 0 : i32
    %dma_wait3A_60 = arith.constant 0 : i32
    %dma_wait3A_61 = tpu.memref_slice %arg2[%dma_wait3A_59, %dma_wait3A_60] : memref<10000x128xf32, #tpu.memory_space<hbm>> -> memref<10000x128xf32, #tpu.memory_space<hbm>>
    tpu.wait_indirect_dma semaphore(%arg11 : memref<!tpu.dma_semaphore, #tpu.memory_space<semaphore_mem>>) src(%dma_wait3A_61 : memref<10000x128xf32, #tpu.memory_space<hbm>>) dst(%dma_wait3A_55 : memref<80x128xf32, #tpu.memory_space<vmem>>)
    %parallel_loop3A_62 = arith.constant 0 : i32
    %parallel_loop3A_63 = arith.constant 80 : i32
    %parallel_loop3A_64 = arith.constant 1 : i32
    scf.for %parallel_loop3A_71 = %parallel_loop3A_62 to %parallel_loop3A_63 step %parallel_loop3A_64  : i32 {
      %parallel_loop3A_72 = arith.constant 0 : i32
      %parallel_loop3A_73 = arith.index_cast %parallel_loop3A_72 : i32 to index
      %parallel_loop3A_74 = arith.index_cast %parallel_loop3A_71 : i32 to index
      %parallel_loop3A_75 = arith.constant 0 : index
      %parallel_loop3A_76 = tpu.vector_load %arg9[%parallel_loop3A_73, %parallel_loop3A_74, %parallel_loop3A_75] {strides = array<i32>} : memref<2x80x16xf32, #tpu.memory_space<vmem>>, vector<1x1x16xf32>,
      %parallel_loop3A_77 = vector.shape_cast %parallel_loop3A_76 : vector<1x1x16xf32> to vector<16xf32>
      %parallel_loop3A_78 = arith.constant 0 : i32
      %parallel_loop3A_79 = arith.index_cast %parallel_loop3A_78 : i32 to index
      %parallel_loop3A_80 = arith.index_cast %parallel_loop3A_71 : i32 to index
      %parallel_loop3A_81 = arith.constant 0 : index
      %parallel_loop3A_82 = tpu.vector_load %arg10[%parallel_loop3A_79, %parallel_loop3A_80, %parallel_loop3A_81] {strides = array<i32>} : memref<2x80x128xf32, #tpu.memory_space<vmem>>, vector<1x1x16xf32>,
      %parallel_loop3A_83 = vector.shape_cast %parallel_loop3A_82 : vector<1x1x16xf32> to vector<16xf32>
      %parallel_loop3A_84 = arith.mulf %parallel_loop3A_83, %parallel_loop3A_77 : vector<16xf32>
      %parallel_loop3A_85 = arith.constant 0 : i32
      %parallel_loop3A_86 = arith.index_cast %parallel_loop3A_85 : i32 to index
      %parallel_loop3A_87 = arith.index_cast %parallel_loop3A_71 : i32 to index
      %parallel_loop3A_88 = arith.constant 0 : index
      %parallel_loop3A_89 = tpu.vector_load %arg10[%parallel_loop3A_86, %parallel_loop3A_87, %parallel_loop3A_88] {strides = array<i32>} : memref<2x80x128xf32, #tpu.memory_space<vmem>>, vector<1x1x16xf32>,
      %parallel_loop3A_90 = vector.shape_cast %parallel_loop3A_89 : vector<1x1x16xf32> to vector<16xf32>
      %parallel_loop3A_91 = vector.shape_cast %parallel_loop3A_84 : vector<16xf32> to vector<1x1x16xf32>
      tpu.vector_store %arg10[%parallel_loop3A_86, %parallel_loop3A_87, %parallel_loop3A_88], %parallel_loop3A_91 {strides = array<i32>} : memref<2x80x128xf32, #tpu.memory_space<vmem>>, vector<1x1x16xf32>,
      %parallel_loop3A_92 = arith.constant 0 : i32
      %parallel_loop3A_93 = arith.index_cast %parallel_loop3A_92 : i32 to index
      %parallel_loop3A_94 = arith.index_cast %parallel_loop3A_71 : i32 to index
      %parallel_loop3A_95 = arith.constant 16 : index
      %parallel_loop3A_96 = tpu.vector_load %arg10[%parallel_loop3A_93, %parallel_loop3A_94, %parallel_loop3A_95] {strides = array<i32>} : memref<2x80x128xf32, #tpu.memory_space<vmem>>, vector<1x1x16xf32>,
      %parallel_loop3A_97 = vector.shape_cast %parallel_loop3A_96 : vector<1x1x16xf32> to vector<16xf32>
      %parallel_loop3A_98 = arith.mulf %parallel_loop3A_97, %parallel_loop3A_77 : vector<16xf32>
      %parallel_loop3A_99 = arith.constant 0 : i32
      %parallel_loop3A_100 = arith.index_cast %parallel_loop3A_99 : i32 to index
      %parallel_loop3A_101 = arith.index_cast %parallel_loop3A_71 : i32 to index
      %parallel_loop3A_102 = arith.constant 16 : index
      %parallel_loop3A_103 = tpu.vector_load %arg10[%parallel_loop3A_100, %parallel_loop3A_101, %parallel_loop3A_102] {strides = array<i32>} : memref<2x80x128xf32, #tpu.memory_space<vmem>>, vector<1x1x16xf32>,
      %parallel_loop3A_104 = vector.shape_cast %parallel_loop3A_103 : vector<1x1x16xf32> to vector<16xf32>
      %parallel_loop3A_105 = vector.shape_cast %parallel_loop3A_98 : vector<16xf32> to vector<1x1x16xf32>
      tpu.vector_store %arg10[%parallel_loop3A_100, %parallel_loop3A_101, %parallel_loop3A_102], %parallel_loop3A_105 {strides = array<i32>} : memref<2x80x128xf32, #tpu.memory_space<vmem>>, vector<1x1x16xf32>,
      %parallel_loop3A_106 = arith.constant 0 : i32
      %parallel_loop3A_107 = arith.index_cast %parallel_loop3A_106 : i32 to index
      %parallel_loop3A_108 = arith.index_cast %parallel_loop3A_71 : i32 to index
      %parallel_loop3A_109 = arith.constant 32 : index
      %parallel_loop3A_110 = tpu.vector_load %arg10[%parallel_loop3A_107, %parallel_loop3A_108, %parallel_loop3A_109] {strides = array<i32>} : memref<2x80x128xf32, #tpu.memory_space<vmem>>, vector<1x1x16xf32>,
      %parallel_loop3A_111 = vector.shape_cast %parallel_loop3A_110 : vector<1x1x16xf32> to vector<16xf32>
      %parallel_loop3A_112 = arith.mulf %parallel_loop3A_111, %parallel_loop3A_77 : vector<16xf32>
      %parallel_loop3A_113 = arith.constant 0 : i32
      %parallel_loop3A_114 = arith.index_cast %parallel_loop3A_113 : i32 to index
      %parallel_loop3A_115 = arith.index_cast %parallel_loop3A_71 : i32 to index
      %parallel_loop3A_116 = arith.constant 32 : index
      %parallel_loop3A_117 = tpu.vector_load %arg10[%parallel_loop3A_114, %parallel_loop3A_115, %parallel_loop3A_116] {strides = array<i32>} : memref<2x80x128xf32, #tpu.memory_space<vmem>>, vector<1x1x16xf32>,
      %parallel_loop3A_118 = vector.shape_cast %parallel_loop3A_117 : vector<1x1x16xf32> to vector<16xf32>
      %parallel_loop3A_119 = vector.shape_cast %parallel_loop3A_112 : vector<16xf32> to vector<1x1x16xf32>
      tpu.vector_store %arg10[%parallel_loop3A_114, %parallel_loop3A_115, %parallel_loop3A_116], %parallel_loop3A_119 {strides = array<i32>} : memref<2x80x128xf32, #tpu.memory_space<vmem>>, vector<1x1x16xf32>,
      %parallel_loop3A_120 = arith.constant 0 : i32
      %parallel_loop3A_121 = arith.index_cast %parallel_loop3A_120 : i32 to index
      %parallel_loop3A_122 = arith.index_cast %parallel_loop3A_71 : i32 to index
      %parallel_loop3A_123 = arith.constant 48 : index
      %parallel_loop3A_124 = tpu.vector_load %arg10[%parallel_loop3A_121, %parallel_loop3A_122, %parallel_loop3A_123] {strides = array<i32>} : memref<2x80x128xf32, #tpu.memory_space<vmem>>, vector<1x1x16xf32>,
      %parallel_loop3A_125 = vector.shape_cast %parallel_loop3A_124 : vector<1x1x16xf32> to vector<16xf32>
      %parallel_loop3A_126 = arith.mulf %parallel_loop3A_125, %parallel_loop3A_77 : vector<16xf32>
      %parallel_loop3A_127 = arith.constant 0 : i32
      %parallel_loop3A_128 = arith.index_cast %parallel_loop3A_127 : i32 to index
      %parallel_loop3A_129 = arith.index_cast %parallel_loop3A_71 : i32 to index
      %parallel_loop3A_130 = arith.constant 48 : index
      %parallel_loop3A_131 = tpu.vector_load %arg10[%parallel_loop3A_128, %parallel_loop3A_129, %parallel_loop3A_130] {strides = array<i32>} : memref<2x80x128xf32, #tpu.memory_space<vmem>>, vector<1x1x16xf32>,
      %parallel_loop3A_132 = vector.shape_cast %parallel_loop3A_131 : vector<1x1x16xf32> to vector<16xf32>
      %parallel_loop3A_133 = vector.shape_cast %parallel_loop3A_126 : vector<16xf32> to vector<1x1x16xf32>
      tpu.vector_store %arg10[%parallel_loop3A_128, %parallel_loop3A_129, %parallel_loop3A_130], %parallel_loop3A_133 {strides = array<i32>} : memref<2x80x128xf32, #tpu.memory_space<vmem>>, vector<1x1x16xf32>,
      %parallel_loop3A_134 = arith.constant 0 : i32
      %parallel_loop3A_135 = arith.index_cast %parallel_loop3A_134 : i32 to index
      %parallel_loop3A_136 = arith.index_cast %parallel_loop3A_71 : i32 to index
      %parallel_loop3A_137 = arith.constant 64 : index
      %parallel_loop3A_138 = tpu.vector_load %arg10[%parallel_loop3A_135, %parallel_loop3A_136, %parallel_loop3A_137] {strides = array<i32>} : memref<2x80x128xf32, #tpu.memory_space<vmem>>, vector<1x1x16xf32>,
      %parallel_loop3A_139 = vector.shape_cast %parallel_loop3A_138 : vector<1x1x16xf32> to vector<16xf32>
      %parallel_loop3A_140 = arith.mulf %parallel_loop3A_139, %parallel_loop3A_77 : vector<16xf32>
      %parallel_loop3A_141 = arith.constant 0 : i32
      %parallel_loop3A_142 = arith.index_cast %parallel_loop3A_141 : i32 to index
      %parallel_loop3A_143 = arith.index_cast %parallel_loop3A_71 : i32 to index
      %parallel_loop3A_144 = arith.constant 64 : index
      %parallel_loop3A_145 = tpu.vector_load %arg10[%parallel_loop3A_142, %parallel_loop3A_143, %parallel_loop3A_144] {strides = array<i32>} : memref<2x80x128xf32, #tpu.memory_space<vmem>>, vector<1x1x16xf32>,
      %parallel_loop3A_146 = vector.shape_cast %parallel_loop3A_145 : vector<1x1x16xf32> to vector<16xf32>
      %parallel_loop3A_147 = vector.shape_cast %parallel_loop3A_140 : vector<16xf32> to vector<1x1x16xf32>
      tpu.vector_store %arg10[%parallel_loop3A_142, %parallel_loop3A_143, %parallel_loop3A_144], %parallel_loop3A_147 {strides = array<i32>} : memref<2x80x128xf32, #tpu.memory_space<vmem>>, vector<1x1x16xf32>,
      %parallel_loop3A_148 = arith.constant 0 : i32
      %parallel_loop3A_149 = arith.index_cast %parallel_loop3A_148 : i32 to index
      %parallel_loop3A_150 = arith.index_cast %parallel_loop3A_71 : i32 to index
      %parallel_loop3A_151 = arith.constant 80 : index
      %parallel_loop3A_152 = tpu.vector_load %arg10[%parallel_loop3A_149, %parallel_loop3A_150, %parallel_loop3A_151] {strides = array<i32>} : memref<2x80x128xf32, #tpu.memory_space<vmem>>, vector<1x1x16xf32>,
      %parallel_loop3A_153 = vector.shape_cast %parallel_loop3A_152 : vector<1x1x16xf32> to vector<16xf32>
      %parallel_loop3A_154 = arith.mulf %parallel_loop3A_153, %parallel_loop3A_77 : vector<16xf32>
      %parallel_loop3A_155 = arith.constant 0 : i32
      %parallel_loop3A_156 = arith.index_cast %parallel_loop3A_155 : i32 to index
      %parallel_loop3A_157 = arith.index_cast %parallel_loop3A_71 : i32 to index
      %parallel_loop3A_158 = arith.constant 80 : index
      %parallel_loop3A_159 = tpu.vector_load %arg10[%parallel_loop3A_156, %parallel_loop3A_157, %parallel_loop3A_158] {strides = array<i32>} : memref<2x80x128xf32, #tpu.memory_space<vmem>>, vector<1x1x16xf32>,
      %parallel_loop3A_160 = vector.shape_cast %parallel_loop3A_159 : vector<1x1x16xf32> to vector<16xf32>
      %parallel_loop3A_161 = vector.shape_cast %parallel_loop3A_154 : vector<16xf32> to vector<1x1x16xf32>
      tpu.vector_store %arg10[%parallel_loop3A_156, %parallel_loop3A_157, %parallel_loop3A_158], %parallel_loop3A_161 {strides = array<i32>} : memref<2x80x128xf32, #tpu.memory_space<vmem>>, vector<1x1x16xf32>,
      %parallel_loop3A_162 = arith.constant 0 : i32
      %parallel_loop3A_163 = arith.index_cast %parallel_loop3A_162 : i32 to index
      %parallel_loop3A_164 = arith.index_cast %parallel_loop3A_71 : i32 to index
      %parallel_loop3A_165 = arith.constant 96 : index
      %parallel_loop3A_166 = tpu.vector_load %arg10[%parallel_loop3A_163, %parallel_loop3A_164, %parallel_loop3A_165] {strides = array<i32>} : memref<2x80x128xf32, #tpu.memory_space<vmem>>, vector<1x1x16xf32>,
      %parallel_loop3A_167 = vector.shape_cast %parallel_loop3A_166 : vector<1x1x16xf32> to vector<16xf32>
      %parallel_loop3A_168 = arith.mulf %parallel_loop3A_167, %parallel_loop3A_77 : vector<16xf32>
      %parallel_loop3A_169 = arith.constant 0 : i32
      %parallel_loop3A_170 = arith.index_cast %parallel_loop3A_169 : i32 to index
      %parallel_loop3A_171 = arith.index_cast %parallel_loop3A_71 : i32 to index
      %parallel_loop3A_172 = arith.constant 96 : index
      %parallel_loop3A_173 = tpu.vector_load %arg10[%parallel_loop3A_170, %parallel_loop3A_171, %parallel_loop3A_172] {strides = array<i32>} : memref<2x80x128xf32, #tpu.memory_space<vmem>>, vector<1x1x16xf32>,
      %parallel_loop3A_174 = vector.shape_cast %parallel_loop3A_173 : vector<1x1x16xf32> to vector<16xf32>
      %parallel_loop3A_175 = vector.shape_cast %parallel_loop3A_168 : vector<16xf32> to vector<1x1x16xf32>
      tpu.vector_store %arg10[%parallel_loop3A_170, %parallel_loop3A_171, %parallel_loop3A_172], %parallel_loop3A_175 {strides = array<i32>} : memref<2x80x128xf32, #tpu.memory_space<vmem>>, vector<1x1x16xf32>,
      %parallel_loop3A_176 = arith.constant 0 : i32
      %parallel_loop3A_177 = arith.index_cast %parallel_loop3A_176 : i32 to index
      %parallel_loop3A_178 = arith.index_cast %parallel_loop3A_71 : i32 to index
      %parallel_loop3A_179 = arith.constant 112 : index
      %parallel_loop3A_180 = tpu.vector_load %arg10[%parallel_loop3A_177, %parallel_loop3A_178, %parallel_loop3A_179] {strides = array<i32>} : memref<2x80x128xf32, #tpu.memory_space<vmem>>, vector<1x1x16xf32>,
      %parallel_loop3A_181 = vector.shape_cast %parallel_loop3A_180 : vector<1x1x16xf32> to vector<16xf32>
      %parallel_loop3A_182 = arith.mulf %parallel_loop3A_181, %parallel_loop3A_77 : vector<16xf32>
      %parallel_loop3A_183 = arith.constant 0 : i32
      %parallel_loop3A_184 = arith.index_cast %parallel_loop3A_183 : i32 to index
      %parallel_loop3A_185 = arith.index_cast %parallel_loop3A_71 : i32 to index
      %parallel_loop3A_186 = arith.constant 112 : index
      %parallel_loop3A_187 = tpu.vector_load %arg10[%parallel_loop3A_184, %parallel_loop3A_185, %parallel_loop3A_186] {strides = array<i32>} : memref<2x80x128xf32, #tpu.memory_space<vmem>>, vector<1x1x16xf32>,
      %parallel_loop3A_188 = vector.shape_cast %parallel_loop3A_187 : vector<1x1x16xf32> to vector<16xf32>
      %parallel_loop3A_189 = vector.shape_cast %parallel_loop3A_182 : vector<16xf32> to vector<1x1x16xf32>
      tpu.vector_store %arg10[%parallel_loop3A_184, %parallel_loop3A_185, %parallel_loop3A_186], %parallel_loop3A_189 {strides = array<i32>} : memref<2x80x128xf32, #tpu.memory_space<vmem>>, vector<1x1x16xf32>,
    } {sc.loop_unroll_factor = 4 : i64, sc.parallel_access}
    %run_scoped3A_65 = arith.constant 0 : i32
    %run_scoped3A_66 = arith.constant 0 : i32
    "tpu.region"() ({
      %run_scoped3A_71 = tpu.sem_alloc : memref<!tpu.dma_semaphore, #tpu.memory_space<semaphore_mem>>
      %dma_start3A_72 = arith.constant 0 : i32
      %dma_start3A_73 = arith.constant 0 : i32
      %dma_start3A_74 = tpu.memref_slice %arg10[%run_scoped3A_65, %dma_start3A_72, %dma_start3A_73] : memref<2x80x128xf32, #tpu.memory_space<vmem>> -> memref<1x80x128xf32, #tpu.memory_space<vmem>>
      %dma_start3A_75 = tpu.memref_squeeze %dma_start3A_74 : memref<1x80x128xf32, #tpu.memory_space<vmem>> -> memref<80x128xf32, #tpu.memory_space<vmem>>
      %dma_start3A_76 = arith.constant 0 : i32
      %dma_start3A_77 = tpu.memref_slice %arg8[%run_scoped3A_66, %dma_start3A_76] : memref<2x80xi32, #tpu.memory_space<vmem>> -> memref<1x80xi32, #tpu.memory_space<vmem>>
      %dma_start3A_78 = tpu.memref_squeeze %dma_start3A_77 : memref<1x80xi32, #tpu.memory_space<vmem>> -> memref<80xi32, #tpu.memory_space<vmem>>
      %dma_start3A_79 = arith.constant 0 : i32
      %dma_start3A_80 = arith.constant 0 : i32
      %dma_start3A_81 = tpu.memref_slice %arg13[%dma_start3A_79, %dma_start3A_80] : memref<10240x128xf32, #tpu.memory_space<vmem_shared>> -> memref<10240x128xf32, #tpu.memory_space<vmem_shared>>
      tpu.enqueue_indirect_dma source(%dma_start3A_75 : memref<80x128xf32, #tpu.memory_space<vmem>>) target(%dma_start3A_81 : memref<10240x128xf32, #tpu.memory_space<vmem_shared>>) offsets(%dma_start3A_78 : memref<80xi32, #tpu.memory_space<vmem>>) semaphore(%run_scoped3A_71 : memref<!tpu.dma_semaphore, #tpu.memory_space<semaphore_mem>>) {add = true}
      %dma_wait3A_82 = arith.constant 0 : i32
      %dma_wait3A_83 = arith.constant 0 : i32
      %dma_wait3A_84 = tpu.memref_slice %arg10[%run_scoped3A_65, %dma_wait3A_82, %dma_wait3A_83] : memref<2x80x128xf32, #tpu.memory_space<vmem>> -> memref<1x80x128xf32, #tpu.memory_space<vmem>>
      %dma_wait3A_85 = tpu.memref_squeeze %dma_wait3A_84 : memref<1x80x128xf32, #tpu.memory_space<vmem>> -> memref<80x128xf32, #tpu.memory_space<vmem>>
      %dma_wait3A_86 = arith.constant 0 : i32
      %dma_wait3A_87 = tpu.memref_slice %arg8[%run_scoped3A_66, %dma_wait3A_86] : memref<2x80xi32, #tpu.memory_space<vmem>> -> memref<1x80xi32, #tpu.memory_space<vmem>>
      %dma_wait3A_88 = tpu.memref_squeeze %dma_wait3A_87 : memref<1x80xi32, #tpu.memory_space<vmem>> -> memref<80xi32, #tpu.memory_space<vmem>>
      %dma_wait3A_89 = arith.constant 0 : i32
      %dma_wait3A_90 = arith.constant 0 : i32
      %dma_wait3A_91 = tpu.memref_slice %arg13[%dma_wait3A_89, %dma_wait3A_90] : memref<10240x128xf32, #tpu.memory_space<vmem_shared>> -> memref<10240x128xf32, #tpu.memory_space<vmem_shared>>
      tpu.wait_indirect_dma semaphore(%run_scoped3A_71 : memref<!tpu.dma_semaphore, #tpu.memory_space<semaphore_mem>>) src(%dma_wait3A_85 : memref<80x128xf32, #tpu.memory_space<vmem>>) dst(%dma_wait3A_91 : memref<10240x128xf32, #tpu.memory_space<vmem_shared>>)
      tpu.yield
    }) : () -> ()
    %barrier3A_67 = arith.constant 0 : index
    tpu.barrier barrier_id(%barrier3A_67)
    %mul3A_68 = arith.constant 10240 : i32
    %mul3A_69 = arith.muli %arg0, %mul3A_68 : i32
    %add3A_70 = arith.addi %mul3A_69, %mul3A_6 : i32
    "tpu.region"() ({
      %run_scoped3A_71 = tpu.sem_alloc : memref<!tpu.dma_semaphore, #tpu.memory_space<semaphore_mem>>
      %dma_start3A_72 = arith.constant 0 : i32
      %dma_start3A_73 = tpu.memref_slice %arg6[%add3A_70, %dma_start3A_72] : memref<20480x128xf32, #tpu.memory_space<hbm>> -> memref<640x128xf32, #tpu.memory_space<hbm>>
      %dma_start3A_74 = arith.constant 0 : i32
      %dma_start3A_75 = tpu.memref_slice %arg13[%mul3A_6, %dma_start3A_74] : memref<10240x128xf32, #tpu.memory_space<vmem_shared>> -> memref<640x128xf32, #tpu.memory_space<vmem_shared>>
      tpu.enqueue_dma source(%dma_start3A_75 : memref<640x128xf32, #tpu.memory_space<vmem_shared>>) target(%dma_start3A_73 : memref<640x128xf32, #tpu.memory_space<hbm>>) target_semaphore(%run_scoped3A_71 : memref<!tpu.dma_semaphore, #tpu.memory_space<semaphore_mem>>)
      %dma_wait3A_76 = arith.constant 0 : i32
      %dma_wait3A_77 = tpu.memref_slice %arg6[%add3A_70, %dma_wait3A_76] : memref<20480x128xf32, #tpu.memory_space<hbm>> -> memref<640x128xf32, #tpu.memory_space<hbm>>
      %dma_wait3A_78 = arith.constant 0 : i32
      %dma_wait3A_79 = tpu.memref_slice %arg13[%mul3A_6, %dma_wait3A_78] : memref<10240x128xf32, #tpu.memory_space<vmem_shared>> -> memref<640x128xf32, #tpu.memory_space<vmem_shared>>
      tpu.wait_dma2 semaphore(%run_scoped3A_71 : memref<!tpu.dma_semaphore, #tpu.memory_space<semaphore_mem>>) src(%dma_wait3A_79 : memref<640x128xf32, #tpu.memory_space<vmem_shared>>) dst(%dma_wait3A_77 : memref<640x128xf32, #tpu.memory_space<hbm>>)
      tpu.yield
    }) : () -> ()
    return
  }
}

module attributes {stable_mosaic.version = 14 : i64} {
  func.func @_hs_body(%arg0: i32, %arg1: memref<1000x128xf32, #tpu.memory_space<vmem>>, %arg2: memref<128x128xf32, #tpu.memory_space<vmem>>, %arg3: memref<1000x128xf32, #tpu.memory_space<vmem>>, %arg4: memref<1000x128xf32, #tpu.memory_space<vmem>>) attributes {dimension_semantics = [#tpu.dimension_semantics<arbitrary>], iteration_bounds = array<i64: 10>, scalar_prefetch = 0 : i64, scratch_operands = 0 : i64, tpu.core_type = #tpu.core_type<tc>, window_params = [{transform_indices = @transform_0, window_bounds = array<i64: 1000, 128>}, {pipeline_mode = #tpu.pipeline_mode<synchronous>, transform_indices = @transform_1, window_bounds = array<i64: 128, 128>}, {transform_indices = @transform_2, window_bounds = array<i64: 1000, 128>}, {transform_indices = @transform_3, window_bounds = array<i64: 1000, 128>}]} {
    %get3A = arith.constant 0 : index
    %get3A_0 = arith.constant 0 : index
    %get3A_1 = vector.load %arg1[%get3A, %get3A_0] : memref<1000x128xf32, #tpu.memory_space<vmem>>, vector<1000x128xf32>
    %get3A_2 = arith.constant 0 : index
    %get3A_3 = arith.constant 0 : index
    %get3A_4 = vector.load %arg2[%get3A_2, %get3A_3] : memref<128x128xf32, #tpu.memory_space<vmem>>, vector<128x128xf32>
    %dot_general3A = arith.constant dense<0.000000e+00> : vector<1000x128xf32>
    %dot_general3A_5 = tpu.matmul %get3A_1, %get3A_4, %dot_general3A {dimension_numbers = #tpu.dot_dimension_numbers<[1], [0], [0], [1], [0, 0, 1, 1], [], []>, transpose_lhs_hint = false} : vector<1000x128xf32>, vector<128x128xf32>, vector<1000x128xf32> -> vector<1000x128xf32>
    %get3A_6 = arith.constant 0 : index
    %get3A_7 = arith.constant 0 : index
    %get3A_8 = vector.load %arg3[%get3A_6, %get3A_7] : memref<1000x128xf32, #tpu.memory_space<vmem>>, vector<1000x128xf32>
    %mul3A = arith.mulf %dot_general3A_5, %get3A_8 : vector<1000x128xf32>
    %swap3A = arith.constant 0 : index
    %swap3A_9 = arith.constant 0 : index
    %swap3A_10 = vector.load %arg4[%swap3A, %swap3A_9] : memref<1000x128xf32, #tpu.memory_space<vmem>>, vector<1000x128xf32>
    tpu.vector_store %arg4[%swap3A, %swap3A_9], %mul3A {strides = array<i32>} : memref<1000x128xf32, #tpu.memory_space<vmem>>, vector<1000x128xf32>,
    return
  }
  func.func @transform_0(%arg0: i32) -> (i32, i32) {
    %c0_i32 = arith.constant 0 : i32
    %c0_i32_0 = arith.constant 0 : i32
    return %arg0, %c0_i32 : i32, i32
  }
  func.func @transform_1(%arg0: i32) -> (i32, i32) {
    %c0_i32 = arith.constant 0 : i32
    %c0_i32_0 = arith.constant 0 : i32
    %c0_i32_1 = arith.constant 0 : i32
    return %c0_i32, %c0_i32_0 : i32, i32
  }
  func.func @transform_2(%arg0: i32) -> (i32, i32) {
    %c0_i32 = arith.constant 0 : i32
    %c0_i32_0 = arith.constant 0 : i32
    return %arg0, %c0_i32 : i32, i32
  }
  func.func @transform_3(%arg0: i32) -> (i32, i32) {
    %c0_i32 = arith.constant 0 : i32
    %c0_i32_0 = arith.constant 0 : i32
    return %arg0, %c0_i32 : i32, i32
  }
}

module attributes {stable_mosaic.version = 14 : i64} {
  func.func @_prep_body(%arg0: memref<20480x128xf32, #tpu.memory_space<vmem>>, %arg1: memref<10000x128xf32, #tpu.memory_space<vmem>>) attributes {dimension_semantics = [], scalar_prefetch = 0 : i64, scratch_operands = 0 : i64, tpu.core_type = #tpu.core_type<tc>} {
    %get3A = arith.constant 0 : index
    %get3A_0 = arith.constant 0 : index
    %get3A_1 = vector.load %arg0[%get3A, %get3A_0] : memref<20480x128xf32, #tpu.memory_space<vmem>>, vector<20480x128xf32>
    %slice3A = vector.extract_strided_slice %get3A_1 {offsets = [0, 0], sizes = [10000, 128], strides = [1, 1]} : vector<20480x128xf32> to vector<10000x128xf32>
    %reduce_max3A = arith.constant dense<0xFF800000> : vector<10000xf32>
    %reduce_max3A_2 = vector.multi_reduction <maximumf>, %slice3A, %reduce_max3A [1] : vector<10000x128xf32> to vector<10000xf32>
    %slice3A_3 = vector.extract_strided_slice %get3A_1 {offsets = [10240, 0], sizes = [10000, 128], strides = [1, 1]} : vector<20480x128xf32> to vector<10000x128xf32>
    %reduce_max3A_4 = arith.constant dense<0xFF800000> : vector<10000xf32>
    %reduce_max3A_5 = vector.multi_reduction <maximumf>, %slice3A_3, %reduce_max3A_4 [1] : vector<10000x128xf32> to vector<10000xf32>
    %add3A = arith.addf %reduce_max3A_2, %reduce_max3A_5 : vector<10000xf32>
    %add3A_6 = arith.constant 1.000000e+00 : f32
    %add3A_7 = vector.broadcast %add3A_6 : f32 to vector<10000xf32>
    %add3A_8 = arith.addf %add3A, %add3A_7 : vector<10000xf32>
    %gt3A = arith.constant 0.000000e+00 : f32
    %gt3A_9 = vector.broadcast %gt3A : f32 to vector<10000xf32>
    %gt3A_10 = arith.cmpf ogt, %add3A_8, %gt3A_9 : vector<10000xf32>
    %rsqrt3A = math.rsqrt %add3A_8 : vector<10000xf32>
    %jit3A = arith.constant 0.000000e+00 : f32
    %broadcast_in_dim3A = vector.broadcast %jit3A : f32 to vector<10000xf32>
    %select_n3A = arith.select %gt3A_10, %rsqrt3A, %broadcast_in_dim3A : vector<10000xi1>, vector<10000xf32>
    %broadcast_in_dim3A_11 = vector.shape_cast %select_n3A : vector<10000xf32> to vector<10000x1xf32>
    %broadcast_in_dim3A_12 = vector.shape_cast %broadcast_in_dim3A_11 : vector<10000x1xf32> to vector<10000x1xf32>
    %broadcast_in_dim3A_13 = vector.broadcast %broadcast_in_dim3A_12 : vector<10000x1xf32> to vector<10000x128xf32>
    %swap3A = arith.constant 0 : index
    %swap3A_14 = arith.constant 0 : index
    %swap3A_15 = vector.load %arg1[%swap3A, %swap3A_14] : memref<10000x128xf32, #tpu.memory_space<vmem>>, vector<10000x128xf32>
    tpu.vector_store %arg1[%swap3A, %swap3A_14], %broadcast_in_dim3A_13 {strides = array<i32>} : memref<10000x128xf32, #tpu.memory_space<vmem>>, vector<10000x128xf32>,
    return
  }
}

module attributes {stable_mosaic.version = 14 : i64} {
  func.func @_combine1_body(%arg0: i32, %arg1: memref<2x1000x128xf32, #tpu.memory_space<vmem>>, %arg2: memref<1000x128xf32, #tpu.memory_space<vmem>>, %arg3: memref<1000x128xf32, #tpu.memory_space<vmem>>, %arg4: memref<128xf32, #tpu.memory_space<vmem>>, %arg5: memref<128xf32, #tpu.memory_space<vmem>>, %arg6: memref<128xf32, #tpu.memory_space<vmem>>, %arg7: memref<128x128xf32, #tpu.memory_space<vmem>>, %arg8: memref<1000x128xf32, #tpu.memory_space<vmem>>, %arg9: memref<1000x128xf32, #tpu.memory_space<vmem>>) attributes {dimension_semantics = [#tpu.dimension_semantics<arbitrary>], iteration_bounds = array<i64: 10>, scalar_prefetch = 0 : i64, scratch_operands = 0 : i64, tpu.core_type = #tpu.core_type<tc>, window_params = [{transform_indices = @transform_0, window_bounds = array<i64: 2, 1000, 128>}, {transform_indices = @transform_1, window_bounds = array<i64: 1000, 128>}, {transform_indices = @transform_2, window_bounds = array<i64: 1000, 128>}, {pipeline_mode = #tpu.pipeline_mode<synchronous>, transform_indices = @transform_3, window_bounds = array<i64: 128>}, {pipeline_mode = #tpu.pipeline_mode<synchronous>, transform_indices = @transform_4, window_bounds = array<i64: 128>}, {pipeline_mode = #tpu.pipeline_mode<synchronous>, transform_indices = @transform_5, window_bounds = array<i64: 128>}, {pipeline_mode = #tpu.pipeline_mode<synchronous>, transform_indices = @transform_6, window_bounds = array<i64: 128, 128>}, {transform_indices = @transform_7, window_bounds = array<i64: 1000, 128>}, {transform_indices = @transform_8, window_bounds = array<i64: 1000, 128>}]} {
    %get3A = arith.constant 0 : index
    %get3A_0 = arith.constant 0 : index
    %get3A_1 = arith.constant 0 : index
    %get3A_2 = vector.load %arg1[%get3A, %get3A_0, %get3A_1] : memref<2x1000x128xf32, #tpu.memory_space<vmem>>, vector<1x1000x128xf32>
    %get3A_3 = vector.shape_cast %get3A_2 : vector<1x1000x128xf32> to vector<1000x128xf32>
    %get3A_4 = arith.constant 1 : index
    %get3A_5 = arith.constant 0 : index
    %get3A_6 = arith.constant 0 : index
    %get3A_7 = vector.load %arg1[%get3A_4, %get3A_5, %get3A_6] : memref<2x1000x128xf32, #tpu.memory_space<vmem>>, vector<1x1000x128xf32>
    %get3A_8 = vector.shape_cast %get3A_7 : vector<1x1000x128xf32> to vector<1000x128xf32>
    %add3A = arith.addf %get3A_3, %get3A_8 : vector<1000x128xf32>
    %get3A_9 = arith.constant 0 : index
    %get3A_10 = arith.constant 0 : index
    %get3A_11 = vector.load %arg2[%get3A_9, %get3A_10] : memref<1000x128xf32, #tpu.memory_space<vmem>>, vector<1000x128xf32>
    %add3A_12 = arith.addf %add3A, %get3A_11 : vector<1000x128xf32>
    %get3A_13 = arith.constant 0 : index
    %get3A_14 = arith.constant 0 : index
    %get3A_15 = vector.load %arg3[%get3A_13, %get3A_14] : memref<1000x128xf32, #tpu.memory_space<vmem>>, vector<1000x128xf32>
    %mul3A = arith.mulf %add3A_12, %get3A_15 : vector<1000x128xf32>
    %get3A_16 = arith.constant 0 : index
    %get3A_17 = vector.load %arg4[%get3A_16] : memref<128xf32, #tpu.memory_space<vmem>>, vector<128xf32>
    %broadcast_in_dim3A = vector.shape_cast %get3A_17 : vector<128xf32> to vector<1x128xf32>
    %add3A_18 = vector.broadcast %broadcast_in_dim3A : vector<1x128xf32> to vector<1000x128xf32>
    %add3A_19 = arith.addf %mul3A, %add3A_18 : vector<1000x128xf32>
    %mul3A_20 = arith.constant 0.999994993 : f32
    %mul3A_21 = vector.broadcast %mul3A_20 : f32 to vector<1000x128xf32>
    %mul3A_22 = arith.mulf %add3A_19, %mul3A_21 : vector<1000x128xf32>
    %get3A_23 = arith.constant 0 : index
    %get3A_24 = vector.load %arg5[%get3A_23] : memref<128xf32, #tpu.memory_space<vmem>>, vector<128xf32>
    %broadcast_in_dim3A_25 = vector.shape_cast %get3A_24 : vector<128xf32> to vector<1x128xf32>
    %mul3A_26 = vector.broadcast %broadcast_in_dim3A_25 : vector<1x128xf32> to vector<1000x128xf32>
    %mul3A_27 = arith.mulf %mul3A_22, %mul3A_26 : vector<1000x128xf32>
    %get3A_28 = arith.constant 0 : index
    %get3A_29 = vector.load %arg6[%get3A_28] : memref<128xf32, #tpu.memory_space<vmem>>, vector<128xf32>
    %broadcast_in_dim3A_30 = vector.shape_cast %get3A_29 : vector<128xf32> to vector<1x128xf32>
    %add3A_31 = vector.broadcast %broadcast_in_dim3A_30 : vector<1x128xf32> to vector<1000x128xf32>
    %add3A_32 = arith.addf %mul3A_27, %add3A_31 : vector<1000x128xf32>
    %gt3A = arith.constant 0.000000e+00 : f32
    %gt3A_33 = vector.broadcast %gt3A : f32 to vector<1000x128xf32>
    %gt3A_34 = arith.cmpf ogt, %add3A_32, %gt3A_33 : vector<1000x128xf32>
    %exp3A = math.exp %add3A_32 : vector<1000x128xf32>
    %sub3A = arith.constant 1.000000e+00 : f32
    %sub3A_35 = vector.broadcast %sub3A : f32 to vector<1000x128xf32>
    %sub3A_36 = arith.subf %exp3A, %sub3A_35 : vector<1000x128xf32>
    %select_n3A = arith.select %gt3A_34, %add3A_32, %sub3A_36 : vector<1000x128xi1>, vector<1000x128xf32>
    %swap3A = arith.constant 0 : index
    %swap3A_37 = arith.constant 0 : index
    %swap3A_38 = vector.load %arg8[%swap3A, %swap3A_37] : memref<1000x128xf32, #tpu.memory_space<vmem>>, vector<1000x128xf32>
    tpu.vector_store %arg8[%swap3A, %swap3A_37], %select_n3A {strides = array<i32>} : memref<1000x128xf32, #tpu.memory_space<vmem>>, vector<1000x128xf32>,
    %get3A_39 = arith.constant 0 : index
    %get3A_40 = arith.constant 0 : index
    %get3A_41 = vector.load %arg7[%get3A_39, %get3A_40] : memref<128x128xf32, #tpu.memory_space<vmem>>, vector<128x128xf32>
    %dot_general3A = arith.constant dense<0.000000e+00> : vector<1000x128xf32>
    %dot_general3A_42 = tpu.matmul %select_n3A, %get3A_41, %dot_general3A {dimension_numbers = #tpu.dot_dimension_numbers<[1], [0], [0], [1], [0, 0, 1, 1], [], []>, transpose_lhs_hint = false} : vector<1000x128xf32>, vector<128x128xf32>, vector<1000x128xf32> -> vector<1000x128xf32>
    %get3A_43 = arith.constant 0 : index
    %get3A_44 = arith.constant 0 : index
    %get3A_45 = vector.load %arg3[%get3A_43, %get3A_44] : memref<1000x128xf32, #tpu.memory_space<vmem>>, vector<1000x128xf32>
    %mul3A_46 = arith.mulf %dot_general3A_42, %get3A_45 : vector<1000x128xf32>
    %swap3A_47 = arith.constant 0 : index
    %swap3A_48 = arith.constant 0 : index
    %swap3A_49 = vector.load %arg9[%swap3A_47, %swap3A_48] : memref<1000x128xf32, #tpu.memory_space<vmem>>, vector<1000x128xf32>
    tpu.vector_store %arg9[%swap3A_47, %swap3A_48], %mul3A_46 {strides = array<i32>} : memref<1000x128xf32, #tpu.memory_space<vmem>>, vector<1000x128xf32>,
    return
  }
  func.func @transform_0(%arg0: i32) -> (i32, i32, i32) {
    %c0_i32 = arith.constant 0 : i32
    %c0_i32_0 = arith.constant 0 : i32
    %c0_i32_1 = arith.constant 0 : i32
    return %c0_i32, %arg0, %c0_i32_0 : i32, i32, i32
  }
  func.func @transform_1(%arg0: i32) -> (i32, i32) {
    %c0_i32 = arith.constant 0 : i32
    %c0_i32_0 = arith.constant 0 : i32
    return %arg0, %c0_i32 : i32, i32
  }
  func.func @transform_2(%arg0: i32) -> (i32, i32) {
    %c0_i32 = arith.constant 0 : i32
    %c0_i32_0 = arith.constant 0 : i32
    return %arg0, %c0_i32 : i32, i32
  }
  func.func @transform_3(%arg0: i32) -> i32 {
    %c0_i32 = arith.constant 0 : i32
    %c0_i32_0 = arith.constant 0 : i32
    return %c0_i32 : i32
  }
  func.func @transform_4(%arg0: i32) -> i32 {
    %c0_i32 = arith.constant 0 : i32
    %c0_i32_0 = arith.constant 0 : i32
    return %c0_i32 : i32
  }
  func.func @transform_5(%arg0: i32) -> i32 {
    %c0_i32 = arith.constant 0 : i32
    %c0_i32_0 = arith.constant 0 : i32
    return %c0_i32 : i32
  }
  func.func @transform_6(%arg0: i32) -> (i32, i32) {
    %c0_i32 = arith.constant 0 : i32
    %c0_i32_0 = arith.constant 0 : i32
    %c0_i32_1 = arith.constant 0 : i32
    return %c0_i32, %c0_i32_0 : i32, i32
  }
  func.func @transform_7(%arg0: i32) -> (i32, i32) {
    %c0_i32 = arith.constant 0 : i32
    %c0_i32_0 = arith.constant 0 : i32
    return %arg0, %c0_i32 : i32, i32
  }
  func.func @transform_8(%arg0: i32) -> (i32, i32) {
    %c0_i32 = arith.constant 0 : i32
    %c0_i32_0 = arith.constant 0 : i32
    return %arg0, %c0_i32 : i32, i32
  }
}

module attributes {stable_mosaic.version = 14 : i64} {
  func.func @_combine2_body(%arg0: i32, %arg1: memref<2x1000x128xf32, #tpu.memory_space<vmem>>, %arg2: memref<1000x128xf32, #tpu.memory_space<vmem>>, %arg3: memref<1000x128xf32, #tpu.memory_space<vmem>>, %arg4: memref<128xf32, #tpu.memory_space<vmem>>, %arg5: memref<1000x128xf32, #tpu.memory_space<vmem>>, %arg6: memref<1000x128xf32, #tpu.memory_space<vmem>>, %arg7: memref<1000x128xf32, #tpu.memory_space<vmem>>) attributes {dimension_semantics = [#tpu.dimension_semantics<arbitrary>], iteration_bounds = array<i64: 10>, scalar_prefetch = 0 : i64, scratch_operands = 0 : i64, tpu.core_type = #tpu.core_type<tc>, window_params = [{transform_indices = @transform_0, window_bounds = array<i64: 2, 1000, 128>}, {transform_indices = @transform_1, window_bounds = array<i64: 1000, 128>}, {transform_indices = @transform_2, window_bounds = array<i64: 1000, 128>}, {pipeline_mode = #tpu.pipeline_mode<synchronous>, transform_indices = @transform_3, window_bounds = array<i64: 128>}, {transform_indices = @transform_4, window_bounds = array<i64: 1000, 128>}, {transform_indices = @transform_5, window_bounds = array<i64: 1000, 128>}, {transform_indices = @transform_6, window_bounds = array<i64: 1000, 128>}]} {
    %get3A = arith.constant 0 : index
    %get3A_0 = arith.constant 0 : index
    %get3A_1 = arith.constant 0 : index
    %get3A_2 = vector.load %arg1[%get3A, %get3A_0, %get3A_1] : memref<2x1000x128xf32, #tpu.memory_space<vmem>>, vector<1x1000x128xf32>
    %get3A_3 = vector.shape_cast %get3A_2 : vector<1x1000x128xf32> to vector<1000x128xf32>
    %get3A_4 = arith.constant 1 : index
    %get3A_5 = arith.constant 0 : index
    %get3A_6 = arith.constant 0 : index
    %get3A_7 = vector.load %arg1[%get3A_4, %get3A_5, %get3A_6] : memref<2x1000x128xf32, #tpu.memory_space<vmem>>, vector<1x1000x128xf32>
    %get3A_8 = vector.shape_cast %get3A_7 : vector<1x1000x128xf32> to vector<1000x128xf32>
    %add3A = arith.addf %get3A_3, %get3A_8 : vector<1000x128xf32>
    %get3A_9 = arith.constant 0 : index
    %get3A_10 = arith.constant 0 : index
    %get3A_11 = vector.load %arg2[%get3A_9, %get3A_10] : memref<1000x128xf32, #tpu.memory_space<vmem>>, vector<1000x128xf32>
    %add3A_12 = arith.addf %add3A, %get3A_11 : vector<1000x128xf32>
    %get3A_13 = arith.constant 0 : index
    %get3A_14 = arith.constant 0 : index
    %get3A_15 = vector.load %arg3[%get3A_13, %get3A_14] : memref<1000x128xf32, #tpu.memory_space<vmem>>, vector<1000x128xf32>
    %mul3A = arith.mulf %add3A_12, %get3A_15 : vector<1000x128xf32>
    %get3A_16 = arith.constant 0 : index
    %get3A_17 = vector.load %arg4[%get3A_16] : memref<128xf32, #tpu.memory_space<vmem>>, vector<128xf32>
    %broadcast_in_dim3A = vector.shape_cast %get3A_17 : vector<128xf32> to vector<1x128xf32>
    %add3A_18 = vector.broadcast %broadcast_in_dim3A : vector<1x128xf32> to vector<1000x128xf32>
    %add3A_19 = arith.addf %mul3A, %add3A_18 : vector<1000x128xf32>
    %get3A_20 = arith.constant 0 : index
    %get3A_21 = arith.constant 0 : index
    %get3A_22 = vector.load %arg5[%get3A_20, %get3A_21] : memref<1000x128xf32, #tpu.memory_space<vmem>>, vector<1000x128xf32>
    %get3A_23 = arith.constant 0 : index
    %get3A_24 = arith.constant 0 : index
    %get3A_25 = vector.load %arg6[%get3A_23, %get3A_24] : memref<1000x128xf32, #tpu.memory_space<vmem>>, vector<1000x128xf32>
    %add3A_26 = arith.addf %get3A_22, %get3A_25 : vector<1000x128xf32>
    %add3A_27 = arith.addf %add3A_26, %add3A_19 : vector<1000x128xf32>
    %mul3A_28 = arith.constant 0.333333343 : f32
    %mul3A_29 = vector.broadcast %mul3A_28 : f32 to vector<1000x128xf32>
    %mul3A_30 = arith.mulf %add3A_27, %mul3A_29 : vector<1000x128xf32>
    %swap3A = arith.constant 0 : index
    %swap3A_31 = arith.constant 0 : index
    %swap3A_32 = vector.load %arg7[%swap3A, %swap3A_31] : memref<1000x128xf32, #tpu.memory_space<vmem>>, vector<1000x128xf32>
    tpu.vector_store %arg7[%swap3A, %swap3A_31], %mul3A_30 {strides = array<i32>} : memref<1000x128xf32, #tpu.memory_space<vmem>>, vector<1000x128xf32>,
    return
  }
  func.func @transform_0(%arg0: i32) -> (i32, i32, i32) {
    %c0_i32 = arith.constant 0 : i32
    %c0_i32_0 = arith.constant 0 : i32
    %c0_i32_1 = arith.constant 0 : i32
    return %c0_i32, %arg0, %c0_i32_0 : i32, i32, i32
  }
  func.func @transform_1(%arg0: i32) -> (i32, i32) {
    %c0_i32 = arith.constant 0 : i32
    %c0_i32_0 = arith.constant 0 : i32
    return %arg0, %c0_i32 : i32, i32
  }
  func.func @transform_2(%arg0: i32) -> (i32, i32) {
    %c0_i32 = arith.constant 0 : i32
    %c0_i32_0 = arith.constant 0 : i32
    return %arg0, %c0_i32 : i32, i32
  }
  func.func @transform_3(%arg0: i32) -> i32 {
    %c0_i32 = arith.constant 0 : i32
    %c0_i32_0 = arith.constant 0 : i32
    return %c0_i32 : i32
  }
  func.func @transform_4(%arg0: i32) -> (i32, i32) {
    %c0_i32 = arith.constant 0 : i32
    %c0_i32_0 = arith.constant 0 : i32
    return %arg0, %c0_i32 : i32, i32
  }
  func.func @transform_5(%arg0: i32) -> (i32, i32) {
    %c0_i32 = arith.constant 0 : i32
    %c0_i32_0 = arith.constant 0 : i32
    return %arg0, %c0_i32 : i32, i32
  }
  func.func @transform_6(%arg0: i32) -> (i32, i32) {
    %c0_i32 = arith.constant 0 : i32
    %c0_i32_0 = arith.constant 0 : i32
    return %arg0, %c0_i32 : i32, i32
  }
}

module attributes {stable_mosaic.version = 14 : i64} {
  func.func @_proj_body(%arg0: i32, %arg1: i32, %arg2: memref<1x199x128xf32, #tpu.memory_space<vmem>>, %arg3: memref<1024x128xf32, #tpu.memory_space<vmem>>, %arg4: memref<1x1024xf32, #tpu.memory_space<vmem>>, %arg5: memref<1x199x1xi32, #tpu.memory_space<vmem>>, %arg6: memref<1x199x1024xf32, #tpu.memory_space<vmem>>) attributes {dimension_semantics = [#tpu.dimension_semantics<arbitrary>, #tpu.dimension_semantics<arbitrary>], iteration_bounds = array<i64: 10, 16>, scalar_prefetch = 0 : i64, scratch_operands = 0 : i64, tpu.core_type = #tpu.core_type<tc>, window_params = [{transform_indices = @transform_0, window_bounds = array<i64: 1, 199, 128>}, {transform_indices = @transform_1, window_bounds = array<i64: 1024, 128>}, {transform_indices = @transform_2, window_bounds = array<i64: 1, 1024>}, {transform_indices = @transform_3, window_bounds = array<i64: 1, 199, 1>}, {transform_indices = @transform_4, window_bounds = array<i64: 1, 199, 1024>}]} {
    %get3A = arith.constant 0 : index
    %get3A_0 = arith.constant 0 : index
    %get3A_1 = arith.constant 0 : index
    %get3A_2 = vector.load %arg2[%get3A, %get3A_0, %get3A_1] : memref<1x199x128xf32, #tpu.memory_space<vmem>>, vector<1x199x128xf32>
    %get3A_3 = vector.shape_cast %get3A_2 : vector<1x199x128xf32> to vector<199x128xf32>
    %get3A_4 = arith.constant 0 : index
    %get3A_5 = arith.constant 0 : index
    %get3A_6 = vector.load %arg3[%get3A_4, %get3A_5] : memref<1024x128xf32, #tpu.memory_space<vmem>>, vector<1024x128xf32>
    %dot_general3A = arith.constant dense<0.000000e+00> : vector<199x1024xf32>
    %dot_general3A_7 = tpu.matmul %get3A_3, %get3A_6, %dot_general3A {dimension_numbers = #tpu.dot_dimension_numbers<[1], [1], [0], [0], [0, 0, 1, 0], [], []>, transpose_lhs_hint = false} : vector<199x128xf32>, vector<1024x128xf32>, vector<199x1024xf32> -> vector<199x1024xf32>
    %get3A_8 = arith.constant 0 : index
    %get3A_9 = arith.constant 0 : index
    %get3A_10 = vector.load %arg4[%get3A_8, %get3A_9] : memref<1x1024xf32, #tpu.memory_space<vmem>>, vector<1x1024xf32>
    %add3A = vector.broadcast %get3A_10 : vector<1x1024xf32> to vector<199x1024xf32>
    %add3A_11 = arith.addf %dot_general3A_7, %add3A : vector<199x1024xf32>
    %get3A_12 = arith.constant 0 : index
    %get3A_13 = arith.constant 0 : index
    %get3A_14 = arith.constant 0 : index
    %get3A_15 = vector.load %arg5[%get3A_12, %get3A_13, %get3A_14] : memref<1x199x1xi32, #tpu.memory_space<vmem>>, vector<1x199x1xi32>
    %get3A_16 = vector.shape_cast %get3A_15 : vector<1x199x1xi32> to vector<199x1xi32>
    %iota3A = tpu.iota {dimensions = array<i32: 1>} : vector<1x1024xi32>
    %mul3A = arith.constant 1024 : i32
    %mul3A_17 = arith.muli %arg0, %mul3A : i32
    %add3A_18 = vector.broadcast %mul3A_17 : i32 to vector<1x1024xi32>
    %add3A_19 = arith.addi %iota3A, %add3A_18 : vector<1x1024xi32>
    %iota3A_20 = tpu.iota {dimensions = array<i32: 0>} : vector<199x1xi32>
    %eq3A = vector.broadcast %get3A_16 : vector<199x1xi32> to vector<199x1024xi32>
    %eq3A_21 = vector.broadcast %add3A_19 : vector<1x1024xi32> to vector<199x1024xi32>
    %eq3A_22 = arith.cmpi eq, %eq3A, %eq3A_21 : vector<199x1024xi32>
    %jit3A = arith.constant 1073741824 : i32
    %broadcast_in_dim3A = vector.shape_cast %iota3A_20 : vector<199x1xi32> to vector<199x1xi32>
    %broadcast_in_dim3A_23 = vector.broadcast %broadcast_in_dim3A : vector<199x1xi32> to vector<199x1024xi32>
    %broadcast_in_dim3A_24 = vector.broadcast %jit3A : i32 to vector<199x1024xi32>
    %select_n3A = arith.select %eq3A_22, %broadcast_in_dim3A_23, %broadcast_in_dim3A_24 : vector<199x1024xi1>, vector<199x1024xi32>
    %reduce_min3A = arith.constant dense<2147483647> : vector<1024xi32>
    %reduce_min3A_25 = vector.multi_reduction <minsi>, %select_n3A, %reduce_min3A [0] : vector<199x1024xi32> to vector<1024xi32>
    %broadcast_in_dim3A_26 = vector.shape_cast %reduce_min3A_25 : vector<1024xi32> to vector<1x1024xi32>
    %iota3A_27 = tpu.iota {dimensions = array<i32: 0>} : vector<199x1xi32>
    %ge3A = vector.broadcast %iota3A_27 : vector<199x1xi32> to vector<199x1024xi32>
    %ge3A_28 = vector.broadcast %broadcast_in_dim3A_26 : vector<1x1024xi32> to vector<199x1024xi32>
    %ge3A_29 = arith.cmpi sge, %ge3A, %ge3A_28 : vector<199x1024xi32>
    %eq3A_30 = arith.constant 0 : i32
    %eq3A_31 = vector.broadcast %eq3A_30 : i32 to vector<1x1024xi32>
    %eq3A_32 = arith.cmpi eq, %add3A_19, %eq3A_31 : vector<1x1024xi32>
    %or3A = vector.broadcast %eq3A_32 : vector<1x1024xi1> to vector<199x1024xi1>
    %or3A_33 = arith.ori %ge3A_29, %or3A : vector<199x1024xi1>
    %jit3A_34 = arith.constant 0xFF800000 : f32
    %broadcast_in_dim3A_35 = vector.broadcast %jit3A_34 : f32 to vector<199x1024xf32>
    %select_n3A_36 = arith.select %or3A_33, %broadcast_in_dim3A_35, %add3A_11 : vector<199x1024xi1>, vector<199x1024xf32>
    %swap3A = arith.constant 0 : index
    %swap3A_37 = arith.constant 0 : index
    %swap3A_38 = arith.constant 0 : index
    %swap3A_39 = vector.load %arg6[%swap3A, %swap3A_37, %swap3A_38] : memref<1x199x1024xf32, #tpu.memory_space<vmem>>, vector<1x199x1024xf32>
    %swap3A_40 = vector.shape_cast %swap3A_39 : vector<1x199x1024xf32> to vector<199x1024xf32>
    %swap3A_41 = vector.shape_cast %select_n3A_36 : vector<199x1024xf32> to vector<1x199x1024xf32>
    tpu.vector_store %arg6[%swap3A, %swap3A_37, %swap3A_38], %swap3A_41 {strides = array<i32>} : memref<1x199x1024xf32, #tpu.memory_space<vmem>>, vector<1x199x1024xf32>,
    return
  }
  func.func @transform_0(%arg0: i32, %arg1: i32) -> (i32, i32, i32) {
    %c0_i32 = arith.constant 0 : i32
    %c0_i32_0 = arith.constant 0 : i32
    %c0_i32_1 = arith.constant 0 : i32
    return %arg1, %c0_i32, %c0_i32_0 : i32, i32, i32
  }
  func.func @transform_1(%arg0: i32, %arg1: i32) -> (i32, i32) {
    %c0_i32 = arith.constant 0 : i32
    %c0_i32_0 = arith.constant 0 : i32
    return %arg0, %c0_i32 : i32, i32
  }
  func.func @transform_2(%arg0: i32, %arg1: i32) -> (i32, i32) {
    %c0_i32 = arith.constant 0 : i32
    %c0_i32_0 = arith.constant 0 : i32
    return %c0_i32, %arg0 : i32, i32
  }
  func.func @transform_3(%arg0: i32, %arg1: i32) -> (i32, i32, i32) {
    %c0_i32 = arith.constant 0 : i32
    %c0_i32_0 = arith.constant 0 : i32
    %c0_i32_1 = arith.constant 0 : i32
    return %arg1, %c0_i32, %c0_i32_0 : i32, i32, i32
  }
  func.func @transform_4(%arg0: i32, %arg1: i32) -> (i32, i32, i32) {
    %c0_i32 = arith.constant 0 : i32
    %c0_i32_0 = arith.constant 0 : i32
    return %arg1, %c0_i32, %arg0 : i32, i32, i32
  }
}

module attributes {stable_mosaic.version = 14 : i64} {
  func.func @_attn_body(%arg0: i32, %arg1: memref<1x199x128xf32, #tpu.memory_space<vmem>>, %arg2: memref<1x199x128xf32, #tpu.memory_space<vmem>>, %arg3: memref<1x199x1xi32, #tpu.memory_space<vmem>>, %arg4: memref<1x199x128xf32, #tpu.memory_space<vmem>>) attributes {dimension_semantics = [#tpu.dimension_semantics<arbitrary>], iteration_bounds = array<i64: 16>, scalar_prefetch = 0 : i64, scratch_operands = 0 : i64, tpu.core_type = #tpu.core_type<tc>, window_params = [{transform_indices = @transform_0, window_bounds = array<i64: 1, 199, 128>}, {transform_indices = @transform_1, window_bounds = array<i64: 1, 199, 128>}, {transform_indices = @transform_2, window_bounds = array<i64: 1, 199, 1>}, {transform_indices = @transform_3, window_bounds = array<i64: 1, 199, 128>}]} {
    %get3A = arith.constant 0 : index
    %get3A_0 = arith.constant 0 : index
    %get3A_1 = arith.constant 0 : index
    %get3A_2 = vector.load %arg1[%get3A, %get3A_0, %get3A_1] : memref<1x199x128xf32, #tpu.memory_space<vmem>>, vector<1x199x128xf32>
    %get3A_3 = vector.shape_cast %get3A_2 : vector<1x199x128xf32> to vector<199x128xf32>
    %get3A_4 = arith.constant 0 : index
    %get3A_5 = arith.constant 0 : index
    %get3A_6 = arith.constant 0 : index
    %get3A_7 = vector.load %arg2[%get3A_4, %get3A_5, %get3A_6] : memref<1x199x128xf32, #tpu.memory_space<vmem>>, vector<1x199x128xf32>
    %get3A_8 = vector.shape_cast %get3A_7 : vector<1x199x128xf32> to vector<199x128xf32>
    %get3A_9 = arith.constant 0 : index
    %get3A_10 = arith.constant 0 : index
    %get3A_11 = arith.constant 0 : index
    %get3A_12 = vector.load %arg3[%get3A_9, %get3A_10, %get3A_11] : memref<1x199x1xi32, #tpu.memory_space<vmem>>, vector<1x199x1xi32>
    %get3A_13 = vector.shape_cast %get3A_12 : vector<1x199x1xi32> to vector<199x1xi32>
    %dot_general3A = arith.constant dense<0.000000e+00> : vector<199x199xf32>
    %dot_general3A_14 = tpu.matmul %get3A_3, %get3A_8, %dot_general3A {dimension_numbers = #tpu.dot_dimension_numbers<[1], [1], [0], [0], [0, 0, 1, 0], [], []>, transpose_lhs_hint = false} : vector<199x128xf32>, vector<199x128xf32>, vector<199x199xf32> -> vector<199x199xf32>
    %div3A = arith.constant 11.3137093 : f32
    %div3A_15 = vector.broadcast %div3A : f32 to vector<199x199xf32>
    %div3A_16 = arith.divf %dot_general3A_14, %div3A_15 : vector<199x199xf32>
    %iota3A = tpu.iota {dimensions = array<i32: 0>} : vector<199x199xi32>
    %iota3A_17 = tpu.iota {dimensions = array<i32: 1>} : vector<199x199xi32>
    %gt3A = arith.cmpi sgt, %iota3A_17, %iota3A : vector<199x199xi32>
    %eq3A = arith.constant 0 : i32
    %eq3A_18 = vector.broadcast %eq3A : i32 to vector<199x1xi32>
    %eq3A_19 = arith.cmpi eq, %get3A_13, %eq3A_18 : vector<199x1xi32>
    %or3A = vector.broadcast %eq3A_19 : vector<199x1xi1> to vector<199x199xi1>
    %or3A_20 = arith.ori %gt3A, %or3A : vector<199x199xi1>
    %jit3A = arith.constant -4.2949673E+9 : f32
    %broadcast_in_dim3A = vector.broadcast %jit3A : f32 to vector<199x199xf32>
    %select_n3A = arith.select %or3A_20, %broadcast_in_dim3A, %div3A_16 : vector<199x199xi1>, vector<199x199xf32>
    %reduce_max3A = arith.constant dense<0xFF800000> : vector<199xf32>
    %reduce_max3A_21 = vector.multi_reduction <maximumf>, %select_n3A, %reduce_max3A [0] : vector<199x199xf32> to vector<199xf32>
    %broadcast_in_dim3A_22 = vector.shape_cast %reduce_max3A_21 : vector<199xf32> to vector<1x199xf32>
    %sub3A = vector.broadcast %broadcast_in_dim3A_22 : vector<1x199xf32> to vector<199x199xf32>
    %sub3A_23 = arith.subf %select_n3A, %sub3A : vector<199x199xf32>
    %exp3A = math.exp %sub3A_23 : vector<199x199xf32>
    %reduce_sum3A = arith.constant dense<0.000000e+00> : vector<199xf32>
    %reduce_sum3A_24 = vector.multi_reduction <add>, %exp3A, %reduce_sum3A [0] : vector<199x199xf32> to vector<199xf32>
    %broadcast_in_dim3A_25 = vector.shape_cast %reduce_sum3A_24 : vector<199xf32> to vector<1x199xf32>
    %div3A_26 = vector.broadcast %broadcast_in_dim3A_25 : vector<1x199xf32> to vector<199x199xf32>
    %div3A_27 = arith.divf %exp3A, %div3A_26 : vector<199x199xf32>
    %dot_general3A_28 = arith.constant dense<0.000000e+00> : vector<199x128xf32>
    %dot_general3A_29 = tpu.matmul %div3A_27, %get3A_3, %dot_general3A_28 {dimension_numbers = #tpu.dot_dimension_numbers<[1], [0], [0], [1], [0, 0, 1, 1], [], []>, transpose_lhs_hint = false} : vector<199x199xf32>, vector<199x128xf32>, vector<199x128xf32> -> vector<199x128xf32>
    %swap3A = arith.constant 0 : index
    %swap3A_30 = arith.constant 0 : index
    %swap3A_31 = arith.constant 0 : index
    %swap3A_32 = vector.load %arg4[%swap3A, %swap3A_30, %swap3A_31] : memref<1x199x128xf32, #tpu.memory_space<vmem>>, vector<1x199x128xf32>
    %swap3A_33 = vector.shape_cast %swap3A_32 : vector<1x199x128xf32> to vector<199x128xf32>
    %swap3A_34 = vector.shape_cast %dot_general3A_29 : vector<199x128xf32> to vector<1x199x128xf32>
    tpu.vector_store %arg4[%swap3A, %swap3A_30, %swap3A_31], %swap3A_34 {strides = array<i32>} : memref<1x199x128xf32, #tpu.memory_space<vmem>>, vector<1x199x128xf32>,
    return
  }
  func.func @transform_0(%arg0: i32) -> (i32, i32, i32) {
    %c0_i32 = arith.constant 0 : i32
    %c0_i32_0 = arith.constant 0 : i32
    %c0_i32_1 = arith.constant 0 : i32
    return %arg0, %c0_i32, %c0_i32_0 : i32, i32, i32
  }
  func.func @transform_1(%arg0: i32) -> (i32, i32, i32) {
    %c0_i32 = arith.constant 0 : i32
    %c0_i32_0 = arith.constant 0 : i32
    %c0_i32_1 = arith.constant 0 : i32
    return %arg0, %c0_i32, %c0_i32_0 : i32, i32, i32
  }
  func.func @transform_2(%arg0: i32) -> (i32, i32, i32) {
    %c0_i32 = arith.constant 0 : i32
    %c0_i32_0 = arith.constant 0 : i32
    %c0_i32_1 = arith.constant 0 : i32
    return %arg0, %c0_i32, %c0_i32_0 : i32, i32, i32
  }
  func.func @transform_3(%arg0: i32) -> (i32, i32, i32) {
    %c0_i32 = arith.constant 0 : i32
    %c0_i32_0 = arith.constant 0 : i32
    %c0_i32_1 = arith.constant 0 : i32
    return %arg0, %c0_i32, %c0_i32_0 : i32, i32, i32
  }
}

</mosaic_0001>

<sc_bundles>
// kernel: kernel.12.cloned.1.call-start
scs
__scs_entry_jumppad:
0x0: {  	(pc) =	sbr.rel $0x88, $3  }
0x1: {  	(tag) =	ssettag $0x0;
	lr =	simm.s32 $0x1  }
0x2: {  	[smem:$0x3F93] =	sst lr;
	_ =	strace $0xD0000000  }
0x3: {  	_ = 	snop  }
0x4: {  	_ = 	snop  }
0x5: {  	_ = 	snop  }
0x6: {  	_ = 	snop  }
0x7: {  	_ = 	snop  }
__scs_overlays_trampoline_lowered:
0x8: {  	[smem:$0x3FA2] =	sst s0  }
0x9: {  	[smem:$0x3FA3] =	sst s1  }
0xa: {  	[smem:$0x3FA4] =	sst s2  }
0xb: {  	[smem:$0x3FA5] =	sst s3  }
0xc: {  	[smem:$0x3FA6] =	sst s4  }
0xd: {  	[smem:$0x3FA7] =	sst s5  }
0xe: {  	[smem:$0x3FA8] =	sst s6  }
0xf: {  	[smem:$0x3FA9] =	sst s7  }
0x10: {  	[smem:$0x3FAA] =	sst s8  }
0x11: {  	[smem:$0x3FAB] =	sst s9;
	s0 =	simm.s32 @!p0 $0x0  }
0x12: {  	s1 =	sld [smem:$0x3F91];
	s0 =	simm.s32 @p0 $0x1  }
0x13: {  	[smem:$0x3FAC] =	sst s0;
	s0 =	simm.s32 @!p1 $0x0  }
0x14: {  	s2 =	sld [smem:$0x3F90];
	s0 =	simm.s32 @p1 $0x1  }
0x15: {  	[smem:$0x3FAD] =	sst s0;
	s0 =	simm.s32 @!p2 $0x0  }
0x16: {  	s3 =	sld [smem:$0x3FDB];
	s0 =	simm.s32 @p2 $0x1  }
0x17: {  	s4 =	simm.s32 $0x1BF5;
	[smem:$0x3FAF] =	sst s0  }
0x18: {  	s0 =	sld [smem:$0x3F92];
	_ =	swait.ge [sflag:s4], $0x0  }
0x19: {  	s7 =	sld [smem:$0x3F93]  }
0x1a: {  	s8 =	sadd.s32 $0xFFFFE003, lr  }
0x1b: {  	s9 =	sadd.s32 $0xFFFFFEF7, lr;
	s5 =	simm.s32 $0xFFFFFFFF;
	p2 =	slt.u32 s8, $0xFFFFF086  }
0x1c: {  	p1 =	slt.u32 s9, $0xF7A;
	s5 =	simm.s32 @!p2 $0x0  }
0x1d: {  	s5 =	simm.s32 @p1 $0x1;
	p0 =	seq.s32 s7, s2  }
0x1e: {  	s7 =	smul.u32 @!p0 $0xF7A, s2;
	p2 =	seq.s32 @!p0 s5, $0x0  }
0x1f: {  	s9 =	smul.u32 $0xF7A, s1;
	s8 =	simm.s32 @!p0 $0x1BF5;
	p2 =	por !p2, p0  }
0x20: {  	[sflag:s8] =	ssyncset.s32 @!p0 $0xFFFFF086;
	s6 =	sadd.s32 @!p0 s3, s7;
	s7 =	simm.s32 @!p0 $0x108  }
0x21: {  	s3 =	sadd.s32 s3, s9;
	s6 =	sadd.s32 @!p0 $0x88, s6;
	s7 =	simm.s32 @p2 $0x1082  }
0x22: {  	[simem:s7], [sflag:s8] =	dma.local @!p0 [hbm:s6], $0xF7A  }
0x23: {  	s9 =	sor.u32 $0xD0000000, s2;
	s6 =	simm.s32 $0x108;
	_ =	swait.ge @!p0 [sflag:s8], $0x0  }
0x24: {  	s3 =	sadd.s32 $0x88, s3;
	s6 =	simm.s32 @!p1 $0x1082;
	[sflag:s4] =	ssyncset.s32 $0xFFFFF086  }
0x25: {  	[simem:s6], [sflag:s4] =	dma.local [hbm:s3], $0xF7A  }
0x26: {  	[smem:$0x3F93] =	sst s1;
	(tag) =	ssettag s2;
	_ =	strace s9  }
0x27: {  	s1 =	sld [smem:$0x3FA3]  }
0x28: {  	s2 =	sld [smem:$0x3FA4]  }
0x29: {  	s4 =	sld [smem:$0x3FA6]  }
0x2a: {  	p0 =	seq.s32 s5, $0x0;
	s5 =	sld [smem:$0x3FA7]  }
0x2b: {  	s6 =	sld [smem:$0x3FA8]  }
0x2c: {  	s7 =	sld [smem:$0x3FA9]  }
0x2d: {  	s3 =	simm.s32 $0x108;
	s8 =	sld [smem:$0x3FAA]  }
0x2e: {  	s3 =	simm.s32 @!p0 $0x1082;
	s9 =	sld [smem:$0x3FAB]  }
0x2f: {  	lr =	sadd.s32 s0, s3;
	s0 =	sld [smem:$0x3FA2]  }
0x30: {  	s3 =	sld [smem:$0x3FA5]  }
0x31: {  	[smem:$0x3FAE] =	sst s10  }
0x32: {  	s10 =	sld [smem:$0x3FAC];
	_ =	sdelay $0x3  }
0x33: {  	p0 =	seq.s32 s10, $0x1;
	s10 =	sld [smem:$0x3FAE];
	_ =	sdelay $0x3  }
0x34: {  	[smem:$0x3FAE] =	sst s10  }
0x35: {  	s10 =	sld [smem:$0x3FAD];
	_ =	sdelay $0x3  }
0x36: {  	p1 =	seq.s32 s10, $0x1;
	s10 =	sld [smem:$0x3FAE];
	_ =	sdelay $0x3  }
0x37: {  	[smem:$0x3FAE] =	sst s10  }
0x38: {  	s10 =	sld [smem:$0x3FAF]  }
0x39: {  	_ = 	snop;
	(pc) =	sbr.ind lr, $3  }
0x3a: {  	_ = 	snop  }
0x3b: {  	_ = 	snop  }
0x3c: {  	p2 =	seq.s32 s10, $0x1;
	s10 =	sld [smem:$0x3FAE]  }
0x3d: {  	_ =	shalt  }
0x3e: {  	_ =	shalt  }
0x3f: {  	_ =	shalt  }
0x40: {  	_ =	shalt  }
0x41: {  	_ =	shalt  }
0x42: {  	_ =	shalt  }
0x43: {  	_ =	shalt  }
0x44: {  	_ =	shalt  }
0x45: {  	_ =	shalt  }
0x46: {  	_ =	shalt  }
0x47: {  	_ =	shalt  }
0x48: {  	_ =	shalt  }
0x49: {  	_ =	shalt  }
0x4a: {  	_ =	shalt  }
0x4b: {  	_ =	shalt  }
0x4c: {  	_ =	shalt  }
0x4d: {  	_ =	shalt  }
0x4e: {  	_ =	shalt  }
0x4f: {  	_ =	shalt  }
0x50: {  	_ =	shalt  }
0x51: {  	_ =	shalt  }
0x52: {  	_ =	shalt  }
0x53: {  	_ =	shalt  }
0x54: {  	_ =	shalt  }
0x55: {  	_ =	shalt  }
0x56: {  	_ =	shalt  }
0x57: {  	_ =	shalt  }
0x58: {  	_ =	shalt  }
0x59: {  	_ =	shalt  }
0x5a: {  	_ =	shalt  }
0x5b: {  	_ =	shalt  }
0x5c: {  	_ =	shalt  }
0x5d: {  	_ =	shalt  }
0x5e: {  	_ =	shalt  }
0x5f: {  	_ =	shalt  }
0x60: {  	_ =	shalt  }
0x61: {  	_ =	shalt  }
0x62: {  	_ =	shalt  }
0x63: {  	_ =	shalt  }
0x64: {  	_ =	shalt  }
0x65: {  	_ =	shalt  }
0x66: {  	_ =	shalt  }
0x67: {  	_ =	shalt  }
0x68: {  	_ =	shalt  }
0x69: {  	_ =	shalt  }
0x6a: {  	_ =	shalt  }
0x6b: {  	_ =	shalt  }
0x6c: {  	_ =	shalt  }
0x6d: {  	_ =	shalt  }
0x6e: {  	_ =	shalt  }
0x6f: {  	_ =	shalt  }
0x70: {  	_ =	shalt  }
0x71: {  	_ =	shalt  }
0x72: {  	_ =	shalt  }
0x73: {  	_ =	shalt  }
0x74: {  	_ =	shalt  }
0x75: {  	_ =	shalt  }
0x76: {  	_ =	shalt  }
0x77: {  	_ =	shalt  }
0x78: {  	_ =	shalt  }
0x79: {  	_ =	shalt  }
0x7a: {  	_ =	shalt  }
0x7b: {  	_ =	shalt  }
0x7c: {  	_ =	shalt  }
0x7d: {  	_ =	shalt  }
0x7e: {  	_ =	shalt  }
0x7f: {  	_ =	shalt  }
0x80: {  	_ =	shalt  }
0x81: {  	_ =	shalt  }
0x82: {  	_ =	shalt  }
0x83: {  	_ =	shalt  }
0x84: {  	_ =	shalt  }
0x85: {  	_ =	shalt  }
0x86: {  	_ =	shalt  }
0x87: {  	_ =	shalt  }
.Lfunc_end0:
.L_simem_size_0:
called_computation_lowered:
.L_overlay_start_0:
0x88: {  	s2 =	sld [smem:$0x3FD9]  }
0x89: {  	s3 =	sld [smem:$0x3FFE];
	_ =	sdelay $0x1  }
0x8a: {  	s1 =	srdreg.scid  }
0x8b: {  	s0 =	sand.u32 $0x1, s1  }
0x8c: {  	s17 =	sshll.u32 s0, $0xA;
	s2 =	sadd.s32 s3, s2  }
0x8d: {  	s2 =	sadd.s32 s2, s17  }
0x8e: {  	[smem:$0x3FBA] =	sst s2  }
0x8f: {  	_ = 	snop  }
0x90: {  	s2 =	sld [smem:$0x3FD0];
	(tm) =	ssettm $0x1  }
0x91: {  	s18 =	sld [smem:$0x3FFB];
	_ =	sdelay $0x3  }
0x92: {  	_ =	strace s18  }
0x93: {  	s3 =	sld [smem:$0x3FFC];
	_ =	sdelay $0x3  }
0x94: {  	_ =	strace s3  }
0x95: {  	s3 =	sld [smem:$0x3FFD];
	_ =	sdelay $0x3  }
0x96: {  	_ =	strace s3  }
0x97: {  	_ =	strace $0x8FFFFFFF  }
0x98: {  	s19 =	sld [smem:$0x3FDB];
	_ =	sdelay $0x1  }
0x99: {  	s4 =	simm.s32 $_scs_section_size  }
0x9a: {  	s5 =	simm.s32 $_size__tile_overlayer_lowered;
	s6 =	simm.s32 $_tile_overlayer_lowered  }
0x9b: {  	s22 =	simm.s32 $0x1BFF;
	s21 =	sshll.u32 s6, $0x1;
	s3 =	sadd.s32 s4, s19  }
0x9c: {  	s7 =	simm.s32 $0x0;
	s20 =	sshll.u32 s5, $0x1;
	s5 =	sadd.s32 s21, s3  }
0x9d: {  	[timem:s7], [sflag:s22] =	dma.local [hbm:s5], s20  }
0x9e: {  	_ =	swait.ge [sflag:s22], s20  }
0x9f: {  	s4 =	ssub.s32 $0x0, s20;
	[sflag:s22] =	ssyncset.done $0x0  }
0xa0: {  	[sflag:s22] =	ssyncadd.s32 s4;
	_ =	sdelay $0x1  }
0xa1: {  	s23 =	simm.s32 $0x1B8B  }
0xa2: {  	_ =	swait.ge [sflag:s23], $0x1  }
0xa3: {  	[sflag:s23] =	ssyncset.done $0x0  }
0xa4: {  	s25 =	simm.s32 $0x1B8E;
	s24 =	sld [smem:$0x3FFE];
	[sflag:s23] =	ssyncadd.s32 $0xFFFFFFFF  }
0xa5: {  	s26 =	simm.s32 $execute0_lowered;
	[smem:$0x3FD2] =	sst s25  }
0xa6: {  	s5 =	sshll.u32 s26, $0x1;
	_ =	strace $0x80000046;
	[dreg:$0x1] =	wrdreg $0xFFFFFFFF  }
0xa7: {  	s28 =	simm.s32 $_size_execute0_lowered;
	s3 =	sadd.s32 s3, s5;
	[dreg:$0x0] =	wrdreg $0x0  }
0xa8: {  	s5 =	sshll.u32 s28, $0x1;
	[dreg:$0x2] =	wrdreg s3  }
0xa9: {  	[dreg:$0x3] =	wrdreg s5  }
0xaa: {  	[dreg:$0x4] =	wrdreg $0xC0  }
0xab: {  	_ =	task [dreg:s7], $0x5FFFF  }
0xac: {  	[dreg:$0x1] =	wrdreg $0xFFFFFFFF  }
0xad: {  	[dreg:$0x0] =	wrdreg $0x60  }
0xae: {  	[dreg:$0x2] =	wrdreg s24  }
0xaf: {  	[dreg:$0x3] =	wrdreg s2  }
0xb0: {  	[dreg:$0x4] =	wrdreg $0x50800  }
0xb1: {  	[dreg:$0x5] =	wrdreg $0x9  }
0xb2: {  	_ =	task.clear_ibuf [dreg:s7], $0x6FFFF;
	_ =	strace $0x90000046  }
0xb3: {  	s29 =	simm.s32 $0x9;
	_ =	strace $0x80000048  }
0xb4: {  	_ =	swait.ge [sflag:s29], $0x1  }
0xb5: {  	[sflag:s29] =	ssyncadd.s32 $0xFFFFFFFF  }
0xb6: {  	_ =	strace $0x90000048  }
0xb7: {  	_ =	sfence  }
0xb8: {  	s30 =	sld [smem:$0x0];
	_ =	sdelay $0x2  }
0xb9: {  	s31 =	sshll.u32 s1, $0xD;
	s1 =	sshrl.u32 s1, $0x2  }
0xba: {  	s3 =	sand.u32 $0x4000, s31;
	s1 =	sadd.s32 s1, s30  }
0xbb: {  	s0 =	sor.u32 s3, s0;
	s1 =	sshll.u32 s1, $0x11  }
0xbc: {  	s0 =	sor.u32 s1, s0  }
0xbd: {  	s0 =	sadd.s32 $0x8F2B, s0  }
0xbe: {  	[sflag:s0] =	ssyncadd.remote.s32 $0x1  }
0xbf: {  	_ =	sfence.sel $0xFFFF  }
0xc0: {  	[dreg:$0x0] =	wrdreg $0xFFFFFFFF;
	(pc) =	sbr.abs _section_cstart, $3  }
0xc1: {  	[dreg:$0x1] =	wrdreg $0xFFFFFFFF  }
0xc2: {  	_ =	task.clear_ibuf [dreg:s7], $0x2FFFF;
	_ =	strace $0x9FFFFFFF  }
0xc3: {  	(tm) =	ssettm $0x7FFFFFFF  }
tec
execute0_lowered:
.L_overlay_start_1:
0x0: {  	(tag) =	ssettag $0x1  }
0x1: {  	s5 =	rddreg [dreg:$0x0]  }
0x2: {  	s15 =	rddreg [dreg:$0x1]  }
0x3: {  	s2 =	rddreg [dreg:$0x2]  }
0x4: {  	s0 =	rddreg [dreg:$0x3]  }
0x5: {  	s3 =	simm.s32 $0x0;
	s4 =	srdreg.scid;
	s1 =	stileid.u32  }
0x6: {  	s19 =	simm.s32 $0x80;
	s20 =	simm.s32 $0x50;
	s22 =	simm.s32 $0x0  }
0x7: {  	[smem:$0x7FF] =	sst s3;
	s10 =	sand.u32 $0x1, s4;
	s6 =	smul.u32 $0x50000, s1  }
0x8: {  	s4 =	sadd.s32 $0xE400, s5;
	s5 =	sadd.s32 $0x18200, s5;
	s31 =	sshll.u32 s1, $0x1  }
0x9: {  	s17 =	smul.u32 $0x2800, s1;
	s21 =	sshll.u32 s1, $0x6;
	_ =	strace $0x80000047  }
0xa: {  	s7 =	ssub.s32 $0x2, s10;
	s14 =	sor.u32 s10, s31;
	s18 =	smul.u32 $0x28000, s10  }
0xb: {  	s21 =	sor.u32 $0x1C01, s21;
	s8 =	sshrl.u32 s7, $0x1;
	s6 =	sshrl.u32 s6, $0x2  }
0xc: {  	s14 =	smul.u32 $0x2710, s14;
	s16 =	ssub.s32 s7, s8;
	s6 =	sadd.s32 s6, s2  }
0xd: {  	s17 =	sadd.s32 s17, s18;
	s18 =	simm.s32 $0x1;
	s7 =	sadd.s32 $0x2800, s6  }
0xe: {  	s8 =	sadd.s32 $0x5000, s6;
	s9 =	sadd.s32 $0x7800, s6;
	s10 =	sadd.s32 $0xA000, s6  }
0xf: {  	s11 =	sadd.s32 $0xC800, s6;
	s12 =	sadd.s32 $0xF000, s6;
	s13 =	sadd.s32 $0x11800, s6  }
0x10: {  	v0 =	vimm.f32 $0.0e+00;
	s15 =	sadd.s32 s15, s17;
	s16 =	smax.u32 s16, $0x1;
	s17 =	simm.s32 $0x2880  }
.LBB2_1:
0x11: {  	s23 =	simm.s32 $0x2980  }
0x12: {  	[tilespmem:s23+$0xFFFFFF00] =	vst v0  }
0x13: {  	[tilespmem:s23+$0xF0] =	vst v0  }
0x14: {  	[tilespmem:s23+$0xE0] =	vst v0  }
0x15: {  	[tilespmem:s23+$0xD0] =	vst v0  }
0x16: {  	[tilespmem:s23+$0xC0] =	vst v0  }
0x17: {  	[tilespmem:s23+$0xB0] =	vst v0  }
0x18: {  	[tilespmem:s23+$0xA0] =	vst v0  }
0x19: {  	[tilespmem:s23+$0x90] =	vst v0  }
0x1a: {  	[tilespmem:s23+$0x80] =	vst v0  }
0x1b: {  	[tilespmem:s23+$0x70] =	vst v0  }
0x1c: {  	[tilespmem:s23+$0x60] =	vst v0  }
0x1d: {  	[tilespmem:s23+$0x50] =	vst v0  }
0x1e: {  	[tilespmem:s23+$0x40] =	vst v0  }
0x1f: {  	[tilespmem:s23+$0x30] =	vst v0  }
0x20: {  	[tilespmem:s23+$0x20] =	vst v0  }
0x21: {  	[tilespmem:s23+$0x10] =	vst v0  }
0x22: {  	[tilespmem:s23+$0x0] =	vst v0  }
0x23: {  	[tilespmem:s23+$0xFFFFFFF0] =	vst v0  }
0x24: {  	[tilespmem:s23+$0xFFFFFFE0] =	vst v0  }
0x25: {  	[tilespmem:s23+$0xFFFFFFD0] =	vst v0  }
0x26: {  	[tilespmem:s23+$0xFFFFFFC0] =	vst v0  }
0x27: {  	[tilespmem:s23+$0xFFFFFFB0] =	vst v0  }
0x28: {  	[tilespmem:s23+$0xFFFFFFA0] =	vst v0  }
0x29: {  	[tilespmem:s23+$0xFFFFFF90] =	vst v0  }
0x2a: {  	[tilespmem:s23+$0xFFFFFF80] =	vst v0  }
0x2b: {  	[tilespmem:s23+$0xFFFFFF70] =	vst v0  }
0x2c: {  	[tilespmem:s23+$0xFFFFFF60] =	vst v0  }
0x2d: {  	[tilespmem:s23+$0xFFFFFF50] =	vst v0  }
0x2e: {  	[tilespmem:s23+$0xFFFFFF40] =	vst v0  }
0x2f: {  	[tilespmem:s23+$0xFFFFFF30] =	vst v0  }
0x30: {  	s24 =	simm.s32 $0x0;
	[tilespmem:s23+$0xFFFFFF20] =	vst v0  }
.LBB2_2:
0x31: {  	s24 =	sadd.s32 $0x4, s24;
	[tilespmem:s23+$0xFFFFFF10] =	vst v0;
	s23 =	sadd.s32 $0x200, s23  }
0x32: {  	[tilespmem:s23+$0xFFFFFF00] =	vst v0;
	p0 =	slt.u32 s24, $0x4C  }
0x33: {  	[tilespmem:s23+$0xF0] =	vst v0  }
0x34: {  	[tilespmem:s23+$0xE0] =	vst v0  }
0x35: {  	[tilespmem:s23+$0xD0] =	vst v0  }
0x36: {  	[tilespmem:s23+$0xC0] =	vst v0  }
0x37: {  	[tilespmem:s23+$0xB0] =	vst v0  }
0x38: {  	[tilespmem:s23+$0xA0] =	vst v0  }
0x39: {  	[tilespmem:s23+$0x90] =	vst v0  }
0x3a: {  	[tilespmem:s23+$0x80] =	vst v0  }
0x3b: {  	[tilespmem:s23+$0x70] =	vst v0  }
0x3c: {  	[tilespmem:s23+$0x60] =	vst v0  }
0x3d: {  	[tilespmem:s23+$0x50] =	vst v0  }
0x3e: {  	[tilespmem:s23+$0x40] =	vst v0  }
0x3f: {  	[tilespmem:s23+$0x30] =	vst v0  }
0x40: {  	[tilespmem:s23+$0x20] =	vst v0  }
0x41: {  	[tilespmem:s23+$0x10] =	vst v0  }
0x42: {  	[tilespmem:s23+$0x0] =	vst v0  }
0x43: {  	[tilespmem:s23+$0xFFFFFFF0] =	vst v0  }
0x44: {  	[tilespmem:s23+$0xFFFFFFE0] =	vst v0  }
0x45: {  	[tilespmem:s23+$0xFFFFFFD0] =	vst v0  }
0x46: {  	[tilespmem:s23+$0xFFFFFFC0] =	vst v0  }
0x47: {  	[tilespmem:s23+$0xFFFFFFB0] =	vst v0  }
0x48: {  	[tilespmem:s23+$0xFFFFFFA0] =	vst v0  }
0x49: {  	[tilespmem:s23+$0xFFFFFF90] =	vst v0  }
0x4a: {  	[tilespmem:s23+$0xFFFFFF80] =	vst v0  }
0x4b: {  	[tilespmem:s23+$0xFFFFFF70] =	vst v0  }
.Ltmp0:
0x4c: {  	[tilespmem:s23+$0xFFFFFF60] =	vst v0;
	(pc) =	sbr.rel @p0 .LBB2_2-.Ltmp0, $4  }
0x4d: {  	[tilespmem:s23+$0xFFFFFF50] =	vst v0  }
0x4e: {  	[tilespmem:s23+$0xFFFFFF40] =	vst v0  }
0x4f: {  	[tilespmem:s23+$0xFFFFFF30] =	vst v0  }
0x50: {  	[tilespmem:s23+$0xFFFFFF20] =	vst v0  }
0x51: {  	[tilespmem:s23+$0xFFFFFF10] =	vst v0  }
0x52: {  	[spmem:s6] =	stream.linear.scatter [tilespmem:s17], [sflag:$0x1], $0x2800, $0x38;
	[tilespmem:$0x19080] =	vst v63  }
0x53: {  	_ =	swait.ge [sflag:s18], $0x2800  }
0x54: {  	[sflag:s18] =	ssyncset.done $0x0  }
0x55: {  	[sflag:s18] =	ssyncadd.s32 $0xFFFFD800  }
0x56: {  	[spmem:s7] =	stream.linear.scatter [tilespmem:s17], [sflag:$0x1], $0x2800, $0x38;
	[tilespmem:$0x19080] =	vst v63  }
0x57: {  	_ =	swait.ge [sflag:s18], $0x2800  }
0x58: {  	[sflag:s18] =	ssyncset.done $0x0  }
0x59: {  	[sflag:s18] =	ssyncadd.s32 $0xFFFFD800  }
0x5a: {  	[spmem:s8] =	stream.linear.scatter [tilespmem:s17], [sflag:$0x1], $0x2800, $0x38;
	[tilespmem:$0x19080] =	vst v63  }
0x5b: {  	_ =	swait.ge [sflag:s18], $0x2800  }
0x5c: {  	[sflag:s18] =	ssyncset.done $0x0  }
0x5d: {  	[sflag:s18] =	ssyncadd.s32 $0xFFFFD800  }
0x5e: {  	[spmem:s9] =	stream.linear.scatter [tilespmem:s17], [sflag:$0x1], $0x2800, $0x38;
	[tilespmem:$0x19080] =	vst v63  }
0x5f: {  	_ =	swait.ge [sflag:s18], $0x2800  }
0x60: {  	[sflag:s18] =	ssyncset.done $0x0  }
0x61: {  	[sflag:s18] =	ssyncadd.s32 $0xFFFFD800  }
0x62: {  	[spmem:s10] =	stream.linear.scatter [tilespmem:s17], [sflag:$0x1], $0x2800, $0x38;
	[tilespmem:$0x19080] =	vst v63  }
0x63: {  	_ =	swait.ge [sflag:s18], $0x2800  }
0x64: {  	[sflag:s18] =	ssyncset.done $0x0  }
0x65: {  	[sflag:s18] =	ssyncadd.s32 $0xFFFFD800  }
0x66: {  	[spmem:s11] =	stream.linear.scatter [tilespmem:s17], [sflag:$0x1], $0x2800, $0x38;
	[tilespmem:$0x19080] =	vst v63  }
0x67: {  	_ =	swait.ge [sflag:s18], $0x2800  }
0x68: {  	[sflag:s18] =	ssyncset.done $0x0  }
0x69: {  	[sflag:s18] =	ssyncadd.s32 $0xFFFFD800  }
0x6a: {  	[spmem:s12] =	stream.linear.scatter [tilespmem:s17], [sflag:$0x1], $0x2800, $0x38;
	[tilespmem:$0x19080] =	vst v63  }
0x6b: {  	_ =	swait.ge [sflag:s18], $0x2800  }
0x6c: {  	[sflag:s18] =	ssyncset.done $0x0  }
0x6d: {  	[sflag:s18] =	ssyncadd.s32 $0xFFFFD800  }
0x6e: {  	[spmem:s13] =	stream.linear.scatter [tilespmem:s17], [sflag:$0x1], $0x2800, $0x38;
	[tilespmem:$0x19080] =	vst v63  }
0x6f: {  	_ =	swait.ge [sflag:s18], $0x2800  }
0x70: {  	[sflag:s18] =	ssyncset.done $0x0  }
0x71: {  	[sflag:s18] =	ssyncadd.s32 $0xFFFFD800  }
0x72: {  	s23 =	simm.s32 $0x0;
	[bflag:$0x0] =	sbarrier.arrive $0xFFFF  }
.LBB2_4:
0x73: {  	s24 =	smul.u32 $0x50, s23;
	_ =	sdelay $0x1  }
0x74: {  	s24 =	sadd.s32 s14, s24  }
0x75: {  	s25 =	sshrl.u32 s24, $0x3  }
0x76: {  	s25 =	sadd.s32 s4, s25  }
0x77: {  	[tilespmem:s3], [sflag:$0x1] =	stream.linear.gather [hbm4b:s25+s3], $0x50, $0x38;
	[tilespmem:$0x19080] =	vst v63  }
0x78: {  	_ =	swait.ge [sflag:s18], $0x50  }
0x79: {  	s24 =	sshll.u32 s24, $0x4;
	[sflag:s18] =	ssyncset.done $0x0  }
0x7a: {  	s24 =	sadd.s32 s5, s24;
	[sflag:s18] =	ssyncadd.s32 $0xFFFFFFB0  }
0x7b: {  	[tilespmem:s19], [sflag:$0x1] =	stream.linear.gather [hbm4b:s24+s3], $0x2800, $0x38;
	[tilespmem:$0x19080] =	vst v63  }
0x7c: {  	_ =	swait.ge [sflag:s18], $0x2800  }
0x7d: {  	[sflag:s18] =	ssyncset.done $0x0  }
0x7e: {  	s31 =	simm.s32 $0x180;
	[sflag:s18] =	ssyncadd.s32 $0xFFFFD800  }
0x7f: {  	v1 =	vld [tilespmem:s31+$0x80]  }
0x80: {  	v2 =	vld [tilespmem:s31+$0xFFFFFF80];
	_ =	sdelay $0x1  }
0x81: {  	v3 =	vld [tilespmem:s31+$0xFFFFFF00]  }
0x82: {  	s24 =	simm.s32 $0x2980  }
0x83: {  	[tilespmem:s24+$0xF0] =	vst v1  }
0x84: {  	[tilespmem:s24+$0xFFFFFF80] =	vst v2  }
0x85: {  	[tilespmem:s24+$0xFFFFFF90] =	vst v2  }
0x86: {  	[tilespmem:s24+$0xFFFFFF00] =	vst v3  }
0x87: {  	[tilespmem:s24+$0xFFFFFF10] =	vst v3  }
0x88: {  	[tilespmem:s24+$0xFFFFFF20] =	vst v3  }
0x89: {  	[tilespmem:s24+$0xFFFFFF30] =	vst v3  }
0x8a: {  	[tilespmem:s24+$0xFFFFFF40] =	vst v3  }
0x8b: {  	[tilespmem:s24+$0xFFFFFF50] =	vst v3  }
0x8c: {  	[tilespmem:s24+$0xFFFFFF60] =	vst v3  }
0x8d: {  	[tilespmem:s24+$0xFFFFFF70] =	vst v3  }
0x8e: {  	[tilespmem:s24+$0xFFFFFFA0] =	vst v2  }
0x8f: {  	[tilespmem:s24+$0xFFFFFFB0] =	vst v2  }
0x90: {  	[tilespmem:s24+$0xFFFFFFC0] =	vst v2  }
0x91: {  	v3 =	vld [tilespmem:s31+$0x0];
	[tilespmem:s24+$0xFFFFFFD0] =	vst v2  }
0x92: {  	[tilespmem:s24+$0xFFFFFFE0] =	vst v2  }
0x93: {  	[tilespmem:s24+$0xFFFFFFF0] =	vst v2  }
0x94: {  	[tilespmem:s24+$0x80] =	vst v1  }
0x95: {  	[tilespmem:s24+$0x90] =	vst v1  }
0x96: {  	[tilespmem:s24+$0x0] =	vst v3  }
0x97: {  	[tilespmem:s24+$0x10] =	vst v3  }
0x98: {  	[tilespmem:s24+$0x20] =	vst v3  }
0x99: {  	[tilespmem:s24+$0x30] =	vst v3  }
0x9a: {  	[tilespmem:s24+$0x40] =	vst v3  }
0x9b: {  	[tilespmem:s24+$0x50] =	vst v3  }
0x9c: {  	[tilespmem:s24+$0x60] =	vst v3  }
0x9d: {  	s26 =	simm.s32 $0x380;
	s25 =	simm.s32 $0x0;
	[tilespmem:s24+$0x70] =	vst v3  }
.LBB2_5:
0x9e: {  	v2 =	vld [tilespmem:s26+$0x80];
	s25 =	sadd.s32 $0x4, s25;
	[tilespmem:s24+$0xA0] =	vst v1  }
0x9f: {  	v3 =	vld [tilespmem:s26+$0xFFFFFF80];
	p0 =	slt.u32 s25, $0x4C;
	[tilespmem:s24+$0xB0] =	vst v1  }
0xa0: {  	v4 =	vld [tilespmem:s26+$0x0];
	[tilespmem:s24+$0xC0] =	vst v1  }
0xa1: {  	v5 =	vld [tilespmem:s26+$0xFFFFFF00];
	[tilespmem:s24+$0xD0] =	vst v1  }
0xa2: {  	[tilespmem:s24+$0xE0] =	vst v1;
	s24 =	sadd.s32 $0x200, s24  }
0xa3: {  	[tilespmem:s24+$0xF0] =	vst v2;
	v1 =	vmov v2  }
0xa4: {  	[tilespmem:s24+$0xFFFFFF80] =	vst v3  }
0xa5: {  	[tilespmem:s24+$0xFFFFFF90] =	vst v3  }
0xa6: {  	[tilespmem:s24+$0xFFFFFF00] =	vst v5  }
0xa7: {  	[tilespmem:s24+$0xFFFFFF10] =	vst v5  }
0xa8: {  	[tilespmem:s24+$0xFFFFFF20] =	vst v5  }
0xa9: {  	[tilespmem:s24+$0xFFFFFF30] =	vst v5  }
0xaa: {  	[tilespmem:s24+$0xFFFFFF40] =	vst v5  }
0xab: {  	[tilespmem:s24+$0xFFFFFF50] =	vst v5  }
0xac: {  	[tilespmem:s24+$0xFFFFFF60] =	vst v5  }
0xad: {  	[tilespmem:s24+$0xFFFFFF70] =	vst v5  }
0xae: {  	[tilespmem:s24+$0xFFFFFFA0] =	vst v3  }
0xaf: {  	[tilespmem:s24+$0xFFFFFFB0] =	vst v3  }
0xb0: {  	[tilespmem:s24+$0xFFFFFFC0] =	vst v3  }
0xb1: {  	[tilespmem:s24+$0xFFFFFFD0] =	vst v3  }
0xb2: {  	[tilespmem:s24+$0xFFFFFFE0] =	vst v3  }
0xb3: {  	[tilespmem:s24+$0xFFFFFFF0] =	vst v3  }
0xb4: {  	[tilespmem:s24+$0x0] =	vst v4  }
0xb5: {  	[tilespmem:s24+$0x10] =	vst v4  }
0xb6: {  	[tilespmem:s24+$0x20] =	vst v4  }
0xb7: {  	[tilespmem:s24+$0x30] =	vst v4  }
0xb8: {  	[tilespmem:s24+$0x40] =	vst v4  }
.Ltmp1:
0xb9: {  	[tilespmem:s24+$0x50] =	vst v4;
	(pc) =	sbr.rel @p0 .LBB2_5-.Ltmp1, $4  }
0xba: {  	[tilespmem:s24+$0x60] =	vst v4  }
0xbb: {  	[tilespmem:s24+$0x70] =	vst v4  }
0xbc: {  	[tilespmem:s24+$0x80] =	vst v1  }
0xbd: {  	s26 =	sadd.s32 $0x200, s26;
	[tilespmem:s24+$0x90] =	vst v1  }
0xbe: {  	[tilespmem:s24+$0xA0] =	vst v1  }
0xbf: {  	[tilespmem:s24+$0xB0] =	vst v1  }
0xc0: {  	[tilespmem:s24+$0xC0] =	vst v1;
	s23 =	sadd.s32 $0x1, s23  }
0xc1: {  	[tilespmem:s24+$0xD0] =	vst v1;
	p0 =	sne.s32 s23, $0x7D  }
.Ltmp2:
0xc2: {  	[tilespmem:s24+$0xE0] =	vst v1;
	(pc) =	sbr.rel @p0 .LBB2_4-.Ltmp2, $4  }
0xc3: {  	[spmem:s2] =	stream.indirect.scatter.add.f32 [tilespmem:s17], [sflag:$0x1], $0x80, s3, s20, $0xb8;
	[tilespmem:$0x19080] =	vst v63  }
0xc4: {  	_ =	swait.ge [sflag:s18], $0x2800  }
0xc5: {  	[sflag:s18] =	ssyncset.done $0x0  }
0xc6: {  	[sflag:s18] =	ssyncadd.s32 $0xFFFFD800  }
0xc7: {  	s22 =	sadd.s32 $0x1, s22  }
0xc8: {  	p0 =	sne.s32 s22, s16  }
.Ltmp3:
0xc9: {  	[bflag:$0x0] =	sbarrier.arrive $0xFFFF;
	s23 =	sshrl.u32 s6, $0x3;
	(pc) =	sbr.rel @p0 .LBB2_1-.Ltmp3, $4  }
0xca: {  	[hbm:s15], [sflag:s21] =	dma.local [spmem:s23], $0x2800  }
0xcb: {  	_ =	swait.ge [sflag:s18], $0x2800  }
0xcc: {  	[sflag:s18] =	ssyncset.done $0x0  }
0xcd: {  	[sflag:s18] =	ssyncadd.s32 $0xFFFFD800  }
0xce: {  	_ =	sfence.sel $0x180000  }
0xcf: {  	[bflag:$0x0] =	sbarrier.arrive $0xFFFF  }
0xd0: {  	p0 =	sne.s32 s1, $0x0;
	_ =	strace $0x90000047  }
0xd1: {  	s0 =	sadd.s32 @!p0 $0x100000, s0;
	[bflag:$0x2] =	sbarrier.arrive $0xFFFF  }
0xd2: {  	[sflag:s0] =	ssyncadd.tile.s32 @!p0 $0x1;
	_ =	shalt  }
.Lfunc_end2:
_tile_overlayer_lowered:
.L_overlay_start_2:
0xd3: {  	(tag) =	ssettag $0x2  }
0xd4: {  	s0 =	rddreg [dreg:$0x0];
	s2 =	stileid.u32  }
0xd5: {  	s1 =	rddreg [dreg:$0x1];
	p0 =	sne.s32 s2, $0x0  }
0xd6: {  	s3 =	rddreg [dreg:$0x2];
	[bflag:$0x3] =	sbarrier.arrive $0xFFFF;
	s2 =	simm.s32 @!p0 $0x1C01  }
0xd7: {  	[timem:s3], [sflag:s2] =	dma.local @!p0 [hbm:s0], s1  }
0xd8: {  	s0 =	simm.s32 @!p0 $0x1  }
0xd9: {  	_ =	swait.ge @!p0 [sflag:s0], s1  }
0xda: {  	s1 =	ssub.s32 @!p0 $0x0, s1;
	[sflag:s0] =	ssyncset.done @!p0 $0x0  }
0xdb: {  	[sflag:s0] =	ssyncadd.s32 @!p0 s1  }
0xdc: {  	[bflag:$0x3] =	sbarrier.arrive $0xFFFF  }
0xdd: {  	_ =	shalt  }

// kernel: kernel.15.cloned.1.call-start
scs
__scs_entry_jumppad:
0x0: {  	(pc) =	sbr.rel $0x88, $3  }
0x1: {  	(tag) =	ssettag $0x0;
	lr =	simm.s32 $0x1  }
0x2: {  	[smem:$0x3F93] =	sst lr;
	_ =	strace $0xD0000000  }
0x3: {  	_ = 	snop  }
0x4: {  	_ = 	snop  }
0x5: {  	_ = 	snop  }
0x6: {  	_ = 	snop  }
0x7: {  	_ = 	snop  }
__scs_overlays_trampoline_lowered:
0x8: {  	[smem:$0x3FA2] =	sst s0  }
0x9: {  	[smem:$0x3FA3] =	sst s1  }
0xa: {  	[smem:$0x3FA4] =	sst s2  }
0xb: {  	[smem:$0x3FA5] =	sst s3  }
0xc: {  	[smem:$0x3FA6] =	sst s4  }
0xd: {  	[smem:$0x3FA7] =	sst s5  }
0xe: {  	[smem:$0x3FA8] =	sst s6  }
0xf: {  	[smem:$0x3FA9] =	sst s7  }
0x10: {  	[smem:$0x3FAA] =	sst s8  }
0x11: {  	[smem:$0x3FAB] =	sst s9;
	s0 =	simm.s32 @!p0 $0x0  }
0x12: {  	s1 =	sld [smem:$0x3F91];
	s0 =	simm.s32 @p0 $0x1  }
0x13: {  	[smem:$0x3FAC] =	sst s0;
	s0 =	simm.s32 @!p1 $0x0  }
0x14: {  	s2 =	sld [smem:$0x3F90];
	s0 =	simm.s32 @p1 $0x1  }
0x15: {  	[smem:$0x3FAD] =	sst s0;
	s0 =	simm.s32 @!p2 $0x0  }
0x16: {  	s3 =	sld [smem:$0x3FDB];
	s0 =	simm.s32 @p2 $0x1  }
0x17: {  	s4 =	simm.s32 $0x1BF5;
	[smem:$0x3FAF] =	sst s0  }
0x18: {  	s0 =	sld [smem:$0x3F92];
	_ =	swait.ge [sflag:s4], $0x0  }
0x19: {  	s7 =	sld [smem:$0x3F93]  }
0x1a: {  	s8 =	sadd.s32 $0xFFFFE003, lr  }
0x1b: {  	s9 =	sadd.s32 $0xFFFFFEF7, lr;
	s5 =	simm.s32 $0xFFFFFFFF;
	p2 =	slt.u32 s8, $0xFFFFF086  }
0x1c: {  	p1 =	slt.u32 s9, $0xF7A;
	s5 =	simm.s32 @!p2 $0x0  }
0x1d: {  	s5 =	simm.s32 @p1 $0x1;
	p0 =	seq.s32 s7, s2  }
0x1e: {  	s7 =	smul.u32 @!p0 $0xF7A, s2;
	p2 =	seq.s32 @!p0 s5, $0x0  }
0x1f: {  	s9 =	smul.u32 $0xF7A, s1;
	s8 =	simm.s32 @!p0 $0x1BF5;
	p2 =	por !p2, p0  }
0x20: {  	[sflag:s8] =	ssyncset.s32 @!p0 $0xFFFFF086;
	s6 =	sadd.s32 @!p0 s3, s7;
	s7 =	simm.s32 @!p0 $0x108  }
0x21: {  	s3 =	sadd.s32 s3, s9;
	s6 =	sadd.s32 @!p0 $0x88, s6;
	s7 =	simm.s32 @p2 $0x1082  }
0x22: {  	[simem:s7], [sflag:s8] =	dma.local @!p0 [hbm:s6], $0xF7A  }
0x23: {  	s9 =	sor.u32 $0xD0000000, s2;
	s6 =	simm.s32 $0x108;
	_ =	swait.ge @!p0 [sflag:s8], $0x0  }
0x24: {  	s3 =	sadd.s32 $0x88, s3;
	s6 =	simm.s32 @!p1 $0x1082;
	[sflag:s4] =	ssyncset.s32 $0xFFFFF086  }
0x25: {  	[simem:s6], [sflag:s4] =	dma.local [hbm:s3], $0xF7A  }
0x26: {  	[smem:$0x3F93] =	sst s1;
	(tag) =	ssettag s2;
	_ =	strace s9  }
0x27: {  	s1 =	sld [smem:$0x3FA3]  }
0x28: {  	s2 =	sld [smem:$0x3FA4]  }
0x29: {  	s4 =	sld [smem:$0x3FA6]  }
0x2a: {  	p0 =	seq.s32 s5, $0x0;
	s5 =	sld [smem:$0x3FA7]  }
0x2b: {  	s6 =	sld [smem:$0x3FA8]  }
0x2c: {  	s7 =	sld [smem:$0x3FA9]  }
0x2d: {  	s3 =	simm.s32 $0x108;
	s8 =	sld [smem:$0x3FAA]  }
0x2e: {  	s3 =	simm.s32 @!p0 $0x1082;
	s9 =	sld [smem:$0x3FAB]  }
0x2f: {  	lr =	sadd.s32 s0, s3;
	s0 =	sld [smem:$0x3FA2]  }
0x30: {  	s3 =	sld [smem:$0x3FA5]  }
0x31: {  	[smem:$0x3FAE] =	sst s10  }
0x32: {  	s10 =	sld [smem:$0x3FAC];
	_ =	sdelay $0x3  }
0x33: {  	p0 =	seq.s32 s10, $0x1;
	s10 =	sld [smem:$0x3FAE];
	_ =	sdelay $0x3  }
0x34: {  	[smem:$0x3FAE] =	sst s10  }
0x35: {  	s10 =	sld [smem:$0x3FAD];
	_ =	sdelay $0x3  }
0x36: {  	p1 =	seq.s32 s10, $0x1;
	s10 =	sld [smem:$0x3FAE];
	_ =	sdelay $0x3  }
0x37: {  	[smem:$0x3FAE] =	sst s10  }
0x38: {  	s10 =	sld [smem:$0x3FAF]  }
0x39: {  	_ = 	snop;
	(pc) =	sbr.ind lr, $3  }
0x3a: {  	_ = 	snop  }
0x3b: {  	_ = 	snop  }
0x3c: {  	p2 =	seq.s32 s10, $0x1;
	s10 =	sld [smem:$0x3FAE]  }
0x3d: {  	_ =	shalt  }
0x3e: {  	_ =	shalt  }
0x3f: {  	_ =	shalt  }
0x40: {  	_ =	shalt  }
0x41: {  	_ =	shalt  }
0x42: {  	_ =	shalt  }
0x43: {  	_ =	shalt  }
0x44: {  	_ =	shalt  }
0x45: {  	_ =	shalt  }
0x46: {  	_ =	shalt  }
0x47: {  	_ =	shalt  }
0x48: {  	_ =	shalt  }
0x49: {  	_ =	shalt  }
0x4a: {  	_ =	shalt  }
0x4b: {  	_ =	shalt  }
0x4c: {  	_ =	shalt  }
0x4d: {  	_ =	shalt  }
0x4e: {  	_ =	shalt  }
0x4f: {  	_ =	shalt  }
0x50: {  	_ =	shalt  }
0x51: {  	_ =	shalt  }
0x52: {  	_ =	shalt  }
0x53: {  	_ =	shalt  }
0x54: {  	_ =	shalt  }
0x55: {  	_ =	shalt  }
0x56: {  	_ =	shalt  }
0x57: {  	_ =	shalt  }
0x58: {  	_ =	shalt  }
0x59: {  	_ =	shalt  }
0x5a: {  	_ =	shalt  }
0x5b: {  	_ =	shalt  }
0x5c: {  	_ =	shalt  }
0x5d: {  	_ =	shalt  }
0x5e: {  	_ =	shalt  }
0x5f: {  	_ =	shalt  }
0x60: {  	_ =	shalt  }
0x61: {  	_ =	shalt  }
0x62: {  	_ =	shalt  }
0x63: {  	_ =	shalt  }
0x64: {  	_ =	shalt  }
0x65: {  	_ =	shalt  }
0x66: {  	_ =	shalt  }
0x67: {  	_ =	shalt  }
0x68: {  	_ =	shalt  }
0x69: {  	_ =	shalt  }
0x6a: {  	_ =	shalt  }
0x6b: {  	_ =	shalt  }
0x6c: {  	_ =	shalt  }
0x6d: {  	_ =	shalt  }
0x6e: {  	_ =	shalt  }
0x6f: {  	_ =	shalt  }
0x70: {  	_ =	shalt  }
0x71: {  	_ =	shalt  }
0x72: {  	_ =	shalt  }
0x73: {  	_ =	shalt  }
0x74: {  	_ =	shalt  }
0x75: {  	_ =	shalt  }
0x76: {  	_ =	shalt  }
0x77: {  	_ =	shalt  }
0x78: {  	_ =	shalt  }
0x79: {  	_ =	shalt  }
0x7a: {  	_ =	shalt  }
0x7b: {  	_ =	shalt  }
0x7c: {  	_ =	shalt  }
0x7d: {  	_ =	shalt  }
0x7e: {  	_ =	shalt  }
0x7f: {  	_ =	shalt  }
0x80: {  	_ =	shalt  }
0x81: {  	_ =	shalt  }
0x82: {  	_ =	shalt  }
0x83: {  	_ =	shalt  }
0x84: {  	_ =	shalt  }
0x85: {  	_ =	shalt  }
0x86: {  	_ =	shalt  }
0x87: {  	_ =	shalt  }
.Lfunc_end0:
.L_simem_size_0:
called_computation.1_lowered:
.L_overlay_start_0:
0x88: {  	s2 =	sld [smem:$0x3FD9]  }
0x89: {  	s3 =	sld [smem:$0x3FFE];
	_ =	sdelay $0x1  }
0x8a: {  	s1 =	srdreg.scid  }
0x8b: {  	s0 =	sand.u32 $0x1, s1  }
0x8c: {  	s17 =	sshll.u32 s0, $0xA;
	s2 =	sadd.s32 s3, s2  }
0x8d: {  	s2 =	sadd.s32 s2, s17  }
0x8e: {  	[smem:$0x3FBA] =	sst s2  }
0x8f: {  	_ = 	snop  }
0x90: {  	s2 =	sld [smem:$0x3FD0];
	(tm) =	ssettm $0x1  }
0x91: {  	s18 =	sld [smem:$0x3FFB];
	_ =	sdelay $0x3  }
0x92: {  	_ =	strace s18  }
0x93: {  	s3 =	sld [smem:$0x3FFC];
	_ =	sdelay $0x3  }
0x94: {  	_ =	strace s3  }
0x95: {  	s3 =	sld [smem:$0x3FFD];
	_ =	sdelay $0x3  }
0x96: {  	_ =	strace s3  }
0x97: {  	_ =	strace $0x8FFFFFFF  }
0x98: {  	s19 =	sld [smem:$0x3FDB];
	_ =	sdelay $0x1  }
0x99: {  	s4 =	simm.s32 $_scs_section_size  }
0x9a: {  	s5 =	simm.s32 $_size__tile_overlayer_lowered;
	s6 =	simm.s32 $_tile_overlayer_lowered  }
0x9b: {  	s22 =	simm.s32 $0x1BFF;
	s21 =	sshll.u32 s6, $0x1;
	s3 =	sadd.s32 s4, s19  }
0x9c: {  	s7 =	simm.s32 $0x0;
	s20 =	sshll.u32 s5, $0x1;
	s5 =	sadd.s32 s21, s3  }
0x9d: {  	[timem:s7], [sflag:s22] =	dma.local [hbm:s5], s20  }
0x9e: {  	_ =	swait.ge [sflag:s22], s20  }
0x9f: {  	s4 =	ssub.s32 $0x0, s20;
	[sflag:s22] =	ssyncset.done $0x0  }
0xa0: {  	[sflag:s22] =	ssyncadd.s32 s4;
	_ =	sdelay $0x1  }
0xa1: {  	s23 =	simm.s32 $0x1B8B  }
0xa2: {  	_ =	swait.ge [sflag:s23], $0x1  }
0xa3: {  	[sflag:s23] =	ssyncset.done $0x0  }
0xa4: {  	s25 =	simm.s32 $0x1B8E;
	s24 =	sld [smem:$0x3FFE];
	[sflag:s23] =	ssyncadd.s32 $0xFFFFFFFF  }
0xa5: {  	s26 =	simm.s32 $execute0_lowered;
	[smem:$0x3FD2] =	sst s25  }
0xa6: {  	s5 =	sshll.u32 s26, $0x1;
	_ =	strace $0x80000049;
	[dreg:$0x1] =	wrdreg $0xFFFFFFFF  }
0xa7: {  	s28 =	simm.s32 $_size_execute0_lowered;
	s3 =	sadd.s32 s3, s5;
	[dreg:$0x0] =	wrdreg $0x0  }
0xa8: {  	s5 =	sshll.u32 s28, $0x1;
	[dreg:$0x2] =	wrdreg s3  }
0xa9: {  	[dreg:$0x3] =	wrdreg s5  }
0xaa: {  	[dreg:$0x4] =	wrdreg $0xC0  }
0xab: {  	_ =	task [dreg:s7], $0x5FFFF  }
0xac: {  	[dreg:$0x1] =	wrdreg $0xFFFFFFFF  }
0xad: {  	[dreg:$0x0] =	wrdreg $0x60  }
0xae: {  	[dreg:$0x2] =	wrdreg s24  }
0xaf: {  	[dreg:$0x3] =	wrdreg s2  }
0xb0: {  	[dreg:$0x4] =	wrdreg $0xA2000  }
0xb1: {  	[dreg:$0x5] =	wrdreg $0x9  }
0xb2: {  	_ =	task.clear_ibuf [dreg:s7], $0x6FFFF;
	_ =	strace $0x90000049  }
0xb3: {  	s29 =	simm.s32 $0x9;
	_ =	strace $0x8000004B  }
0xb4: {  	_ =	swait.ge [sflag:s29], $0x1  }
0xb5: {  	[sflag:s29] =	ssyncadd.s32 $0xFFFFFFFF  }
0xb6: {  	_ =	strace $0x9000004B  }
0xb7: {  	_ =	sfence  }
0xb8: {  	s30 =	sld [smem:$0x0];
	_ =	sdelay $0x2  }
0xb9: {  	s31 =	sshll.u32 s1, $0xD;
	s1 =	sshrl.u32 s1, $0x2  }
0xba: {  	s3 =	sand.u32 $0x4000, s31;
	s1 =	sadd.s32 s1, s30  }
0xbb: {  	s0 =	sor.u32 s3, s0;
	s1 =	sshll.u32 s1, $0x11  }
0xbc: {  	s0 =	sor.u32 s1, s0  }
0xbd: {  	s0 =	sadd.s32 $0x8F2B, s0  }
0xbe: {  	[sflag:s0] =	ssyncadd.remote.s32 $0x1  }
0xbf: {  	_ =	sfence.sel $0xFFFF  }
0xc0: {  	[dreg:$0x0] =	wrdreg $0xFFFFFFFF;
	(pc) =	sbr.abs _section_cstart, $3  }
0xc1: {  	[dreg:$0x1] =	wrdreg $0xFFFFFFFF  }
0xc2: {  	_ =	task.clear_ibuf [dreg:s7], $0x2FFFF;
	_ =	strace $0x9FFFFFFF  }
0xc3: {  	(tm) =	ssettm $0x7FFFFFFF  }
tec
execute0_lowered:
.L_overlay_start_1:
0x0: {  	(tag) =	ssettag $0x1  }
0x1: {  	s0 =	rddreg [dreg:$0x0]  }
0x2: {  	s3 =	rddreg [dreg:$0x1]  }
0x3: {  	s1 =	rddreg [dreg:$0x2];
	s2 =	simm.s32 $0x0  }
0x4: {  	s7 =	srdreg.scid;
	s13 =	stileid.u32;
	s28 =	simm.s32 $0x50  }
0x5: {  	s29 =	simm.s32 $0x80;
	s30 =	simm.s32 $0x180;
	s31 =	simm.s32 $0x2A00  }
0x6: {  	[smem:$0x7FF] =	sst s2;
	s4 =	sadd.s32 $0x521400, s0;
	s5 =	sadd.s32 $0x4600, s0  }
0x7: {  	s6 =	sadd.s32 $0xE400, s0;
	s9 =	sand.u32 $0x1, s7;
	s10 =	smul.u32 $0x50000, s13  }
0x8: {  	s8 =	sshll.u32 s13, $0x1;
	s7 =	sadd.s32 $0x18200, s0;
	s13 =	smul.u32 $0x2800, s13  }
0x9: {  	_ =	strace $0x8000004A;
	s17 =	ssub.s32 $0x2, s9;
	s10 =	sshrl.u32 s10, $0x2  }
0xa: {  	s11 =	sor.u32 s9, s8;
	s9 =	smul.u32 $0x28000, s9;
	s8 =	sadd.s32 s10, s1  }
0xb: {  	s18 =	sshrl.u32 s17, $0x1;
	s12 =	smul.u32 $0x2710, s11;
	s10 =	sadd.s32 $0x2800, s8  }
0xc: {  	s23 =	smul.u32 $0x27100, s11;
	s19 =	sadd.s32 $0x5000, s8;
	[dreg:$0x4] =	wrdreg s10  }
0xd: {  	s0 =	ssub.s32 s17, s18;
	s20 =	sadd.s32 $0x7800, s8;
	[dreg:$0x5] =	wrdreg s19  }
0xe: {  	s9 =	sadd.s32 s13, s9;
	s21 =	sadd.s32 $0xA000, s8;
	[dreg:$0x6] =	wrdreg s20  }
0xf: {  	s22 =	sadd.s32 $0xC800, s8;
	s24 =	sadd.s32 $0xF000, s8;
	[dreg:$0x7] =	wrdreg s21  }
0x10: {  	s25 =	sshrl.u32 s12, $0x3;
	s14 =	sadd.s32 $0x11800, s8;
	[dreg:$0x8] =	wrdreg s22  }
0x11: {  	s18 =	sadd.s32 s7, s23;
	s23 =	simm.s32 $0x5200;
	[dreg:$0x9] =	wrdreg s24  }
0x12: {  	[dreg:$0xa] =	wrdreg s14;
	s26 =	sadd.s32 s5, s25;
	s17 =	sadd.s32 s6, s25  }
0x13: {  	s19 =	sadd.s32 $0x50, s12;
	s20 =	sadd.s32 $0xA0, s12;
	s21 =	sadd.s32 s3, s9  }
0x14: {  	s22 =	smax.u32 s0, $0x1;
	s24 =	simm.s32 $0x3;
	s25 =	simm.s32 $0x100  }
0x15: {  	s0 =	simm.s32 $0x7A00;
	s3 =	simm.s32 $0x1;
	s9 =	simm.s32 $0x2  }
0x16: {  	v0 =	vimm.f32 $0.0e+00;
	s10 =	simm.s32 $0x0;
	[dreg:$0xb] =	wrdreg s26;
	s26 =	simm.s32 $0x200  }
.LBB2_1:
0x17: {  	s11 =	simm.s32 $0x5300  }
0x18: {  	[tilespmem:s11+$0xFFFFFF00] =	vst v0  }
0x19: {  	[tilespmem:s11+$0xF0] =	vst v0  }
0x1a: {  	[tilespmem:s11+$0xE0] =	vst v0  }
0x1b: {  	[tilespmem:s11+$0xD0] =	vst v0  }
0x1c: {  	[tilespmem:s11+$0xC0] =	vst v0  }
0x1d: {  	[tilespmem:s11+$0xB0] =	vst v0  }
0x1e: {  	[tilespmem:s11+$0xA0] =	vst v0  }
0x1f: {  	[tilespmem:s11+$0x90] =	vst v0  }
0x20: {  	[tilespmem:s11+$0x80] =	vst v0  }
0x21: {  	[tilespmem:s11+$0x70] =	vst v0  }
0x22: {  	[tilespmem:s11+$0x60] =	vst v0  }
0x23: {  	[tilespmem:s11+$0x50] =	vst v0  }
0x24: {  	[tilespmem:s11+$0x40] =	vst v0  }
0x25: {  	[tilespmem:s11+$0x30] =	vst v0  }
0x26: {  	[tilespmem:s11+$0x20] =	vst v0  }
0x27: {  	[tilespmem:s11+$0x10] =	vst v0  }
0x28: {  	[tilespmem:s11+$0x0] =	vst v0  }
0x29: {  	[tilespmem:s11+$0xFFFFFFF0] =	vst v0  }
0x2a: {  	[tilespmem:s11+$0xFFFFFFE0] =	vst v0  }
0x2b: {  	[tilespmem:s11+$0xFFFFFFD0] =	vst v0  }
0x2c: {  	[tilespmem:s11+$0xFFFFFFC0] =	vst v0  }
0x2d: {  	[tilespmem:s11+$0xFFFFFFB0] =	vst v0  }
0x2e: {  	[tilespmem:s11+$0xFFFFFFA0] =	vst v0  }
0x2f: {  	[tilespmem:s11+$0xFFFFFF90] =	vst v0  }
0x30: {  	[tilespmem:s11+$0xFFFFFF80] =	vst v0  }
0x31: {  	[tilespmem:s11+$0xFFFFFF70] =	vst v0  }
0x32: {  	[tilespmem:s11+$0xFFFFFF60] =	vst v0  }
0x33: {  	[tilespmem:s11+$0xFFFFFF50] =	vst v0  }
0x34: {  	[tilespmem:s11+$0xFFFFFF40] =	vst v0  }
0x35: {  	[tilespmem:s11+$0xFFFFFF30] =	vst v0  }
0x36: {  	s12 =	simm.s32 $0x0;
	[tilespmem:s11+$0xFFFFFF20] =	vst v0  }
.LBB2_2:
0x37: {  	s12 =	sadd.s32 $0x4, s12;
	[tilespmem:s11+$0xFFFFFF10] =	vst v0;
	s11 =	sadd.s32 $0x200, s11  }
0x38: {  	[tilespmem:s11+$0xFFFFFF00] =	vst v0;
	p0 =	slt.u32 s12, $0x4C  }
0x39: {  	[tilespmem:s11+$0xF0] =	vst v0  }
0x3a: {  	[tilespmem:s11+$0xE0] =	vst v0  }
0x3b: {  	[tilespmem:s11+$0xD0] =	vst v0  }
0x3c: {  	[tilespmem:s11+$0xC0] =	vst v0  }
0x3d: {  	[tilespmem:s11+$0xB0] =	vst v0  }
0x3e: {  	[tilespmem:s11+$0xA0] =	vst v0  }
0x3f: {  	[tilespmem:s11+$0x90] =	vst v0  }
0x40: {  	[tilespmem:s11+$0x80] =	vst v0  }
0x41: {  	[tilespmem:s11+$0x70] =	vst v0  }
0x42: {  	[tilespmem:s11+$0x60] =	vst v0  }
0x43: {  	[tilespmem:s11+$0x50] =	vst v0  }
0x44: {  	[tilespmem:s11+$0x40] =	vst v0  }
0x45: {  	[tilespmem:s11+$0x30] =	vst v0  }
0x46: {  	[tilespmem:s11+$0x20] =	vst v0  }
0x47: {  	[tilespmem:s11+$0x10] =	vst v0  }
0x48: {  	[tilespmem:s11+$0x0] =	vst v0  }
0x49: {  	[tilespmem:s11+$0xFFFFFFF0] =	vst v0  }
0x4a: {  	[tilespmem:s11+$0xFFFFFFE0] =	vst v0  }
0x4b: {  	[tilespmem:s11+$0xFFFFFFD0] =	vst v0  }
0x4c: {  	[tilespmem:s11+$0xFFFFFFC0] =	vst v0  }
0x4d: {  	[tilespmem:s11+$0xFFFFFFB0] =	vst v0  }
0x4e: {  	[tilespmem:s11+$0xFFFFFFA0] =	vst v0  }
0x4f: {  	[tilespmem:s11+$0xFFFFFF90] =	vst v0  }
0x50: {  	[tilespmem:s11+$0xFFFFFF80] =	vst v0  }
0x51: {  	[tilespmem:s11+$0xFFFFFF70] =	vst v0  }
.Ltmp0:
0x52: {  	[tilespmem:s11+$0xFFFFFF60] =	vst v0;
	(pc) =	sbr.rel @p0 .LBB2_2-.Ltmp0, $4  }
0x53: {  	[tilespmem:s11+$0xFFFFFF50] =	vst v0  }
0x54: {  	[tilespmem:s11+$0xFFFFFF40] =	vst v0  }
0x55: {  	[tilespmem:s11+$0xFFFFFF30] =	vst v0  }
0x56: {  	[tilespmem:s11+$0xFFFFFF20] =	vst v0  }
0x57: {  	[tilespmem:s11+$0xFFFFFF10] =	vst v0  }
0x58: {  	[spmem:s8] =	stream.linear.scatter [tilespmem:s23], [sflag:$0x3], $0x2800, $0x38;
	[tilespmem:$0x1E200] =	vst v63  }
0x59: {  	_ =	swait.ge [sflag:s24], $0x2800  }
0x5a: {  	[sflag:s24] =	ssyncset.done $0x0  }
0x5b: {  	s15 =	rddreg [dreg:$0x4];
	[sflag:s24] =	ssyncadd.s32 $0xFFFFD800  }
0x5c: {  	[spmem:s15] =	stream.linear.scatter [tilespmem:s23], [sflag:$0x3], $0x2800, $0x38;
	[tilespmem:$0x1E200] =	vst v63  }
0x5d: {  	_ =	swait.ge [sflag:s24], $0x2800  }
0x5e: {  	[sflag:s24] =	ssyncset.done $0x0  }
0x5f: {  	s16 =	rddreg [dreg:$0x5];
	[sflag:s24] =	ssyncadd.s32 $0xFFFFD800  }
0x60: {  	[spmem:s16] =	stream.linear.scatter [tilespmem:s23], [sflag:$0x3], $0x2800, $0x38;
	[tilespmem:$0x1E200] =	vst v63  }
0x61: {  	_ =	swait.ge [sflag:s24], $0x2800  }
0x62: {  	[sflag:s24] =	ssyncset.done $0x0  }
0x63: {  	s12 =	rddreg [dreg:$0x6];
	[sflag:s24] =	ssyncadd.s32 $0xFFFFD800  }
0x64: {  	[spmem:s12] =	stream.linear.scatter [tilespmem:s23], [sflag:$0x3], $0x2800, $0x38;
	[tilespmem:$0x1E200] =	vst v63  }
0x65: {  	_ =	swait.ge [sflag:s24], $0x2800  }
0x66: {  	[sflag:s24] =	ssyncset.done $0x0  }
0x67: {  	s13 =	rddreg [dreg:$0x7];
	[sflag:s24] =	ssyncadd.s32 $0xFFFFD800  }
0x68: {  	[spmem:s13] =	stream.linear.scatter [tilespmem:s23], [sflag:$0x3], $0x2800, $0x38;
	[tilespmem:$0x1E200] =	vst v63  }
0x69: {  	_ =	swait.ge [sflag:s24], $0x2800  }
0x6a: {  	[sflag:s24] =	ssyncset.done $0x0  }
0x6b: {  	s14 =	rddreg [dreg:$0x8];
	[sflag:s24] =	ssyncadd.s32 $0xFFFFD800  }
0x6c: {  	[spmem:s14] =	stream.linear.scatter [tilespmem:s23], [sflag:$0x3], $0x2800, $0x38;
	[tilespmem:$0x1E200] =	vst v63  }
0x6d: {  	_ =	swait.ge [sflag:s24], $0x2800  }
0x6e: {  	[sflag:s24] =	ssyncset.done $0x0  }
0x6f: {  	s15 =	rddreg [dreg:$0x9];
	[sflag:s24] =	ssyncadd.s32 $0xFFFFD800  }
0x70: {  	[spmem:s15] =	stream.linear.scatter [tilespmem:s23], [sflag:$0x3], $0x2800, $0x38;
	[tilespmem:$0x1E200] =	vst v63  }
0x71: {  	_ =	swait.ge [sflag:s24], $0x2800  }
0x72: {  	[sflag:s24] =	ssyncset.done $0x0  }
0x73: {  	s16 =	rddreg [dreg:$0xa];
	[sflag:s24] =	ssyncadd.s32 $0xFFFFD800  }
0x74: {  	[spmem:s16] =	stream.linear.scatter [tilespmem:s23], [sflag:$0x3], $0x2800, $0x38;
	[tilespmem:$0x1E200] =	vst v63  }
0x75: {  	_ =	swait.ge [sflag:s24], $0x2800  }
0x76: {  	[sflag:s24] =	ssyncset.done $0x0  }
0x77: {  	[sflag:s24] =	ssyncadd.s32 $0xFFFFD800  }
0x78: {  	[bflag:$0x0] =	sbarrier.arrive $0xFFFF  }
0x79: {  	s11 =	simm.s32 $0x0;
	s12 =	rddreg [dreg:$0xb]  }
0x7a: {  	[tilespmem:s11], [sflag:$0x3] =	stream.linear.gather [hbm4b:s12+s11], $0x50, $0x38;
	[tilespmem:$0x1E200] =	vst v63  }
0x7b: {  	_ =	swait.ge [sflag:s24], $0x50  }
0x7c: {  	[sflag:s24] =	ssyncset.done $0x0  }
0x7d: {  	[sflag:s24] =	ssyncadd.s32 $0xFFFFFFB0  }
0x7e: {  	[tilespmem:s25], [sflag:$0x3] =	stream.linear.gather [hbm4b:s17+s11], $0x50, $0x38;
	[tilespmem:$0x1E200] =	vst v63  }
0x7f: {  	_ =	swait.ge [sflag:s24], $0x50  }
0x80: {  	[sflag:s24] =	ssyncset.done $0x0  }
0x81: {  	[sflag:s24] =	ssyncadd.s32 $0xFFFFFFB0  }
0x82: {  	[tilespmem:s26], [sflag:$0x3] =	stream.linear.gather [hbm4b:s18+s11], $0x2800, $0x38;
	[tilespmem:$0x1E200] =	vst v63  }
0x83: {  	_ =	swait.ge [sflag:s24], $0x2800  }
0x84: {  	[sflag:s24] =	ssyncset.done $0x0  }
0x85: {  	[sflag:s24] =	ssyncadd.s32 $0xFFFFD800  }
0x86: {  	[tilespmem:s23], [sflag:$0x1] =	stream.indirect.gather [hbm4b:s4+s28], $0x80, s11, s28, $0xb8;
	[tilespmem:$0x1E200] =	vst v63  }
.LBB2_4:
0x87: {  	s12 =	smul.u32 $0xA0, s11;
	_ =	sdelay $0x1  }
0x88: {  	s13 =	sadd.s32 s12, s19  }
0x89: {  	s14 =	sshrl.u32 s13, $0x3  }
0x8a: {  	s15 =	sadd.s32 s5, s14  }
0x8b: {  	[tilespmem:s29], [sflag:$0x3] =	stream.linear.gather [hbm4b:s15+s2], $0x50, $0x38;
	[tilespmem:$0x1E200] =	vst v63  }
0x8c: {  	_ =	swait.ge [sflag:s24], $0x50  }
0x8d: {  	[sflag:s24] =	ssyncset.done $0x0  }
0x8e: {  	s14 =	sadd.s32 s6, s14;
	[sflag:s24] =	ssyncadd.s32 $0xFFFFFFB0  }
0x8f: {  	[tilespmem:s30], [sflag:$0x3] =	stream.linear.gather [hbm4b:s14+s2], $0x50, $0x38;
	[tilespmem:$0x1E200] =	vst v63  }
0x90: {  	_ =	swait.ge [sflag:s24], $0x50  }
0x91: {  	s13 =	sshll.u32 s13, $0x4;
	[sflag:s24] =	ssyncset.done $0x0  }
0x92: {  	s13 =	sadd.s32 s7, s13;
	[sflag:s24] =	ssyncadd.s32 $0xFFFFFFB0  }
0x93: {  	[tilespmem:s31], [sflag:$0x3] =	stream.linear.gather [hbm4b:s13+s2], $0x2800, $0x38;
	[tilespmem:$0x1E200] =	vst v63  }
0x94: {  	_ =	swait.ge [sflag:s24], $0x2800  }
0x95: {  	[sflag:s24] =	ssyncset.done $0x0  }
0x96: {  	[sflag:s24] =	ssyncadd.s32 $0xFFFFD800  }
0x97: {  	[tilespmem:s0], [sflag:$0x2] =	stream.indirect.gather [hbm4b:s4+s28], $0x80, s29, s28, $0xb8;
	[tilespmem:$0x1E200] =	vst v63  }
0x98: {  	_ =	swait.ge [sflag:s3], $0x2800  }
0x99: {  	[sflag:s3] =	ssyncset.done $0x0  }
0x9a: {  	s16 =	simm.s32 $0x300;
	[sflag:s3] =	ssyncadd.s32 $0xFFFFD800  }
0x9b: {  	s13 =	simm.s32 $0x5300;
	v5 =	vld [tilespmem:s16+$0x80]  }
0x9c: {  	v9 =	vld [tilespmem:s13+$0xF0]  }
0x9d: {  	v6 =	vld [tilespmem:s13+$0xFFFFFF00]  }
0x9e: {  	v7 =	vld [tilespmem:s13+$0xFFFFFF10]  }
0x9f: {  	v8 =	vld [tilespmem:s13+$0xFFFFFF20]  }
0xa0: {  	v3 =	vld [tilespmem:s13+$0xFFFFFF30]  }
0xa1: {  	v2 =	vld [tilespmem:s13+$0xFFFFFF40]  }
0xa2: {  	v1 =	vld [tilespmem:s13+$0xFFFFFF50]  }
0xa3: {  	v10 =	vld [tilespmem:s16+$0xFFFFFF80]  }
0xa4: {  	v4 =	vld [tilespmem:s13+$0xFFFFFF80]  }
0xa5: {  	v11 =	vld [tilespmem:s13+$0xFFFFFF90]  }
0xa6: {  	v12 =	vld [tilespmem:s13+$0xFFFFFFA0]  }
0xa7: {  	v13 =	vld [tilespmem:s13+$0xFFFFFFB0]  }
0xa8: {  	v14 =	vld [tilespmem:s13+$0xFFFFFFC0]  }
0xa9: {  	v16 =	vld [tilespmem:s13+$0xFFFFFFD0]  }
0xaa: {  	v17 =	vld [tilespmem:s13+$0xFFFFFFE0]  }
0xab: {  	v18 =	vld [tilespmem:s16+$0x0];
	v15 =	vmul.f32 v4, v10  }
0xac: {  	v19 =	vld [tilespmem:s13+$0xA0];
	v9 =	vmul.f32 v9, v5  }
0xad: {  	v4 =	vld [tilespmem:s13+$0xFFFFFF60];
	v11 =	vmul.f32 v11, v10;
	[tilespmem:s13+$0xFFFFFF80] =	vst v15  }
0xae: {  	[tilespmem:s13+$0xF0] =	vst v9;
	v9 =	vmul.f32 v12, v10;
	v12 =	vld [tilespmem:s13+$0x0]  }
0xaf: {  	v15 =	vld [tilespmem:s13+$0xFFFFFFF0];
	[tilespmem:s13+$0xFFFFFF90] =	vst v11;
	v11 =	vmul.f32 v13, v10  }
0xb0: {  	v13 =	vld [tilespmem:s13+$0x10];
	[tilespmem:s13+$0xFFFFFFA0] =	vst v9;
	v9 =	vmul.f32 v14, v10  }
0xb1: {  	v14 =	vld [tilespmem:s13+$0x20];
	[tilespmem:s13+$0xFFFFFFB0] =	vst v11;
	v11 =	vmul.f32 v16, v10  }
0xb2: {  	v16 =	vld [tilespmem:s13+$0x30];
	[tilespmem:s13+$0xFFFFFFC0] =	vst v9;
	v9 =	vmul.f32 v17, v10  }
0xb3: {  	v17 =	vld [tilespmem:s13+$0x40];
	[tilespmem:s13+$0xFFFFFFD0] =	vst v11;
	v11 =	vmul.f32 v12, v18  }
0xb4: {  	v12 =	vld [tilespmem:s13+$0x50];
	v10 =	vmul.f32 v15, v10;
	[tilespmem:s13+$0xFFFFFFE0] =	vst v9  }
0xb5: {  	v15 =	vld [tilespmem:s13+$0x60];
	[tilespmem:s13+$0x0] =	vst v11;
	v11 =	vmul.f32 v13, v18  }
0xb6: {  	[tilespmem:s13+$0xFFFFFFF0] =	vst v10;
	v10 =	vmul.f32 v14, v18;
	v13 =	vld [tilespmem:s13+$0x70]  }
0xb7: {  	[tilespmem:s13+$0x10] =	vst v11;
	v11 =	vmul.f32 v16, v18;
	v16 =	vld [tilespmem:s13+$0x80]  }
0xb8: {  	[tilespmem:s13+$0x20] =	vst v10;
	v10 =	vmul.f32 v17, v18;
	v17 =	vld [tilespmem:s13+$0x90]  }
0xb9: {  	v9 =	vld [tilespmem:s13+$0xFFFFFF70];
	[tilespmem:s13+$0x30] =	vst v11;
	v11 =	vmul.f32 v12, v18  }
0xba: {  	v14 =	vld [tilespmem:s13+$0xB0];
	[tilespmem:s13+$0x40] =	vst v10;
	v10 =	vmul.f32 v15, v18  }
0xbb: {  	v13 =	vmul.f32 v13, v18;
	[tilespmem:s13+$0x50] =	vst v11;
	v11 =	vld [tilespmem:s13+$0xC0]  }
0xbc: {  	v12 =	vld [tilespmem:s13+$0xD0];
	[tilespmem:s13+$0x60] =	vst v10;
	v16 =	vmul.f32 v16, v5  }
0xbd: {  	[tilespmem:s13+$0x70] =	vst v13;
	v13 =	vld [tilespmem:s13+$0xE0];
	v15 =	vmul.f32 v17, v5  }
0xbe: {  	s15 =	simm.s32 $0x500;
	s14 =	simm.s32 $0x0;
	v10 =	vld [tilespmem:s16+$0xFFFFFF00];
	s16 =	simm.s32 $0x5300;
	[tilespmem:s13+$0x80] =	vst v16;
	v16 =	vmul.f32 v19, v5  }
.LBB2_5:
0xbf: {  	v17 =	vld [tilespmem:s15+$0x80];
	[tilespmem:s13+$0x90] =	vst v15;
	v14 =	vmul.f32 v14, v5;
	s16 =	sadd.s32 $0x200, s16  }
0xc0: {  	s14 =	sadd.s32 $0x4, s14;
	v15 =	vld [tilespmem:s16+$0xF0];
	[tilespmem:s13+$0xA0] =	vst v16;
	v11 =	vmul.f32 v11, v5  }
0xc1: {  	p0 =	slt.u32 s14, $0x4C;
	v16 =	vld [tilespmem:s16+$0xFFFFFF00];
	[tilespmem:s13+$0xB0] =	vst v14;
	v12 =	vmul.f32 v12, v5  }
0xc2: {  	v14 =	vld [tilespmem:s16+$0xFFFFFF10];
	[tilespmem:s13+$0xC0] =	vst v11;
	v13 =	vmul.f32 v13, v5  }
0xc3: {  	v11 =	vld [tilespmem:s16+$0xFFFFFF20];
	v19 =	vmul.f32 v6, v10;
	v7 =	vmul.f32 v7, v10;
	[tilespmem:s13+$0xD0] =	vst v12  }
0xc4: {  	v8 =	vmul.f32 v8, v10;
	v12 =	vmul.f32 v3, v10;
	v3 =	vld [tilespmem:s16+$0xFFFFFF30];
	[tilespmem:s13+$0xE0] =	vst v13;
	v5 =	vmov v17  }
0xc5: {  	v13 =	vmul.f32 v15, v5;
	[tilespmem:s13+$0xFFFFFF00] =	vst v19;
	v15 =	vmul.f32 v2, v10;
	v2 =	vld [tilespmem:s16+$0xFFFFFF40]  }
0xc6: {  	v18 =	vmul.f32 v4, v10;
	v17 =	vmul.f32 v1, v10;
	[tilespmem:s13+$0xFFFFFF10] =	vst v7;
	v1 =	vld [tilespmem:s16+$0xFFFFFF50];
	v6 =	vmov v16  }
0xc7: {  	v10 =	vmul.f32 v9, v10;
	v4 =	vld [tilespmem:s16+$0xFFFFFF60];
	[tilespmem:s16+$0xF0] =	vst v13;
	v7 =	vmov v14  }
0xc8: {  	v9 =	vld [tilespmem:s16+$0xFFFFFF70];
	[tilespmem:s13+$0xFFFFFF20] =	vst v8;
	v8 =	vmov v11  }
0xc9: {  	v11 =	vld [tilespmem:s15+$0xFFFFFF80];
	[tilespmem:s13+$0xFFFFFF30] =	vst v12  }
0xca: {  	v12 =	vld [tilespmem:s16+$0xFFFFFF80];
	[tilespmem:s13+$0xFFFFFF40] =	vst v15  }
0xcb: {  	v13 =	vld [tilespmem:s16+$0xFFFFFF90];
	[tilespmem:s13+$0xFFFFFF50] =	vst v17  }
0xcc: {  	v14 =	vld [tilespmem:s16+$0xFFFFFFA0];
	[tilespmem:s13+$0xFFFFFF60] =	vst v18  }
0xcd: {  	v15 =	vld [tilespmem:s16+$0xFFFFFFB0];
	[tilespmem:s13+$0xFFFFFF70] =	vst v10;
	s13 =	smov.u32 s16  }
0xce: {  	v10 =	vld [tilespmem:s16+$0xFFFFFFC0]  }
0xcf: {  	v12 =	vmul.f32 v12, v11;
	v16 =	vld [tilespmem:s16+$0xFFFFFFD0]  }
0xd0: {  	v13 =	vmul.f32 v13, v11;
	v17 =	vld [tilespmem:s16+$0xFFFFFFE0]  }
0xd1: {  	[tilespmem:s16+$0xFFFFFF80] =	vst v12;
	v12 =	vmul.f32 v14, v11;
	v14 =	vld [tilespmem:s16+$0xFFFFFFF0]  }
0xd2: {  	[tilespmem:s16+$0xFFFFFF90] =	vst v13;
	v13 =	vmul.f32 v15, v11;
	v15 =	vld [tilespmem:s15+$0x0]  }
0xd3: {  	[tilespmem:s16+$0xFFFFFFA0] =	vst v12;
	v10 =	vmul.f32 v10, v11;
	v12 =	vld [tilespmem:s16+$0x0]  }
0xd4: {  	[tilespmem:s16+$0xFFFFFFB0] =	vst v13;
	v13 =	vmul.f32 v16, v11;
	v16 =	vld [tilespmem:s16+$0x10]  }
0xd5: {  	[tilespmem:s16+$0xFFFFFFC0] =	vst v10;
	v10 =	vmul.f32 v17, v11;
	v17 =	vld [tilespmem:s16+$0x20]  }
0xd6: {  	[tilespmem:s16+$0xFFFFFFD0] =	vst v13;
	v11 =	vmul.f32 v14, v11;
	v13 =	vld [tilespmem:s16+$0x30]  }
0xd7: {  	[tilespmem:s16+$0xFFFFFFE0] =	vst v10;
	v10 =	vld [tilespmem:s16+$0x40]  }
0xd8: {  	[tilespmem:s16+$0xFFFFFFF0] =	vst v11;
	v11 =	vmul.f32 v12, v15;
	v12 =	vld [tilespmem:s16+$0x50]  }
0xd9: {  	v14 =	vmul.f32 v16, v15;
	v16 =	vld [tilespmem:s16+$0x60]  }
0xda: {  	[tilespmem:s16+$0x0] =	vst v11;
	v11 =	vmul.f32 v17, v15;
	v17 =	vld [tilespmem:s16+$0x70]  }
0xdb: {  	[tilespmem:s16+$0x10] =	vst v14;
	v13 =	vmul.f32 v13, v15;
	v18 =	vld [tilespmem:s16+$0x80]  }
0xdc: {  	[tilespmem:s16+$0x20] =	vst v11;
	v10 =	vmul.f32 v10, v15;
	v19 =	vld [tilespmem:s16+$0x90]  }
0xdd: {  	[tilespmem:s16+$0x30] =	vst v13;
	v11 =	vmul.f32 v12, v15;
	v20 =	vld [tilespmem:s16+$0xA0]  }
.Ltmp1:
0xde: {  	[tilespmem:s16+$0x40] =	vst v10;
	v10 =	vmul.f32 v16, v15;
	v14 =	vld [tilespmem:s16+$0xB0];
	(pc) =	sbr.rel @p0 .LBB2_5-.Ltmp1, $4  }
0xdf: {  	[tilespmem:s16+$0x50] =	vst v11;
	v13 =	vmul.f32 v17, v15;
	v11 =	vld [tilespmem:s16+$0xC0]  }
0xe0: {  	[tilespmem:s16+$0x60] =	vst v10;
	v16 =	vmul.f32 v18, v5;
	v12 =	vld [tilespmem:s16+$0xD0]  }
0xe1: {  	[tilespmem:s16+$0x70] =	vst v13;
	v15 =	vmul.f32 v19, v5;
	v13 =	vld [tilespmem:s16+$0xE0]  }
0xe2: {  	v10 =	vld [tilespmem:s15+$0xFFFFFF00];
	[tilespmem:s16+$0x80] =	vst v16;
	v16 =	vmul.f32 v20, v5;
	s15 =	sadd.s32 $0x200, s15  }
0xe3: {  	[tilespmem:s13+$0x90] =	vst v15;
	v14 =	vmul.f32 v14, v5  }
0xe4: {  	[tilespmem:s13+$0xA0] =	vst v16;
	v11 =	vmul.f32 v11, v5  }
0xe5: {  	[tilespmem:s13+$0xB0] =	vst v14;
	v12 =	vmul.f32 v12, v5  }
0xe6: {  	[tilespmem:s13+$0xC0] =	vst v11;
	v5 =	vmul.f32 v13, v5  }
0xe7: {  	v6 =	vmul.f32 v6, v10;
	[tilespmem:s13+$0xD0] =	vst v12  }
0xe8: {  	v7 =	vmul.f32 v7, v10;
	[tilespmem:s13+$0xE0] =	vst v5  }
0xe9: {  	v3 =	vmul.f32 v3, v10;
	[tilespmem:s13+$0xFFFFFF00] =	vst v6  }
0xea: {  	v2 =	vmul.f32 v2, v10;
	[tilespmem:s13+$0xFFFFFF10] =	vst v7  }
0xeb: {  	v1 =	vmul.f32 v1, v10;
	[tilespmem:s13+$0xFFFFFF30] =	vst v3  }
0xec: {  	v5 =	vmul.f32 v8, v10;
	[tilespmem:s13+$0xFFFFFF40] =	vst v2  }
0xed: {  	v3 =	vmul.f32 v4, v10;
	[tilespmem:s13+$0xFFFFFF50] =	vst v1  }
0xee: {  	v2 =	vmul.f32 v9, v10;
	[tilespmem:s13+$0xFFFFFF20] =	vst v5  }
0xef: {  	[tilespmem:s13+$0xFFFFFF60] =	vst v3  }
0xf0: {  	[tilespmem:s13+$0xFFFFFF70] =	vst v2  }
0xf1: {  	[spmem:s1] =	stream.indirect.scatter.add.f32 [tilespmem:s23], [sflag:$0x3], $0x80, s25, s28, $0xb8;
	[tilespmem:$0x1E200] =	vst v63  }
0xf2: {  	s12 =	sadd.s32 s12, s20;
	_ =	swait.ge [sflag:s24], $0x2800  }
0xf3: {  	s15 =	sshrl.u32 s12, $0x3;
	[sflag:s24] =	ssyncset.done $0x0  }
0xf4: {  	s14 =	sadd.s32 s5, s15;
	[sflag:s24] =	ssyncadd.s32 $0xFFFFD800  }
0xf5: {  	[tilespmem:s2], [sflag:$0x3] =	stream.linear.gather [hbm4b:s14+s2], $0x50, $0x38;
	[tilespmem:$0x1E200] =	vst v63  }
0xf6: {  	_ =	swait.ge [sflag:s24], $0x50  }
0xf7: {  	[sflag:s24] =	ssyncset.done $0x0  }
0xf8: {  	s13 =	sadd.s32 s6, s15;
	[sflag:s24] =	ssyncadd.s32 $0xFFFFFFB0  }
0xf9: {  	[tilespmem:s25], [sflag:$0x3] =	stream.linear.gather [hbm4b:s13+s2], $0x50, $0x38;
	[tilespmem:$0x1E200] =	vst v63  }
0xfa: {  	_ =	swait.ge [sflag:s24], $0x50  }
0xfb: {  	s12 =	sshll.u32 s12, $0x4;
	[sflag:s24] =	ssyncset.done $0x0  }
0xfc: {  	s12 =	sadd.s32 s7, s12;
	[sflag:s24] =	ssyncadd.s32 $0xFFFFFFB0  }
0xfd: {  	[tilespmem:s26], [sflag:$0x3] =	stream.linear.gather [hbm4b:s12+s2], $0x2800, $0x38;
	[tilespmem:$0x1E200] =	vst v63  }
0xfe: {  	_ =	swait.ge [sflag:s24], $0x2800  }
0xff: {  	[sflag:s24] =	ssyncset.done $0x0  }
0x100: {  	[sflag:s24] =	ssyncadd.s32 $0xFFFFD800  }
0x101: {  	[tilespmem:s23], [sflag:$0x1] =	stream.indirect.gather [hbm4b:s4+s28], $0x80, s2, s28, $0xb8;
	[tilespmem:$0x1E200] =	vst v63  }
0x102: {  	_ =	swait.ge [sflag:s9], $0x2800  }
0x103: {  	[sflag:s9] =	ssyncset.done $0x0  }
0x104: {  	s16 =	simm.s32 $0x2B80;
	[sflag:s9] =	ssyncadd.s32 $0xFFFFD800  }
0x105: {  	s12 =	simm.s32 $0x7BF0;
	v5 =	vld [tilespmem:s16+$0x0]  }
0x106: {  	v9 =	vld [tilespmem:s12+$0x0]  }
0x107: {  	v6 =	vld [tilespmem:s12+$0xFFFFFE10]  }
0x108: {  	v7 =	vld [tilespmem:s12+$0xFFFFFE20]  }
0x109: {  	v8 =	vld [tilespmem:s12+$0xFFFFFE30]  }
0x10a: {  	v3 =	vld [tilespmem:s12+$0xFFFFFE40]  }
0x10b: {  	v2 =	vld [tilespmem:s12+$0xFFFFFE50]  }
0x10c: {  	v1 =	vld [tilespmem:s12+$0xFFFFFE60]  }
0x10d: {  	v10 =	vld [tilespmem:s16+$0xFFFFFF00]  }
0x10e: {  	v4 =	vld [tilespmem:s12+$0xFFFFFE90]  }
0x10f: {  	v11 =	vld [tilespmem:s12+$0xFFFFFEA0]  }
0x110: {  	v12 =	vld [tilespmem:s12+$0xFFFFFEB0]  }
0x111: {  	v13 =	vld [tilespmem:s12+$0xFFFFFEC0]  }
0x112: {  	v14 =	vld [tilespmem:s12+$0xFFFFFED0]  }
0x113: {  	v16 =	vld [tilespmem:s12+$0xFFFFFEE0]  }
0x114: {  	v17 =	vld [tilespmem:s12+$0xFFFFFEF0]  }
0x115: {  	v18 =	vld [tilespmem:s16+$0xFFFFFF80];
	v15 =	vmul.f32 v4, v10  }
0x116: {  	v19 =	vld [tilespmem:s12+$0xFFFFFFB0];
	v9 =	vmul.f32 v9, v5  }
0x117: {  	v4 =	vld [tilespmem:s12+$0xFFFFFE70];
	v11 =	vmul.f32 v11, v10;
	[tilespmem:s12+$0xFFFFFE90] =	vst v15  }
0x118: {  	[tilespmem:s12+$0x0] =	vst v9;
	v9 =	vmul.f32 v12, v10;
	v12 =	vld [tilespmem:s12+$0xFFFFFF10]  }
0x119: {  	v15 =	vld [tilespmem:s12+$0xFFFFFF00];
	[tilespmem:s12+$0xFFFFFEA0] =	vst v11;
	v11 =	vmul.f32 v13, v10  }
0x11a: {  	v13 =	vld [tilespmem:s12+$0xFFFFFF20];
	[tilespmem:s12+$0xFFFFFEB0] =	vst v9;
	v9 =	vmul.f32 v14, v10  }
0x11b: {  	v14 =	vld [tilespmem:s12+$0xFFFFFF30];
	[tilespmem:s12+$0xFFFFFEC0] =	vst v11;
	v11 =	vmul.f32 v16, v10  }
0x11c: {  	v16 =	vld [tilespmem:s12+$0xFFFFFF40];
	[tilespmem:s12+$0xFFFFFED0] =	vst v9;
	v9 =	vmul.f32 v17, v10  }
0x11d: {  	v17 =	vld [tilespmem:s12+$0xFFFFFF50];
	[tilespmem:s12+$0xFFFFFEE0] =	vst v11;
	v11 =	vmul.f32 v12, v18  }
0x11e: {  	v12 =	vld [tilespmem:s12+$0xFFFFFF60];
	v10 =	vmul.f32 v15, v10;
	[tilespmem:s12+$0xFFFFFEF0] =	vst v9  }
0x11f: {  	v15 =	vld [tilespmem:s12+$0xFFFFFF70];
	[tilespmem:s12+$0xFFFFFF10] =	vst v11;
	v11 =	vmul.f32 v13, v18  }
0x120: {  	[tilespmem:s12+$0xFFFFFF00] =	vst v10;
	v10 =	vmul.f32 v14, v18;
	v13 =	vld [tilespmem:s12+$0xFFFFFF80]  }
0x121: {  	[tilespmem:s12+$0xFFFFFF20] =	vst v11;
	v11 =	vmul.f32 v16, v18;
	v16 =	vld [tilespmem:s12+$0xFFFFFF90]  }
0x122: {  	[tilespmem:s12+$0xFFFFFF30] =	vst v10;
	v10 =	vmul.f32 v17, v18;
	v17 =	vld [tilespmem:s12+$0xFFFFFFA0]  }
0x123: {  	v9 =	vld [tilespmem:s12+$0xFFFFFE80];
	[tilespmem:s12+$0xFFFFFF40] =	vst v11;
	v11 =	vmul.f32 v12, v18  }
0x124: {  	v14 =	vld [tilespmem:s12+$0xFFFFFFC0];
	[tilespmem:s12+$0xFFFFFF50] =	vst v10;
	v10 =	vmul.f32 v15, v18  }
0x125: {  	v13 =	vmul.f32 v13, v18;
	[tilespmem:s12+$0xFFFFFF60] =	vst v11;
	v11 =	vld [tilespmem:s12+$0xFFFFFFD0]  }
0x126: {  	v12 =	vld [tilespmem:s12+$0xFFFFFFE0];
	[tilespmem:s12+$0xFFFFFF70] =	vst v10;
	v16 =	vmul.f32 v16, v5  }
0x127: {  	[tilespmem:s12+$0xFFFFFF80] =	vst v13;
	v13 =	vld [tilespmem:s12+$0xFFFFFFF0];
	v15 =	vmul.f32 v17, v5  }
0x128: {  	s15 =	simm.s32 $0x7BF0;
	s14 =	simm.s32 $0x2D80;
	s13 =	simm.s32 $0x0;
	v10 =	vld [tilespmem:s16+$0xFFFFFE80];
	[tilespmem:s12+$0xFFFFFF90] =	vst v16;
	v16 =	vmul.f32 v19, v5  }
.LBB2_7:
0x129: {  	v17 =	vld [tilespmem:s14+$0x0];
	[tilespmem:s12+$0xFFFFFFA0] =	vst v15;
	v14 =	vmul.f32 v14, v5;
	s15 =	sadd.s32 $0x200, s15  }
0x12a: {  	s13 =	sadd.s32 $0x4, s13;
	v15 =	vld [tilespmem:s15+$0x0];
	[tilespmem:s12+$0xFFFFFFB0] =	vst v16;
	v11 =	vmul.f32 v11, v5  }
0x12b: {  	p0 =	slt.u32 s13, $0x4C;
	v16 =	vld [tilespmem:s15+$0xFFFFFE10];
	[tilespmem:s12+$0xFFFFFFC0] =	vst v14;
	v12 =	vmul.f32 v12, v5  }
0x12c: {  	v14 =	vld [tilespmem:s15+$0xFFFFFE20];
	[tilespmem:s12+$0xFFFFFFD0] =	vst v11;
	v13 =	vmul.f32 v13, v5  }
0x12d: {  	v11 =	vld [tilespmem:s15+$0xFFFFFE30];
	v19 =	vmul.f32 v6, v10;
	v7 =	vmul.f32 v7, v10;
	[tilespmem:s12+$0xFFFFFFE0] =	vst v12  }
0x12e: {  	v8 =	vmul.f32 v8, v10;
	v12 =	vmul.f32 v3, v10;
	v3 =	vld [tilespmem:s15+$0xFFFFFE40];
	[tilespmem:s12+$0xFFFFFFF0] =	vst v13;
	v5 =	vmov v17  }
0x12f: {  	v13 =	vmul.f32 v15, v5;
	[tilespmem:s12+$0xFFFFFE10] =	vst v19;
	v15 =	vmul.f32 v2, v10;
	v2 =	vld [tilespmem:s15+$0xFFFFFE50]  }
0x130: {  	v18 =	vmul.f32 v4, v10;
	v17 =	vmul.f32 v1, v10;
	[tilespmem:s12+$0xFFFFFE20] =	vst v7;
	v1 =	vld [tilespmem:s15+$0xFFFFFE60];
	v6 =	vmov v16  }
0x131: {  	v10 =	vmul.f32 v9, v10;
	v4 =	vld [tilespmem:s15+$0xFFFFFE70];
	[tilespmem:s15+$0x0] =	vst v13;
	v7 =	vmov v14  }
0x132: {  	v9 =	vld [tilespmem:s15+$0xFFFFFE80];
	[tilespmem:s12+$0xFFFFFE30] =	vst v8;
	v8 =	vmov v11  }
0x133: {  	v11 =	vld [tilespmem:s14+$0xFFFFFF00];
	[tilespmem:s12+$0xFFFFFE40] =	vst v12  }
0x134: {  	v12 =	vld [tilespmem:s15+$0xFFFFFE90];
	[tilespmem:s12+$0xFFFFFE50] =	vst v15  }
0x135: {  	v13 =	vld [tilespmem:s15+$0xFFFFFEA0];
	[tilespmem:s12+$0xFFFFFE60] =	vst v17  }
0x136: {  	v14 =	vld [tilespmem:s15+$0xFFFFFEB0];
	[tilespmem:s12+$0xFFFFFE70] =	vst v18  }
0x137: {  	v15 =	vld [tilespmem:s15+$0xFFFFFEC0];
	[tilespmem:s12+$0xFFFFFE80] =	vst v10;
	s12 =	smov.u32 s15  }
0x138: {  	v10 =	vld [tilespmem:s15+$0xFFFFFED0]  }
0x139: {  	v12 =	vmul.f32 v12, v11;
	v16 =	vld [tilespmem:s15+$0xFFFFFEE0]  }
0x13a: {  	v13 =	vmul.f32 v13, v11;
	v17 =	vld [tilespmem:s15+$0xFFFFFEF0]  }
0x13b: {  	[tilespmem:s15+$0xFFFFFE90] =	vst v12;
	v12 =	vmul.f32 v14, v11;
	v14 =	vld [tilespmem:s15+$0xFFFFFF00]  }
0x13c: {  	[tilespmem:s15+$0xFFFFFEA0] =	vst v13;
	v13 =	vmul.f32 v15, v11;
	v15 =	vld [tilespmem:s14+$0xFFFFFF80]  }
0x13d: {  	[tilespmem:s15+$0xFFFFFEB0] =	vst v12;
	v10 =	vmul.f32 v10, v11;
	v12 =	vld [tilespmem:s15+$0xFFFFFF10]  }
0x13e: {  	[tilespmem:s15+$0xFFFFFEC0] =	vst v13;
	v13 =	vmul.f32 v16, v11;
	v16 =	vld [tilespmem:s15+$0xFFFFFF20]  }
0x13f: {  	[tilespmem:s15+$0xFFFFFED0] =	vst v10;
	v10 =	vmul.f32 v17, v11;
	v17 =	vld [tilespmem:s15+$0xFFFFFF30]  }
0x140: {  	[tilespmem:s15+$0xFFFFFEE0] =	vst v13;
	v11 =	vmul.f32 v14, v11;
	v13 =	vld [tilespmem:s15+$0xFFFFFF40]  }
0x141: {  	[tilespmem:s15+$0xFFFFFEF0] =	vst v10;
	v10 =	vld [tilespmem:s15+$0xFFFFFF50]  }
0x142: {  	[tilespmem:s15+$0xFFFFFF00] =	vst v11;
	v11 =	vmul.f32 v12, v15;
	v12 =	vld [tilespmem:s15+$0xFFFFFF60]  }
0x143: {  	v14 =	vmul.f32 v16, v15;
	v16 =	vld [tilespmem:s15+$0xFFFFFF70]  }
0x144: {  	[tilespmem:s15+$0xFFFFFF10] =	vst v11;
	v11 =	vmul.f32 v17, v15;
	v17 =	vld [tilespmem:s15+$0xFFFFFF80]  }
0x145: {  	[tilespmem:s15+$0xFFFFFF20] =	vst v14;
	v13 =	vmul.f32 v13, v15;
	v18 =	vld [tilespmem:s15+$0xFFFFFF90]  }
0x146: {  	[tilespmem:s15+$0xFFFFFF30] =	vst v11;
	v10 =	vmul.f32 v10, v15;
	v19 =	vld [tilespmem:s15+$0xFFFFFFA0]  }
0x147: {  	[tilespmem:s15+$0xFFFFFF40] =	vst v13;
	v11 =	vmul.f32 v12, v15;
	v20 =	vld [tilespmem:s15+$0xFFFFFFB0]  }
.Ltmp2:
0x148: {  	[tilespmem:s15+$0xFFFFFF50] =	vst v10;
	v10 =	vmul.f32 v16, v15;
	v14 =	vld [tilespmem:s15+$0xFFFFFFC0];
	(pc) =	sbr.rel @p0 .LBB2_7-.Ltmp2, $4  }
0x149: {  	[tilespmem:s15+$0xFFFFFF60] =	vst v11;
	v13 =	vmul.f32 v17, v15;
	v11 =	vld [tilespmem:s15+$0xFFFFFFD0]  }
0x14a: {  	[tilespmem:s15+$0xFFFFFF70] =	vst v10;
	v16 =	vmul.f32 v18, v5;
	v12 =	vld [tilespmem:s15+$0xFFFFFFE0]  }
0x14b: {  	[tilespmem:s15+$0xFFFFFF80] =	vst v13;
	v15 =	vmul.f32 v19, v5;
	v13 =	vld [tilespmem:s15+$0xFFFFFFF0]  }
0x14c: {  	v10 =	vld [tilespmem:s14+$0xFFFFFE80];
	[tilespmem:s15+$0xFFFFFF90] =	vst v16;
	v16 =	vmul.f32 v20, v5;
	s14 =	sadd.s32 $0x200, s14  }
0x14d: {  	[tilespmem:s12+$0xFFFFFFA0] =	vst v15;
	v14 =	vmul.f32 v14, v5  }
0x14e: {  	[tilespmem:s12+$0xFFFFFFB0] =	vst v16;
	v11 =	vmul.f32 v11, v5  }
0x14f: {  	[tilespmem:s12+$0xFFFFFFC0] =	vst v14;
	v12 =	vmul.f32 v12, v5  }
0x150: {  	[tilespmem:s12+$0xFFFFFFD0] =	vst v11;
	v62 =	vmul.f32 v13, v5  }
0x151: {  	v6 =	vmul.f32 v6, v10;
	[tilespmem:s12+$0xFFFFFFE0] =	vst v12  }
0x152: {  	v7 =	vmul.f32 v7, v10;
	[tilespmem:s12+$0xFFFFFFF0] =	vst v62  }
0x153: {  	v63 =	vmul.f32 v8, v10;
	[tilespmem:s12+$0xFFFFFE10] =	vst v6  }
0x154: {  	v3 =	vmul.f32 v3, v10;
	[tilespmem:s12+$0xFFFFFE20] =	vst v7  }
0x155: {  	v2 =	vmul.f32 v2, v10;
	[tilespmem:s12+$0xFFFFFE30] =	vst v63  }
0x156: {  	v1 =	vmul.f32 v1, v10;
	[tilespmem:s12+$0xFFFFFE40] =	vst v3  }
0x157: {  	v3 =	vmul.f32 v4, v10;
	[tilespmem:s12+$0xFFFFFE50] =	vst v2  }
0x158: {  	s11 =	sadd.s32 $0x1, s11;
	v2 =	vmul.f32 v9, v10;
	[tilespmem:s12+$0xFFFFFE60] =	vst v1  }
0x159: {  	p0 =	sne.s32 s11, $0x3E;
	[tilespmem:s12+$0xFFFFFE70] =	vst v3  }
.Ltmp3:
0x15a: {  	[tilespmem:s12+$0xFFFFFE80] =	vst v2;
	(pc) =	sbr.rel @p0 .LBB2_4-.Ltmp3, $4  }
0x15b: {  	[spmem:s1] =	stream.indirect.scatter.add.f32 [tilespmem:s0], [sflag:$0x3], $0x80, s30, s28, $0xb8;
	[tilespmem:$0x1E200] =	vst v63  }
0x15c: {  	_ =	swait.ge [sflag:s24], $0x2800  }
0x15d: {  	[sflag:s24] =	ssyncset.done $0x0  }
0x15e: {  	[sflag:s24] =	ssyncadd.s32 $0xFFFFD800  }
0x15f: {  	_ =	swait.ge [sflag:s3], $0x2800  }
0x160: {  	[sflag:s3] =	ssyncset.done $0x0  }
0x161: {  	s13 =	simm.s32 $0x300;
	[sflag:s3] =	ssyncadd.s32 $0xFFFFD800  }
0x162: {  	s11 =	simm.s32 $0x5300;
	v5 =	vld [tilespmem:s13+$0x80]  }
0x163: {  	v9 =	vld [tilespmem:s11+$0xF0]  }
0x164: {  	v6 =	vld [tilespmem:s11+$0xFFFFFF00]  }
0x165: {  	v7 =	vld [tilespmem:s11+$0xFFFFFF10]  }
0x166: {  	v8 =	vld [tilespmem:s11+$0xFFFFFF20]  }
0x167: {  	v3 =	vld [tilespmem:s11+$0xFFFFFF30]  }
0x168: {  	v2 =	vld [tilespmem:s11+$0xFFFFFF40]  }
0x169: {  	v1 =	vld [tilespmem:s11+$0xFFFFFF50]  }
0x16a: {  	v10 =	vld [tilespmem:s13+$0xFFFFFF80]  }
0x16b: {  	v4 =	vld [tilespmem:s11+$0xFFFFFF80]  }
0x16c: {  	v11 =	vld [tilespmem:s11+$0xFFFFFF90]  }
0x16d: {  	v12 =	vld [tilespmem:s11+$0xFFFFFFA0]  }
0x16e: {  	v13 =	vld [tilespmem:s11+$0xFFFFFFB0]  }
0x16f: {  	v14 =	vld [tilespmem:s11+$0xFFFFFFC0]  }
0x170: {  	v16 =	vld [tilespmem:s11+$0xFFFFFFD0]  }
0x171: {  	v17 =	vld [tilespmem:s11+$0xFFFFFFE0]  }
0x172: {  	v18 =	vld [tilespmem:s13+$0x0];
	v15 =	vmul.f32 v4, v10  }
0x173: {  	v19 =	vld [tilespmem:s11+$0xA0];
	v9 =	vmul.f32 v9, v5  }
0x174: {  	v4 =	vld [tilespmem:s11+$0xFFFFFF60];
	v11 =	vmul.f32 v11, v10;
	[tilespmem:s11+$0xFFFFFF80] =	vst v15  }
0x175: {  	[tilespmem:s11+$0xF0] =	vst v9;
	v9 =	vmul.f32 v12, v10;
	v12 =	vld [tilespmem:s11+$0x0]  }
0x176: {  	v15 =	vld [tilespmem:s11+$0xFFFFFFF0];
	[tilespmem:s11+$0xFFFFFF90] =	vst v11;
	v11 =	vmul.f32 v13, v10  }
0x177: {  	v13 =	vld [tilespmem:s11+$0x10];
	[tilespmem:s11+$0xFFFFFFA0] =	vst v9;
	v9 =	vmul.f32 v14, v10  }
0x178: {  	v14 =	vld [tilespmem:s11+$0x20];
	[tilespmem:s11+$0xFFFFFFB0] =	vst v11;
	v11 =	vmul.f32 v16, v10  }
0x179: {  	v16 =	vld [tilespmem:s11+$0x30];
	[tilespmem:s11+$0xFFFFFFC0] =	vst v9;
	v9 =	vmul.f32 v17, v10  }
0x17a: {  	v17 =	vld [tilespmem:s11+$0x40];
	[tilespmem:s11+$0xFFFFFFD0] =	vst v11;
	v11 =	vmul.f32 v12, v18  }
0x17b: {  	v12 =	vld [tilespmem:s11+$0x50];
	v10 =	vmul.f32 v15, v10;
	[tilespmem:s11+$0xFFFFFFE0] =	vst v9  }
0x17c: {  	v15 =	vld [tilespmem:s11+$0x60];
	[tilespmem:s11+$0x0] =	vst v11;
	v11 =	vmul.f32 v13, v18  }
0x17d: {  	[tilespmem:s11+$0xFFFFFFF0] =	vst v10;
	v10 =	vmul.f32 v14, v18;
	v13 =	vld [tilespmem:s11+$0x70]  }
0x17e: {  	[tilespmem:s11+$0x10] =	vst v11;
	v11 =	vmul.f32 v16, v18;
	v16 =	vld [tilespmem:s11+$0x80]  }
0x17f: {  	[tilespmem:s11+$0x20] =	vst v10;
	v10 =	vmul.f32 v17, v18;
	v17 =	vld [tilespmem:s11+$0x90]  }
0x180: {  	v9 =	vld [tilespmem:s11+$0xFFFFFF70];
	[tilespmem:s11+$0x30] =	vst v11;
	v11 =	vmul.f32 v12, v18  }
0x181: {  	v14 =	vld [tilespmem:s11+$0xB0];
	[tilespmem:s11+$0x40] =	vst v10;
	v10 =	vmul.f32 v15, v18  }
0x182: {  	v13 =	vmul.f32 v13, v18;
	[tilespmem:s11+$0x50] =	vst v11;
	v11 =	vld [tilespmem:s11+$0xC0]  }
0x183: {  	v12 =	vld [tilespmem:s11+$0xD0];
	[tilespmem:s11+$0x60] =	vst v10;
	v16 =	vmul.f32 v16, v5  }
0x184: {  	[tilespmem:s11+$0x70] =	vst v13;
	v13 =	vld [tilespmem:s11+$0xE0];
	v15 =	vmul.f32 v17, v5  }
0x185: {  	s12 =	simm.s32 $0x0;
	s14 =	simm.s32 $0x5300;
	v10 =	vld [tilespmem:s13+$0xFFFFFF00];
	s13 =	simm.s32 $0x500;
	[tilespmem:s11+$0x80] =	vst v16;
	v16 =	vmul.f32 v19, v5  }
.LBB2_10:
0x186: {  	v17 =	vld [tilespmem:s13+$0x80];
	[tilespmem:s11+$0x90] =	vst v15;
	v14 =	vmul.f32 v14, v5;
	s14 =	sadd.s32 $0x200, s14  }
0x187: {  	s12 =	sadd.s32 $0x4, s12;
	v15 =	vld [tilespmem:s14+$0xF0];
	[tilespmem:s11+$0xA0] =	vst v16;
	v11 =	vmul.f32 v11, v5  }
0x188: {  	p0 =	slt.u32 s12, $0x4C;
	v16 =	vld [tilespmem:s14+$0xFFFFFF00];
	[tilespmem:s11+$0xB0] =	vst v14;
	v12 =	vmul.f32 v12, v5  }
0x189: {  	v14 =	vld [tilespmem:s14+$0xFFFFFF10];
	[tilespmem:s11+$0xC0] =	vst v11;
	v13 =	vmul.f32 v13, v5  }
0x18a: {  	v11 =	vld [tilespmem:s14+$0xFFFFFF20];
	v19 =	vmul.f32 v6, v10;
	v7 =	vmul.f32 v7, v10;
	[tilespmem:s11+$0xD0] =	vst v12  }
0x18b: {  	v8 =	vmul.f32 v8, v10;
	v12 =	vmul.f32 v3, v10;
	v3 =	vld [tilespmem:s14+$0xFFFFFF30];
	[tilespmem:s11+$0xE0] =	vst v13;
	v5 =	vmov v17  }
0x18c: {  	v13 =	vmul.f32 v15, v5;
	[tilespmem:s11+$0xFFFFFF00] =	vst v19;
	v15 =	vmul.f32 v2, v10;
	v2 =	vld [tilespmem:s14+$0xFFFFFF40]  }
0x18d: {  	v18 =	vmul.f32 v4, v10;
	v17 =	vmul.f32 v1, v10;
	[tilespmem:s11+$0xFFFFFF10] =	vst v7;
	v1 =	vld [tilespmem:s14+$0xFFFFFF50];
	v6 =	vmov v16  }
0x18e: {  	v10 =	vmul.f32 v9, v10;
	v4 =	vld [tilespmem:s14+$0xFFFFFF60];
	[tilespmem:s14+$0xF0] =	vst v13;
	v7 =	vmov v14  }
0x18f: {  	v9 =	vld [tilespmem:s14+$0xFFFFFF70];
	[tilespmem:s11+$0xFFFFFF20] =	vst v8;
	v8 =	vmov v11  }
0x190: {  	v11 =	vld [tilespmem:s13+$0xFFFFFF80];
	[tilespmem:s11+$0xFFFFFF30] =	vst v12  }
0x191: {  	v12 =	vld [tilespmem:s14+$0xFFFFFF80];
	[tilespmem:s11+$0xFFFFFF40] =	vst v15  }
0x192: {  	v13 =	vld [tilespmem:s14+$0xFFFFFF90];
	[tilespmem:s11+$0xFFFFFF50] =	vst v17  }
0x193: {  	v14 =	vld [tilespmem:s14+$0xFFFFFFA0];
	[tilespmem:s11+$0xFFFFFF60] =	vst v18  }
0x194: {  	v15 =	vld [tilespmem:s14+$0xFFFFFFB0];
	[tilespmem:s11+$0xFFFFFF70] =	vst v10;
	s11 =	smov.u32 s14  }
0x195: {  	v10 =	vld [tilespmem:s14+$0xFFFFFFC0]  }
0x196: {  	v12 =	vmul.f32 v12, v11;
	v16 =	vld [tilespmem:s14+$0xFFFFFFD0]  }
0x197: {  	v13 =	vmul.f32 v13, v11;
	v17 =	vld [tilespmem:s14+$0xFFFFFFE0]  }
0x198: {  	[tilespmem:s14+$0xFFFFFF80] =	vst v12;
	v12 =	vmul.f32 v14, v11;
	v14 =	vld [tilespmem:s14+$0xFFFFFFF0]  }
0x199: {  	[tilespmem:s14+$0xFFFFFF90] =	vst v13;
	v13 =	vmul.f32 v15, v11;
	v15 =	vld [tilespmem:s13+$0x0]  }
0x19a: {  	[tilespmem:s14+$0xFFFFFFA0] =	vst v12;
	v10 =	vmul.f32 v10, v11;
	v12 =	vld [tilespmem:s14+$0x0]  }
0x19b: {  	[tilespmem:s14+$0xFFFFFFB0] =	vst v13;
	v13 =	vmul.f32 v16, v11;
	v16 =	vld [tilespmem:s14+$0x10]  }
0x19c: {  	[tilespmem:s14+$0xFFFFFFC0] =	vst v10;
	v10 =	vmul.f32 v17, v11;
	v17 =	vld [tilespmem:s14+$0x20]  }
0x19d: {  	[tilespmem:s14+$0xFFFFFFD0] =	vst v13;
	v11 =	vmul.f32 v14, v11;
	v13 =	vld [tilespmem:s14+$0x30]  }
0x19e: {  	[tilespmem:s14+$0xFFFFFFE0] =	vst v10;
	v10 =	vld [tilespmem:s14+$0x40]  }
0x19f: {  	[tilespmem:s14+$0xFFFFFFF0] =	vst v11;
	v11 =	vmul.f32 v12, v15;
	v12 =	vld [tilespmem:s14+$0x50]  }
0x1a0: {  	v14 =	vmul.f32 v16, v15;
	v16 =	vld [tilespmem:s14+$0x60]  }
0x1a1: {  	[tilespmem:s14+$0x0] =	vst v11;
	v11 =	vmul.f32 v17, v15;
	v17 =	vld [tilespmem:s14+$0x70]  }
0x1a2: {  	[tilespmem:s14+$0x10] =	vst v14;
	v13 =	vmul.f32 v13, v15;
	v18 =	vld [tilespmem:s14+$0x80]  }
0x1a3: {  	[tilespmem:s14+$0x20] =	vst v11;
	v10 =	vmul.f32 v10, v15;
	v19 =	vld [tilespmem:s14+$0x90]  }
0x1a4: {  	[tilespmem:s14+$0x30] =	vst v13;
	v11 =	vmul.f32 v12, v15;
	v20 =	vld [tilespmem:s14+$0xA0]  }
.Ltmp4:
0x1a5: {  	[tilespmem:s14+$0x40] =	vst v10;
	v10 =	vmul.f32 v16, v15;
	v14 =	vld [tilespmem:s14+$0xB0];
	(pc) =	sbr.rel @p0 .LBB2_10-.Ltmp4, $4  }
0x1a6: {  	[tilespmem:s14+$0x50] =	vst v11;
	v13 =	vmul.f32 v17, v15;
	v11 =	vld [tilespmem:s14+$0xC0]  }
0x1a7: {  	[tilespmem:s14+$0x60] =	vst v10;
	v16 =	vmul.f32 v18, v5;
	v12 =	vld [tilespmem:s14+$0xD0]  }
0x1a8: {  	[tilespmem:s14+$0x70] =	vst v13;
	v15 =	vmul.f32 v19, v5;
	v13 =	vld [tilespmem:s14+$0xE0]  }
0x1a9: {  	v10 =	vld [tilespmem:s13+$0xFFFFFF00];
	[tilespmem:s14+$0x80] =	vst v16;
	v16 =	vmul.f32 v20, v5;
	s13 =	sadd.s32 $0x200, s13  }
0x1aa: {  	[tilespmem:s11+$0x90] =	vst v15;
	v14 =	vmul.f32 v14, v5  }
0x1ab: {  	[tilespmem:s11+$0xA0] =	vst v16;
	v11 =	vmul.f32 v11, v5  }
0x1ac: {  	[tilespmem:s11+$0xB0] =	vst v14;
	v12 =	vmul.f32 v12, v5  }
0x1ad: {  	[tilespmem:s11+$0xC0] =	vst v11;
	v62 =	vmul.f32 v13, v5  }
0x1ae: {  	v6 =	vmul.f32 v6, v10;
	[tilespmem:s11+$0xD0] =	vst v12  }
0x1af: {  	v7 =	vmul.f32 v7, v10;
	[tilespmem:s11+$0xE0] =	vst v62  }
0x1b0: {  	v63 =	vmul.f32 v8, v10;
	[tilespmem:s11+$0xFFFFFF00] =	vst v6  }
0x1b1: {  	v3 =	vmul.f32 v3, v10;
	[tilespmem:s11+$0xFFFFFF10] =	vst v7  }
0x1b2: {  	v2 =	vmul.f32 v2, v10;
	[tilespmem:s11+$0xFFFFFF20] =	vst v63  }
0x1b3: {  	v1 =	vmul.f32 v1, v10;
	[tilespmem:s11+$0xFFFFFF30] =	vst v3  }
0x1b4: {  	v3 =	vmul.f32 v4, v10;
	[tilespmem:s11+$0xFFFFFF40] =	vst v2  }
0x1b5: {  	v2 =	vmul.f32 v9, v10;
	[tilespmem:s11+$0xFFFFFF50] =	vst v1  }
0x1b6: {  	[tilespmem:s11+$0xFFFFFF60] =	vst v3  }
0x1b7: {  	[tilespmem:s11+$0xFFFFFF70] =	vst v2  }
0x1b8: {  	[spmem:s1] =	stream.indirect.scatter.add.f32 [tilespmem:s23], [sflag:$0x3], $0x80, s25, s28, $0xb8;
	[tilespmem:$0x1E200] =	vst v63  }
0x1b9: {  	s16 =	stileid.u32;
	_ =	swait.ge [sflag:s24], $0x2800  }
0x1ba: {  	s12 =	sshrl.u32 s8, $0x3;
	s10 =	sadd.s32 $0x1, s10;
	[sflag:s24] =	ssyncset.done $0x0  }
0x1bb: {  	p0 =	sne.s32 s10, s22;
	s11 =	sshll.u32 s16, $0x6;
	[sflag:s24] =	ssyncadd.s32 $0xFFFFD800  }
.Ltmp5:
0x1bc: {  	s11 =	sor.u32 $0x1C03, s11;
	[bflag:$0x0] =	sbarrier.arrive $0xFFFF;
	(pc) =	sbr.rel @p0 .LBB2_1-.Ltmp5, $4  }
0x1bd: {  	[hbm:s21], [sflag:s11] =	dma.local [spmem:s12], $0x2800  }
0x1be: {  	_ =	swait.ge [sflag:s24], $0x2800  }
0x1bf: {  	[sflag:s24] =	ssyncset.done $0x0  }
0x1c0: {  	[sflag:s24] =	ssyncadd.s32 $0xFFFFD800  }
0x1c1: {  	_ =	sfence.sel $0x180000  }
0x1c2: {  	[bflag:$0x0] =	sbarrier.arrive $0xFFFF  }
0x1c3: {  	_ =	strace $0x9000004A  }
0x1c4: {  	s0 =	stileid.u32;
	[bflag:$0x2] =	sbarrier.arrive $0xFFFF  }
0x1c5: {  	p0 =	sne.s32 s0, $0x0;
	s0 =	rddreg [dreg:$0x3]  }
0x1c6: {  	s0 =	sadd.s32 @!p0 $0x100000, s0  }
0x1c7: {  	[sflag:s0] =	ssyncadd.tile.s32 @!p0 $0x1;
	_ =	shalt  }
.Lfunc_end2:
_tile_overlayer_lowered:
.L_overlay_start_2:
0x1c8: {  	(tag) =	ssettag $0x2  }
0x1c9: {  	s0 =	rddreg [dreg:$0x0];
	s2 =	stileid.u32  }
0x1ca: {  	s1 =	rddreg [dreg:$0x1];
	p0 =	sne.s32 s2, $0x0  }
0x1cb: {  	s3 =	rddreg [dreg:$0x2];
	[bflag:$0x3] =	sbarrier.arrive $0xFFFF;
	s2 =	simm.s32 @!p0 $0x1C03  }
0x1cc: {  	[timem:s3], [sflag:s2] =	dma.local @!p0 [hbm:s0], s1  }
0x1cd: {  	s0 =	simm.s32 @!p0 $0x3  }
0x1ce: {  	_ =	swait.ge @!p0 [sflag:s0], s1  }
0x1cf: {  	s1 =	ssub.s32 @!p0 $0x0, s1;
	[sflag:s0] =	ssyncset.done @!p0 $0x0  }
0x1d0: {  	[sflag:s0] =	ssyncadd.s32 @!p0 s1  }
0x1d1: {  	[bflag:$0x3] =	sbarrier.arrive $0xFFFF  }
0x1d2: {  	_ =	shalt  }

// kernel: kernel.18.cloned.1.call-start
scs
__scs_entry_jumppad:
0x0: {  	(pc) =	sbr.rel $0x88, $3  }
0x1: {  	(tag) =	ssettag $0x0;
	lr =	simm.s32 $0x1  }
0x2: {  	[smem:$0x3F93] =	sst lr;
	_ =	strace $0xD0000000  }
0x3: {  	_ = 	snop  }
0x4: {  	_ = 	snop  }
0x5: {  	_ = 	snop  }
0x6: {  	_ = 	snop  }
0x7: {  	_ = 	snop  }
__scs_overlays_trampoline_lowered:
0x8: {  	[smem:$0x3FA2] =	sst s0  }
0x9: {  	[smem:$0x3FA3] =	sst s1  }
0xa: {  	[smem:$0x3FA4] =	sst s2  }
0xb: {  	[smem:$0x3FA5] =	sst s3  }
0xc: {  	[smem:$0x3FA6] =	sst s4  }
0xd: {  	[smem:$0x3FA7] =	sst s5  }
0xe: {  	[smem:$0x3FA8] =	sst s6  }
0xf: {  	[smem:$0x3FA9] =	sst s7  }
0x10: {  	[smem:$0x3FAA] =	sst s8  }
0x11: {  	[smem:$0x3FAB] =	sst s9;
	s0 =	simm.s32 @!p0 $0x0  }
0x12: {  	s1 =	sld [smem:$0x3F91];
	s0 =	simm.s32 @p0 $0x1  }
0x13: {  	[smem:$0x3FAC] =	sst s0;
	s0 =	simm.s32 @!p1 $0x0  }
0x14: {  	s2 =	sld [smem:$0x3F90];
	s0 =	simm.s32 @p1 $0x1  }
0x15: {  	[smem:$0x3FAD] =	sst s0;
	s0 =	simm.s32 @!p2 $0x0  }
0x16: {  	s3 =	sld [smem:$0x3FDB];
	s0 =	simm.s32 @p2 $0x1  }
0x17: {  	s4 =	simm.s32 $0x1BF5;
	[smem:$0x3FAF] =	sst s0  }
0x18: {  	s0 =	sld [smem:$0x3F92];
	_ =	swait.ge [sflag:s4], $0x0  }
0x19: {  	s7 =	sld [smem:$0x3F93]  }
0x1a: {  	s8 =	sadd.s32 $0xFFFFE003, lr  }
0x1b: {  	s9 =	sadd.s32 $0xFFFFFEF7, lr;
	s5 =	simm.s32 $0xFFFFFFFF;
	p2 =	slt.u32 s8, $0xFFFFF086  }
0x1c: {  	p1 =	slt.u32 s9, $0xF7A;
	s5 =	simm.s32 @!p2 $0x0  }
0x1d: {  	s5 =	simm.s32 @p1 $0x1;
	p0 =	seq.s32 s7, s2  }
0x1e: {  	s7 =	smul.u32 @!p0 $0xF7A, s2;
	p2 =	seq.s32 @!p0 s5, $0x0  }
0x1f: {  	s9 =	smul.u32 $0xF7A, s1;
	s8 =	simm.s32 @!p0 $0x1BF5;
	p2 =	por !p2, p0  }
0x20: {  	[sflag:s8] =	ssyncset.s32 @!p0 $0xFFFFF086;
	s6 =	sadd.s32 @!p0 s3, s7;
	s7 =	simm.s32 @!p0 $0x108  }
0x21: {  	s3 =	sadd.s32 s3, s9;
	s6 =	sadd.s32 @!p0 $0x88, s6;
	s7 =	simm.s32 @p2 $0x1082  }
0x22: {  	[simem:s7], [sflag:s8] =	dma.local @!p0 [hbm:s6], $0xF7A  }
0x23: {  	s9 =	sor.u32 $0xD0000000, s2;
	s6 =	simm.s32 $0x108;
	_ =	swait.ge @!p0 [sflag:s8], $0x0  }
0x24: {  	s3 =	sadd.s32 $0x88, s3;
	s6 =	simm.s32 @!p1 $0x1082;
	[sflag:s4] =	ssyncset.s32 $0xFFFFF086  }
0x25: {  	[simem:s6], [sflag:s4] =	dma.local [hbm:s3], $0xF7A  }
0x26: {  	[smem:$0x3F93] =	sst s1;
	(tag) =	ssettag s2;
	_ =	strace s9  }
0x27: {  	s1 =	sld [smem:$0x3FA3]  }
0x28: {  	s2 =	sld [smem:$0x3FA4]  }
0x29: {  	s4 =	sld [smem:$0x3FA6]  }
0x2a: {  	p0 =	seq.s32 s5, $0x0;
	s5 =	sld [smem:$0x3FA7]  }
0x2b: {  	s6 =	sld [smem:$0x3FA8]  }
0x2c: {  	s7 =	sld [smem:$0x3FA9]  }
0x2d: {  	s3 =	simm.s32 $0x108;
	s8 =	sld [smem:$0x3FAA]  }
0x2e: {  	s3 =	simm.s32 @!p0 $0x1082;
	s9 =	sld [smem:$0x3FAB]  }
0x2f: {  	lr =	sadd.s32 s0, s3;
	s0 =	sld [smem:$0x3FA2]  }
0x30: {  	s3 =	sld [smem:$0x3FA5]  }
0x31: {  	[smem:$0x3FAE] =	sst s10  }
0x32: {  	s10 =	sld [smem:$0x3FAC];
	_ =	sdelay $0x3  }
0x33: {  	p0 =	seq.s32 s10, $0x1;
	s10 =	sld [smem:$0x3FAE];
	_ =	sdelay $0x3  }
0x34: {  	[smem:$0x3FAE] =	sst s10  }
0x35: {  	s10 =	sld [smem:$0x3FAD];
	_ =	sdelay $0x3  }
0x36: {  	p1 =	seq.s32 s10, $0x1;
	s10 =	sld [smem:$0x3FAE];
	_ =	sdelay $0x3  }
0x37: {  	[smem:$0x3FAE] =	sst s10  }
0x38: {  	s10 =	sld [smem:$0x3FAF]  }
0x39: {  	_ = 	snop;
	(pc) =	sbr.ind lr, $3  }
0x3a: {  	_ = 	snop  }
0x3b: {  	_ = 	snop  }
0x3c: {  	p2 =	seq.s32 s10, $0x1;
	s10 =	sld [smem:$0x3FAE]  }
0x3d: {  	_ =	shalt  }
0x3e: {  	_ =	shalt  }
0x3f: {  	_ =	shalt  }
0x40: {  	_ =	shalt  }
0x41: {  	_ =	shalt  }
0x42: {  	_ =	shalt  }
0x43: {  	_ =	shalt  }
0x44: {  	_ =	shalt  }
0x45: {  	_ =	shalt  }
0x46: {  	_ =	shalt  }
0x47: {  	_ =	shalt  }
0x48: {  	_ =	shalt  }
0x49: {  	_ =	shalt  }
0x4a: {  	_ =	shalt  }
0x4b: {  	_ =	shalt  }
0x4c: {  	_ =	shalt  }
0x4d: {  	_ =	shalt  }
0x4e: {  	_ =	shalt  }
0x4f: {  	_ =	shalt  }
0x50: {  	_ =	shalt  }
0x51: {  	_ =	shalt  }
0x52: {  	_ =	shalt  }
0x53: {  	_ =	shalt  }
0x54: {  	_ =	shalt  }
0x55: {  	_ =	shalt  }
0x56: {  	_ =	shalt  }
0x57: {  	_ =	shalt  }
0x58: {  	_ =	shalt  }
0x59: {  	_ =	shalt  }
0x5a: {  	_ =	shalt  }
0x5b: {  	_ =	shalt  }
0x5c: {  	_ =	shalt  }
0x5d: {  	_ =	shalt  }
0x5e: {  	_ =	shalt  }
0x5f: {  	_ =	shalt  }
0x60: {  	_ =	shalt  }
0x61: {  	_ =	shalt  }
0x62: {  	_ =	shalt  }
0x63: {  	_ =	shalt  }
0x64: {  	_ =	shalt  }
0x65: {  	_ =	shalt  }
0x66: {  	_ =	shalt  }
0x67: {  	_ =	shalt  }
0x68: {  	_ =	shalt  }
0x69: {  	_ =	shalt  }
0x6a: {  	_ =	shalt  }
0x6b: {  	_ =	shalt  }
0x6c: {  	_ =	shalt  }
0x6d: {  	_ =	shalt  }
0x6e: {  	_ =	shalt  }
0x6f: {  	_ =	shalt  }
0x70: {  	_ =	shalt  }
0x71: {  	_ =	shalt  }
0x72: {  	_ =	shalt  }
0x73: {  	_ =	shalt  }
0x74: {  	_ =	shalt  }
0x75: {  	_ =	shalt  }
0x76: {  	_ =	shalt  }
0x77: {  	_ =	shalt  }
0x78: {  	_ =	shalt  }
0x79: {  	_ =	shalt  }
0x7a: {  	_ =	shalt  }
0x7b: {  	_ =	shalt  }
0x7c: {  	_ =	shalt  }
0x7d: {  	_ =	shalt  }
0x7e: {  	_ =	shalt  }
0x7f: {  	_ =	shalt  }
0x80: {  	_ =	shalt  }
0x81: {  	_ =	shalt  }
0x82: {  	_ =	shalt  }
0x83: {  	_ =	shalt  }
0x84: {  	_ =	shalt  }
0x85: {  	_ =	shalt  }
0x86: {  	_ =	shalt  }
0x87: {  	_ =	shalt  }
.Lfunc_end0:
.L_simem_size_0:
called_computation.2_lowered:
.L_overlay_start_0:
0x88: {  	s2 =	sld [smem:$0x3FD9]  }
0x89: {  	s3 =	sld [smem:$0x3FFE];
	_ =	sdelay $0x1  }
0x8a: {  	s1 =	srdreg.scid  }
0x8b: {  	s0 =	sand.u32 $0x1, s1  }
0x8c: {  	s17 =	sshll.u32 s0, $0xA;
	s2 =	sadd.s32 s3, s2  }
0x8d: {  	s2 =	sadd.s32 s2, s17  }
0x8e: {  	[smem:$0x3FBA] =	sst s2  }
0x8f: {  	_ = 	snop  }
0x90: {  	s2 =	sld [smem:$0x3FD0];
	(tm) =	ssettm $0x1  }
0x91: {  	s18 =	sld [smem:$0x3FFB];
	_ =	sdelay $0x3  }
0x92: {  	_ =	strace s18  }
0x93: {  	s3 =	sld [smem:$0x3FFC];
	_ =	sdelay $0x3  }
0x94: {  	_ =	strace s3  }
0x95: {  	s3 =	sld [smem:$0x3FFD];
	_ =	sdelay $0x3  }
0x96: {  	_ =	strace s3  }
0x97: {  	_ =	strace $0x8FFFFFFF  }
0x98: {  	s19 =	sld [smem:$0x3FDB];
	_ =	sdelay $0x1  }
0x99: {  	s4 =	simm.s32 $_scs_section_size  }
0x9a: {  	s5 =	simm.s32 $_size__tile_overlayer_lowered;
	s6 =	simm.s32 $_tile_overlayer_lowered  }
0x9b: {  	s22 =	simm.s32 $0x1BFF;
	s21 =	sshll.u32 s6, $0x1;
	s3 =	sadd.s32 s4, s19  }
0x9c: {  	s7 =	simm.s32 $0x0;
	s20 =	sshll.u32 s5, $0x1;
	s5 =	sadd.s32 s21, s3  }
0x9d: {  	[timem:s7], [sflag:s22] =	dma.local [hbm:s5], s20  }
0x9e: {  	_ =	swait.ge [sflag:s22], s20  }
0x9f: {  	s4 =	ssub.s32 $0x0, s20;
	[sflag:s22] =	ssyncset.done $0x0  }
0xa0: {  	[sflag:s22] =	ssyncadd.s32 s4;
	_ =	sdelay $0x1  }
0xa1: {  	s23 =	simm.s32 $0x1B8B  }
0xa2: {  	_ =	swait.ge [sflag:s23], $0x1  }
0xa3: {  	[sflag:s23] =	ssyncset.done $0x0  }
0xa4: {  	s25 =	simm.s32 $0x1B8E;
	s24 =	sld [smem:$0x3FFE];
	[sflag:s23] =	ssyncadd.s32 $0xFFFFFFFF  }
0xa5: {  	s26 =	simm.s32 $execute0_lowered;
	[smem:$0x3FD2] =	sst s25  }
0xa6: {  	s5 =	sshll.u32 s26, $0x1;
	_ =	strace $0x8000004C;
	[dreg:$0x1] =	wrdreg $0xFFFFFFFF  }
0xa7: {  	s28 =	simm.s32 $_size_execute0_lowered;
	s3 =	sadd.s32 s3, s5;
	[dreg:$0x0] =	wrdreg $0x0  }
0xa8: {  	s5 =	sshll.u32 s28, $0x1;
	[dreg:$0x2] =	wrdreg s3  }
0xa9: {  	[dreg:$0x3] =	wrdreg s5  }
0xaa: {  	[dreg:$0x4] =	wrdreg $0xC0  }
0xab: {  	_ =	task [dreg:s7], $0x5FFFF  }
0xac: {  	[dreg:$0x1] =	wrdreg $0xFFFFFFFF  }
0xad: {  	[dreg:$0x0] =	wrdreg $0x60  }
0xae: {  	[dreg:$0x2] =	wrdreg s24  }
0xaf: {  	[dreg:$0x3] =	wrdreg s2  }
0xb0: {  	[dreg:$0x4] =	wrdreg $0xA2000  }
0xb1: {  	[dreg:$0x5] =	wrdreg $0x9  }
0xb2: {  	_ =	task.clear_ibuf [dreg:s7], $0x6FFFF;
	_ =	strace $0x9000004C  }
0xb3: {  	s29 =	simm.s32 $0x9;
	_ =	strace $0x8000004E  }
0xb4: {  	_ =	swait.ge [sflag:s29], $0x1  }
0xb5: {  	[sflag:s29] =	ssyncadd.s32 $0xFFFFFFFF  }
0xb6: {  	_ =	strace $0x9000004E  }
0xb7: {  	_ =	sfence  }
0xb8: {  	s30 =	sld [smem:$0x0];
	_ =	sdelay $0x2  }
0xb9: {  	s31 =	sshll.u32 s1, $0xD;
	s1 =	sshrl.u32 s1, $0x2  }
0xba: {  	s3 =	sand.u32 $0x4000, s31;
	s1 =	sadd.s32 s1, s30  }
0xbb: {  	s0 =	sor.u32 s3, s0;
	s1 =	sshll.u32 s1, $0x11  }
0xbc: {  	s0 =	sor.u32 s1, s0  }
0xbd: {  	s0 =	sadd.s32 $0x8F2B, s0  }
0xbe: {  	[sflag:s0] =	ssyncadd.remote.s32 $0x1  }
0xbf: {  	_ =	sfence.sel $0xFFFF  }
0xc0: {  	[dreg:$0x0] =	wrdreg $0xFFFFFFFF;
	(pc) =	sbr.abs _section_cstart, $3  }
0xc1: {  	[dreg:$0x1] =	wrdreg $0xFFFFFFFF  }
0xc2: {  	_ =	task.clear_ibuf [dreg:s7], $0x2FFFF;
	_ =	strace $0x9FFFFFFF  }
0xc3: {  	(tm) =	ssettm $0x7FFFFFFF  }
tec
execute0_lowered:
.L_overlay_start_1:
0x0: {  	(tag) =	ssettag $0x1  }
0x1: {  	s0 =	rddreg [dreg:$0x0]  }
0x2: {  	s3 =	rddreg [dreg:$0x1]  }
0x3: {  	s1 =	rddreg [dreg:$0x2];
	s2 =	simm.s32 $0x0  }
0x4: {  	s7 =	srdreg.scid;
	s13 =	stileid.u32;
	s28 =	simm.s32 $0x50  }
0x5: {  	s29 =	simm.s32 $0x80;
	s30 =	simm.s32 $0x180;
	s31 =	simm.s32 $0x2A00  }
0x6: {  	[smem:$0x7FF] =	sst s2;
	s4 =	sadd.s32 $0x521400, s0;
	s5 =	sadd.s32 $0x4600, s0  }
0x7: {  	s6 =	sadd.s32 $0xE400, s0;
	s9 =	sand.u32 $0x1, s7;
	s10 =	smul.u32 $0x50000, s13  }
0x8: {  	s8 =	sshll.u32 s13, $0x1;
	s7 =	sadd.s32 $0x18200, s0;
	s13 =	smul.u32 $0x2800, s13  }
0x9: {  	_ =	strace $0x8000004D;
	s17 =	ssub.s32 $0x2, s9;
	s10 =	sshrl.u32 s10, $0x2  }
0xa: {  	s11 =	sor.u32 s9, s8;
	s9 =	smul.u32 $0x28000, s9;
	s8 =	sadd.s32 s10, s1  }
0xb: {  	s18 =	sshrl.u32 s17, $0x1;
	s12 =	smul.u32 $0x2710, s11;
	s10 =	sadd.s32 $0x2800, s8  }
0xc: {  	s23 =	smul.u32 $0x27100, s11;
	s19 =	sadd.s32 $0x5000, s8;
	[dreg:$0x4] =	wrdreg s10  }
0xd: {  	s0 =	ssub.s32 s17, s18;
	s20 =	sadd.s32 $0x7800, s8;
	[dreg:$0x5] =	wrdreg s19  }
0xe: {  	s9 =	sadd.s32 s13, s9;
	s21 =	sadd.s32 $0xA000, s8;
	[dreg:$0x6] =	wrdreg s20  }
0xf: {  	s22 =	sadd.s32 $0xC800, s8;
	s24 =	sadd.s32 $0xF000, s8;
	[dreg:$0x7] =	wrdreg s21  }
0x10: {  	s25 =	sshrl.u32 s12, $0x3;
	s14 =	sadd.s32 $0x11800, s8;
	[dreg:$0x8] =	wrdreg s22  }
0x11: {  	s18 =	sadd.s32 s7, s23;
	s23 =	simm.s32 $0x5200;
	[dreg:$0x9] =	wrdreg s24  }
0x12: {  	[dreg:$0xa] =	wrdreg s14;
	s26 =	sadd.s32 s5, s25;
	s17 =	sadd.s32 s6, s25  }
0x13: {  	s19 =	sadd.s32 $0x50, s12;
	s20 =	sadd.s32 $0xA0, s12;
	s21 =	sadd.s32 s3, s9  }
0x14: {  	s22 =	smax.u32 s0, $0x1;
	s24 =	simm.s32 $0x3;
	s25 =	simm.s32 $0x100  }
0x15: {  	s0 =	simm.s32 $0x7A00;
	s3 =	simm.s32 $0x1;
	s9 =	simm.s32 $0x2  }
0x16: {  	v0 =	vimm.f32 $0.0e+00;
	s10 =	simm.s32 $0x0;
	[dreg:$0xb] =	wrdreg s26;
	s26 =	simm.s32 $0x200  }
.LBB2_1:
0x17: {  	s11 =	simm.s32 $0x5300  }
0x18: {  	[tilespmem:s11+$0xFFFFFF00] =	vst v0  }
0x19: {  	[tilespmem:s11+$0xF0] =	vst v0  }
0x1a: {  	[tilespmem:s11+$0xE0] =	vst v0  }
0x1b: {  	[tilespmem:s11+$0xD0] =	vst v0  }
0x1c: {  	[tilespmem:s11+$0xC0] =	vst v0  }
0x1d: {  	[tilespmem:s11+$0xB0] =	vst v0  }
0x1e: {  	[tilespmem:s11+$0xA0] =	vst v0  }
0x1f: {  	[tilespmem:s11+$0x90] =	vst v0  }
0x20: {  	[tilespmem:s11+$0x80] =	vst v0  }
0x21: {  	[tilespmem:s11+$0x70] =	vst v0  }
0x22: {  	[tilespmem:s11+$0x60] =	vst v0  }
0x23: {  	[tilespmem:s11+$0x50] =	vst v0  }
0x24: {  	[tilespmem:s11+$0x40] =	vst v0  }
0x25: {  	[tilespmem:s11+$0x30] =	vst v0  }
0x26: {  	[tilespmem:s11+$0x20] =	vst v0  }
0x27: {  	[tilespmem:s11+$0x10] =	vst v0  }
0x28: {  	[tilespmem:s11+$0x0] =	vst v0  }
0x29: {  	[tilespmem:s11+$0xFFFFFFF0] =	vst v0  }
0x2a: {  	[tilespmem:s11+$0xFFFFFFE0] =	vst v0  }
0x2b: {  	[tilespmem:s11+$0xFFFFFFD0] =	vst v0  }
0x2c: {  	[tilespmem:s11+$0xFFFFFFC0] =	vst v0  }
0x2d: {  	[tilespmem:s11+$0xFFFFFFB0] =	vst v0  }
0x2e: {  	[tilespmem:s11+$0xFFFFFFA0] =	vst v0  }
0x2f: {  	[tilespmem:s11+$0xFFFFFF90] =	vst v0  }
0x30: {  	[tilespmem:s11+$0xFFFFFF80] =	vst v0  }
0x31: {  	[tilespmem:s11+$0xFFFFFF70] =	vst v0  }
0x32: {  	[tilespmem:s11+$0xFFFFFF60] =	vst v0  }
0x33: {  	[tilespmem:s11+$0xFFFFFF50] =	vst v0  }
0x34: {  	[tilespmem:s11+$0xFFFFFF40] =	vst v0  }
0x35: {  	[tilespmem:s11+$0xFFFFFF30] =	vst v0  }
0x36: {  	s12 =	simm.s32 $0x0;
	[tilespmem:s11+$0xFFFFFF20] =	vst v0  }
.LBB2_2:
0x37: {  	s12 =	sadd.s32 $0x4, s12;
	[tilespmem:s11+$0xFFFFFF10] =	vst v0;
	s11 =	sadd.s32 $0x200, s11  }
0x38: {  	[tilespmem:s11+$0xFFFFFF00] =	vst v0;
	p0 =	slt.u32 s12, $0x4C  }
0x39: {  	[tilespmem:s11+$0xF0] =	vst v0  }
0x3a: {  	[tilespmem:s11+$0xE0] =	vst v0  }
0x3b: {  	[tilespmem:s11+$0xD0] =	vst v0  }
0x3c: {  	[tilespmem:s11+$0xC0] =	vst v0  }
0x3d: {  	[tilespmem:s11+$0xB0] =	vst v0  }
0x3e: {  	[tilespmem:s11+$0xA0] =	vst v0  }
0x3f: {  	[tilespmem:s11+$0x90] =	vst v0  }
0x40: {  	[tilespmem:s11+$0x80] =	vst v0  }
0x41: {  	[tilespmem:s11+$0x70] =	vst v0  }
0x42: {  	[tilespmem:s11+$0x60] =	vst v0  }
0x43: {  	[tilespmem:s11+$0x50] =	vst v0  }
0x44: {  	[tilespmem:s11+$0x40] =	vst v0  }
0x45: {  	[tilespmem:s11+$0x30] =	vst v0  }
0x46: {  	[tilespmem:s11+$0x20] =	vst v0  }
0x47: {  	[tilespmem:s11+$0x10] =	vst v0  }
0x48: {  	[tilespmem:s11+$0x0] =	vst v0  }
0x49: {  	[tilespmem:s11+$0xFFFFFFF0] =	vst v0  }
0x4a: {  	[tilespmem:s11+$0xFFFFFFE0] =	vst v0  }
0x4b: {  	[tilespmem:s11+$0xFFFFFFD0] =	vst v0  }
0x4c: {  	[tilespmem:s11+$0xFFFFFFC0] =	vst v0  }
0x4d: {  	[tilespmem:s11+$0xFFFFFFB0] =	vst v0  }
0x4e: {  	[tilespmem:s11+$0xFFFFFFA0] =	vst v0  }
0x4f: {  	[tilespmem:s11+$0xFFFFFF90] =	vst v0  }
0x50: {  	[tilespmem:s11+$0xFFFFFF80] =	vst v0  }
0x51: {  	[tilespmem:s11+$0xFFFFFF70] =	vst v0  }
.Ltmp0:
0x52: {  	[tilespmem:s11+$0xFFFFFF60] =	vst v0;
	(pc) =	sbr.rel @p0 .LBB2_2-.Ltmp0, $4  }
0x53: {  	[tilespmem:s11+$0xFFFFFF50] =	vst v0  }
0x54: {  	[tilespmem:s11+$0xFFFFFF40] =	vst v0  }
0x55: {  	[tilespmem:s11+$0xFFFFFF30] =	vst v0  }
0x56: {  	[tilespmem:s11+$0xFFFFFF20] =	vst v0  }
0x57: {  	[tilespmem:s11+$0xFFFFFF10] =	vst v0  }
0x58: {  	[spmem:s8] =	stream.linear.scatter [tilespmem:s23], [sflag:$0x3], $0x2800, $0x38;
	[tilespmem:$0x1E200] =	vst v63  }
0x59: {  	_ =	swait.ge [sflag:s24], $0x2800  }
0x5a: {  	[sflag:s24] =	ssyncset.done $0x0  }
0x5b: {  	s15 =	rddreg [dreg:$0x4];
	[sflag:s24] =	ssyncadd.s32 $0xFFFFD800  }
0x5c: {  	[spmem:s15] =	stream.linear.scatter [tilespmem:s23], [sflag:$0x3], $0x2800, $0x38;
	[tilespmem:$0x1E200] =	vst v63  }
0x5d: {  	_ =	swait.ge [sflag:s24], $0x2800  }
0x5e: {  	[sflag:s24] =	ssyncset.done $0x0  }
0x5f: {  	s16 =	rddreg [dreg:$0x5];
	[sflag:s24] =	ssyncadd.s32 $0xFFFFD800  }
0x60: {  	[spmem:s16] =	stream.linear.scatter [tilespmem:s23], [sflag:$0x3], $0x2800, $0x38;
	[tilespmem:$0x1E200] =	vst v63  }
0x61: {  	_ =	swait.ge [sflag:s24], $0x2800  }
0x62: {  	[sflag:s24] =	ssyncset.done $0x0  }
0x63: {  	s12 =	rddreg [dreg:$0x6];
	[sflag:s24] =	ssyncadd.s32 $0xFFFFD800  }
0x64: {  	[spmem:s12] =	stream.linear.scatter [tilespmem:s23], [sflag:$0x3], $0x2800, $0x38;
	[tilespmem:$0x1E200] =	vst v63  }
0x65: {  	_ =	swait.ge [sflag:s24], $0x2800  }
0x66: {  	[sflag:s24] =	ssyncset.done $0x0  }
0x67: {  	s13 =	rddreg [dreg:$0x7];
	[sflag:s24] =	ssyncadd.s32 $0xFFFFD800  }
0x68: {  	[spmem:s13] =	stream.linear.scatter [tilespmem:s23], [sflag:$0x3], $0x2800, $0x38;
	[tilespmem:$0x1E200] =	vst v63  }
0x69: {  	_ =	swait.ge [sflag:s24], $0x2800  }
0x6a: {  	[sflag:s24] =	ssyncset.done $0x0  }
0x6b: {  	s14 =	rddreg [dreg:$0x8];
	[sflag:s24] =	ssyncadd.s32 $0xFFFFD800  }
0x6c: {  	[spmem:s14] =	stream.linear.scatter [tilespmem:s23], [sflag:$0x3], $0x2800, $0x38;
	[tilespmem:$0x1E200] =	vst v63  }
0x6d: {  	_ =	swait.ge [sflag:s24], $0x2800  }
0x6e: {  	[sflag:s24] =	ssyncset.done $0x0  }
0x6f: {  	s15 =	rddreg [dreg:$0x9];
	[sflag:s24] =	ssyncadd.s32 $0xFFFFD800  }
0x70: {  	[spmem:s15] =	stream.linear.scatter [tilespmem:s23], [sflag:$0x3], $0x2800, $0x38;
	[tilespmem:$0x1E200] =	vst v63  }
0x71: {  	_ =	swait.ge [sflag:s24], $0x2800  }
0x72: {  	[sflag:s24] =	ssyncset.done $0x0  }
0x73: {  	s16 =	rddreg [dreg:$0xa];
	[sflag:s24] =	ssyncadd.s32 $0xFFFFD800  }
0x74: {  	[spmem:s16] =	stream.linear.scatter [tilespmem:s23], [sflag:$0x3], $0x2800, $0x38;
	[tilespmem:$0x1E200] =	vst v63  }
0x75: {  	_ =	swait.ge [sflag:s24], $0x2800  }
0x76: {  	[sflag:s24] =	ssyncset.done $0x0  }
0x77: {  	[sflag:s24] =	ssyncadd.s32 $0xFFFFD800  }
0x78: {  	[bflag:$0x0] =	sbarrier.arrive $0xFFFF  }
0x79: {  	s11 =	simm.s32 $0x0;
	s12 =	rddreg [dreg:$0xb]  }
0x7a: {  	[tilespmem:s11], [sflag:$0x3] =	stream.linear.gather [hbm4b:s12+s11], $0x50, $0x38;
	[tilespmem:$0x1E200] =	vst v63  }
0x7b: {  	_ =	swait.ge [sflag:s24], $0x50  }
0x7c: {  	[sflag:s24] =	ssyncset.done $0x0  }
0x7d: {  	[sflag:s24] =	ssyncadd.s32 $0xFFFFFFB0  }
0x7e: {  	[tilespmem:s25], [sflag:$0x3] =	stream.linear.gather [hbm4b:s17+s11], $0x50, $0x38;
	[tilespmem:$0x1E200] =	vst v63  }
0x7f: {  	_ =	swait.ge [sflag:s24], $0x50  }
0x80: {  	[sflag:s24] =	ssyncset.done $0x0  }
0x81: {  	[sflag:s24] =	ssyncadd.s32 $0xFFFFFFB0  }
0x82: {  	[tilespmem:s26], [sflag:$0x3] =	stream.linear.gather [hbm4b:s18+s11], $0x2800, $0x38;
	[tilespmem:$0x1E200] =	vst v63  }
0x83: {  	_ =	swait.ge [sflag:s24], $0x2800  }
0x84: {  	[sflag:s24] =	ssyncset.done $0x0  }
0x85: {  	[sflag:s24] =	ssyncadd.s32 $0xFFFFD800  }
0x86: {  	[tilespmem:s23], [sflag:$0x1] =	stream.indirect.gather [hbm4b:s4+s28], $0x80, s11, s28, $0xb8;
	[tilespmem:$0x1E200] =	vst v63  }
.LBB2_4:
0x87: {  	s12 =	smul.u32 $0xA0, s11;
	_ =	sdelay $0x1  }
0x88: {  	s13 =	sadd.s32 s12, s19  }
0x89: {  	s14 =	sshrl.u32 s13, $0x3  }
0x8a: {  	s15 =	sadd.s32 s5, s14  }
0x8b: {  	[tilespmem:s29], [sflag:$0x3] =	stream.linear.gather [hbm4b:s15+s2], $0x50, $0x38;
	[tilespmem:$0x1E200] =	vst v63  }
0x8c: {  	_ =	swait.ge [sflag:s24], $0x50  }
0x8d: {  	[sflag:s24] =	ssyncset.done $0x0  }
0x8e: {  	s14 =	sadd.s32 s6, s14;
	[sflag:s24] =	ssyncadd.s32 $0xFFFFFFB0  }
0x8f: {  	[tilespmem:s30], [sflag:$0x3] =	stream.linear.gather [hbm4b:s14+s2], $0x50, $0x38;
	[tilespmem:$0x1E200] =	vst v63  }
0x90: {  	_ =	swait.ge [sflag:s24], $0x50  }
0x91: {  	s13 =	sshll.u32 s13, $0x4;
	[sflag:s24] =	ssyncset.done $0x0  }
0x92: {  	s13 =	sadd.s32 s7, s13;
	[sflag:s24] =	ssyncadd.s32 $0xFFFFFFB0  }
0x93: {  	[tilespmem:s31], [sflag:$0x3] =	stream.linear.gather [hbm4b:s13+s2], $0x2800, $0x38;
	[tilespmem:$0x1E200] =	vst v63  }
0x94: {  	_ =	swait.ge [sflag:s24], $0x2800  }
0x95: {  	[sflag:s24] =	ssyncset.done $0x0  }
0x96: {  	[sflag:s24] =	ssyncadd.s32 $0xFFFFD800  }
0x97: {  	[tilespmem:s0], [sflag:$0x2] =	stream.indirect.gather [hbm4b:s4+s28], $0x80, s29, s28, $0xb8;
	[tilespmem:$0x1E200] =	vst v63  }
0x98: {  	_ =	swait.ge [sflag:s3], $0x2800  }
0x99: {  	[sflag:s3] =	ssyncset.done $0x0  }
0x9a: {  	s16 =	simm.s32 $0x300;
	[sflag:s3] =	ssyncadd.s32 $0xFFFFD800  }
0x9b: {  	s13 =	simm.s32 $0x5300;
	v5 =	vld [tilespmem:s16+$0x80]  }
0x9c: {  	v9 =	vld [tilespmem:s13+$0xF0]  }
0x9d: {  	v6 =	vld [tilespmem:s13+$0xFFFFFF00]  }
0x9e: {  	v7 =	vld [tilespmem:s13+$0xFFFFFF10]  }
0x9f: {  	v8 =	vld [tilespmem:s13+$0xFFFFFF20]  }
0xa0: {  	v3 =	vld [tilespmem:s13+$0xFFFFFF30]  }
0xa1: {  	v2 =	vld [tilespmem:s13+$0xFFFFFF40]  }
0xa2: {  	v1 =	vld [tilespmem:s13+$0xFFFFFF50]  }
0xa3: {  	v10 =	vld [tilespmem:s16+$0xFFFFFF80]  }
0xa4: {  	v4 =	vld [tilespmem:s13+$0xFFFFFF80]  }
0xa5: {  	v11 =	vld [tilespmem:s13+$0xFFFFFF90]  }
0xa6: {  	v12 =	vld [tilespmem:s13+$0xFFFFFFA0]  }
0xa7: {  	v13 =	vld [tilespmem:s13+$0xFFFFFFB0]  }
0xa8: {  	v14 =	vld [tilespmem:s13+$0xFFFFFFC0]  }
0xa9: {  	v16 =	vld [tilespmem:s13+$0xFFFFFFD0]  }
0xaa: {  	v17 =	vld [tilespmem:s13+$0xFFFFFFE0]  }
0xab: {  	v18 =	vld [tilespmem:s16+$0x0];
	v15 =	vmul.f32 v4, v10  }
0xac: {  	v19 =	vld [tilespmem:s13+$0xA0];
	v9 =	vmul.f32 v9, v5  }
0xad: {  	v4 =	vld [tilespmem:s13+$0xFFFFFF60];
	v11 =	vmul.f32 v11, v10;
	[tilespmem:s13+$0xFFFFFF80] =	vst v15  }
0xae: {  	[tilespmem:s13+$0xF0] =	vst v9;
	v9 =	vmul.f32 v12, v10;
	v12 =	vld [tilespmem:s13+$0x0]  }
0xaf: {  	v15 =	vld [tilespmem:s13+$0xFFFFFFF0];
	[tilespmem:s13+$0xFFFFFF90] =	vst v11;
	v11 =	vmul.f32 v13, v10  }
0xb0: {  	v13 =	vld [tilespmem:s13+$0x10];
	[tilespmem:s13+$0xFFFFFFA0] =	vst v9;
	v9 =	vmul.f32 v14, v10  }
0xb1: {  	v14 =	vld [tilespmem:s13+$0x20];
	[tilespmem:s13+$0xFFFFFFB0] =	vst v11;
	v11 =	vmul.f32 v16, v10  }
0xb2: {  	v16 =	vld [tilespmem:s13+$0x30];
	[tilespmem:s13+$0xFFFFFFC0] =	vst v9;
	v9 =	vmul.f32 v17, v10  }
0xb3: {  	v17 =	vld [tilespmem:s13+$0x40];
	[tilespmem:s13+$0xFFFFFFD0] =	vst v11;
	v11 =	vmul.f32 v12, v18  }
0xb4: {  	v12 =	vld [tilespmem:s13+$0x50];
	v10 =	vmul.f32 v15, v10;
	[tilespmem:s13+$0xFFFFFFE0] =	vst v9  }
0xb5: {  	v15 =	vld [tilespmem:s13+$0x60];
	[tilespmem:s13+$0x0] =	vst v11;
	v11 =	vmul.f32 v13, v18  }
0xb6: {  	[tilespmem:s13+$0xFFFFFFF0] =	vst v10;
	v10 =	vmul.f32 v14, v18;
	v13 =	vld [tilespmem:s13+$0x70]  }
0xb7: {  	[tilespmem:s13+$0x10] =	vst v11;
	v11 =	vmul.f32 v16, v18;
	v16 =	vld [tilespmem:s13+$0x80]  }
0xb8: {  	[tilespmem:s13+$0x20] =	vst v10;
	v10 =	vmul.f32 v17, v18;
	v17 =	vld [tilespmem:s13+$0x90]  }
0xb9: {  	v9 =	vld [tilespmem:s13+$0xFFFFFF70];
	[tilespmem:s13+$0x30] =	vst v11;
	v11 =	vmul.f32 v12, v18  }
0xba: {  	v14 =	vld [tilespmem:s13+$0xB0];
	[tilespmem:s13+$0x40] =	vst v10;
	v10 =	vmul.f32 v15, v18  }
0xbb: {  	v13 =	vmul.f32 v13, v18;
	[tilespmem:s13+$0x50] =	vst v11;
	v11 =	vld [tilespmem:s13+$0xC0]  }
0xbc: {  	v12 =	vld [tilespmem:s13+$0xD0];
	[tilespmem:s13+$0x60] =	vst v10;
	v16 =	vmul.f32 v16, v5  }
0xbd: {  	[tilespmem:s13+$0x70] =	vst v13;
	v13 =	vld [tilespmem:s13+$0xE0];
	v15 =	vmul.f32 v17, v5  }
0xbe: {  	s15 =	simm.s32 $0x500;
	s14 =	simm.s32 $0x0;
	v10 =	vld [tilespmem:s16+$0xFFFFFF00];
	s16 =	simm.s32 $0x5300;
	[tilespmem:s13+$0x80] =	vst v16;
	v16 =	vmul.f32 v19, v5  }
.LBB2_5:
0xbf: {  	v17 =	vld [tilespmem:s15+$0x80];
	[tilespmem:s13+$0x90] =	vst v15;
	v14 =	vmul.f32 v14, v5;
	s16 =	sadd.s32 $0x200, s16  }
0xc0: {  	s14 =	sadd.s32 $0x4, s14;
	v15 =	vld [tilespmem:s16+$0xF0];
	[tilespmem:s13+$0xA0] =	vst v16;
	v11 =	vmul.f32 v11, v5  }
0xc1: {  	p0 =	slt.u32 s14, $0x4C;
	v16 =	vld [tilespmem:s16+$0xFFFFFF00];
	[tilespmem:s13+$0xB0] =	vst v14;
	v12 =	vmul.f32 v12, v5  }
0xc2: {  	v14 =	vld [tilespmem:s16+$0xFFFFFF10];
	[tilespmem:s13+$0xC0] =	vst v11;
	v13 =	vmul.f32 v13, v5  }
0xc3: {  	v11 =	vld [tilespmem:s16+$0xFFFFFF20];
	v19 =	vmul.f32 v6, v10;
	v7 =	vmul.f32 v7, v10;
	[tilespmem:s13+$0xD0] =	vst v12  }
0xc4: {  	v8 =	vmul.f32 v8, v10;
	v12 =	vmul.f32 v3, v10;
	v3 =	vld [tilespmem:s16+$0xFFFFFF30];
	[tilespmem:s13+$0xE0] =	vst v13;
	v5 =	vmov v17  }
0xc5: {  	v13 =	vmul.f32 v15, v5;
	[tilespmem:s13+$0xFFFFFF00] =	vst v19;
	v15 =	vmul.f32 v2, v10;
	v2 =	vld [tilespmem:s16+$0xFFFFFF40]  }
0xc6: {  	v18 =	vmul.f32 v4, v10;
	v17 =	vmul.f32 v1, v10;
	[tilespmem:s13+$0xFFFFFF10] =	vst v7;
	v1 =	vld [tilespmem:s16+$0xFFFFFF50];
	v6 =	vmov v16  }
0xc7: {  	v10 =	vmul.f32 v9, v10;
	v4 =	vld [tilespmem:s16+$0xFFFFFF60];
	[tilespmem:s16+$0xF0] =	vst v13;
	v7 =	vmov v14  }
0xc8: {  	v9 =	vld [tilespmem:s16+$0xFFFFFF70];
	[tilespmem:s13+$0xFFFFFF20] =	vst v8;
	v8 =	vmov v11  }
0xc9: {  	v11 =	vld [tilespmem:s15+$0xFFFFFF80];
	[tilespmem:s13+$0xFFFFFF30] =	vst v12  }
0xca: {  	v12 =	vld [tilespmem:s16+$0xFFFFFF80];
	[tilespmem:s13+$0xFFFFFF40] =	vst v15  }
0xcb: {  	v13 =	vld [tilespmem:s16+$0xFFFFFF90];
	[tilespmem:s13+$0xFFFFFF50] =	vst v17  }
0xcc: {  	v14 =	vld [tilespmem:s16+$0xFFFFFFA0];
	[tilespmem:s13+$0xFFFFFF60] =	vst v18  }
0xcd: {  	v15 =	vld [tilespmem:s16+$0xFFFFFFB0];
	[tilespmem:s13+$0xFFFFFF70] =	vst v10;
	s13 =	smov.u32 s16  }
0xce: {  	v10 =	vld [tilespmem:s16+$0xFFFFFFC0]  }
0xcf: {  	v12 =	vmul.f32 v12, v11;
	v16 =	vld [tilespmem:s16+$0xFFFFFFD0]  }
0xd0: {  	v13 =	vmul.f32 v13, v11;
	v17 =	vld [tilespmem:s16+$0xFFFFFFE0]  }
0xd1: {  	[tilespmem:s16+$0xFFFFFF80] =	vst v12;
	v12 =	vmul.f32 v14, v11;
	v14 =	vld [tilespmem:s16+$0xFFFFFFF0]  }
0xd2: {  	[tilespmem:s16+$0xFFFFFF90] =	vst v13;
	v13 =	vmul.f32 v15, v11;
	v15 =	vld [tilespmem:s15+$0x0]  }
0xd3: {  	[tilespmem:s16+$0xFFFFFFA0] =	vst v12;
	v10 =	vmul.f32 v10, v11;
	v12 =	vld [tilespmem:s16+$0x0]  }
0xd4: {  	[tilespmem:s16+$0xFFFFFFB0] =	vst v13;
	v13 =	vmul.f32 v16, v11;
	v16 =	vld [tilespmem:s16+$0x10]  }
0xd5: {  	[tilespmem:s16+$0xFFFFFFC0] =	vst v10;
	v10 =	vmul.f32 v17, v11;
	v17 =	vld [tilespmem:s16+$0x20]  }
0xd6: {  	[tilespmem:s16+$0xFFFFFFD0] =	vst v13;
	v11 =	vmul.f32 v14, v11;
	v13 =	vld [tilespmem:s16+$0x30]  }
0xd7: {  	[tilespmem:s16+$0xFFFFFFE0] =	vst v10;
	v10 =	vld [tilespmem:s16+$0x40]  }
0xd8: {  	[tilespmem:s16+$0xFFFFFFF0] =	vst v11;
	v11 =	vmul.f32 v12, v15;
	v12 =	vld [tilespmem:s16+$0x50]  }
0xd9: {  	v14 =	vmul.f32 v16, v15;
	v16 =	vld [tilespmem:s16+$0x60]  }
0xda: {  	[tilespmem:s16+$0x0] =	vst v11;
	v11 =	vmul.f32 v17, v15;
	v17 =	vld [tilespmem:s16+$0x70]  }
0xdb: {  	[tilespmem:s16+$0x10] =	vst v14;
	v13 =	vmul.f32 v13, v15;
	v18 =	vld [tilespmem:s16+$0x80]  }
0xdc: {  	[tilespmem:s16+$0x20] =	vst v11;
	v10 =	vmul.f32 v10, v15;
	v19 =	vld [tilespmem:s16+$0x90]  }
0xdd: {  	[tilespmem:s16+$0x30] =	vst v13;
	v11 =	vmul.f32 v12, v15;
	v20 =	vld [tilespmem:s16+$0xA0]  }
.Ltmp1:
0xde: {  	[tilespmem:s16+$0x40] =	vst v10;
	v10 =	vmul.f32 v16, v15;
	v14 =	vld [tilespmem:s16+$0xB0];
	(pc) =	sbr.rel @p0 .LBB2_5-.Ltmp1, $4  }
0xdf: {  	[tilespmem:s16+$0x50] =	vst v11;
	v13 =	vmul.f32 v17, v15;
	v11 =	vld [tilespmem:s16+$0xC0]  }
0xe0: {  	[tilespmem:s16+$0x60] =	vst v10;
	v16 =	vmul.f32 v18, v5;
	v12 =	vld [tilespmem:s16+$0xD0]  }
0xe1: {  	[tilespmem:s16+$0x70] =	vst v13;
	v15 =	vmul.f32 v19, v5;
	v13 =	vld [tilespmem:s16+$0xE0]  }
0xe2: {  	v10 =	vld [tilespmem:s15+$0xFFFFFF00];
	[tilespmem:s16+$0x80] =	vst v16;
	v16 =	vmul.f32 v20, v5;
	s15 =	sadd.s32 $0x200, s15  }
0xe3: {  	[tilespmem:s13+$0x90] =	vst v15;
	v14 =	vmul.f32 v14, v5  }
0xe4: {  	[tilespmem:s13+$0xA0] =	vst v16;
	v11 =	vmul.f32 v11, v5  }
0xe5: {  	[tilespmem:s13+$0xB0] =	vst v14;
	v12 =	vmul.f32 v12, v5  }
0xe6: {  	[tilespmem:s13+$0xC0] =	vst v11;
	v5 =	vmul.f32 v13, v5  }
0xe7: {  	v6 =	vmul.f32 v6, v10;
	[tilespmem:s13+$0xD0] =	vst v12  }
0xe8: {  	v7 =	vmul.f32 v7, v10;
	[tilespmem:s13+$0xE0] =	vst v5  }
0xe9: {  	v3 =	vmul.f32 v3, v10;
	[tilespmem:s13+$0xFFFFFF00] =	vst v6  }
0xea: {  	v2 =	vmul.f32 v2, v10;
	[tilespmem:s13+$0xFFFFFF10] =	vst v7  }
0xeb: {  	v1 =	vmul.f32 v1, v10;
	[tilespmem:s13+$0xFFFFFF30] =	vst v3  }
0xec: {  	v5 =	vmul.f32 v8, v10;
	[tilespmem:s13+$0xFFFFFF40] =	vst v2  }
0xed: {  	v3 =	vmul.f32 v4, v10;
	[tilespmem:s13+$0xFFFFFF50] =	vst v1  }
0xee: {  	v2 =	vmul.f32 v9, v10;
	[tilespmem:s13+$0xFFFFFF20] =	vst v5  }
0xef: {  	[tilespmem:s13+$0xFFFFFF60] =	vst v3  }
0xf0: {  	[tilespmem:s13+$0xFFFFFF70] =	vst v2  }
0xf1: {  	[spmem:s1] =	stream.indirect.scatter.add.f32 [tilespmem:s23], [sflag:$0x3], $0x80, s25, s28, $0xb8;
	[tilespmem:$0x1E200] =	vst v63  }
0xf2: {  	s12 =	sadd.s32 s12, s20;
	_ =	swait.ge [sflag:s24], $0x2800  }
0xf3: {  	s15 =	sshrl.u32 s12, $0x3;
	[sflag:s24] =	ssyncset.done $0x0  }
0xf4: {  	s14 =	sadd.s32 s5, s15;
	[sflag:s24] =	ssyncadd.s32 $0xFFFFD800  }
0xf5: {  	[tilespmem:s2], [sflag:$0x3] =	stream.linear.gather [hbm4b:s14+s2], $0x50, $0x38;
	[tilespmem:$0x1E200] =	vst v63  }
0xf6: {  	_ =	swait.ge [sflag:s24], $0x50  }
0xf7: {  	[sflag:s24] =	ssyncset.done $0x0  }
0xf8: {  	s13 =	sadd.s32 s6, s15;
	[sflag:s24] =	ssyncadd.s32 $0xFFFFFFB0  }
0xf9: {  	[tilespmem:s25], [sflag:$0x3] =	stream.linear.gather [hbm4b:s13+s2], $0x50, $0x38;
	[tilespmem:$0x1E200] =	vst v63  }
0xfa: {  	_ =	swait.ge [sflag:s24], $0x50  }
0xfb: {  	s12 =	sshll.u32 s12, $0x4;
	[sflag:s24] =	ssyncset.done $0x0  }
0xfc: {  	s12 =	sadd.s32 s7, s12;
	[sflag:s24] =	ssyncadd.s32 $0xFFFFFFB0  }
0xfd: {  	[tilespmem:s26], [sflag:$0x3] =	stream.linear.gather [hbm4b:s12+s2], $0x2800, $0x38;
	[tilespmem:$0x1E200] =	vst v63  }
0xfe: {  	_ =	swait.ge [sflag:s24], $0x2800  }
0xff: {  	[sflag:s24] =	ssyncset.done $0x0  }
0x100: {  	[sflag:s24] =	ssyncadd.s32 $0xFFFFD800  }
0x101: {  	[tilespmem:s23], [sflag:$0x1] =	stream.indirect.gather [hbm4b:s4+s28], $0x80, s2, s28, $0xb8;
	[tilespmem:$0x1E200] =	vst v63  }
0x102: {  	_ =	swait.ge [sflag:s9], $0x2800  }
0x103: {  	[sflag:s9] =	ssyncset.done $0x0  }
0x104: {  	s16 =	simm.s32 $0x2B80;
	[sflag:s9] =	ssyncadd.s32 $0xFFFFD800  }
0x105: {  	s12 =	simm.s32 $0x7BF0;
	v5 =	vld [tilespmem:s16+$0x0]  }
0x106: {  	v9 =	vld [tilespmem:s12+$0x0]  }
0x107: {  	v6 =	vld [tilespmem:s12+$0xFFFFFE10]  }
0x108: {  	v7 =	vld [tilespmem:s12+$0xFFFFFE20]  }
0x109: {  	v8 =	vld [tilespmem:s12+$0xFFFFFE30]  }
0x10a: {  	v3 =	vld [tilespmem:s12+$0xFFFFFE40]  }
0x10b: {  	v2 =	vld [tilespmem:s12+$0xFFFFFE50]  }
0x10c: {  	v1 =	vld [tilespmem:s12+$0xFFFFFE60]  }
0x10d: {  	v10 =	vld [tilespmem:s16+$0xFFFFFF00]  }
0x10e: {  	v4 =	vld [tilespmem:s12+$0xFFFFFE90]  }
0x10f: {  	v11 =	vld [tilespmem:s12+$0xFFFFFEA0]  }
0x110: {  	v12 =	vld [tilespmem:s12+$0xFFFFFEB0]  }
0x111: {  	v13 =	vld [tilespmem:s12+$0xFFFFFEC0]  }
0x112: {  	v14 =	vld [tilespmem:s12+$0xFFFFFED0]  }
0x113: {  	v16 =	vld [tilespmem:s12+$0xFFFFFEE0]  }
0x114: {  	v17 =	vld [tilespmem:s12+$0xFFFFFEF0]  }
0x115: {  	v18 =	vld [tilespmem:s16+$0xFFFFFF80];
	v15 =	vmul.f32 v4, v10  }
0x116: {  	v19 =	vld [tilespmem:s12+$0xFFFFFFB0];
	v9 =	vmul.f32 v9, v5  }
0x117: {  	v4 =	vld [tilespmem:s12+$0xFFFFFE70];
	v11 =	vmul.f32 v11, v10;
	[tilespmem:s12+$0xFFFFFE90] =	vst v15  }
0x118: {  	[tilespmem:s12+$0x0] =	vst v9;
	v9 =	vmul.f32 v12, v10;
	v12 =	vld [tilespmem:s12+$0xFFFFFF10]  }
0x119: {  	v15 =	vld [tilespmem:s12+$0xFFFFFF00];
	[tilespmem:s12+$0xFFFFFEA0] =	vst v11;
	v11 =	vmul.f32 v13, v10  }
0x11a: {  	v13 =	vld [tilespmem:s12+$0xFFFFFF20];
	[tilespmem:s12+$0xFFFFFEB0] =	vst v9;
	v9 =	vmul.f32 v14, v10  }
0x11b: {  	v14 =	vld [tilespmem:s12+$0xFFFFFF30];
	[tilespmem:s12+$0xFFFFFEC0] =	vst v11;
	v11 =	vmul.f32 v16, v10  }
0x11c: {  	v16 =	vld [tilespmem:s12+$0xFFFFFF40];
	[tilespmem:s12+$0xFFFFFED0] =	vst v9;
	v9 =	vmul.f32 v17, v10  }
0x11d: {  	v17 =	vld [tilespmem:s12+$0xFFFFFF50];
	[tilespmem:s12+$0xFFFFFEE0] =	vst v11;
	v11 =	vmul.f32 v12, v18  }
0x11e: {  	v12 =	vld [tilespmem:s12+$0xFFFFFF60];
	v10 =	vmul.f32 v15, v10;
	[tilespmem:s12+$0xFFFFFEF0] =	vst v9  }
0x11f: {  	v15 =	vld [tilespmem:s12+$0xFFFFFF70];
	[tilespmem:s12+$0xFFFFFF10] =	vst v11;
	v11 =	vmul.f32 v13, v18  }
0x120: {  	[tilespmem:s12+$0xFFFFFF00] =	vst v10;
	v10 =	vmul.f32 v14, v18;
	v13 =	vld [tilespmem:s12+$0xFFFFFF80]  }
0x121: {  	[tilespmem:s12+$0xFFFFFF20] =	vst v11;
	v11 =	vmul.f32 v16, v18;
	v16 =	vld [tilespmem:s12+$0xFFFFFF90]  }
0x122: {  	[tilespmem:s12+$0xFFFFFF30] =	vst v10;
	v10 =	vmul.f32 v17, v18;
	v17 =	vld [tilespmem:s12+$0xFFFFFFA0]  }
0x123: {  	v9 =	vld [tilespmem:s12+$0xFFFFFE80];
	[tilespmem:s12+$0xFFFFFF40] =	vst v11;
	v11 =	vmul.f32 v12, v18  }
0x124: {  	v14 =	vld [tilespmem:s12+$0xFFFFFFC0];
	[tilespmem:s12+$0xFFFFFF50] =	vst v10;
	v10 =	vmul.f32 v15, v18  }
0x125: {  	v13 =	vmul.f32 v13, v18;
	[tilespmem:s12+$0xFFFFFF60] =	vst v11;
	v11 =	vld [tilespmem:s12+$0xFFFFFFD0]  }
0x126: {  	v12 =	vld [tilespmem:s12+$0xFFFFFFE0];
	[tilespmem:s12+$0xFFFFFF70] =	vst v10;
	v16 =	vmul.f32 v16, v5  }
0x127: {  	[tilespmem:s12+$0xFFFFFF80] =	vst v13;
	v13 =	vld [tilespmem:s12+$0xFFFFFFF0];
	v15 =	vmul.f32 v17, v5  }
0x128: {  	s15 =	simm.s32 $0x7BF0;
	s14 =	simm.s32 $0x2D80;
	s13 =	simm.s32 $0x0;
	v10 =	vld [tilespmem:s16+$0xFFFFFE80];
	[tilespmem:s12+$0xFFFFFF90] =	vst v16;
	v16 =	vmul.f32 v19, v5  }
.LBB2_7:
0x129: {  	v17 =	vld [tilespmem:s14+$0x0];
	[tilespmem:s12+$0xFFFFFFA0] =	vst v15;
	v14 =	vmul.f32 v14, v5;
	s15 =	sadd.s32 $0x200, s15  }
0x12a: {  	s13 =	sadd.s32 $0x4, s13;
	v15 =	vld [tilespmem:s15+$0x0];
	[tilespmem:s12+$0xFFFFFFB0] =	vst v16;
	v11 =	vmul.f32 v11, v5  }
0x12b: {  	p0 =	slt.u32 s13, $0x4C;
	v16 =	vld [tilespmem:s15+$0xFFFFFE10];
	[tilespmem:s12+$0xFFFFFFC0] =	vst v14;
	v12 =	vmul.f32 v12, v5  }
0x12c: {  	v14 =	vld [tilespmem:s15+$0xFFFFFE20];
	[tilespmem:s12+$0xFFFFFFD0] =	vst v11;
	v13 =	vmul.f32 v13, v5  }
0x12d: {  	v11 =	vld [tilespmem:s15+$0xFFFFFE30];
	v19 =	vmul.f32 v6, v10;
	v7 =	vmul.f32 v7, v10;
	[tilespmem:s12+$0xFFFFFFE0] =	vst v12  }
0x12e: {  	v8 =	vmul.f32 v8, v10;
	v12 =	vmul.f32 v3, v10;
	v3 =	vld [tilespmem:s15+$0xFFFFFE40];
	[tilespmem:s12+$0xFFFFFFF0] =	vst v13;
	v5 =	vmov v17  }
0x12f: {  	v13 =	vmul.f32 v15, v5;
	[tilespmem:s12+$0xFFFFFE10] =	vst v19;
	v15 =	vmul.f32 v2, v10;
	v2 =	vld [tilespmem:s15+$0xFFFFFE50]  }
0x130: {  	v18 =	vmul.f32 v4, v10;
	v17 =	vmul.f32 v1, v10;
	[tilespmem:s12+$0xFFFFFE20] =	vst v7;
	v1 =	vld [tilespmem:s15+$0xFFFFFE60];
	v6 =	vmov v16  }
0x131: {  	v10 =	vmul.f32 v9, v10;
	v4 =	vld [tilespmem:s15+$0xFFFFFE70];
	[tilespmem:s15+$0x0] =	vst v13;
	v7 =	vmov v14  }
0x132: {  	v9 =	vld [tilespmem:s15+$0xFFFFFE80];
	[tilespmem:s12+$0xFFFFFE30] =	vst v8;
	v8 =	vmov v11  }
0x133: {  	v11 =	vld [tilespmem:s14+$0xFFFFFF00];
	[tilespmem:s12+$0xFFFFFE40] =	vst v12  }
0x134: {  	v12 =	vld [tilespmem:s15+$0xFFFFFE90];
	[tilespmem:s12+$0xFFFFFE50] =	vst v15  }
0x135: {  	v13 =	vld [tilespmem:s15+$0xFFFFFEA0];
	[tilespmem:s12+$0xFFFFFE60] =	vst v17  }
0x136: {  	v14 =	vld [tilespmem:s15+$0xFFFFFEB0];
	[tilespmem:s12+$0xFFFFFE70] =	vst v18  }
0x137: {  	v15 =	vld [tilespmem:s15+$0xFFFFFEC0];
	[tilespmem:s12+$0xFFFFFE80] =	vst v10;
	s12 =	smov.u32 s15  }
0x138: {  	v10 =	vld [tilespmem:s15+$0xFFFFFED0]  }
0x139: {  	v12 =	vmul.f32 v12, v11;
	v16 =	vld [tilespmem:s15+$0xFFFFFEE0]  }
0x13a: {  	v13 =	vmul.f32 v13, v11;
	v17 =	vld [tilespmem:s15+$0xFFFFFEF0]  }
0x13b: {  	[tilespmem:s15+$0xFFFFFE90] =	vst v12;
	v12 =	vmul.f32 v14, v11;
	v14 =	vld [tilespmem:s15+$0xFFFFFF00]  }
0x13c: {  	[tilespmem:s15+$0xFFFFFEA0] =	vst v13;
	v13 =	vmul.f32 v15, v11;
	v15 =	vld [tilespmem:s14+$0xFFFFFF80]  }
0x13d: {  	[tilespmem:s15+$0xFFFFFEB0] =	vst v12;
	v10 =	vmul.f32 v10, v11;
	v12 =	vld [tilespmem:s15+$0xFFFFFF10]  }
0x13e: {  	[tilespmem:s15+$0xFFFFFEC0] =	vst v13;
	v13 =	vmul.f32 v16, v11;
	v16 =	vld [tilespmem:s15+$0xFFFFFF20]  }
0x13f: {  	[tilespmem:s15+$0xFFFFFED0] =	vst v10;
	v10 =	vmul.f32 v17, v11;
	v17 =	vld [tilespmem:s15+$0xFFFFFF30]  }
0x140: {  	[tilespmem:s15+$0xFFFFFEE0] =	vst v13;
	v11 =	vmul.f32 v14, v11;
	v13 =	vld [tilespmem:s15+$0xFFFFFF40]  }
0x141: {  	[tilespmem:s15+$0xFFFFFEF0] =	vst v10;
	v10 =	vld [tilespmem:s15+$0xFFFFFF50]  }
0x142: {  	[tilespmem:s15+$0xFFFFFF00] =	vst v11;
	v11 =	vmul.f32 v12, v15;
	v12 =	vld [tilespmem:s15+$0xFFFFFF60]  }
0x143: {  	v14 =	vmul.f32 v16, v15;
	v16 =	vld [tilespmem:s15+$0xFFFFFF70]  }
0x144: {  	[tilespmem:s15+$0xFFFFFF10] =	vst v11;
	v11 =	vmul.f32 v17, v15;
	v17 =	vld [tilespmem:s15+$0xFFFFFF80]  }
0x145: {  	[tilespmem:s15+$0xFFFFFF20] =	vst v14;
	v13 =	vmul.f32 v13, v15;
	v18 =	vld [tilespmem:s15+$0xFFFFFF90]  }
0x146: {  	[tilespmem:s15+$0xFFFFFF30] =	vst v11;
	v10 =	vmul.f32 v10, v15;
	v19 =	vld [tilespmem:s15+$0xFFFFFFA0]  }
0x147: {  	[tilespmem:s15+$0xFFFFFF40] =	vst v13;
	v11 =	vmul.f32 v12, v15;
	v20 =	vld [tilespmem:s15+$0xFFFFFFB0]  }
.Ltmp2:
0x148: {  	[tilespmem:s15+$0xFFFFFF50] =	vst v10;
	v10 =	vmul.f32 v16, v15;
	v14 =	vld [tilespmem:s15+$0xFFFFFFC0];
	(pc) =	sbr.rel @p0 .LBB2_7-.Ltmp2, $4  }
0x149: {  	[tilespmem:s15+$0xFFFFFF60] =	vst v11;
	v13 =	vmul.f32 v17, v15;
	v11 =	vld [tilespmem:s15+$0xFFFFFFD0]  }
0x14a: {  	[tilespmem:s15+$0xFFFFFF70] =	vst v10;
	v16 =	vmul.f32 v18, v5;
	v12 =	vld [tilespmem:s15+$0xFFFFFFE0]  }
0x14b: {  	[tilespmem:s15+$0xFFFFFF80] =	vst v13;
	v15 =	vmul.f32 v19, v5;
	v13 =	vld [tilespmem:s15+$0xFFFFFFF0]  }
0x14c: {  	v10 =	vld [tilespmem:s14+$0xFFFFFE80];
	[tilespmem:s15+$0xFFFFFF90] =	vst v16;
	v16 =	vmul.f32 v20, v5;
	s14 =	sadd.s32 $0x200, s14  }
0x14d: {  	[tilespmem:s12+$0xFFFFFFA0] =	vst v15;
	v14 =	vmul.f32 v14, v5  }
0x14e: {  	[tilespmem:s12+$0xFFFFFFB0] =	vst v16;
	v11 =	vmul.f32 v11, v5  }
0x14f: {  	[tilespmem:s12+$0xFFFFFFC0] =	vst v14;
	v12 =	vmul.f32 v12, v5  }
0x150: {  	[tilespmem:s12+$0xFFFFFFD0] =	vst v11;
	v62 =	vmul.f32 v13, v5  }
0x151: {  	v6 =	vmul.f32 v6, v10;
	[tilespmem:s12+$0xFFFFFFE0] =	vst v12  }
0x152: {  	v7 =	vmul.f32 v7, v10;
	[tilespmem:s12+$0xFFFFFFF0] =	vst v62  }
0x153: {  	v63 =	vmul.f32 v8, v10;
	[tilespmem:s12+$0xFFFFFE10] =	vst v6  }
0x154: {  	v3 =	vmul.f32 v3, v10;
	[tilespmem:s12+$0xFFFFFE20] =	vst v7  }
0x155: {  	v2 =	vmul.f32 v2, v10;
	[tilespmem:s12+$0xFFFFFE30] =	vst v63  }
0x156: {  	v1 =	vmul.f32 v1, v10;
	[tilespmem:s12+$0xFFFFFE40] =	vst v3  }
0x157: {  	v3 =	vmul.f32 v4, v10;
	[tilespmem:s12+$0xFFFFFE50] =	vst v2  }
0x158: {  	s11 =	sadd.s32 $0x1, s11;
	v2 =	vmul.f32 v9, v10;
	[tilespmem:s12+$0xFFFFFE60] =	vst v1  }
0x159: {  	p0 =	sne.s32 s11, $0x3E;
	[tilespmem:s12+$0xFFFFFE70] =	vst v3  }
.Ltmp3:
0x15a: {  	[tilespmem:s12+$0xFFFFFE80] =	vst v2;
	(pc) =	sbr.rel @p0 .LBB2_4-.Ltmp3, $4  }
0x15b: {  	[spmem:s1] =	stream.indirect.scatter.add.f32 [tilespmem:s0], [sflag:$0x3], $0x80, s30, s28, $0xb8;
	[tilespmem:$0x1E200] =	vst v63  }
0x15c: {  	_ =	swait.ge [sflag:s24], $0x2800  }
0x15d: {  	[sflag:s24] =	ssyncset.done $0x0  }
0x15e: {  	[sflag:s24] =	ssyncadd.s32 $0xFFFFD800  }
0x15f: {  	_ =	swait.ge [sflag:s3], $0x2800  }
0x160: {  	[sflag:s3] =	ssyncset.done $0x0  }
0x161: {  	s13 =	simm.s32 $0x300;
	[sflag:s3] =	ssyncadd.s32 $0xFFFFD800  }
0x162: {  	s11 =	simm.s32 $0x5300;
	v5 =	vld [tilespmem:s13+$0x80]  }
0x163: {  	v9 =	vld [tilespmem:s11+$0xF0]  }
0x164: {  	v6 =	vld [tilespmem:s11+$0xFFFFFF00]  }
0x165: {  	v7 =	vld [tilespmem:s11+$0xFFFFFF10]  }
0x166: {  	v8 =	vld [tilespmem:s11+$0xFFFFFF20]  }
0x167: {  	v3 =	vld [tilespmem:s11+$0xFFFFFF30]  }
0x168: {  	v2 =	vld [tilespmem:s11+$0xFFFFFF40]  }
0x169: {  	v1 =	vld [tilespmem:s11+$0xFFFFFF50]  }
0x16a: {  	v10 =	vld [tilespmem:s13+$0xFFFFFF80]  }
0x16b: {  	v4 =	vld [tilespmem:s11+$0xFFFFFF80]  }
0x16c: {  	v11 =	vld [tilespmem:s11+$0xFFFFFF90]  }
0x16d: {  	v12 =	vld [tilespmem:s11+$0xFFFFFFA0]  }
0x16e: {  	v13 =	vld [tilespmem:s11+$0xFFFFFFB0]  }
0x16f: {  	v14 =	vld [tilespmem:s11+$0xFFFFFFC0]  }
0x170: {  	v16 =	vld [tilespmem:s11+$0xFFFFFFD0]  }
0x171: {  	v17 =	vld [tilespmem:s11+$0xFFFFFFE0]  }
0x172: {  	v18 =	vld [tilespmem:s13+$0x0];
	v15 =	vmul.f32 v4, v10  }
0x173: {  	v19 =	vld [tilespmem:s11+$0xA0];
	v9 =	vmul.f32 v9, v5  }
0x174: {  	v4 =	vld [tilespmem:s11+$0xFFFFFF60];
	v11 =	vmul.f32 v11, v10;
	[tilespmem:s11+$0xFFFFFF80] =	vst v15  }
0x175: {  	[tilespmem:s11+$0xF0] =	vst v9;
	v9 =	vmul.f32 v12, v10;
	v12 =	vld [tilespmem:s11+$0x0]  }
0x176: {  	v15 =	vld [tilespmem:s11+$0xFFFFFFF0];
	[tilespmem:s11+$0xFFFFFF90] =	vst v11;
	v11 =	vmul.f32 v13, v10  }
0x177: {  	v13 =	vld [tilespmem:s11+$0x10];
	[tilespmem:s11+$0xFFFFFFA0] =	vst v9;
	v9 =	vmul.f32 v14, v10  }
0x178: {  	v14 =	vld [tilespmem:s11+$0x20];
	[tilespmem:s11+$0xFFFFFFB0] =	vst v11;
	v11 =	vmul.f32 v16, v10  }
0x179: {  	v16 =	vld [tilespmem:s11+$0x30];
	[tilespmem:s11+$0xFFFFFFC0] =	vst v9;
	v9 =	vmul.f32 v17, v10  }
0x17a: {  	v17 =	vld [tilespmem:s11+$0x40];
	[tilespmem:s11+$0xFFFFFFD0] =	vst v11;
	v11 =	vmul.f32 v12, v18  }
0x17b: {  	v12 =	vld [tilespmem:s11+$0x50];
	v10 =	vmul.f32 v15, v10;
	[tilespmem:s11+$0xFFFFFFE0] =	vst v9  }
0x17c: {  	v15 =	vld [tilespmem:s11+$0x60];
	[tilespmem:s11+$0x0] =	vst v11;
	v11 =	vmul.f32 v13, v18  }
0x17d: {  	[tilespmem:s11+$0xFFFFFFF0] =	vst v10;
	v10 =	vmul.f32 v14, v18;
	v13 =	vld [tilespmem:s11+$0x70]  }
0x17e: {  	[tilespmem:s11+$0x10] =	vst v11;
	v11 =	vmul.f32 v16, v18;
	v16 =	vld [tilespmem:s11+$0x80]  }
0x17f: {  	[tilespmem:s11+$0x20] =	vst v10;
	v10 =	vmul.f32 v17, v18;
	v17 =	vld [tilespmem:s11+$0x90]  }
0x180: {  	v9 =	vld [tilespmem:s11+$0xFFFFFF70];
	[tilespmem:s11+$0x30] =	vst v11;
	v11 =	vmul.f32 v12, v18  }
0x181: {  	v14 =	vld [tilespmem:s11+$0xB0];
	[tilespmem:s11+$0x40] =	vst v10;
	v10 =	vmul.f32 v15, v18  }
0x182: {  	v13 =	vmul.f32 v13, v18;
	[tilespmem:s11+$0x50] =	vst v11;
	v11 =	vld [tilespmem:s11+$0xC0]  }
0x183: {  	v12 =	vld [tilespmem:s11+$0xD0];
	[tilespmem:s11+$0x60] =	vst v10;
	v16 =	vmul.f32 v16, v5  }
0x184: {  	[tilespmem:s11+$0x70] =	vst v13;
	v13 =	vld [tilespmem:s11+$0xE0];
	v15 =	vmul.f32 v17, v5  }
0x185: {  	s12 =	simm.s32 $0x0;
	s14 =	simm.s32 $0x5300;
	v10 =	vld [tilespmem:s13+$0xFFFFFF00];
	s13 =	simm.s32 $0x500;
	[tilespmem:s11+$0x80] =	vst v16;
	v16 =	vmul.f32 v19, v5  }
.LBB2_10:
0x186: {  	v17 =	vld [tilespmem:s13+$0x80];
	[tilespmem:s11+$0x90] =	vst v15;
	v14 =	vmul.f32 v14, v5;
	s14 =	sadd.s32 $0x200, s14  }
0x187: {  	s12 =	sadd.s32 $0x4, s12;
	v15 =	vld [tilespmem:s14+$0xF0];
	[tilespmem:s11+$0xA0] =	vst v16;
	v11 =	vmul.f32 v11, v5  }
0x188: {  	p0 =	slt.u32 s12, $0x4C;
	v16 =	vld [tilespmem:s14+$0xFFFFFF00];
	[tilespmem:s11+$0xB0] =	vst v14;
	v12 =	vmul.f32 v12, v5  }
0x189: {  	v14 =	vld [tilespmem:s14+$0xFFFFFF10];
	[tilespmem:s11+$0xC0] =	vst v11;
	v13 =	vmul.f32 v13, v5  }
0x18a: {  	v11 =	vld [tilespmem:s14+$0xFFFFFF20];
	v19 =	vmul.f32 v6, v10;
	v7 =	vmul.f32 v7, v10;
	[tilespmem:s11+$0xD0] =	vst v12  }
0x18b: {  	v8 =	vmul.f32 v8, v10;
	v12 =	vmul.f32 v3, v10;
	v3 =	vld [tilespmem:s14+$0xFFFFFF30];
	[tilespmem:s11+$0xE0] =	vst v13;
	v5 =	vmov v17  }
0x18c: {  	v13 =	vmul.f32 v15, v5;
	[tilespmem:s11+$0xFFFFFF00] =	vst v19;
	v15 =	vmul.f32 v2, v10;
	v2 =	vld [tilespmem:s14+$0xFFFFFF40]  }
0x18d: {  	v18 =	vmul.f32 v4, v10;
	v17 =	vmul.f32 v1, v10;
	[tilespmem:s11+$0xFFFFFF10] =	vst v7;
	v1 =	vld [tilespmem:s14+$0xFFFFFF50];
	v6 =	vmov v16  }
0x18e: {  	v10 =	vmul.f32 v9, v10;
	v4 =	vld [tilespmem:s14+$0xFFFFFF60];
	[tilespmem:s14+$0xF0] =	vst v13;
	v7 =	vmov v14  }
0x18f: {  	v9 =	vld [tilespmem:s14+$0xFFFFFF70];
	[tilespmem:s11+$0xFFFFFF20] =	vst v8;
	v8 =	vmov v11  }
0x190: {  	v11 =	vld [tilespmem:s13+$0xFFFFFF80];
	[tilespmem:s11+$0xFFFFFF30] =	vst v12  }
0x191: {  	v12 =	vld [tilespmem:s14+$0xFFFFFF80];
	[tilespmem:s11+$0xFFFFFF40] =	vst v15  }
0x192: {  	v13 =	vld [tilespmem:s14+$0xFFFFFF90];
	[tilespmem:s11+$0xFFFFFF50] =	vst v17  }
0x193: {  	v14 =	vld [tilespmem:s14+$0xFFFFFFA0];
	[tilespmem:s11+$0xFFFFFF60] =	vst v18  }
0x194: {  	v15 =	vld [tilespmem:s14+$0xFFFFFFB0];
	[tilespmem:s11+$0xFFFFFF70] =	vst v10;
	s11 =	smov.u32 s14  }
0x195: {  	v10 =	vld [tilespmem:s14+$0xFFFFFFC0]  }
0x196: {  	v12 =	vmul.f32 v12, v11;
	v16 =	vld [tilespmem:s14+$0xFFFFFFD0]  }
0x197: {  	v13 =	vmul.f32 v13, v11;
	v17 =	vld [tilespmem:s14+$0xFFFFFFE0]  }
0x198: {  	[tilespmem:s14+$0xFFFFFF80] =	vst v12;
	v12 =	vmul.f32 v14, v11;
	v14 =	vld [tilespmem:s14+$0xFFFFFFF0]  }
0x199: {  	[tilespmem:s14+$0xFFFFFF90] =	vst v13;
	v13 =	vmul.f32 v15, v11;
	v15 =	vld [tilespmem:s13+$0x0]  }
0x19a: {  	[tilespmem:s14+$0xFFFFFFA0] =	vst v12;
	v10 =	vmul.f32 v10, v11;
	v12 =	vld [tilespmem:s14+$0x0]  }
0x19b: {  	[tilespmem:s14+$0xFFFFFFB0] =	vst v13;
	v13 =	vmul.f32 v16, v11;
	v16 =	vld [tilespmem:s14+$0x10]  }
0x19c: {  	[tilespmem:s14+$0xFFFFFFC0] =	vst v10;
	v10 =	vmul.f32 v17, v11;
	v17 =	vld [tilespmem:s14+$0x20]  }
0x19d: {  	[tilespmem:s14+$0xFFFFFFD0] =	vst v13;
	v11 =	vmul.f32 v14, v11;
	v13 =	vld [tilespmem:s14+$0x30]  }
0x19e: {  	[tilespmem:s14+$0xFFFFFFE0] =	vst v10;
	v10 =	vld [tilespmem:s14+$0x40]  }
0x19f: {  	[tilespmem:s14+$0xFFFFFFF0] =	vst v11;
	v11 =	vmul.f32 v12, v15;
	v12 =	vld [tilespmem:s14+$0x50]  }
0x1a0: {  	v14 =	vmul.f32 v16, v15;
	v16 =	vld [tilespmem:s14+$0x60]  }
0x1a1: {  	[tilespmem:s14+$0x0] =	vst v11;
	v11 =	vmul.f32 v17, v15;
	v17 =	vld [tilespmem:s14+$0x70]  }
0x1a2: {  	[tilespmem:s14+$0x10] =	vst v14;
	v13 =	vmul.f32 v13, v15;
	v18 =	vld [tilespmem:s14+$0x80]  }
0x1a3: {  	[tilespmem:s14+$0x20] =	vst v11;
	v10 =	vmul.f32 v10, v15;
	v19 =	vld [tilespmem:s14+$0x90]  }
0x1a4: {  	[tilespmem:s14+$0x30] =	vst v13;
	v11 =	vmul.f32 v12, v15;
	v20 =	vld [tilespmem:s14+$0xA0]  }
.Ltmp4:
0x1a5: {  	[tilespmem:s14+$0x40] =	vst v10;
	v10 =	vmul.f32 v16, v15;
	v14 =	vld [tilespmem:s14+$0xB0];
	(pc) =	sbr.rel @p0 .LBB2_10-.Ltmp4, $4  }
0x1a6: {  	[tilespmem:s14+$0x50] =	vst v11;
	v13 =	vmul.f32 v17, v15;
	v11 =	vld [tilespmem:s14+$0xC0]  }
0x1a7: {  	[tilespmem:s14+$0x60] =	vst v10;
	v16 =	vmul.f32 v18, v5;
	v12 =	vld [tilespmem:s14+$0xD0]  }
0x1a8: {  	[tilespmem:s14+$0x70] =	vst v13;
	v15 =	vmul.f32 v19, v5;
	v13 =	vld [tilespmem:s14+$0xE0]  }
0x1a9: {  	v10 =	vld [tilespmem:s13+$0xFFFFFF00];
	[tilespmem:s14+$0x80] =	vst v16;
	v16 =	vmul.f32 v20, v5;
	s13 =	sadd.s32 $0x200, s13  }
0x1aa: {  	[tilespmem:s11+$0x90] =	vst v15;
	v14 =	vmul.f32 v14, v5  }
0x1ab: {  	[tilespmem:s11+$0xA0] =	vst v16;
	v11 =	vmul.f32 v11, v5  }
0x1ac: {  	[tilespmem:s11+$0xB0] =	vst v14;
	v12 =	vmul.f32 v12, v5  }
0x1ad: {  	[tilespmem:s11+$0xC0] =	vst v11;
	v62 =	vmul.f32 v13, v5  }
0x1ae: {  	v6 =	vmul.f32 v6, v10;
	[tilespmem:s11+$0xD0] =	vst v12  }
0x1af: {  	v7 =	vmul.f32 v7, v10;
	[tilespmem:s11+$0xE0] =	vst v62  }
0x1b0: {  	v63 =	vmul.f32 v8, v10;
	[tilespmem:s11+$0xFFFFFF00] =	vst v6  }
0x1b1: {  	v3 =	vmul.f32 v3, v10;
	[tilespmem:s11+$0xFFFFFF10] =	vst v7  }
0x1b2: {  	v2 =	vmul.f32 v2, v10;
	[tilespmem:s11+$0xFFFFFF20] =	vst v63  }
0x1b3: {  	v1 =	vmul.f32 v1, v10;
	[tilespmem:s11+$0xFFFFFF30] =	vst v3  }
0x1b4: {  	v3 =	vmul.f32 v4, v10;
	[tilespmem:s11+$0xFFFFFF40] =	vst v2  }
0x1b5: {  	v2 =	vmul.f32 v9, v10;
	[tilespmem:s11+$0xFFFFFF50] =	vst v1  }
0x1b6: {  	[tilespmem:s11+$0xFFFFFF60] =	vst v3  }
0x1b7: {  	[tilespmem:s11+$0xFFFFFF70] =	vst v2  }
0x1b8: {  	[spmem:s1] =	stream.indirect.scatter.add.f32 [tilespmem:s23], [sflag:$0x3], $0x80, s25, s28, $0xb8;
	[tilespmem:$0x1E200] =	vst v63  }
0x1b9: {  	s16 =	stileid.u32;
	_ =	swait.ge [sflag:s24], $0x2800  }
0x1ba: {  	s12 =	sshrl.u32 s8, $0x3;
	s10 =	sadd.s32 $0x1, s10;
	[sflag:s24] =	ssyncset.done $0x0  }
0x1bb: {  	p0 =	sne.s32 s10, s22;
	s11 =	sshll.u32 s16, $0x6;
	[sflag:s24] =	ssyncadd.s32 $0xFFFFD800  }
.Ltmp5:
0x1bc: {  	s11 =	sor.u32 $0x1C03, s11;
	[bflag:$0x0] =	sbarrier.arrive $0xFFFF;
	(pc) =	sbr.rel @p0 .LBB2_1-.Ltmp5, $4  }
0x1bd: {  	[hbm:s21], [sflag:s11] =	dma.local [spmem:s12], $0x2800  }
0x1be: {  	_ =	swait.ge [sflag:s24], $0x2800  }
0x1bf: {  	[sflag:s24] =	ssyncset.done $0x0  }
0x1c0: {  	[sflag:s24] =	ssyncadd.s32 $0xFFFFD800  }
0x1c1: {  	_ =	sfence.sel $0x180000  }
0x1c2: {  	[bflag:$0x0] =	sbarrier.arrive $0xFFFF  }
0x1c3: {  	_ =	strace $0x9000004D  }
0x1c4: {  	s0 =	stileid.u32;
	[bflag:$0x2] =	sbarrier.arrive $0xFFFF  }
0x1c5: {  	p0 =	sne.s32 s0, $0x0;
	s0 =	rddreg [dreg:$0x3]  }
0x1c6: {  	s0 =	sadd.s32 @!p0 $0x100000, s0  }
0x1c7: {  	[sflag:s0] =	ssyncadd.tile.s32 @!p0 $0x1;
	_ =	shalt  }
.Lfunc_end2:
_tile_overlayer_lowered:
.L_overlay_start_2:
0x1c8: {  	(tag) =	ssettag $0x2  }
0x1c9: {  	s0 =	rddreg [dreg:$0x0];
	s2 =	stileid.u32  }
0x1ca: {  	s1 =	rddreg [dreg:$0x1];
	p0 =	sne.s32 s2, $0x0  }
0x1cb: {  	s3 =	rddreg [dreg:$0x2];
	[bflag:$0x3] =	sbarrier.arrive $0xFFFF;
	s2 =	simm.s32 @!p0 $0x1C03  }
0x1cc: {  	[timem:s3], [sflag:s2] =	dma.local @!p0 [hbm:s0], s1  }
0x1cd: {  	s0 =	simm.s32 @!p0 $0x3  }
0x1ce: {  	_ =	swait.ge @!p0 [sflag:s0], s1  }
0x1cf: {  	s1 =	ssub.s32 @!p0 $0x0, s1;
	[sflag:s0] =	ssyncset.done @!p0 $0x0  }
0x1d0: {  	[sflag:s0] =	ssyncadd.s32 @!p0 s1  }
0x1d1: {  	[bflag:$0x3] =	sbarrier.arrive $0xFFFF  }
0x1d2: {  	_ =	shalt  }

// kernel: kernel.21.cloned.1.call-start
scs
__scs_entry_jumppad:
0x0: {  	(pc) =	sbr.rel $0x88, $3  }
0x1: {  	(tag) =	ssettag $0x0;
	lr =	simm.s32 $0x1  }
0x2: {  	[smem:$0x3F93] =	sst lr;
	_ =	strace $0xD0000000  }
0x3: {  	_ = 	snop  }
0x4: {  	_ = 	snop  }
0x5: {  	_ = 	snop  }
0x6: {  	_ = 	snop  }
0x7: {  	_ = 	snop  }
__scs_overlays_trampoline_lowered:
0x8: {  	[smem:$0x3FA2] =	sst s0  }
0x9: {  	[smem:$0x3FA3] =	sst s1  }
0xa: {  	[smem:$0x3FA4] =	sst s2  }
0xb: {  	[smem:$0x3FA5] =	sst s3  }
0xc: {  	[smem:$0x3FA6] =	sst s4  }
0xd: {  	[smem:$0x3FA7] =	sst s5  }
0xe: {  	[smem:$0x3FA8] =	sst s6  }
0xf: {  	[smem:$0x3FA9] =	sst s7  }
0x10: {  	[smem:$0x3FAA] =	sst s8  }
0x11: {  	[smem:$0x3FAB] =	sst s9;
	s0 =	simm.s32 @!p0 $0x0  }
0x12: {  	s1 =	sld [smem:$0x3F91];
	s0 =	simm.s32 @p0 $0x1  }
0x13: {  	[smem:$0x3FAC] =	sst s0;
	s0 =	simm.s32 @!p1 $0x0  }
0x14: {  	s2 =	sld [smem:$0x3F90];
	s0 =	simm.s32 @p1 $0x1  }
0x15: {  	[smem:$0x3FAD] =	sst s0;
	s0 =	simm.s32 @!p2 $0x0  }
0x16: {  	s3 =	sld [smem:$0x3FDB];
	s0 =	simm.s32 @p2 $0x1  }
0x17: {  	s4 =	simm.s32 $0x1BF5;
	[smem:$0x3FAF] =	sst s0  }
0x18: {  	s0 =	sld [smem:$0x3F92];
	_ =	swait.ge [sflag:s4], $0x0  }
0x19: {  	s7 =	sld [smem:$0x3F93]  }
0x1a: {  	s8 =	sadd.s32 $0xFFFFE003, lr  }
0x1b: {  	s9 =	sadd.s32 $0xFFFFFEF7, lr;
	s5 =	simm.s32 $0xFFFFFFFF;
	p2 =	slt.u32 s8, $0xFFFFF086  }
0x1c: {  	p1 =	slt.u32 s9, $0xF7A;
	s5 =	simm.s32 @!p2 $0x0  }
0x1d: {  	s5 =	simm.s32 @p1 $0x1;
	p0 =	seq.s32 s7, s2  }
0x1e: {  	s7 =	smul.u32 @!p0 $0xF7A, s2;
	p2 =	seq.s32 @!p0 s5, $0x0  }
0x1f: {  	s9 =	smul.u32 $0xF7A, s1;
	s8 =	simm.s32 @!p0 $0x1BF5;
	p2 =	por !p2, p0  }
0x20: {  	[sflag:s8] =	ssyncset.s32 @!p0 $0xFFFFF086;
	s6 =	sadd.s32 @!p0 s3, s7;
	s7 =	simm.s32 @!p0 $0x108  }
0x21: {  	s3 =	sadd.s32 s3, s9;
	s6 =	sadd.s32 @!p0 $0x88, s6;
	s7 =	simm.s32 @p2 $0x1082  }
0x22: {  	[simem:s7], [sflag:s8] =	dma.local @!p0 [hbm:s6], $0xF7A  }
0x23: {  	s9 =	sor.u32 $0xD0000000, s2;
	s6 =	simm.s32 $0x108;
	_ =	swait.ge @!p0 [sflag:s8], $0x0  }
0x24: {  	s3 =	sadd.s32 $0x88, s3;
	s6 =	simm.s32 @!p1 $0x1082;
	[sflag:s4] =	ssyncset.s32 $0xFFFFF086  }
0x25: {  	[simem:s6], [sflag:s4] =	dma.local [hbm:s3], $0xF7A  }
0x26: {  	[smem:$0x3F93] =	sst s1;
	(tag) =	ssettag s2;
	_ =	strace s9  }
0x27: {  	s1 =	sld [smem:$0x3FA3]  }
0x28: {  	s2 =	sld [smem:$0x3FA4]  }
0x29: {  	s4 =	sld [smem:$0x3FA6]  }
0x2a: {  	p0 =	seq.s32 s5, $0x0;
	s5 =	sld [smem:$0x3FA7]  }
0x2b: {  	s6 =	sld [smem:$0x3FA8]  }
0x2c: {  	s7 =	sld [smem:$0x3FA9]  }
0x2d: {  	s3 =	simm.s32 $0x108;
	s8 =	sld [smem:$0x3FAA]  }
0x2e: {  	s3 =	simm.s32 @!p0 $0x1082;
	s9 =	sld [smem:$0x3FAB]  }
0x2f: {  	lr =	sadd.s32 s0, s3;
	s0 =	sld [smem:$0x3FA2]  }
0x30: {  	s3 =	sld [smem:$0x3FA5]  }
0x31: {  	[smem:$0x3FAE] =	sst s10  }
0x32: {  	s10 =	sld [smem:$0x3FAC];
	_ =	sdelay $0x3  }
0x33: {  	p0 =	seq.s32 s10, $0x1;
	s10 =	sld [smem:$0x3FAE];
	_ =	sdelay $0x3  }
0x34: {  	[smem:$0x3FAE] =	sst s10  }
0x35: {  	s10 =	sld [smem:$0x3FAD];
	_ =	sdelay $0x3  }
0x36: {  	p1 =	seq.s32 s10, $0x1;
	s10 =	sld [smem:$0x3FAE];
	_ =	sdelay $0x3  }
0x37: {  	[smem:$0x3FAE] =	sst s10  }
0x38: {  	s10 =	sld [smem:$0x3FAF]  }
0x39: {  	_ = 	snop;
	(pc) =	sbr.ind lr, $3  }
0x3a: {  	_ = 	snop  }
0x3b: {  	_ = 	snop  }
0x3c: {  	p2 =	seq.s32 s10, $0x1;
	s10 =	sld [smem:$0x3FAE]  }
0x3d: {  	_ =	shalt  }
0x3e: {  	_ =	shalt  }
0x3f: {  	_ =	shalt  }
0x40: {  	_ =	shalt  }
0x41: {  	_ =	shalt  }
0x42: {  	_ =	shalt  }
0x43: {  	_ =	shalt  }
0x44: {  	_ =	shalt  }
0x45: {  	_ =	shalt  }
0x46: {  	_ =	shalt  }
0x47: {  	_ =	shalt  }
0x48: {  	_ =	shalt  }
0x49: {  	_ =	shalt  }
0x4a: {  	_ =	shalt  }
0x4b: {  	_ =	shalt  }
0x4c: {  	_ =	shalt  }
0x4d: {  	_ =	shalt  }
0x4e: {  	_ =	shalt  }
0x4f: {  	_ =	shalt  }
0x50: {  	_ =	shalt  }
0x51: {  	_ =	shalt  }
0x52: {  	_ =	shalt  }
0x53: {  	_ =	shalt  }
0x54: {  	_ =	shalt  }
0x55: {  	_ =	shalt  }
0x56: {  	_ =	shalt  }
0x57: {  	_ =	shalt  }
0x58: {  	_ =	shalt  }
0x59: {  	_ =	shalt  }
0x5a: {  	_ =	shalt  }
0x5b: {  	_ =	shalt  }
0x5c: {  	_ =	shalt  }
0x5d: {  	_ =	shalt  }
0x5e: {  	_ =	shalt  }
0x5f: {  	_ =	shalt  }
0x60: {  	_ =	shalt  }
0x61: {  	_ =	shalt  }
0x62: {  	_ =	shalt  }
0x63: {  	_ =	shalt  }
0x64: {  	_ =	shalt  }
0x65: {  	_ =	shalt  }
0x66: {  	_ =	shalt  }
0x67: {  	_ =	shalt  }
0x68: {  	_ =	shalt  }
0x69: {  	_ =	shalt  }
0x6a: {  	_ =	shalt  }
0x6b: {  	_ =	shalt  }
0x6c: {  	_ =	shalt  }
0x6d: {  	_ =	shalt  }
0x6e: {  	_ =	shalt  }
0x6f: {  	_ =	shalt  }
0x70: {  	_ =	shalt  }
0x71: {  	_ =	shalt  }
0x72: {  	_ =	shalt  }
0x73: {  	_ =	shalt  }
0x74: {  	_ =	shalt  }
0x75: {  	_ =	shalt  }
0x76: {  	_ =	shalt  }
0x77: {  	_ =	shalt  }
0x78: {  	_ =	shalt  }
0x79: {  	_ =	shalt  }
0x7a: {  	_ =	shalt  }
0x7b: {  	_ =	shalt  }
0x7c: {  	_ =	shalt  }
0x7d: {  	_ =	shalt  }
0x7e: {  	_ =	shalt  }
0x7f: {  	_ =	shalt  }
0x80: {  	_ =	shalt  }
0x81: {  	_ =	shalt  }
0x82: {  	_ =	shalt  }
0x83: {  	_ =	shalt  }
0x84: {  	_ =	shalt  }
0x85: {  	_ =	shalt  }
0x86: {  	_ =	shalt  }
0x87: {  	_ =	shalt  }
.Lfunc_end0:
.L_simem_size_0:
called_computation.3_lowered:
.L_overlay_start_0:
0x88: {  	s2 =	sld [smem:$0x3FD9]  }
0x89: {  	s3 =	sld [smem:$0x3FFE];
	_ =	sdelay $0x1  }
0x8a: {  	s1 =	srdreg.scid  }
0x8b: {  	s0 =	sand.u32 $0x1, s1  }
0x8c: {  	s17 =	sshll.u32 s0, $0xA;
	s2 =	sadd.s32 s3, s2  }
0x8d: {  	s2 =	sadd.s32 s2, s17  }
0x8e: {  	[smem:$0x3FBA] =	sst s2  }
0x8f: {  	_ = 	snop  }
0x90: {  	s2 =	sld [smem:$0x3FC4]  }
0x91: {  	s18 =	sld [smem:$0x3FD0];
	(tm) =	ssettm $0x1  }
0x92: {  	s4 =	sld [smem:$0x3FFB];
	_ =	sdelay $0x3  }
0x93: {  	_ =	strace s4  }
0x94: {  	s4 =	sld [smem:$0x3FFC];
	_ =	sdelay $0x3  }
0x95: {  	_ =	strace s4  }
0x96: {  	s4 =	sld [smem:$0x3FFD];
	_ =	sdelay $0x3  }
0x97: {  	_ =	strace s4  }
0x98: {  	_ =	strace $0x8FFFFFFF  }
0x99: {  	s19 =	sld [smem:$0x3FDB];
	_ =	sdelay $0x1  }
0x9a: {  	s5 =	simm.s32 $_scs_section_size  }
0x9b: {  	s6 =	simm.s32 $_size__tile_overlayer_lowered;
	s7 =	simm.s32 $_tile_overlayer_lowered  }
0x9c: {  	s22 =	simm.s32 $0x1BFF;
	s21 =	sshll.u32 s7, $0x1;
	s4 =	sadd.s32 s5, s19  }
0x9d: {  	s8 =	simm.s32 $0x0;
	s20 =	sshll.u32 s6, $0x1;
	s6 =	sadd.s32 s21, s4  }
0x9e: {  	[timem:s8], [sflag:s22] =	dma.local [hbm:s6], s20  }
0x9f: {  	_ =	swait.ge [sflag:s22], s20  }
0xa0: {  	s5 =	ssub.s32 $0x0, s20;
	[sflag:s22] =	ssyncset.done $0x0  }
0xa1: {  	[sflag:s22] =	ssyncadd.s32 s5;
	_ =	sdelay $0x1  }
0xa2: {  	s23 =	simm.s32 $0x1B8B  }
0xa3: {  	_ =	swait.ge [sflag:s23], $0x1  }
0xa4: {  	[sflag:s23] =	ssyncset.done $0x0  }
0xa5: {  	s25 =	simm.s32 $0x1B8E;
	s24 =	sld [smem:$0x3FFE];
	[sflag:s23] =	ssyncadd.s32 $0xFFFFFFFF  }
0xa6: {  	s26 =	simm.s32 $execute0_lowered;
	[smem:$0x3FD2] =	sst s25  }
0xa7: {  	s6 =	sshll.u32 s26, $0x1;
	_ =	strace $0x8000004F;
	[dreg:$0x1] =	wrdreg $0xFFFFFFFF  }
0xa8: {  	s28 =	simm.s32 $_size_execute0_lowered;
	s4 =	sadd.s32 s4, s6;
	[dreg:$0x0] =	wrdreg $0x0  }
0xa9: {  	s6 =	sshll.u32 s28, $0x1;
	[dreg:$0x2] =	wrdreg s4  }
0xaa: {  	[dreg:$0x3] =	wrdreg s6  }
0xab: {  	[dreg:$0x4] =	wrdreg $0xC0  }
0xac: {  	_ =	task [dreg:s8], $0x5FFFF  }
0xad: {  	[dreg:$0x1] =	wrdreg $0xFFFFFFFF  }
0xae: {  	[dreg:$0x0] =	wrdreg $0x60  }
0xaf: {  	[dreg:$0x2] =	wrdreg s18  }
0xb0: {  	[dreg:$0x3] =	wrdreg s2  }
0xb1: {  	[dreg:$0x4] =	wrdreg s24  }
0xb2: {  	[dreg:$0x5] =	wrdreg $0x9  }
0xb3: {  	_ =	task.clear_ibuf [dreg:s8], $0x6FFFF;
	_ =	strace $0x9000004F  }
0xb4: {  	s29 =	simm.s32 $0x9;
	_ =	strace $0x80000051  }
0xb5: {  	_ =	swait.ge [sflag:s29], $0x1  }
0xb6: {  	[sflag:s29] =	ssyncadd.s32 $0xFFFFFFFF  }
0xb7: {  	_ =	strace $0x90000051  }
0xb8: {  	_ =	sfence  }
0xb9: {  	s30 =	sld [smem:$0x0];
	_ =	sdelay $0x2  }
0xba: {  	s31 =	sshll.u32 s1, $0xD;
	s1 =	sshrl.u32 s1, $0x2  }
0xbb: {  	s3 =	sand.u32 $0x4000, s31;
	s1 =	sadd.s32 s1, s30  }
0xbc: {  	s0 =	sor.u32 s3, s0;
	s1 =	sshll.u32 s1, $0x11  }
0xbd: {  	s0 =	sor.u32 s1, s0  }
0xbe: {  	s0 =	sadd.s32 $0x8F2B, s0  }
0xbf: {  	[sflag:s0] =	ssyncadd.remote.s32 $0x1  }
0xc0: {  	_ =	sfence.sel $0xFFFF  }
0xc1: {  	[dreg:$0x0] =	wrdreg $0xFFFFFFFF;
	(pc) =	sbr.abs _section_cstart, $3  }
0xc2: {  	[dreg:$0x1] =	wrdreg $0xFFFFFFFF  }
0xc3: {  	_ =	task.clear_ibuf [dreg:s8], $0x2FFFF;
	_ =	strace $0x9FFFFFFF  }
0xc4: {  	(tm) =	ssettm $0x7FFFFFFF  }
0xc5: {  	_ =	shalt  }
tec
execute0_lowered:
.L_overlay_start_1:
0x0: {  	(tag) =	ssettag $0x1  }
0x1: {  	s1 =	srdreg.scid;
	s0 =	stileid.u32  }
0x2: {  	s2 =	rddreg [dreg:$0x0];
	s12 =	sand.u32 $0x1, s1;
	s30 =	sshll.u32 s0, $0x1  }
0x3: {  	s3 =	rddreg [dreg:$0x1];
	s7 =	sor.u32 s12, s30  }
0x4: {  	s10 =	rddreg [dreg:$0x2];
	s5 =	smul.u32 $0xD, s7  }
0x5: {  	s4 =	simm.s32 $0x0;
	s1 =	rddreg [dreg:$0x3]  }
0x6: {  	[smem:$0x7FF] =	sst s4;
	s11 =	sadd.s32 s5, s10  }
0x7: {  	_ =	strace $0x80000050;
	s5 =	simm.s32 $0x2;
	s6 =	sadd.s32 $0x56FA00, s11  }
0x8: {  	[tilespmem:s4], [sflag:$0x2] =	stream.linear.gather [hbm4b:s6+s4], $0x68, $0x38;
	[tilespmem:$0x3480] =	vst v63  }
0x9: {  	_ =	swait.ge [sflag:s5], $0x68  }
0xa: {  	s8 =	simm.s32 $0x80;
	s9 =	simm.s32 $0x1;
	[sflag:s5] =	ssyncset.done $0x0  }
0xb: {  	s13 =	smul.u32 $0x680, s7;
	s7 =	simm.s32 $0x68;
	[sflag:s5] =	ssyncadd.s32 $0xFFFFFF98  }
0xc: {  	[tilespmem:s8], [sflag:$0x1] =	stream.indirect.gather [hbm4b:s2+s7], $0x80, s4, s7, $0xb8;
	[tilespmem:$0x3480] =	vst v63  }
0xd: {  	_ =	swait.ge [sflag:s9], $0x3400  }
0xe: {  	s13 =	sadd.s32 s13, s10;
	[sflag:s9] =	ssyncset.done $0x0  }
0xf: {  	s10 =	sadd.s32 $0x4600, s13;
	[sflag:s9] =	ssyncadd.s32 $0xFFFFCC00  }
0x10: {  	[hbm4b:s10+s4] =	stream.linear.scatter [tilespmem:s8], [sflag:$0x2], $0x3400, $0x38;
	[tilespmem:$0x3480] =	vst v63  }
0x11: {  	_ =	swait.ge [sflag:s5], $0x3400  }
0x12: {  	[sflag:s5] =	ssyncset.done $0x0  }
0x13: {  	s12 =	ssub.s32 $0x2, s12;
	s11 =	sadd.s32 $0x56F800, s11;
	[sflag:s5] =	ssyncadd.s32 $0xFFFFCC00  }
0x14: {  	[tilespmem:s4], [sflag:$0x2] =	stream.linear.gather [hbm4b:s11+s4], $0x68, $0x38;
	[tilespmem:$0x3480] =	vst v63  }
0x15: {  	s14 =	sshrl.u32 s12, $0x1;
	_ =	swait.ge [sflag:s5], $0x68  }
0x16: {  	s14 =	ssub.s32 s12, s14;
	[sflag:s5] =	ssyncset.done $0x0  }
0x17: {  	s31 =	smax.u32 s14, $0x1;
	[sflag:s5] =	ssyncadd.s32 $0xFFFFFF98  }
0x18: {  	[tilespmem:s8], [sflag:$0x1] =	stream.indirect.gather [hbm4b:s3+s7], $0x80, s4, s7, $0xb8;
	[tilespmem:$0x3480] =	vst v63  }
0x19: {  	p0 =	sne.s32 s31, $0x1;
	_ =	swait.ge [sflag:s9], $0x3400  }
.Ltmp0:
0x1a: {  	[sflag:s9] =	ssyncset.done $0x0;
	(pc) =	sbr.rel @!p0 .LBB2_2-.Ltmp0, $4  }
0x1b: {  	s12 =	sadd.s32 $0x11600, s13;
	[sflag:s9] =	ssyncadd.s32 $0xFFFFCC00  }
0x1c: {  	[hbm4b:s12+s4] =	stream.linear.scatter [tilespmem:s8], [sflag:$0x2], $0x3400, $0x38;
	[tilespmem:$0x3480] =	vst v63  }
0x1d: {  	_ =	swait.ge [sflag:s5], $0x3400  }
0x1e: {  	s13 =	sadd.s32 $0xFFFFFFFF, s31;
	[sflag:s5] =	ssyncset.done $0x0  }
.LBB2_1:
0x1f: {  	p0 =	sne.s32 s13, $0x1;
	s13 =	sadd.s32 $0xFFFFFFFF, s13;
	[sflag:s5] =	ssyncadd.s32 $0xFFFFCC00  }
0x20: {  	[tilespmem:s4], [sflag:$0x2] =	stream.linear.gather [hbm4b:s6+s4], $0x68, $0x38;
	[tilespmem:$0x3480] =	vst v63  }
0x21: {  	_ =	swait.ge [sflag:s5], $0x68  }
0x22: {  	[sflag:s5] =	ssyncset.done $0x0  }
0x23: {  	[sflag:s5] =	ssyncadd.s32 $0xFFFFFF98  }
0x24: {  	[tilespmem:s8], [sflag:$0x1] =	stream.indirect.gather [hbm4b:s2+s7], $0x80, s4, s7, $0xb8;
	[tilespmem:$0x3480] =	vst v63  }
0x25: {  	_ =	swait.ge [sflag:s9], $0x3400  }
0x26: {  	[sflag:s9] =	ssyncset.done $0x0  }
0x27: {  	[sflag:s9] =	ssyncadd.s32 $0xFFFFCC00  }
0x28: {  	[hbm4b:s10+s4] =	stream.linear.scatter [tilespmem:s8], [sflag:$0x2], $0x3400, $0x38;
	[tilespmem:$0x3480] =	vst v63  }
0x29: {  	_ =	swait.ge [sflag:s5], $0x3400  }
0x2a: {  	[sflag:s5] =	ssyncset.done $0x0  }
0x2b: {  	[sflag:s5] =	ssyncadd.s32 $0xFFFFCC00  }
0x2c: {  	[tilespmem:s4], [sflag:$0x2] =	stream.linear.gather [hbm4b:s11+s4], $0x68, $0x38;
	[tilespmem:$0x3480] =	vst v63  }
0x2d: {  	_ =	swait.ge [sflag:s5], $0x68  }
0x2e: {  	[sflag:s5] =	ssyncset.done $0x0  }
0x2f: {  	[sflag:s5] =	ssyncadd.s32 $0xFFFFFF98  }
0x30: {  	[tilespmem:s8], [sflag:$0x1] =	stream.indirect.gather [hbm4b:s3+s7], $0x80, s4, s7, $0xb8;
	[tilespmem:$0x3480] =	vst v63  }
0x31: {  	_ =	swait.ge [sflag:s9], $0x3400  }
.Ltmp1:
0x32: {  	[sflag:s9] =	ssyncset.done $0x0;
	(pc) =	sbr.rel @p0 .LBB2_1-.Ltmp1, $4  }
0x33: {  	[sflag:s9] =	ssyncadd.s32 $0xFFFFCC00  }
0x34: {  	[hbm4b:s12+s4] =	stream.linear.scatter [tilespmem:s8], [sflag:$0x2], $0x3400, $0x38;
	[tilespmem:$0x3480] =	vst v63  }
0x35: {  	_ =	swait.ge [sflag:s5], $0x3400  }
0x36: {  	[sflag:s5] =	ssyncset.done $0x0  }
.LBB2_2:
0x37: {  	[sflag:s5] =	ssyncadd.s32 $0xFFFFCC00  }
0x38: {  	_ =	sfence.sel $0x180000  }
0x39: {  	[bflag:$0x0] =	sbarrier.arrive $0xFFFF  }
0x3a: {  	p0 =	sne.s32 s0, $0x0;
	_ =	strace $0x90000050  }
0x3b: {  	s0 =	sadd.s32 @!p0 $0x100000, s1;
	[bflag:$0x2] =	sbarrier.arrive $0xFFFF  }
0x3c: {  	[sflag:s0] =	ssyncadd.tile.s32 @!p0 $0x1;
	_ =	shalt  }
.Lfunc_end2:
_tile_overlayer_lowered:
.L_overlay_start_2:
0x3d: {  	(tag) =	ssettag $0x2  }
0x3e: {  	s0 =	rddreg [dreg:$0x0];
	s2 =	stileid.u32  }
0x3f: {  	s1 =	rddreg [dreg:$0x1];
	p0 =	sne.s32 s2, $0x0  }
0x40: {  	s3 =	rddreg [dreg:$0x2];
	[bflag:$0x3] =	sbarrier.arrive $0xFFFF;
	s2 =	simm.s32 @!p0 $0x1C02  }
0x41: {  	[timem:s3], [sflag:s2] =	dma.local @!p0 [hbm:s0], s1  }
0x42: {  	s0 =	simm.s32 @!p0 $0x2  }
0x43: {  	_ =	swait.ge @!p0 [sflag:s0], s1  }
0x44: {  	s1 =	ssub.s32 @!p0 $0x0, s1;
	[sflag:s0] =	ssyncset.done @!p0 $0x0  }
0x45: {  	[sflag:s0] =	ssyncadd.s32 @!p0 s1  }
0x46: {  	[bflag:$0x3] =	sbarrier.arrive $0xFFFF  }
0x47: {  	_ =	shalt  }

</sc_bundles>
